<compile_context>
chip_gen: v7x
topology: tpu7x:2x2x1
jax: 0.10.2.dev20260603
libtpu: 0.0.44.dev20260713+nightly
codegen_flags: <defaults>
</compile_context>

<pallas_src>
import functools

import jax
import jax.numpy as jnp
from jax import lax
from jax.experimental import pallas as pl
from jax.experimental.pallas import tpu as pltpu
from jax.experimental.pallas import tpu_sc as plsc

N = 10000
H = 128
LANES = 64
NW = 32
N_PAD = 10240
RPT = N_PAD // 16
BLK = 5120



def _k1_body(x_ref, w_ref, b_ref, yg_ref, z_ref):
    xw = jnp.dot(x_ref[...], w_ref[...], preferred_element_type=jnp.float32)
    yg_ref[...] = xw[:, :H]
    z_ref[...] = xw[:, H:] + b_ref[...]


def _k2_body(agg_ref, dp_ref, z1_ref, g_ref, be_ref, w_ref, b2_ref,
             yg2_ref, z2_ref, rdeg_ref):
    p = agg_ref[...]
    dp = dp_ref[...]
    ssum = p[0] + p[1]
    deg = jnp.sum(dp, axis=0)[:, None]
    rdeg = 1.0 / jnp.maximum(deg, 1.0)
    rdeg_ref[...] = jnp.broadcast_to(rdeg, (rdeg.shape[0], 16))
    pre = ssum * rdeg + z1_ref[...]
    mu = jnp.mean(pre, axis=-1, keepdims=True)
    d = pre - mu
    var = jnp.mean(d * d, axis=-1, keepdims=True)
    h = d * lax.rsqrt(var + 1e-5) * g_ref[...] + be_ref[...]
    h = jnp.maximum(h, 0.0)
    hw = jnp.dot(h, w_ref[...], preferred_element_type=jnp.float32)
    yg2_ref[...] = hw[:, :H]
    z2_ref[...] = hw[:, H:] + b2_ref[...]


def _k3_body(agg2_ref, rdeg_ref, z2_ref, out_ref):
    p = agg2_ref[...]
    rdeg = rdeg_ref[...][:, 0:1]
    out_ref[...] = (p[0] + p[1]) * rdeg + z2_ref[...]



def _sc_mesh():
    return plsc.VectorSubcoreMesh(
        core_axis_name="c", subcore_axis_name="s", num_cores=2,
        num_subcores=16)


def _make_sc_agg(n_chunks):

    @functools.partial(
        pl.kernel,
        out_type=jax.ShapeDtypeStruct((2, N_PAD, H), jnp.float32),
        mesh=_sc_mesh(),
        scratch_types=[
            pltpu.VMEM((n_chunks // 2 * LANES,), jnp.int32),
            pltpu.VMEM((n_chunks // 2, LANES), jnp.int32),
            pltpu.VMEM((4, LANES, H), jnp.float32),
            pltpu.VMEM_SHARED((N_PAD, H), jnp.float32),
            pltpu.SemaphoreType.DMA,
            pltpu.SemaphoreType.DMA,
        ],
    )
    def sc_agg(y_hbm, src_hbm, dst_hbm, zeros_hbm, out_hbm,
               src_v, dst_v, rows_v, acc_sh, sem_g, sem_s):
        c = lax.axis_index("c")
        s = lax.axis_index("s")
        wid = s * 2 + c
        pltpu.sync_copy(zeros_hbm, acc_sh.at[pl.ds(s * RPT, RPT)])
        plsc.subcore_barrier()
        bufs = [rows_v.at[b] for b in range(4)]

        def gather(j, b):
            pltpu.async_copy(
                y_hbm.at[src_v.at[pl.ds(j * LANES, LANES)]], bufs[b], sem_g)

        def wait_g(j, b):
            pltpu.make_async_copy(
                y_hbm.at[src_v.at[pl.ds(j * LANES, LANES)]], bufs[b],
                sem_g).wait()

        def scatter(j, b):
            pltpu.async_copy(bufs[b], acc_sh.at[dst_v.at[j]], sem_s, add=True)

        def wait_s(j, b):
            pltpu.make_async_copy(bufs[b], acc_sh.at[dst_v.at[j]], sem_s).wait()

        half = n_chunks // 2
        for p in range(2):
            pltpu.sync_copy(
                src_hbm.at[wid, pl.ds(p * half * LANES, half * LANES)], src_v)
            pltpu.sync_copy(dst_hbm.at[wid, pl.ds(p * half, half)], dst_v)
            gather(0, 0)
            gather(1, 1)
            wait_g(0, 0)
            gather(2, 2)
            scatter(0, 0)
            wait_g(1, 1)
            gather(3, 3)
            scatter(1, 1)
            wait_g(2, 2)
            wait_s(0, 0)
            gather(4, 0)
            scatter(2, 2)
            wait_g(3, 3)
            wait_s(1, 1)
            gather(5, 1)
            scatter(3, 3)

            def quad(k, carry):
                j0 = 4 * k
                wait_g(j0, 0)
                wait_s(j0 - 2, 2)
                gather(j0 + 2, 2)
                scatter(j0, 0)
                wait_g(j0 + 1, 1)
                wait_s(j0 - 1, 3)
                gather(j0 + 3, 3)
                scatter(j0 + 1, 1)
                wait_g(j0 + 2, 2)
                wait_s(j0, 0)
                gather(j0 + 4, 0)
                scatter(j0 + 2, 2)
                wait_g(j0 + 3, 3)
                wait_s(j0 + 1, 1)
                gather(j0 + 5, 1)
                scatter(j0 + 3, 3)
                return carry

            lax.fori_loop(1, half // 4 - 1, quad, 0)
            j0 = half - 4
            wait_g(j0, 0)
            wait_s(j0 - 2, 2)
            gather(j0 + 2, 2)
            scatter(j0, 0)
            wait_g(j0 + 1, 1)
            wait_s(j0 - 1, 3)
            gather(j0 + 3, 3)
            scatter(j0 + 1, 1)
            wait_g(j0 + 2, 2)
            wait_s(j0, 0)
            scatter(j0 + 2, 2)
            wait_g(j0 + 3, 3)
            wait_s(j0 + 1, 1)
            scatter(j0 + 3, 3)
            wait_s(j0 + 2, 2)
            wait_s(j0 + 3, 3)
        plsc.subcore_barrier()
        pltpu.sync_copy(acc_sh.at[pl.ds(s * RPT, RPT)],
                        out_hbm.at[c, pl.ds(s * RPT, RPT)])

    return sc_agg


_HALF_N = N_PAD // 2


def _make_sc_deg(n_chunks):

    @functools.partial(
        pl.kernel,
        out_type=jax.ShapeDtypeStruct((NW, N_PAD), jnp.float32),
        mesh=_sc_mesh(),
        compiler_params=pltpu.CompilerParams(needs_layout_passes=False),
        scratch_types=[
            pltpu.VMEM((n_chunks, LANES), jnp.int32),
            pltpu.VMEM((16 * _HALF_N + 16,), jnp.float32),
            pltpu.VMEM((N_PAD,), jnp.float32),
        ],
    )
    def sc_deg(dst_hbm, zeros_hbm, out_hbm, dst_v, hist_v, deg_v):
        c = lax.axis_index("c")
        s = lax.axis_index("s")
        wid = s * 2 + c
        pltpu.sync_copy(dst_hbm.at[wid], dst_v)
        lane = lax.iota(jnp.int32, 16)
        lane_off = lane * _HALF_N
        trash = 16 * _HALF_N + lane
        ones = jnp.ones((16,), jnp.float32)

        for half in range(2):
            pltpu.sync_copy(zeros_hbm, hist_v.at[pl.ds(0, 16 * _HALF_N)])
            base = half * _HALF_N

            def count(j, carry):
                for k in range(LANES // 16):
                    d = dst_v[j, pl.ds(k * 16, 16)] - base
                    m = (d >= 0) & (d < _HALF_N)
                    idx = jnp.where(m, lane_off + d, trash)
                    cur = plsc.load_gather(hist_v, [idx])
                    plsc.store_scatter(hist_v, [idx], cur + ones)
                return carry

            lax.fori_loop(0, n_chunks, count, 0)

            def lanesum(g, carry):
                acc = hist_v[pl.ds(g * 16, 16)]
                for l in range(1, 16):
                    acc = acc + hist_v[pl.ds(l * _HALF_N + g * 16, 16)]
                deg_v[pl.ds(base + g * 16, 16)] = acc
                return carry

            lax.fori_loop(0, _HALF_N // 16, lanesum, 0)

        pltpu.sync_copy(deg_v, out_hbm.at[wid])

    return sc_deg



def _tc_call(body, in_arrays, in_specs, out_shapes, out_specs, grid):
    return pl.pallas_call(
        body, grid=grid, in_specs=in_specs,
        out_specs=out_specs, out_shape=out_shapes,
    )(*in_arrays)


def kernel(x, edge_index, W1_l, b1_l, W1_r, gamma, beta, W2_l, b2_l, W2_r):
    n, in_dim = x.shape
    e = edge_index.shape[1]
    n_chunks = -(-e // (NW * LANES))
    n_chunks = -(-n_chunks // 8) * 8
    e_pad = NW * n_chunks * LANES

    x = jnp.pad(x, ((0, N_PAD - n), (0, 0)))
    ei = edge_index.astype(jnp.int32)
    pad = e_pad - e
    pad_src = jnp.arange(pad, dtype=jnp.int32) % N
    src2d = jnp.concatenate(
        [ei[0], pad_src]).reshape(NW, n_chunks * LANES)
    pad_dst = N + jnp.arange(pad, dtype=jnp.int32) % (N_PAD - N)
    dst3d = jnp.concatenate(
        [ei[1], pad_dst]).reshape(NW, n_chunks, LANES)
    zeros_rp = jnp.zeros((RPT, H), jnp.float32)
    zeros_hist = jnp.zeros((16 * _HALF_N,), jnp.float32)
    wt1 = jnp.concatenate([W1_l, W1_r], axis=0).T
    wt2 = jnp.concatenate([W2_l, W2_r], axis=0).T
    b1r = b1_l.reshape(1, H)
    b2r = b2_l.reshape(1, H)
    gr = gamma.reshape(1, H)
    br = beta.reshape(1, H)

    grid = (N_PAD // BLK,)
    row_spec = lambda w: pl.BlockSpec((BLK, w), lambda i: (i, 0))
    full_spec = lambda a: pl.BlockSpec(a.shape, lambda i: (0, 0))
    part_spec = pl.BlockSpec((2, BLK, H), lambda i: (0, i, 0))

    yg1, z1 = _tc_call(
        _k1_body, (x, wt1, b1r),
        [row_spec(in_dim), full_spec(wt1), full_spec(b1r)],
        [jax.ShapeDtypeStruct((N_PAD, H), jnp.float32),
         jax.ShapeDtypeStruct((N_PAD, H), jnp.float32)],
        [row_spec(H), row_spec(H)], grid)

    degp = _make_sc_deg(n_chunks)(dst3d, zeros_hist)
    agg1 = _make_sc_agg(n_chunks)(yg1, src2d, dst3d, zeros_rp)

    deg_spec = pl.BlockSpec((NW, BLK), lambda i: (0, i))
    yg2, z2, rdeg = _tc_call(
        _k2_body, (agg1, degp, z1, gr, br, wt2, b2r),
        [part_spec, deg_spec, row_spec(H), full_spec(gr), full_spec(br),
         full_spec(wt2), full_spec(b2r)],
        [jax.ShapeDtypeStruct((N_PAD, H), jnp.float32),
         jax.ShapeDtypeStruct((N_PAD, H), jnp.float32),
         jax.ShapeDtypeStruct((N_PAD, 16), jnp.float32)],
        [row_spec(H), row_spec(H), row_spec(16)], grid)

    agg2 = _make_sc_agg(n_chunks)(yg2, src2d, dst3d, zeros_rp)

    out = _tc_call(
        _k3_body, (agg2, rdeg, z2),
        [part_spec, row_spec(16), row_spec(H)],
        jax.ShapeDtypeStruct((N_PAD, H), jnp.float32),
        row_spec(H), grid)
    return out[:n]

# --- scband reference (transcript-rebuilt; emitter-appended) ---
"""Pipeline reference for scband-gnn-54949811585355 (READ-ONLY COPY).

The authoritative reference and input builder live on the scoring server;
editing this copy changes nothing except your own understanding.
"""

import jax, jax.numpy as jnp
import numpy as np

N = 10000
E = 320000
H = 128
IN = H + 2


def setup_inputs(seed: int = 0):
    key = jax.random.key(seed)
    ks = jax.random.split(key, 12)
    def glorot(k, shape):
        fan_in = shape[1]
        bound = 1.0 / np.sqrt(fan_in)
        return jax.random.uniform(k, shape, jnp.float32, -bound, bound)
    x = jax.random.normal(ks[0], (N, IN), jnp.float32)
    edge_index = jax.random.randint(ks[1], (2, E), 0, N).astype(jnp.int64)
    W1_l = glorot(ks[2], (H, IN))
    b1_l = jnp.zeros((H,), jnp.float32)
    W1_r = glorot(ks[3], (H, IN))
    gamma = jnp.ones((H,), jnp.float32)
    beta = jnp.zeros((H,), jnp.float32)
    W2_l = glorot(ks[4], (H, H))
    b2_l = jnp.zeros((H,), jnp.float32)
    W2_r = glorot(ks[5], (H, H))
    return {"x": x, "edge_index": edge_index, "W1_l": W1_l, "b1_l": b1_l,
            "W1_r": W1_r, "gamma": gamma, "beta": beta, "W2_l": W2_l,
            "b2_l": b2_l, "W2_r": W2_r}


def _sage_conv(x, edge_index, W_l, b_l, W_r):
    # PyG SAGEConv (mean aggregation): out = lin_l(mean_j x_j) + lin_r(x_i)
    src = edge_index[0]
    dst = edge_index[1]
    msg = jnp.take(x, src, axis=0)
    agg = jax.ops.segment_sum(msg, dst, num_segments=N)
    deg = jax.ops.segment_sum(jnp.ones((edge_index.shape[1],), x.dtype), dst, num_segments=N)
    mean = agg / jnp.clip(deg, 1.0)[:, None]
    return mean @ W_l.T + b_l + x @ W_r.T


def _layer_norm(x, gamma, beta, eps=1e-5):
    mu = jnp.mean(x, axis=-1, keepdims=True)
    var = jnp.var(x, axis=-1, keepdims=True)
    return (x - mu) / jnp.sqrt(var + eps) * gamma + beta


def reference(x, edge_index, W1_l, b1_l, W1_r, gamma, beta, W2_l, b2_l, W2_r):
    h = _sage_conv(x, edge_index, W1_l, b1_l, W1_r)
    h = _layer_norm(h, gamma, beta)
    h = jax.nn.relu(h)
    out = _sage_conv(h, edge_index, W2_l, b2_l, W2_r)
    return out

if __name__ == "__main__":
    import jax
    _d = setup_inputs()
    print(jax.jit(kernel)(*tuple(_d.values())))

</pallas_src>

<mosaic_0001>
#map = affine_map<(d0, d1) -> (0, 0)>
#map1 = affine_map<(d0, d1) -> (0, 0, 0)>
module attributes {stable_mosaic.version = 14 : i64} {
  func.func @sc_agg(%arg0: i32, %arg1: i32, %arg2: memref<10240x128xf32, #tpu.memory_space<hbm>>, %arg3: memref<32x10240xi32, #tpu.memory_space<hbm>>, %arg4: memref<32x160x64xi32, #tpu.memory_space<hbm>>, %arg5: memref<640x128xf32, #tpu.memory_space<hbm>>, %arg6: memref<2x10240x128xf32, #tpu.memory_space<hbm>>, %arg7: memref<5120xi32, #tpu.memory_space<vmem>>, %arg8: memref<80x64xi32, #tpu.memory_space<vmem>>, %arg9: memref<4x64x128xf32, #tpu.memory_space<vmem>>, %arg10: memref<10240x128xf32, #tpu.memory_space<vmem_shared>>, %arg11: memref<!tpu.dma_semaphore, #tpu.memory_space<semaphore_mem>>, %arg12: memref<!tpu.dma_semaphore, #tpu.memory_space<semaphore_mem>>) attributes {dimension_semantics = [#tpu.dimension_semantics<core_parallel>, #tpu.dimension_semantics<subcore_parallel>], iteration_bounds = array<i64: 2, 16>, scalar_prefetch = 0 : i64, scratch_operands = 6 : i64, tpu.core_type = #tpu.core_type<sc_vector_subcore>, window_params = [{transform_indices = #map}, {transform_indices = #map}, {transform_indices = #map1}, {transform_indices = #map}, {transform_indices = #map1}]} {
    %mul3A = arith.constant 2 : i32
    %mul3A_0 = arith.muli %arg1, %mul3A : i32
    %add3A = arith.addi %mul3A_0, %arg0 : i32
    %mul3A_1 = arith.constant 640 : i32
    %mul3A_2 = arith.muli %arg1, %mul3A_1 : i32
    "tpu.region"() ({
      %run_scoped3A = tpu.sem_alloc : memref<!tpu.dma_semaphore, #tpu.memory_space<semaphore_mem>>
      %dma_start3A_729 = arith.constant 0 : i32
      %dma_start3A_730 = tpu.memref_slice %arg10[%mul3A_2, %dma_start3A_729] : memref<10240x128xf32, #tpu.memory_space<vmem_shared>> -> memref<640x128xf32, #tpu.memory_space<vmem_shared>>
      tpu.enqueue_dma source(%arg5 : memref<640x128xf32, #tpu.memory_space<hbm>>) target(%dma_start3A_730 : memref<640x128xf32, #tpu.memory_space<vmem_shared>>) target_semaphore(%run_scoped3A : memref<!tpu.dma_semaphore, #tpu.memory_space<semaphore_mem>>)
      %dma_wait3A_731 = arith.constant 0 : i32
      %dma_wait3A_732 = tpu.memref_slice %arg10[%mul3A_2, %dma_wait3A_731] : memref<10240x128xf32, #tpu.memory_space<vmem_shared>> -> memref<640x128xf32, #tpu.memory_space<vmem_shared>>
      tpu.wait_dma2 semaphore(%run_scoped3A : memref<!tpu.dma_semaphore, #tpu.memory_space<semaphore_mem>>) src(%arg5 : memref<640x128xf32, #tpu.memory_space<hbm>>) dst(%dma_wait3A_732 : memref<640x128xf32, #tpu.memory_space<vmem_shared>>)
      tpu.yield
    }) : () -> ()
    %barrier3A = arith.constant 0 : index
    tpu.barrier barrier_id(%barrier3A)
    "tpu.region"() ({
      %run_scoped3A = tpu.sem_alloc : memref<!tpu.dma_semaphore, #tpu.memory_space<semaphore_mem>>
      %dma_start3A_729 = arith.constant 0 : i32
      %dma_start3A_730 = tpu.memref_slice %arg3[%add3A, %dma_start3A_729] : memref<32x10240xi32, #tpu.memory_space<hbm>> -> memref<1x5120xi32, #tpu.memory_space<hbm>>
      %dma_start3A_731 = tpu.memref_squeeze %dma_start3A_730 : memref<1x5120xi32, #tpu.memory_space<hbm>> -> memref<5120xi32, #tpu.memory_space<hbm>>
      %dma_start3A_732 = arith.constant 0 : i32
      %dma_start3A_733 = tpu.memref_slice %arg3[%add3A, %dma_start3A_732] : memref<32x10240xi32, #tpu.memory_space<hbm>> -> memref<1x5120xi32, #tpu.memory_space<hbm>>
      %dma_start3A_734 = tpu.memref_squeeze %dma_start3A_733 : memref<1x5120xi32, #tpu.memory_space<hbm>> -> memref<5120xi32, #tpu.memory_space<hbm>>
      tpu.enqueue_dma source(%dma_start3A_734 : memref<5120xi32, #tpu.memory_space<hbm>>) target(%arg7 : memref<5120xi32, #tpu.memory_space<vmem>>) target_semaphore(%run_scoped3A : memref<!tpu.dma_semaphore, #tpu.memory_space<semaphore_mem>>)
      %dma_wait3A_735 = arith.constant 0 : i32
      %dma_wait3A_736 = tpu.memref_slice %arg3[%add3A, %dma_wait3A_735] : memref<32x10240xi32, #tpu.memory_space<hbm>> -> memref<1x5120xi32, #tpu.memory_space<hbm>>
      %dma_wait3A_737 = tpu.memref_squeeze %dma_wait3A_736 : memref<1x5120xi32, #tpu.memory_space<hbm>> -> memref<5120xi32, #tpu.memory_space<hbm>>
      %dma_wait3A_738 = arith.constant 0 : i32
      %dma_wait3A_739 = tpu.memref_slice %arg3[%add3A, %dma_wait3A_738] : memref<32x10240xi32, #tpu.memory_space<hbm>> -> memref<1x5120xi32, #tpu.memory_space<hbm>>
      %dma_wait3A_740 = tpu.memref_squeeze %dma_wait3A_739 : memref<1x5120xi32, #tpu.memory_space<hbm>> -> memref<5120xi32, #tpu.memory_space<hbm>>
      tpu.wait_dma2 semaphore(%run_scoped3A : memref<!tpu.dma_semaphore, #tpu.memory_space<semaphore_mem>>) src(%dma_wait3A_740 : memref<5120xi32, #tpu.memory_space<hbm>>) dst(%arg7 : memref<5120xi32, #tpu.memory_space<vmem>>)
      tpu.yield
    }) : () -> ()
    "tpu.region"() ({
      %run_scoped3A = tpu.sem_alloc : memref<!tpu.dma_semaphore, #tpu.memory_space<semaphore_mem>>
      %dma_start3A_729 = arith.constant 0 : i32
      %dma_start3A_730 = arith.constant 0 : i32
      %dma_start3A_731 = tpu.memref_slice %arg4[%add3A, %dma_start3A_729, %dma_start3A_730] : memref<32x160x64xi32, #tpu.memory_space<hbm>> -> memref<1x80x64xi32, #tpu.memory_space<hbm>>
      %dma_start3A_732 = tpu.memref_squeeze %dma_start3A_731 : memref<1x80x64xi32, #tpu.memory_space<hbm>> -> memref<80x64xi32, #tpu.memory_space<hbm>>
      %dma_start3A_733 = arith.constant 0 : i32
      %dma_start3A_734 = arith.constant 0 : i32
      %dma_start3A_735 = tpu.memref_slice %arg4[%add3A, %dma_start3A_733, %dma_start3A_734] : memref<32x160x64xi32, #tpu.memory_space<hbm>> -> memref<1x80x64xi32, #tpu.memory_space<hbm>>
      %dma_start3A_736 = tpu.memref_squeeze %dma_start3A_735 : memref<1x80x64xi32, #tpu.memory_space<hbm>> -> memref<80x64xi32, #tpu.memory_space<hbm>>
      tpu.enqueue_dma source(%dma_start3A_736 : memref<80x64xi32, #tpu.memory_space<hbm>>) target(%arg8 : memref<80x64xi32, #tpu.memory_space<vmem>>) target_semaphore(%run_scoped3A : memref<!tpu.dma_semaphore, #tpu.memory_space<semaphore_mem>>)
      %dma_wait3A_737 = arith.constant 0 : i32
      %dma_wait3A_738 = arith.constant 0 : i32
      %dma_wait3A_739 = tpu.memref_slice %arg4[%add3A, %dma_wait3A_737, %dma_wait3A_738] : memref<32x160x64xi32, #tpu.memory_space<hbm>> -> memref<1x80x64xi32, #tpu.memory_space<hbm>>
      %dma_wait3A_740 = tpu.memref_squeeze %dma_wait3A_739 : memref<1x80x64xi32, #tpu.memory_space<hbm>> -> memref<80x64xi32, #tpu.memory_space<hbm>>
      %dma_wait3A_741 = arith.constant 0 : i32
      %dma_wait3A_742 = arith.constant 0 : i32
      %dma_wait3A_743 = tpu.memref_slice %arg4[%add3A, %dma_wait3A_741, %dma_wait3A_742] : memref<32x160x64xi32, #tpu.memory_space<hbm>> -> memref<1x80x64xi32, #tpu.memory_space<hbm>>
      %dma_wait3A_744 = tpu.memref_squeeze %dma_wait3A_743 : memref<1x80x64xi32, #tpu.memory_space<hbm>> -> memref<80x64xi32, #tpu.memory_space<hbm>>
      tpu.wait_dma2 semaphore(%run_scoped3A : memref<!tpu.dma_semaphore, #tpu.memory_space<semaphore_mem>>) src(%dma_wait3A_744 : memref<80x64xi32, #tpu.memory_space<hbm>>) dst(%arg8 : memref<80x64xi32, #tpu.memory_space<vmem>>)
      tpu.yield
    }) : () -> ()
    %dma_start3A = arith.constant 0 : i32
    %dma_start3A_3 = arith.constant 0 : i32
    %dma_start3A_4 = arith.constant 0 : i32
    %dma_start3A_5 = tpu.memref_slice %arg9[%dma_start3A, %dma_start3A_3, %dma_start3A_4] : memref<4x64x128xf32, #tpu.memory_space<vmem>> -> memref<1x64x128xf32, #tpu.memory_space<vmem>>
    %dma_start3A_6 = tpu.memref_squeeze %dma_start3A_5 : memref<1x64x128xf32, #tpu.memory_space<vmem>> -> memref<64x128xf32, #tpu.memory_space<vmem>>
    %dma_start3A_7 = arith.constant 0 : i32
    %dma_start3A_8 = tpu.memref_slice %arg7[%dma_start3A_7] : memref<5120xi32, #tpu.memory_space<vmem>> -> memref<64xi32, #tpu.memory_space<vmem>>
    %dma_start3A_9 = arith.constant 0 : i32
    %dma_start3A_10 = arith.constant 0 : i32
    %dma_start3A_11 = tpu.memref_slice %arg2[%dma_start3A_9, %dma_start3A_10] : memref<10240x128xf32, #tpu.memory_space<hbm>> -> memref<10240x128xf32, #tpu.memory_space<hbm>>
    tpu.enqueue_indirect_dma source(%dma_start3A_11 : memref<10240x128xf32, #tpu.memory_space<hbm>>) target(%dma_start3A_6 : memref<64x128xf32, #tpu.memory_space<vmem>>) offsets(%dma_start3A_8 : memref<64xi32, #tpu.memory_space<vmem>>) semaphore(%arg11 : memref<!tpu.dma_semaphore, #tpu.memory_space<semaphore_mem>>)
    %dma_start3A_12 = arith.constant 1 : i32
    %dma_start3A_13 = arith.constant 0 : i32
    %dma_start3A_14 = arith.constant 0 : i32
    %dma_start3A_15 = tpu.memref_slice %arg9[%dma_start3A_12, %dma_start3A_13, %dma_start3A_14] : memref<4x64x128xf32, #tpu.memory_space<vmem>> -> memref<1x64x128xf32, #tpu.memory_space<vmem>>
    %dma_start3A_16 = tpu.memref_squeeze %dma_start3A_15 : memref<1x64x128xf32, #tpu.memory_space<vmem>> -> memref<64x128xf32, #tpu.memory_space<vmem>>
    %dma_start3A_17 = arith.constant 64 : i32
    %dma_start3A_18 = tpu.memref_slice %arg7[%dma_start3A_17] : memref<5120xi32, #tpu.memory_space<vmem>> -> memref<64xi32, #tpu.memory_space<vmem>>
    %dma_start3A_19 = arith.constant 0 : i32
    %dma_start3A_20 = arith.constant 0 : i32
    %dma_start3A_21 = tpu.memref_slice %arg2[%dma_start3A_19, %dma_start3A_20] : memref<10240x128xf32, #tpu.memory_space<hbm>> -> memref<10240x128xf32, #tpu.memory_space<hbm>>
    tpu.enqueue_indirect_dma source(%dma_start3A_21 : memref<10240x128xf32, #tpu.memory_space<hbm>>) target(%dma_start3A_16 : memref<64x128xf32, #tpu.memory_space<vmem>>) offsets(%dma_start3A_18 : memref<64xi32, #tpu.memory_space<vmem>>) semaphore(%arg11 : memref<!tpu.dma_semaphore, #tpu.memory_space<semaphore_mem>>)
    %dma_wait3A = arith.constant 0 : i32
    %dma_wait3A_22 = arith.constant 0 : i32
    %dma_wait3A_23 = arith.constant 0 : i32
    %dma_wait3A_24 = tpu.memref_slice %arg9[%dma_wait3A, %dma_wait3A_22, %dma_wait3A_23] : memref<4x64x128xf32, #tpu.memory_space<vmem>> -> memref<1x64x128xf32, #tpu.memory_space<vmem>>
    %dma_wait3A_25 = tpu.memref_squeeze %dma_wait3A_24 : memref<1x64x128xf32, #tpu.memory_space<vmem>> -> memref<64x128xf32, #tpu.memory_space<vmem>>
    %dma_wait3A_26 = arith.constant 0 : i32
    %dma_wait3A_27 = tpu.memref_slice %arg7[%dma_wait3A_26] : memref<5120xi32, #tpu.memory_space<vmem>> -> memref<64xi32, #tpu.memory_space<vmem>>
    %dma_wait3A_28 = arith.constant 0 : i32
    %dma_wait3A_29 = arith.constant 0 : i32
    %dma_wait3A_30 = tpu.memref_slice %arg2[%dma_wait3A_28, %dma_wait3A_29] : memref<10240x128xf32, #tpu.memory_space<hbm>> -> memref<10240x128xf32, #tpu.memory_space<hbm>>
    tpu.wait_indirect_dma semaphore(%arg11 : memref<!tpu.dma_semaphore, #tpu.memory_space<semaphore_mem>>) src(%dma_wait3A_30 : memref<10240x128xf32, #tpu.memory_space<hbm>>) dst(%dma_wait3A_25 : memref<64x128xf32, #tpu.memory_space<vmem>>)
    %dma_start3A_31 = arith.constant 2 : i32
    %dma_start3A_32 = arith.constant 0 : i32
    %dma_start3A_33 = arith.constant 0 : i32
    %dma_start3A_34 = tpu.memref_slice %arg9[%dma_start3A_31, %dma_start3A_32, %dma_start3A_33] : memref<4x64x128xf32, #tpu.memory_space<vmem>> -> memref<1x64x128xf32, #tpu.memory_space<vmem>>
    %dma_start3A_35 = tpu.memref_squeeze %dma_start3A_34 : memref<1x64x128xf32, #tpu.memory_space<vmem>> -> memref<64x128xf32, #tpu.memory_space<vmem>>
    %dma_start3A_36 = arith.constant 128 : i32
    %dma_start3A_37 = tpu.memref_slice %arg7[%dma_start3A_36] : memref<5120xi32, #tpu.memory_space<vmem>> -> memref<64xi32, #tpu.memory_space<vmem>>
    %dma_start3A_38 = arith.constant 0 : i32
    %dma_start3A_39 = arith.constant 0 : i32
    %dma_start3A_40 = tpu.memref_slice %arg2[%dma_start3A_38, %dma_start3A_39] : memref<10240x128xf32, #tpu.memory_space<hbm>> -> memref<10240x128xf32, #tpu.memory_space<hbm>>
    tpu.enqueue_indirect_dma source(%dma_start3A_40 : memref<10240x128xf32, #tpu.memory_space<hbm>>) target(%dma_start3A_35 : memref<64x128xf32, #tpu.memory_space<vmem>>) offsets(%dma_start3A_37 : memref<64xi32, #tpu.memory_space<vmem>>) semaphore(%arg11 : memref<!tpu.dma_semaphore, #tpu.memory_space<semaphore_mem>>)
    %dma_start3A_41 = arith.constant 0 : i32
    %dma_start3A_42 = arith.constant 0 : i32
    %dma_start3A_43 = arith.constant 0 : i32
    %dma_start3A_44 = arith.constant 0 : i32
    %dma_start3A_45 = tpu.memref_slice %arg9[%dma_start3A_41, %dma_start3A_43, %dma_start3A_44] : memref<4x64x128xf32, #tpu.memory_space<vmem>> -> memref<1x64x128xf32, #tpu.memory_space<vmem>>
    %dma_start3A_46 = tpu.memref_squeeze %dma_start3A_45 : memref<1x64x128xf32, #tpu.memory_space<vmem>> -> memref<64x128xf32, #tpu.memory_space<vmem>>
    %dma_start3A_47 = arith.constant 0 : i32
    %dma_start3A_48 = tpu.memref_slice %arg8[%dma_start3A_42, %dma_start3A_47] : memref<80x64xi32, #tpu.memory_space<vmem>> -> memref<1x64xi32, #tpu.memory_space<vmem>>
    %dma_start3A_49 = tpu.memref_squeeze %dma_start3A_48 : memref<1x64xi32, #tpu.memory_space<vmem>> -> memref<64xi32, #tpu.memory_space<vmem>>
    %dma_start3A_50 = arith.constant 0 : i32
    %dma_start3A_51 = arith.constant 0 : i32
    %dma_start3A_52 = tpu.memref_slice %arg10[%dma_start3A_50, %dma_start3A_51] : memref<10240x128xf32, #tpu.memory_space<vmem_shared>> -> memref<10240x128xf32, #tpu.memory_space<vmem_shared>>
    tpu.enqueue_indirect_dma source(%dma_start3A_46 : memref<64x128xf32, #tpu.memory_space<vmem>>) target(%dma_start3A_52 : memref<10240x128xf32, #tpu.memory_space<vmem_shared>>) offsets(%dma_start3A_49 : memref<64xi32, #tpu.memory_space<vmem>>) semaphore(%arg12 : memref<!tpu.dma_semaphore, #tpu.memory_space<semaphore_mem>>) {add = true}
    %dma_wait3A_53 = arith.constant 1 : i32
    %dma_wait3A_54 = arith.constant 0 : i32
    %dma_wait3A_55 = arith.constant 0 : i32
    %dma_wait3A_56 = tpu.memref_slice %arg9[%dma_wait3A_53, %dma_wait3A_54, %dma_wait3A_55] : memref<4x64x128xf32, #tpu.memory_space<vmem>> -> memref<1x64x128xf32, #tpu.memory_space<vmem>>
    %dma_wait3A_57 = tpu.memref_squeeze %dma_wait3A_56 : memref<1x64x128xf32, #tpu.memory_space<vmem>> -> memref<64x128xf32, #tpu.memory_space<vmem>>
    %dma_wait3A_58 = arith.constant 64 : i32
    %dma_wait3A_59 = tpu.memref_slice %arg7[%dma_wait3A_58] : memref<5120xi32, #tpu.memory_space<vmem>> -> memref<64xi32, #tpu.memory_space<vmem>>
    %dma_wait3A_60 = arith.constant 0 : i32
    %dma_wait3A_61 = arith.constant 0 : i32
    %dma_wait3A_62 = tpu.memref_slice %arg2[%dma_wait3A_60, %dma_wait3A_61] : memref<10240x128xf32, #tpu.memory_space<hbm>> -> memref<10240x128xf32, #tpu.memory_space<hbm>>
    tpu.wait_indirect_dma semaphore(%arg11 : memref<!tpu.dma_semaphore, #tpu.memory_space<semaphore_mem>>) src(%dma_wait3A_62 : memref<10240x128xf32, #tpu.memory_space<hbm>>) dst(%dma_wait3A_57 : memref<64x128xf32, #tpu.memory_space<vmem>>)
    %dma_start3A_63 = arith.constant 3 : i32
    %dma_start3A_64 = arith.constant 0 : i32
    %dma_start3A_65 = arith.constant 0 : i32
    %dma_start3A_66 = tpu.memref_slice %arg9[%dma_start3A_63, %dma_start3A_64, %dma_start3A_65] : memref<4x64x128xf32, #tpu.memory_space<vmem>> -> memref<1x64x128xf32, #tpu.memory_space<vmem>>
    %dma_start3A_67 = tpu.memref_squeeze %dma_start3A_66 : memref<1x64x128xf32, #tpu.memory_space<vmem>> -> memref<64x128xf32, #tpu.memory_space<vmem>>
    %dma_start3A_68 = arith.constant 192 : i32
    %dma_start3A_69 = tpu.memref_slice %arg7[%dma_start3A_68] : memref<5120xi32, #tpu.memory_space<vmem>> -> memref<64xi32, #tpu.memory_space<vmem>>
    %dma_start3A_70 = arith.constant 0 : i32
    %dma_start3A_71 = arith.constant 0 : i32
    %dma_start3A_72 = tpu.memref_slice %arg2[%dma_start3A_70, %dma_start3A_71] : memref<10240x128xf32, #tpu.memory_space<hbm>> -> memref<10240x128xf32, #tpu.memory_space<hbm>>
    tpu.enqueue_indirect_dma source(%dma_start3A_72 : memref<10240x128xf32, #tpu.memory_space<hbm>>) target(%dma_start3A_67 : memref<64x128xf32, #tpu.memory_space<vmem>>) offsets(%dma_start3A_69 : memref<64xi32, #tpu.memory_space<vmem>>) semaphore(%arg11 : memref<!tpu.dma_semaphore, #tpu.memory_space<semaphore_mem>>)
    %dma_start3A_73 = arith.constant 1 : i32
    %dma_start3A_74 = arith.constant 1 : i32
    %dma_start3A_75 = arith.constant 0 : i32
    %dma_start3A_76 = arith.constant 0 : i32
    %dma_start3A_77 = tpu.memref_slice %arg9[%dma_start3A_73, %dma_start3A_75, %dma_start3A_76] : memref<4x64x128xf32, #tpu.memory_space<vmem>> -> memref<1x64x128xf32, #tpu.memory_space<vmem>>
    %dma_start3A_78 = tpu.memref_squeeze %dma_start3A_77 : memref<1x64x128xf32, #tpu.memory_space<vmem>> -> memref<64x128xf32, #tpu.memory_space<vmem>>
    %dma_start3A_79 = arith.constant 0 : i32
    %dma_start3A_80 = tpu.memref_slice %arg8[%dma_start3A_74, %dma_start3A_79] : memref<80x64xi32, #tpu.memory_space<vmem>> -> memref<1x64xi32, #tpu.memory_space<vmem>>
    %dma_start3A_81 = tpu.memref_squeeze %dma_start3A_80 : memref<1x64xi32, #tpu.memory_space<vmem>> -> memref<64xi32, #tpu.memory_space<vmem>>
    %dma_start3A_82 = arith.constant 0 : i32
    %dma_start3A_83 = arith.constant 0 : i32
    %dma_start3A_84 = tpu.memref_slice %arg10[%dma_start3A_82, %dma_start3A_83] : memref<10240x128xf32, #tpu.memory_space<vmem_shared>> -> memref<10240x128xf32, #tpu.memory_space<vmem_shared>>
    tpu.enqueue_indirect_dma source(%dma_start3A_78 : memref<64x128xf32, #tpu.memory_space<vmem>>) target(%dma_start3A_84 : memref<10240x128xf32, #tpu.memory_space<vmem_shared>>) offsets(%dma_start3A_81 : memref<64xi32, #tpu.memory_space<vmem>>) semaphore(%arg12 : memref<!tpu.dma_semaphore, #tpu.memory_space<semaphore_mem>>) {add = true}
    %dma_wait3A_85 = arith.constant 2 : i32
    %dma_wait3A_86 = arith.constant 0 : i32
    %dma_wait3A_87 = arith.constant 0 : i32
    %dma_wait3A_88 = tpu.memref_slice %arg9[%dma_wait3A_85, %dma_wait3A_86, %dma_wait3A_87] : memref<4x64x128xf32, #tpu.memory_space<vmem>> -> memref<1x64x128xf32, #tpu.memory_space<vmem>>
    %dma_wait3A_89 = tpu.memref_squeeze %dma_wait3A_88 : memref<1x64x128xf32, #tpu.memory_space<vmem>> -> memref<64x128xf32, #tpu.memory_space<vmem>>
    %dma_wait3A_90 = arith.constant 128 : i32
    %dma_wait3A_91 = tpu.memref_slice %arg7[%dma_wait3A_90] : memref<5120xi32, #tpu.memory_space<vmem>> -> memref<64xi32, #tpu.memory_space<vmem>>
    %dma_wait3A_92 = arith.constant 0 : i32
    %dma_wait3A_93 = arith.constant 0 : i32
    %dma_wait3A_94 = tpu.memref_slice %arg2[%dma_wait3A_92, %dma_wait3A_93] : memref<10240x128xf32, #tpu.memory_space<hbm>> -> memref<10240x128xf32, #tpu.memory_space<hbm>>
    tpu.wait_indirect_dma semaphore(%arg11 : memref<!tpu.dma_semaphore, #tpu.memory_space<semaphore_mem>>) src(%dma_wait3A_94 : memref<10240x128xf32, #tpu.memory_space<hbm>>) dst(%dma_wait3A_89 : memref<64x128xf32, #tpu.memory_space<vmem>>)
    %dma_wait3A_95 = arith.constant 0 : i32
    %dma_wait3A_96 = arith.constant 0 : i32
    %dma_wait3A_97 = arith.constant 0 : i32
    %dma_wait3A_98 = arith.constant 0 : i32
    %dma_wait3A_99 = tpu.memref_slice %arg9[%dma_wait3A_95, %dma_wait3A_97, %dma_wait3A_98] : memref<4x64x128xf32, #tpu.memory_space<vmem>> -> memref<1x64x128xf32, #tpu.memory_space<vmem>>
    %dma_wait3A_100 = tpu.memref_squeeze %dma_wait3A_99 : memref<1x64x128xf32, #tpu.memory_space<vmem>> -> memref<64x128xf32, #tpu.memory_space<vmem>>
    %dma_wait3A_101 = arith.constant 0 : i32
    %dma_wait3A_102 = tpu.memref_slice %arg8[%dma_wait3A_96, %dma_wait3A_101] : memref<80x64xi32, #tpu.memory_space<vmem>> -> memref<1x64xi32, #tpu.memory_space<vmem>>
    %dma_wait3A_103 = tpu.memref_squeeze %dma_wait3A_102 : memref<1x64xi32, #tpu.memory_space<vmem>> -> memref<64xi32, #tpu.memory_space<vmem>>
    %dma_wait3A_104 = arith.constant 0 : i32
    %dma_wait3A_105 = arith.constant 0 : i32
    %dma_wait3A_106 = tpu.memref_slice %arg10[%dma_wait3A_104, %dma_wait3A_105] : memref<10240x128xf32, #tpu.memory_space<vmem_shared>> -> memref<10240x128xf32, #tpu.memory_space<vmem_shared>>
    tpu.wait_indirect_dma semaphore(%arg12 : memref<!tpu.dma_semaphore, #tpu.memory_space<semaphore_mem>>) src(%dma_wait3A_100 : memref<64x128xf32, #tpu.memory_space<vmem>>) dst(%dma_wait3A_106 : memref<10240x128xf32, #tpu.memory_space<vmem_shared>>)
    %dma_start3A_107 = arith.constant 0 : i32
    %dma_start3A_108 = arith.constant 0 : i32
    %dma_start3A_109 = arith.constant 0 : i32
    %dma_start3A_110 = tpu.memref_slice %arg9[%dma_start3A_107, %dma_start3A_108, %dma_start3A_109] : memref<4x64x128xf32, #tpu.memory_space<vmem>> -> memref<1x64x128xf32, #tpu.memory_space<vmem>>
    %dma_start3A_111 = tpu.memref_squeeze %dma_start3A_110 : memref<1x64x128xf32, #tpu.memory_space<vmem>> -> memref<64x128xf32, #tpu.memory_space<vmem>>
    %dma_start3A_112 = arith.constant 256 : i32
    %dma_start3A_113 = tpu.memref_slice %arg7[%dma_start3A_112] : memref<5120xi32, #tpu.memory_space<vmem>> -> memref<64xi32, #tpu.memory_space<vmem>>
    %dma_start3A_114 = arith.constant 0 : i32
    %dma_start3A_115 = arith.constant 0 : i32
    %dma_start3A_116 = tpu.memref_slice %arg2[%dma_start3A_114, %dma_start3A_115] : memref<10240x128xf32, #tpu.memory_space<hbm>> -> memref<10240x128xf32, #tpu.memory_space<hbm>>
    tpu.enqueue_indirect_dma source(%dma_start3A_116 : memref<10240x128xf32, #tpu.memory_space<hbm>>) target(%dma_start3A_111 : memref<64x128xf32, #tpu.memory_space<vmem>>) offsets(%dma_start3A_113 : memref<64xi32, #tpu.memory_space<vmem>>) semaphore(%arg11 : memref<!tpu.dma_semaphore, #tpu.memory_space<semaphore_mem>>)
    %dma_start3A_117 = arith.constant 2 : i32
    %dma_start3A_118 = arith.constant 2 : i32
    %dma_start3A_119 = arith.constant 0 : i32
    %dma_start3A_120 = arith.constant 0 : i32
    %dma_start3A_121 = tpu.memref_slice %arg9[%dma_start3A_117, %dma_start3A_119, %dma_start3A_120] : memref<4x64x128xf32, #tpu.memory_space<vmem>> -> memref<1x64x128xf32, #tpu.memory_space<vmem>>
    %dma_start3A_122 = tpu.memref_squeeze %dma_start3A_121 : memref<1x64x128xf32, #tpu.memory_space<vmem>> -> memref<64x128xf32, #tpu.memory_space<vmem>>
    %dma_start3A_123 = arith.constant 0 : i32
    %dma_start3A_124 = tpu.memref_slice %arg8[%dma_start3A_118, %dma_start3A_123] : memref<80x64xi32, #tpu.memory_space<vmem>> -> memref<1x64xi32, #tpu.memory_space<vmem>>
    %dma_start3A_125 = tpu.memref_squeeze %dma_start3A_124 : memref<1x64xi32, #tpu.memory_space<vmem>> -> memref<64xi32, #tpu.memory_space<vmem>>
    %dma_start3A_126 = arith.constant 0 : i32
    %dma_start3A_127 = arith.constant 0 : i32
    %dma_start3A_128 = tpu.memref_slice %arg10[%dma_start3A_126, %dma_start3A_127] : memref<10240x128xf32, #tpu.memory_space<vmem_shared>> -> memref<10240x128xf32, #tpu.memory_space<vmem_shared>>
    tpu.enqueue_indirect_dma source(%dma_start3A_122 : memref<64x128xf32, #tpu.memory_space<vmem>>) target(%dma_start3A_128 : memref<10240x128xf32, #tpu.memory_space<vmem_shared>>) offsets(%dma_start3A_125 : memref<64xi32, #tpu.memory_space<vmem>>) semaphore(%arg12 : memref<!tpu.dma_semaphore, #tpu.memory_space<semaphore_mem>>) {add = true}
    %dma_wait3A_129 = arith.constant 3 : i32
    %dma_wait3A_130 = arith.constant 0 : i32
    %dma_wait3A_131 = arith.constant 0 : i32
    %dma_wait3A_132 = tpu.memref_slice %arg9[%dma_wait3A_129, %dma_wait3A_130, %dma_wait3A_131] : memref<4x64x128xf32, #tpu.memory_space<vmem>> -> memref<1x64x128xf32, #tpu.memory_space<vmem>>
    %dma_wait3A_133 = tpu.memref_squeeze %dma_wait3A_132 : memref<1x64x128xf32, #tpu.memory_space<vmem>> -> memref<64x128xf32, #tpu.memory_space<vmem>>
    %dma_wait3A_134 = arith.constant 192 : i32
    %dma_wait3A_135 = tpu.memref_slice %arg7[%dma_wait3A_134] : memref<5120xi32, #tpu.memory_space<vmem>> -> memref<64xi32, #tpu.memory_space<vmem>>
    %dma_wait3A_136 = arith.constant 0 : i32
    %dma_wait3A_137 = arith.constant 0 : i32
    %dma_wait3A_138 = tpu.memref_slice %arg2[%dma_wait3A_136, %dma_wait3A_137] : memref<10240x128xf32, #tpu.memory_space<hbm>> -> memref<10240x128xf32, #tpu.memory_space<hbm>>
    tpu.wait_indirect_dma semaphore(%arg11 : memref<!tpu.dma_semaphore, #tpu.memory_space<semaphore_mem>>) src(%dma_wait3A_138 : memref<10240x128xf32, #tpu.memory_space<hbm>>) dst(%dma_wait3A_133 : memref<64x128xf32, #tpu.memory_space<vmem>>)
    %dma_wait3A_139 = arith.constant 1 : i32
    %dma_wait3A_140 = arith.constant 1 : i32
    %dma_wait3A_141 = arith.constant 0 : i32
    %dma_wait3A_142 = arith.constant 0 : i32
    %dma_wait3A_143 = tpu.memref_slice %arg9[%dma_wait3A_139, %dma_wait3A_141, %dma_wait3A_142] : memref<4x64x128xf32, #tpu.memory_space<vmem>> -> memref<1x64x128xf32, #tpu.memory_space<vmem>>
    %dma_wait3A_144 = tpu.memref_squeeze %dma_wait3A_143 : memref<1x64x128xf32, #tpu.memory_space<vmem>> -> memref<64x128xf32, #tpu.memory_space<vmem>>
    %dma_wait3A_145 = arith.constant 0 : i32
    %dma_wait3A_146 = tpu.memref_slice %arg8[%dma_wait3A_140, %dma_wait3A_145] : memref<80x64xi32, #tpu.memory_space<vmem>> -> memref<1x64xi32, #tpu.memory_space<vmem>>
    %dma_wait3A_147 = tpu.memref_squeeze %dma_wait3A_146 : memref<1x64xi32, #tpu.memory_space<vmem>> -> memref<64xi32, #tpu.memory_space<vmem>>
    %dma_wait3A_148 = arith.constant 0 : i32
    %dma_wait3A_149 = arith.constant 0 : i32
    %dma_wait3A_150 = tpu.memref_slice %arg10[%dma_wait3A_148, %dma_wait3A_149] : memref<10240x128xf32, #tpu.memory_space<vmem_shared>> -> memref<10240x128xf32, #tpu.memory_space<vmem_shared>>
    tpu.wait_indirect_dma semaphore(%arg12 : memref<!tpu.dma_semaphore, #tpu.memory_space<semaphore_mem>>) src(%dma_wait3A_144 : memref<64x128xf32, #tpu.memory_space<vmem>>) dst(%dma_wait3A_150 : memref<10240x128xf32, #tpu.memory_space<vmem_shared>>)
    %dma_start3A_151 = arith.constant 1 : i32
    %dma_start3A_152 = arith.constant 0 : i32
    %dma_start3A_153 = arith.constant 0 : i32
    %dma_start3A_154 = tpu.memref_slice %arg9[%dma_start3A_151, %dma_start3A_152, %dma_start3A_153] : memref<4x64x128xf32, #tpu.memory_space<vmem>> -> memref<1x64x128xf32, #tpu.memory_space<vmem>>
    %dma_start3A_155 = tpu.memref_squeeze %dma_start3A_154 : memref<1x64x128xf32, #tpu.memory_space<vmem>> -> memref<64x128xf32, #tpu.memory_space<vmem>>
    %dma_start3A_156 = arith.constant 320 : i32
    %dma_start3A_157 = tpu.memref_slice %arg7[%dma_start3A_156] : memref<5120xi32, #tpu.memory_space<vmem>> -> memref<64xi32, #tpu.memory_space<vmem>>
    %dma_start3A_158 = arith.constant 0 : i32
    %dma_start3A_159 = arith.constant 0 : i32
    %dma_start3A_160 = tpu.memref_slice %arg2[%dma_start3A_158, %dma_start3A_159] : memref<10240x128xf32, #tpu.memory_space<hbm>> -> memref<10240x128xf32, #tpu.memory_space<hbm>>
    tpu.enqueue_indirect_dma source(%dma_start3A_160 : memref<10240x128xf32, #tpu.memory_space<hbm>>) target(%dma_start3A_155 : memref<64x128xf32, #tpu.memory_space<vmem>>) offsets(%dma_start3A_157 : memref<64xi32, #tpu.memory_space<vmem>>) semaphore(%arg11 : memref<!tpu.dma_semaphore, #tpu.memory_space<semaphore_mem>>)
    %dma_start3A_161 = arith.constant 3 : i32
    %dma_start3A_162 = arith.constant 3 : i32
    %dma_start3A_163 = arith.constant 0 : i32
    %dma_start3A_164 = arith.constant 0 : i32
    %dma_start3A_165 = tpu.memref_slice %arg9[%dma_start3A_161, %dma_start3A_163, %dma_start3A_164] : memref<4x64x128xf32, #tpu.memory_space<vmem>> -> memref<1x64x128xf32, #tpu.memory_space<vmem>>
    %dma_start3A_166 = tpu.memref_squeeze %dma_start3A_165 : memref<1x64x128xf32, #tpu.memory_space<vmem>> -> memref<64x128xf32, #tpu.memory_space<vmem>>
    %dma_start3A_167 = arith.constant 0 : i32
    %dma_start3A_168 = tpu.memref_slice %arg8[%dma_start3A_162, %dma_start3A_167] : memref<80x64xi32, #tpu.memory_space<vmem>> -> memref<1x64xi32, #tpu.memory_space<vmem>>
    %dma_start3A_169 = tpu.memref_squeeze %dma_start3A_168 : memref<1x64xi32, #tpu.memory_space<vmem>> -> memref<64xi32, #tpu.memory_space<vmem>>
    %dma_start3A_170 = arith.constant 0 : i32
    %dma_start3A_171 = arith.constant 0 : i32
    %dma_start3A_172 = tpu.memref_slice %arg10[%dma_start3A_170, %dma_start3A_171] : memref<10240x128xf32, #tpu.memory_space<vmem_shared>> -> memref<10240x128xf32, #tpu.memory_space<vmem_shared>>
    tpu.enqueue_indirect_dma source(%dma_start3A_166 : memref<64x128xf32, #tpu.memory_space<vmem>>) target(%dma_start3A_172 : memref<10240x128xf32, #tpu.memory_space<vmem_shared>>) offsets(%dma_start3A_169 : memref<64xi32, #tpu.memory_space<vmem>>) semaphore(%arg12 : memref<!tpu.dma_semaphore, #tpu.memory_space<semaphore_mem>>) {add = true}
    %scan3A = arith.constant 0 : i32
    %scan3A_173 = arith.constant 0 : i32
    %scan3A_174 = arith.constant 2 : i32
    %scan3A_175 = arith.constant 1 : i32
    %scan3A_176 = arith.constant 3 : i32
    %scan3A_177 = arith.constant 1 : i32
    %scan3A_178 = arith.constant 18 : i32
    %scan3A_179 = arith.addi %scan3A_177, %scan3A_178 : i32
    %scan3A_180 = arith.constant 1 : i32
    scf.for %scan3A_729 = %scan3A_177 to %scan3A_179 step %scan3A_180  : i32 {
      %mul3A_730 = arith.constant 4 : i32
      %mul3A_731 = arith.muli %mul3A_730, %scan3A_729 : i32
      %mul3A_732 = arith.constant 64 : i32
      %mul3A_733 = arith.muli %mul3A_731, %mul3A_732 : i32
      %dma_wait3A_734 = arith.constant 0 : i32
      %dma_wait3A_735 = arith.constant 0 : i32
      %dma_wait3A_736 = tpu.memref_slice %arg9[%scan3A_173, %dma_wait3A_734, %dma_wait3A_735] : memref<4x64x128xf32, #tpu.memory_space<vmem>> -> memref<1x64x128xf32, #tpu.memory_space<vmem>>
      %dma_wait3A_737 = tpu.memref_squeeze %dma_wait3A_736 : memref<1x64x128xf32, #tpu.memory_space<vmem>> -> memref<64x128xf32, #tpu.memory_space<vmem>>
      %dma_wait3A_738 = tpu.memref_slice %arg7[%mul3A_733] : memref<5120xi32, #tpu.memory_space<vmem>> -> memref<64xi32, #tpu.memory_space<vmem>>
      %dma_wait3A_739 = arith.constant 0 : i32
      %dma_wait3A_740 = arith.constant 0 : i32
      %dma_wait3A_741 = tpu.memref_slice %arg2[%dma_wait3A_739, %dma_wait3A_740] : memref<10240x128xf32, #tpu.memory_space<hbm>> -> memref<10240x128xf32, #tpu.memory_space<hbm>>
      tpu.wait_indirect_dma semaphore(%arg11 : memref<!tpu.dma_semaphore, #tpu.memory_space<semaphore_mem>>) src(%dma_wait3A_741 : memref<10240x128xf32, #tpu.memory_space<hbm>>) dst(%dma_wait3A_737 : memref<64x128xf32, #tpu.memory_space<vmem>>)
      %sub3A = arith.constant 2 : i32
      %sub3A_742 = arith.subi %mul3A_731, %sub3A : i32
      %dma_wait3A_743 = arith.constant 0 : i32
      %dma_wait3A_744 = arith.constant 0 : i32
      %dma_wait3A_745 = tpu.memref_slice %arg9[%scan3A_174, %dma_wait3A_743, %dma_wait3A_744] : memref<4x64x128xf32, #tpu.memory_space<vmem>> -> memref<1x64x128xf32, #tpu.memory_space<vmem>>
      %dma_wait3A_746 = tpu.memref_squeeze %dma_wait3A_745 : memref<1x64x128xf32, #tpu.memory_space<vmem>> -> memref<64x128xf32, #tpu.memory_space<vmem>>
      %dma_wait3A_747 = arith.constant 0 : i32
      %dma_wait3A_748 = tpu.memref_slice %arg8[%sub3A_742, %dma_wait3A_747] : memref<80x64xi32, #tpu.memory_space<vmem>> -> memref<1x64xi32, #tpu.memory_space<vmem>>
      %dma_wait3A_749 = tpu.memref_squeeze %dma_wait3A_748 : memref<1x64xi32, #tpu.memory_space<vmem>> -> memref<64xi32, #tpu.memory_space<vmem>>
      %dma_wait3A_750 = arith.constant 0 : i32
      %dma_wait3A_751 = arith.constant 0 : i32
      %dma_wait3A_752 = tpu.memref_slice %arg10[%dma_wait3A_750, %dma_wait3A_751] : memref<10240x128xf32, #tpu.memory_space<vmem_shared>> -> memref<10240x128xf32, #tpu.memory_space<vmem_shared>>
      tpu.wait_indirect_dma semaphore(%arg12 : memref<!tpu.dma_semaphore, #tpu.memory_space<semaphore_mem>>) src(%dma_wait3A_746 : memref<64x128xf32, #tpu.memory_space<vmem>>) dst(%dma_wait3A_752 : memref<10240x128xf32, #tpu.memory_space<vmem_shared>>)
      %add3A_753 = arith.constant 2 : i32
      %add3A_754 = arith.addi %mul3A_731, %add3A_753 : i32
      %mul3A_755 = arith.constant 64 : i32
      %mul3A_756 = arith.muli %add3A_754, %mul3A_755 : i32
      %dma_start3A_757 = arith.constant 0 : i32
      %dma_start3A_758 = arith.constant 0 : i32
      %dma_start3A_759 = tpu.memref_slice %arg9[%scan3A_174, %dma_start3A_757, %dma_start3A_758] : memref<4x64x128xf32, #tpu.memory_space<vmem>> -> memref<1x64x128xf32, #tpu.memory_space<vmem>>
      %dma_start3A_760 = tpu.memref_squeeze %dma_start3A_759 : memref<1x64x128xf32, #tpu.memory_space<vmem>> -> memref<64x128xf32, #tpu.memory_space<vmem>>
      %dma_start3A_761 = tpu.memref_slice %arg7[%mul3A_756] : memref<5120xi32, #tpu.memory_space<vmem>> -> memref<64xi32, #tpu.memory_space<vmem>>
      %dma_start3A_762 = arith.constant 0 : i32
      %dma_start3A_763 = arith.constant 0 : i32
      %dma_start3A_764 = tpu.memref_slice %arg2[%dma_start3A_762, %dma_start3A_763] : memref<10240x128xf32, #tpu.memory_space<hbm>> -> memref<10240x128xf32, #tpu.memory_space<hbm>>
      tpu.enqueue_indirect_dma source(%dma_start3A_764 : memref<10240x128xf32, #tpu.memory_space<hbm>>) target(%dma_start3A_760 : memref<64x128xf32, #tpu.memory_space<vmem>>) offsets(%dma_start3A_761 : memref<64xi32, #tpu.memory_space<vmem>>) semaphore(%arg11 : memref<!tpu.dma_semaphore, #tpu.memory_space<semaphore_mem>>)
      %dma_start3A_765 = arith.constant 0 : i32
      %dma_start3A_766 = arith.constant 0 : i32
      %dma_start3A_767 = tpu.memref_slice %arg9[%scan3A_173, %dma_start3A_765, %dma_start3A_766] : memref<4x64x128xf32, #tpu.memory_space<vmem>> -> memref<1x64x128xf32, #tpu.memory_space<vmem>>
      %dma_start3A_768 = tpu.memref_squeeze %dma_start3A_767 : memref<1x64x128xf32, #tpu.memory_space<vmem>> -> memref<64x128xf32, #tpu.memory_space<vmem>>
      %dma_start3A_769 = arith.constant 0 : i32
      %dma_start3A_770 = tpu.memref_slice %arg8[%mul3A_731, %dma_start3A_769] : memref<80x64xi32, #tpu.memory_space<vmem>> -> memref<1x64xi32, #tpu.memory_space<vmem>>
      %dma_start3A_771 = tpu.memref_squeeze %dma_start3A_770 : memref<1x64xi32, #tpu.memory_space<vmem>> -> memref<64xi32, #tpu.memory_space<vmem>>
      %dma_start3A_772 = arith.constant 0 : i32
      %dma_start3A_773 = arith.constant 0 : i32
      %dma_start3A_774 = tpu.memref_slice %arg10[%dma_start3A_772, %dma_start3A_773] : memref<10240x128xf32, #tpu.memory_space<vmem_shared>> -> memref<10240x128xf32, #tpu.memory_space<vmem_shared>>
      tpu.enqueue_indirect_dma source(%dma_start3A_768 : memref<64x128xf32, #tpu.memory_space<vmem>>) target(%dma_start3A_774 : memref<10240x128xf32, #tpu.memory_space<vmem_shared>>) offsets(%dma_start3A_771 : memref<64xi32, #tpu.memory_space<vmem>>) semaphore(%arg12 : memref<!tpu.dma_semaphore, #tpu.memory_space<semaphore_mem>>) {add = true}
      %add3A_775 = arith.constant 1 : i32
      %add3A_776 = arith.addi %mul3A_731, %add3A_775 : i32
      %mul3A_777 = arith.constant 64 : i32
      %mul3A_778 = arith.muli %add3A_776, %mul3A_777 : i32
      %dma_wait3A_779 = arith.constant 0 : i32
      %dma_wait3A_780 = arith.constant 0 : i32
      %dma_wait3A_781 = tpu.memref_slice %arg9[%scan3A_175, %dma_wait3A_779, %dma_wait3A_780] : memref<4x64x128xf32, #tpu.memory_space<vmem>> -> memref<1x64x128xf32, #tpu.memory_space<vmem>>
      %dma_wait3A_782 = tpu.memref_squeeze %dma_wait3A_781 : memref<1x64x128xf32, #tpu.memory_space<vmem>> -> memref<64x128xf32, #tpu.memory_space<vmem>>
      %dma_wait3A_783 = tpu.memref_slice %arg7[%mul3A_778] : memref<5120xi32, #tpu.memory_space<vmem>> -> memref<64xi32, #tpu.memory_space<vmem>>
      %dma_wait3A_784 = arith.constant 0 : i32
      %dma_wait3A_785 = arith.constant 0 : i32
      %dma_wait3A_786 = tpu.memref_slice %arg2[%dma_wait3A_784, %dma_wait3A_785] : memref<10240x128xf32, #tpu.memory_space<hbm>> -> memref<10240x128xf32, #tpu.memory_space<hbm>>
      tpu.wait_indirect_dma semaphore(%arg11 : memref<!tpu.dma_semaphore, #tpu.memory_space<semaphore_mem>>) src(%dma_wait3A_786 : memref<10240x128xf32, #tpu.memory_space<hbm>>) dst(%dma_wait3A_782 : memref<64x128xf32, #tpu.memory_space<vmem>>)
      %sub3A_787 = arith.constant 1 : i32
      %sub3A_788 = arith.subi %mul3A_731, %sub3A_787 : i32
      %dma_wait3A_789 = arith.constant 0 : i32
      %dma_wait3A_790 = arith.constant 0 : i32
      %dma_wait3A_791 = tpu.memref_slice %arg9[%scan3A_176, %dma_wait3A_789, %dma_wait3A_790] : memref<4x64x128xf32, #tpu.memory_space<vmem>> -> memref<1x64x128xf32, #tpu.memory_space<vmem>>
      %dma_wait3A_792 = tpu.memref_squeeze %dma_wait3A_791 : memref<1x64x128xf32, #tpu.memory_space<vmem>> -> memref<64x128xf32, #tpu.memory_space<vmem>>
      %dma_wait3A_793 = arith.constant 0 : i32
      %dma_wait3A_794 = tpu.memref_slice %arg8[%sub3A_788, %dma_wait3A_793] : memref<80x64xi32, #tpu.memory_space<vmem>> -> memref<1x64xi32, #tpu.memory_space<vmem>>
      %dma_wait3A_795 = tpu.memref_squeeze %dma_wait3A_794 : memref<1x64xi32, #tpu.memory_space<vmem>> -> memref<64xi32, #tpu.memory_space<vmem>>
      %dma_wait3A_796 = arith.constant 0 : i32
      %dma_wait3A_797 = arith.constant 0 : i32
      %dma_wait3A_798 = tpu.memref_slice %arg10[%dma_wait3A_796, %dma_wait3A_797] : memref<10240x128xf32, #tpu.memory_space<vmem_shared>> -> memref<10240x128xf32, #tpu.memory_space<vmem_shared>>
      tpu.wait_indirect_dma semaphore(%arg12 : memref<!tpu.dma_semaphore, #tpu.memory_space<semaphore_mem>>) src(%dma_wait3A_792 : memref<64x128xf32, #tpu.memory_space<vmem>>) dst(%dma_wait3A_798 : memref<10240x128xf32, #tpu.memory_space<vmem_shared>>)
      %add3A_799 = arith.constant 3 : i32
      %add3A_800 = arith.addi %mul3A_731, %add3A_799 : i32
      %mul3A_801 = arith.constant 64 : i32
      %mul3A_802 = arith.muli %add3A_800, %mul3A_801 : i32
      %dma_start3A_803 = arith.constant 0 : i32
      %dma_start3A_804 = arith.constant 0 : i32
      %dma_start3A_805 = tpu.memref_slice %arg9[%scan3A_176, %dma_start3A_803, %dma_start3A_804] : memref<4x64x128xf32, #tpu.memory_space<vmem>> -> memref<1x64x128xf32, #tpu.memory_space<vmem>>
      %dma_start3A_806 = tpu.memref_squeeze %dma_start3A_805 : memref<1x64x128xf32, #tpu.memory_space<vmem>> -> memref<64x128xf32, #tpu.memory_space<vmem>>
      %dma_start3A_807 = tpu.memref_slice %arg7[%mul3A_802] : memref<5120xi32, #tpu.memory_space<vmem>> -> memref<64xi32, #tpu.memory_space<vmem>>
      %dma_start3A_808 = arith.constant 0 : i32
      %dma_start3A_809 = arith.constant 0 : i32
      %dma_start3A_810 = tpu.memref_slice %arg2[%dma_start3A_808, %dma_start3A_809] : memref<10240x128xf32, #tpu.memory_space<hbm>> -> memref<10240x128xf32, #tpu.memory_space<hbm>>
      tpu.enqueue_indirect_dma source(%dma_start3A_810 : memref<10240x128xf32, #tpu.memory_space<hbm>>) target(%dma_start3A_806 : memref<64x128xf32, #tpu.memory_space<vmem>>) offsets(%dma_start3A_807 : memref<64xi32, #tpu.memory_space<vmem>>) semaphore(%arg11 : memref<!tpu.dma_semaphore, #tpu.memory_space<semaphore_mem>>)
      %add3A_811 = arith.constant 1 : i32
      %add3A_812 = arith.addi %mul3A_731, %add3A_811 : i32
      %dma_start3A_813 = arith.constant 0 : i32
      %dma_start3A_814 = arith.constant 0 : i32
      %dma_start3A_815 = tpu.memref_slice %arg9[%scan3A_175, %dma_start3A_813, %dma_start3A_814] : memref<4x64x128xf32, #tpu.memory_space<vmem>> -> memref<1x64x128xf32, #tpu.memory_space<vmem>>
      %dma_start3A_816 = tpu.memref_squeeze %dma_start3A_815 : memref<1x64x128xf32, #tpu.memory_space<vmem>> -> memref<64x128xf32, #tpu.memory_space<vmem>>
      %dma_start3A_817 = arith.constant 0 : i32
      %dma_start3A_818 = tpu.memref_slice %arg8[%add3A_812, %dma_start3A_817] : memref<80x64xi32, #tpu.memory_space<vmem>> -> memref<1x64xi32, #tpu.memory_space<vmem>>
      %dma_start3A_819 = tpu.memref_squeeze %dma_start3A_818 : memref<1x64xi32, #tpu.memory_space<vmem>> -> memref<64xi32, #tpu.memory_space<vmem>>
      %dma_start3A_820 = arith.constant 0 : i32
      %dma_start3A_821 = arith.constant 0 : i32
      %dma_start3A_822 = tpu.memref_slice %arg10[%dma_start3A_820, %dma_start3A_821] : memref<10240x128xf32, #tpu.memory_space<vmem_shared>> -> memref<10240x128xf32, #tpu.memory_space<vmem_shared>>
      tpu.enqueue_indirect_dma source(%dma_start3A_816 : memref<64x128xf32, #tpu.memory_space<vmem>>) target(%dma_start3A_822 : memref<10240x128xf32, #tpu.memory_space<vmem_shared>>) offsets(%dma_start3A_819 : memref<64xi32, #tpu.memory_space<vmem>>) semaphore(%arg12 : memref<!tpu.dma_semaphore, #tpu.memory_space<semaphore_mem>>) {add = true}
      %add3A_823 = arith.constant 2 : i32
      %add3A_824 = arith.addi %mul3A_731, %add3A_823 : i32
      %mul3A_825 = arith.constant 64 : i32
      %mul3A_826 = arith.muli %add3A_824, %mul3A_825 : i32
      %dma_wait3A_827 = arith.constant 0 : i32
      %dma_wait3A_828 = arith.constant 0 : i32
      %dma_wait3A_829 = tpu.memref_slice %arg9[%scan3A_174, %dma_wait3A_827, %dma_wait3A_828] : memref<4x64x128xf32, #tpu.memory_space<vmem>> -> memref<1x64x128xf32, #tpu.memory_space<vmem>>
      %dma_wait3A_830 = tpu.memref_squeeze %dma_wait3A_829 : memref<1x64x128xf32, #tpu.memory_space<vmem>> -> memref<64x128xf32, #tpu.memory_space<vmem>>
      %dma_wait3A_831 = tpu.memref_slice %arg7[%mul3A_826] : memref<5120xi32, #tpu.memory_space<vmem>> -> memref<64xi32, #tpu.memory_space<vmem>>
      %dma_wait3A_832 = arith.constant 0 : i32
      %dma_wait3A_833 = arith.constant 0 : i32
      %dma_wait3A_834 = tpu.memref_slice %arg2[%dma_wait3A_832, %dma_wait3A_833] : memref<10240x128xf32, #tpu.memory_space<hbm>> -> memref<10240x128xf32, #tpu.memory_space<hbm>>
      tpu.wait_indirect_dma semaphore(%arg11 : memref<!tpu.dma_semaphore, #tpu.memory_space<semaphore_mem>>) src(%dma_wait3A_834 : memref<10240x128xf32, #tpu.memory_space<hbm>>) dst(%dma_wait3A_830 : memref<64x128xf32, #tpu.memory_space<vmem>>)
      %dma_wait3A_835 = arith.constant 0 : i32
      %dma_wait3A_836 = arith.constant 0 : i32
      %dma_wait3A_837 = tpu.memref_slice %arg9[%scan3A_173, %dma_wait3A_835, %dma_wait3A_836] : memref<4x64x128xf32, #tpu.memory_space<vmem>> -> memref<1x64x128xf32, #tpu.memory_space<vmem>>
      %dma_wait3A_838 = tpu.memref_squeeze %dma_wait3A_837 : memref<1x64x128xf32, #tpu.memory_space<vmem>> -> memref<64x128xf32, #tpu.memory_space<vmem>>
      %dma_wait3A_839 = arith.constant 0 : i32
      %dma_wait3A_840 = tpu.memref_slice %arg8[%mul3A_731, %dma_wait3A_839] : memref<80x64xi32, #tpu.memory_space<vmem>> -> memref<1x64xi32, #tpu.memory_space<vmem>>
      %dma_wait3A_841 = tpu.memref_squeeze %dma_wait3A_840 : memref<1x64xi32, #tpu.memory_space<vmem>> -> memref<64xi32, #tpu.memory_space<vmem>>
      %dma_wait3A_842 = arith.constant 0 : i32
      %dma_wait3A_843 = arith.constant 0 : i32
      %dma_wait3A_844 = tpu.memref_slice %arg10[%dma_wait3A_842, %dma_wait3A_843] : memref<10240x128xf32, #tpu.memory_space<vmem_shared>> -> memref<10240x128xf32, #tpu.memory_space<vmem_shared>>
      tpu.wait_indirect_dma semaphore(%arg12 : memref<!tpu.dma_semaphore, #tpu.memory_space<semaphore_mem>>) src(%dma_wait3A_838 : memref<64x128xf32, #tpu.memory_space<vmem>>) dst(%dma_wait3A_844 : memref<10240x128xf32, #tpu.memory_space<vmem_shared>>)
      %add3A_845 = arith.constant 4 : i32
      %add3A_846 = arith.addi %mul3A_731, %add3A_845 : i32
      %mul3A_847 = arith.constant 64 : i32
      %mul3A_848 = arith.muli %add3A_846, %mul3A_847 : i32
      %dma_start3A_849 = arith.constant 0 : i32
      %dma_start3A_850 = arith.constant 0 : i32
      %dma_start3A_851 = tpu.memref_slice %arg9[%scan3A_173, %dma_start3A_849, %dma_start3A_850] : memref<4x64x128xf32, #tpu.memory_space<vmem>> -> memref<1x64x128xf32, #tpu.memory_space<vmem>>
      %dma_start3A_852 = tpu.memref_squeeze %dma_start3A_851 : memref<1x64x128xf32, #tpu.memory_space<vmem>> -> memref<64x128xf32, #tpu.memory_space<vmem>>
      %dma_start3A_853 = tpu.memref_slice %arg7[%mul3A_848] : memref<5120xi32, #tpu.memory_space<vmem>> -> memref<64xi32, #tpu.memory_space<vmem>>
      %dma_start3A_854 = arith.constant 0 : i32
      %dma_start3A_855 = arith.constant 0 : i32
      %dma_start3A_856 = tpu.memref_slice %arg2[%dma_start3A_854, %dma_start3A_855] : memref<10240x128xf32, #tpu.memory_space<hbm>> -> memref<10240x128xf32, #tpu.memory_space<hbm>>
      tpu.enqueue_indirect_dma source(%dma_start3A_856 : memref<10240x128xf32, #tpu.memory_space<hbm>>) target(%dma_start3A_852 : memref<64x128xf32, #tpu.memory_space<vmem>>) offsets(%dma_start3A_853 : memref<64xi32, #tpu.memory_space<vmem>>) semaphore(%arg11 : memref<!tpu.dma_semaphore, #tpu.memory_space<semaphore_mem>>)
      %add3A_857 = arith.constant 2 : i32
      %add3A_858 = arith.addi %mul3A_731, %add3A_857 : i32
      %dma_start3A_859 = arith.constant 0 : i32
      %dma_start3A_860 = arith.constant 0 : i32
      %dma_start3A_861 = tpu.memref_slice %arg9[%scan3A_174, %dma_start3A_859, %dma_start3A_860] : memref<4x64x128xf32, #tpu.memory_space<vmem>> -> memref<1x64x128xf32, #tpu.memory_space<vmem>>
      %dma_start3A_862 = tpu.memref_squeeze %dma_start3A_861 : memref<1x64x128xf32, #tpu.memory_space<vmem>> -> memref<64x128xf32, #tpu.memory_space<vmem>>
      %dma_start3A_863 = arith.constant 0 : i32
      %dma_start3A_864 = tpu.memref_slice %arg8[%add3A_858, %dma_start3A_863] : memref<80x64xi32, #tpu.memory_space<vmem>> -> memref<1x64xi32, #tpu.memory_space<vmem>>
      %dma_start3A_865 = tpu.memref_squeeze %dma_start3A_864 : memref<1x64xi32, #tpu.memory_space<vmem>> -> memref<64xi32, #tpu.memory_space<vmem>>
      %dma_start3A_866 = arith.constant 0 : i32
      %dma_start3A_867 = arith.constant 0 : i32
      %dma_start3A_868 = tpu.memref_slice %arg10[%dma_start3A_866, %dma_start3A_867] : memref<10240x128xf32, #tpu.memory_space<vmem_shared>> -> memref<10240x128xf32, #tpu.memory_space<vmem_shared>>
      tpu.enqueue_indirect_dma source(%dma_start3A_862 : memref<64x128xf32, #tpu.memory_space<vmem>>) target(%dma_start3A_868 : memref<10240x128xf32, #tpu.memory_space<vmem_shared>>) offsets(%dma_start3A_865 : memref<64xi32, #tpu.memory_space<vmem>>) semaphore(%arg12 : memref<!tpu.dma_semaphore, #tpu.memory_space<semaphore_mem>>) {add = true}
      %add3A_869 = arith.constant 3 : i32
      %add3A_870 = arith.addi %mul3A_731, %add3A_869 : i32
      %mul3A_871 = arith.constant 64 : i32
      %mul3A_872 = arith.muli %add3A_870, %mul3A_871 : i32
      %dma_wait3A_873 = arith.constant 0 : i32
      %dma_wait3A_874 = arith.constant 0 : i32
      %dma_wait3A_875 = tpu.memref_slice %arg9[%scan3A_176, %dma_wait3A_873, %dma_wait3A_874] : memref<4x64x128xf32, #tpu.memory_space<vmem>> -> memref<1x64x128xf32, #tpu.memory_space<vmem>>
      %dma_wait3A_876 = tpu.memref_squeeze %dma_wait3A_875 : memref<1x64x128xf32, #tpu.memory_space<vmem>> -> memref<64x128xf32, #tpu.memory_space<vmem>>
      %dma_wait3A_877 = tpu.memref_slice %arg7[%mul3A_872] : memref<5120xi32, #tpu.memory_space<vmem>> -> memref<64xi32, #tpu.memory_space<vmem>>
      %dma_wait3A_878 = arith.constant 0 : i32
      %dma_wait3A_879 = arith.constant 0 : i32
      %dma_wait3A_880 = tpu.memref_slice %arg2[%dma_wait3A_878, %dma_wait3A_879] : memref<10240x128xf32, #tpu.memory_space<hbm>> -> memref<10240x128xf32, #tpu.memory_space<hbm>>
      tpu.wait_indirect_dma semaphore(%arg11 : memref<!tpu.dma_semaphore, #tpu.memory_space<semaphore_mem>>) src(%dma_wait3A_880 : memref<10240x128xf32, #tpu.memory_space<hbm>>) dst(%dma_wait3A_876 : memref<64x128xf32, #tpu.memory_space<vmem>>)
      %add3A_881 = arith.constant 1 : i32
      %add3A_882 = arith.addi %mul3A_731, %add3A_881 : i32
      %dma_wait3A_883 = arith.constant 0 : i32
      %dma_wait3A_884 = arith.constant 0 : i32
      %dma_wait3A_885 = tpu.memref_slice %arg9[%scan3A_175, %dma_wait3A_883, %dma_wait3A_884] : memref<4x64x128xf32, #tpu.memory_space<vmem>> -> memref<1x64x128xf32, #tpu.memory_space<vmem>>
      %dma_wait3A_886 = tpu.memref_squeeze %dma_wait3A_885 : memref<1x64x128xf32, #tpu.memory_space<vmem>> -> memref<64x128xf32, #tpu.memory_space<vmem>>
      %dma_wait3A_887 = arith.constant 0 : i32
      %dma_wait3A_888 = tpu.memref_slice %arg8[%add3A_882, %dma_wait3A_887] : memref<80x64xi32, #tpu.memory_space<vmem>> -> memref<1x64xi32, #tpu.memory_space<vmem>>
      %dma_wait3A_889 = tpu.memref_squeeze %dma_wait3A_888 : memref<1x64xi32, #tpu.memory_space<vmem>> -> memref<64xi32, #tpu.memory_space<vmem>>
      %dma_wait3A_890 = arith.constant 0 : i32
      %dma_wait3A_891 = arith.constant 0 : i32
      %dma_wait3A_892 = tpu.memref_slice %arg10[%dma_wait3A_890, %dma_wait3A_891] : memref<10240x128xf32, #tpu.memory_space<vmem_shared>> -> memref<10240x128xf32, #tpu.memory_space<vmem_shared>>
      tpu.wait_indirect_dma semaphore(%arg12 : memref<!tpu.dma_semaphore, #tpu.memory_space<semaphore_mem>>) src(%dma_wait3A_886 : memref<64x128xf32, #tpu.memory_space<vmem>>) dst(%dma_wait3A_892 : memref<10240x128xf32, #tpu.memory_space<vmem_shared>>)
      %add3A_893 = arith.constant 5 : i32
      %add3A_894 = arith.addi %mul3A_731, %add3A_893 : i32
      %mul3A_895 = arith.constant 64 : i32
      %mul3A_896 = arith.muli %add3A_894, %mul3A_895 : i32
      %dma_start3A_897 = arith.constant 0 : i32
      %dma_start3A_898 = arith.constant 0 : i32
      %dma_start3A_899 = tpu.memref_slice %arg9[%scan3A_175, %dma_start3A_897, %dma_start3A_898] : memref<4x64x128xf32, #tpu.memory_space<vmem>> -> memref<1x64x128xf32, #tpu.memory_space<vmem>>
      %dma_start3A_900 = tpu.memref_squeeze %dma_start3A_899 : memref<1x64x128xf32, #tpu.memory_space<vmem>> -> memref<64x128xf32, #tpu.memory_space<vmem>>
      %dma_start3A_901 = tpu.memref_slice %arg7[%mul3A_896] : memref<5120xi32, #tpu.memory_space<vmem>> -> memref<64xi32, #tpu.memory_space<vmem>>
      %dma_start3A_902 = arith.constant 0 : i32
      %dma_start3A_903 = arith.constant 0 : i32
      %dma_start3A_904 = tpu.memref_slice %arg2[%dma_start3A_902, %dma_start3A_903] : memref<10240x128xf32, #tpu.memory_space<hbm>> -> memref<10240x128xf32, #tpu.memory_space<hbm>>
      tpu.enqueue_indirect_dma source(%dma_start3A_904 : memref<10240x128xf32, #tpu.memory_space<hbm>>) target(%dma_start3A_900 : memref<64x128xf32, #tpu.memory_space<vmem>>) offsets(%dma_start3A_901 : memref<64xi32, #tpu.memory_space<vmem>>) semaphore(%arg11 : memref<!tpu.dma_semaphore, #tpu.memory_space<semaphore_mem>>)
      %add3A_905 = arith.constant 3 : i32
      %add3A_906 = arith.addi %mul3A_731, %add3A_905 : i32
      %dma_start3A_907 = arith.constant 0 : i32
      %dma_start3A_908 = arith.constant 0 : i32
      %dma_start3A_909 = tpu.memref_slice %arg9[%scan3A_176, %dma_start3A_907, %dma_start3A_908] : memref<4x64x128xf32, #tpu.memory_space<vmem>> -> memref<1x64x128xf32, #tpu.memory_space<vmem>>
      %dma_start3A_910 = tpu.memref_squeeze %dma_start3A_909 : memref<1x64x128xf32, #tpu.memory_space<vmem>> -> memref<64x128xf32, #tpu.memory_space<vmem>>
      %dma_start3A_911 = arith.constant 0 : i32
      %dma_start3A_912 = tpu.memref_slice %arg8[%add3A_906, %dma_start3A_911] : memref<80x64xi32, #tpu.memory_space<vmem>> -> memref<1x64xi32, #tpu.memory_space<vmem>>
      %dma_start3A_913 = tpu.memref_squeeze %dma_start3A_912 : memref<1x64xi32, #tpu.memory_space<vmem>> -> memref<64xi32, #tpu.memory_space<vmem>>
      %dma_start3A_914 = arith.constant 0 : i32
      %dma_start3A_915 = arith.constant 0 : i32
      %dma_start3A_916 = tpu.memref_slice %arg10[%dma_start3A_914, %dma_start3A_915] : memref<10240x128xf32, #tpu.memory_space<vmem_shared>> -> memref<10240x128xf32, #tpu.memory_space<vmem_shared>>
      tpu.enqueue_indirect_dma source(%dma_start3A_910 : memref<64x128xf32, #tpu.memory_space<vmem>>) target(%dma_start3A_916 : memref<10240x128xf32, #tpu.memory_space<vmem_shared>>) offsets(%dma_start3A_913 : memref<64xi32, #tpu.memory_space<vmem>>) semaphore(%arg12 : memref<!tpu.dma_semaphore, #tpu.memory_space<semaphore_mem>>) {add = true}
    }
    %scan3A_181 = arith.constant 18 : i32
    %dma_wait3A_182 = arith.constant 0 : i32
    %dma_wait3A_183 = arith.constant 0 : i32
    %dma_wait3A_184 = arith.constant 0 : i32
    %dma_wait3A_185 = tpu.memref_slice %arg9[%dma_wait3A_182, %dma_wait3A_183, %dma_wait3A_184] : memref<4x64x128xf32, #tpu.memory_space<vmem>> -> memref<1x64x128xf32, #tpu.memory_space<vmem>>
    %dma_wait3A_186 = tpu.memref_squeeze %dma_wait3A_185 : memref<1x64x128xf32, #tpu.memory_space<vmem>> -> memref<64x128xf32, #tpu.memory_space<vmem>>
    %dma_wait3A_187 = arith.constant 4864 : i32
    %dma_wait3A_188 = tpu.memref_slice %arg7[%dma_wait3A_187] : memref<5120xi32, #tpu.memory_space<vmem>> -> memref<64xi32, #tpu.memory_space<vmem>>
    %dma_wait3A_189 = arith.constant 0 : i32
    %dma_wait3A_190 = arith.constant 0 : i32
    %dma_wait3A_191 = tpu.memref_slice %arg2[%dma_wait3A_189, %dma_wait3A_190] : memref<10240x128xf32, #tpu.memory_space<hbm>> -> memref<10240x128xf32, #tpu.memory_space<hbm>>
    tpu.wait_indirect_dma semaphore(%arg11 : memref<!tpu.dma_semaphore, #tpu.memory_space<semaphore_mem>>) src(%dma_wait3A_191 : memref<10240x128xf32, #tpu.memory_space<hbm>>) dst(%dma_wait3A_186 : memref<64x128xf32, #tpu.memory_space<vmem>>)
    %dma_wait3A_192 = arith.constant 2 : i32
    %dma_wait3A_193 = arith.constant 74 : i32
    %dma_wait3A_194 = arith.constant 0 : i32
    %dma_wait3A_195 = arith.constant 0 : i32
    %dma_wait3A_196 = tpu.memref_slice %arg9[%dma_wait3A_192, %dma_wait3A_194, %dma_wait3A_195] : memref<4x64x128xf32, #tpu.memory_space<vmem>> -> memref<1x64x128xf32, #tpu.memory_space<vmem>>
    %dma_wait3A_197 = tpu.memref_squeeze %dma_wait3A_196 : memref<1x64x128xf32, #tpu.memory_space<vmem>> -> memref<64x128xf32, #tpu.memory_space<vmem>>
    %dma_wait3A_198 = arith.constant 0 : i32
    %dma_wait3A_199 = tpu.memref_slice %arg8[%dma_wait3A_193, %dma_wait3A_198] : memref<80x64xi32, #tpu.memory_space<vmem>> -> memref<1x64xi32, #tpu.memory_space<vmem>>
    %dma_wait3A_200 = tpu.memref_squeeze %dma_wait3A_199 : memref<1x64xi32, #tpu.memory_space<vmem>> -> memref<64xi32, #tpu.memory_space<vmem>>
    %dma_wait3A_201 = arith.constant 0 : i32
    %dma_wait3A_202 = arith.constant 0 : i32
    %dma_wait3A_203 = tpu.memref_slice %arg10[%dma_wait3A_201, %dma_wait3A_202] : memref<10240x128xf32, #tpu.memory_space<vmem_shared>> -> memref<10240x128xf32, #tpu.memory_space<vmem_shared>>
    tpu.wait_indirect_dma semaphore(%arg12 : memref<!tpu.dma_semaphore, #tpu.memory_space<semaphore_mem>>) src(%dma_wait3A_197 : memref<64x128xf32, #tpu.memory_space<vmem>>) dst(%dma_wait3A_203 : memref<10240x128xf32, #tpu.memory_space<vmem_shared>>)
    %dma_start3A_204 = arith.constant 2 : i32
    %dma_start3A_205 = arith.constant 0 : i32
    %dma_start3A_206 = arith.constant 0 : i32
    %dma_start3A_207 = tpu.memref_slice %arg9[%dma_start3A_204, %dma_start3A_205, %dma_start3A_206] : memref<4x64x128xf32, #tpu.memory_space<vmem>> -> memref<1x64x128xf32, #tpu.memory_space<vmem>>
    %dma_start3A_208 = tpu.memref_squeeze %dma_start3A_207 : memref<1x64x128xf32, #tpu.memory_space<vmem>> -> memref<64x128xf32, #tpu.memory_space<vmem>>
    %dma_start3A_209 = arith.constant 4992 : i32
    %dma_start3A_210 = tpu.memref_slice %arg7[%dma_start3A_209] : memref<5120xi32, #tpu.memory_space<vmem>> -> memref<64xi32, #tpu.memory_space<vmem>>
    %dma_start3A_211 = arith.constant 0 : i32
    %dma_start3A_212 = arith.constant 0 : i32
    %dma_start3A_213 = tpu.memref_slice %arg2[%dma_start3A_211, %dma_start3A_212] : memref<10240x128xf32, #tpu.memory_space<hbm>> -> memref<10240x128xf32, #tpu.memory_space<hbm>>
    tpu.enqueue_indirect_dma source(%dma_start3A_213 : memref<10240x128xf32, #tpu.memory_space<hbm>>) target(%dma_start3A_208 : memref<64x128xf32, #tpu.memory_space<vmem>>) offsets(%dma_start3A_210 : memref<64xi32, #tpu.memory_space<vmem>>) semaphore(%arg11 : memref<!tpu.dma_semaphore, #tpu.memory_space<semaphore_mem>>)
    %dma_start3A_214 = arith.constant 0 : i32
    %dma_start3A_215 = arith.constant 76 : i32
    %dma_start3A_216 = arith.constant 0 : i32
    %dma_start3A_217 = arith.constant 0 : i32
    %dma_start3A_218 = tpu.memref_slice %arg9[%dma_start3A_214, %dma_start3A_216, %dma_start3A_217] : memref<4x64x128xf32, #tpu.memory_space<vmem>> -> memref<1x64x128xf32, #tpu.memory_space<vmem>>
    %dma_start3A_219 = tpu.memref_squeeze %dma_start3A_218 : memref<1x64x128xf32, #tpu.memory_space<vmem>> -> memref<64x128xf32, #tpu.memory_space<vmem>>
    %dma_start3A_220 = arith.constant 0 : i32
    %dma_start3A_221 = tpu.memref_slice %arg8[%dma_start3A_215, %dma_start3A_220] : memref<80x64xi32, #tpu.memory_space<vmem>> -> memref<1x64xi32, #tpu.memory_space<vmem>>
    %dma_start3A_222 = tpu.memref_squeeze %dma_start3A_221 : memref<1x64xi32, #tpu.memory_space<vmem>> -> memref<64xi32, #tpu.memory_space<vmem>>
    %dma_start3A_223 = arith.constant 0 : i32
    %dma_start3A_224 = arith.constant 0 : i32
    %dma_start3A_225 = tpu.memref_slice %arg10[%dma_start3A_223, %dma_start3A_224] : memref<10240x128xf32, #tpu.memory_space<vmem_shared>> -> memref<10240x128xf32, #tpu.memory_space<vmem_shared>>
    tpu.enqueue_indirect_dma source(%dma_start3A_219 : memref<64x128xf32, #tpu.memory_space<vmem>>) target(%dma_start3A_225 : memref<10240x128xf32, #tpu.memory_space<vmem_shared>>) offsets(%dma_start3A_222 : memref<64xi32, #tpu.memory_space<vmem>>) semaphore(%arg12 : memref<!tpu.dma_semaphore, #tpu.memory_space<semaphore_mem>>) {add = true}
    %dma_wait3A_226 = arith.constant 1 : i32
    %dma_wait3A_227 = arith.constant 0 : i32
    %dma_wait3A_228 = arith.constant 0 : i32
    %dma_wait3A_229 = tpu.memref_slice %arg9[%dma_wait3A_226, %dma_wait3A_227, %dma_wait3A_228] : memref<4x64x128xf32, #tpu.memory_space<vmem>> -> memref<1x64x128xf32, #tpu.memory_space<vmem>>
    %dma_wait3A_230 = tpu.memref_squeeze %dma_wait3A_229 : memref<1x64x128xf32, #tpu.memory_space<vmem>> -> memref<64x128xf32, #tpu.memory_space<vmem>>
    %dma_wait3A_231 = arith.constant 4928 : i32
    %dma_wait3A_232 = tpu.memref_slice %arg7[%dma_wait3A_231] : memref<5120xi32, #tpu.memory_space<vmem>> -> memref<64xi32, #tpu.memory_space<vmem>>
    %dma_wait3A_233 = arith.constant 0 : i32
    %dma_wait3A_234 = arith.constant 0 : i32
    %dma_wait3A_235 = tpu.memref_slice %arg2[%dma_wait3A_233, %dma_wait3A_234] : memref<10240x128xf32, #tpu.memory_space<hbm>> -> memref<10240x128xf32, #tpu.memory_space<hbm>>
    tpu.wait_indirect_dma semaphore(%arg11 : memref<!tpu.dma_semaphore, #tpu.memory_space<semaphore_mem>>) src(%dma_wait3A_235 : memref<10240x128xf32, #tpu.memory_space<hbm>>) dst(%dma_wait3A_230 : memref<64x128xf32, #tpu.memory_space<vmem>>)
    %dma_wait3A_236 = arith.constant 3 : i32
    %dma_wait3A_237 = arith.constant 75 : i32
    %dma_wait3A_238 = arith.constant 0 : i32
    %dma_wait3A_239 = arith.constant 0 : i32
    %dma_wait3A_240 = tpu.memref_slice %arg9[%dma_wait3A_236, %dma_wait3A_238, %dma_wait3A_239] : memref<4x64x128xf32, #tpu.memory_space<vmem>> -> memref<1x64x128xf32, #tpu.memory_space<vmem>>
    %dma_wait3A_241 = tpu.memref_squeeze %dma_wait3A_240 : memref<1x64x128xf32, #tpu.memory_space<vmem>> -> memref<64x128xf32, #tpu.memory_space<vmem>>
    %dma_wait3A_242 = arith.constant 0 : i32
    %dma_wait3A_243 = tpu.memref_slice %arg8[%dma_wait3A_237, %dma_wait3A_242] : memref<80x64xi32, #tpu.memory_space<vmem>> -> memref<1x64xi32, #tpu.memory_space<vmem>>
    %dma_wait3A_244 = tpu.memref_squeeze %dma_wait3A_243 : memref<1x64xi32, #tpu.memory_space<vmem>> -> memref<64xi32, #tpu.memory_space<vmem>>
    %dma_wait3A_245 = arith.constant 0 : i32
    %dma_wait3A_246 = arith.constant 0 : i32
    %dma_wait3A_247 = tpu.memref_slice %arg10[%dma_wait3A_245, %dma_wait3A_246] : memref<10240x128xf32, #tpu.memory_space<vmem_shared>> -> memref<10240x128xf32, #tpu.memory_space<vmem_shared>>
    tpu.wait_indirect_dma semaphore(%arg12 : memref<!tpu.dma_semaphore, #tpu.memory_space<semaphore_mem>>) src(%dma_wait3A_241 : memref<64x128xf32, #tpu.memory_space<vmem>>) dst(%dma_wait3A_247 : memref<10240x128xf32, #tpu.memory_space<vmem_shared>>)
    %dma_start3A_248 = arith.constant 3 : i32
    %dma_start3A_249 = arith.constant 0 : i32
    %dma_start3A_250 = arith.constant 0 : i32
    %dma_start3A_251 = tpu.memref_slice %arg9[%dma_start3A_248, %dma_start3A_249, %dma_start3A_250] : memref<4x64x128xf32, #tpu.memory_space<vmem>> -> memref<1x64x128xf32, #tpu.memory_space<vmem>>
    %dma_start3A_252 = tpu.memref_squeeze %dma_start3A_251 : memref<1x64x128xf32, #tpu.memory_space<vmem>> -> memref<64x128xf32, #tpu.memory_space<vmem>>
    %dma_start3A_253 = arith.constant 5056 : i32
    %dma_start3A_254 = tpu.memref_slice %arg7[%dma_start3A_253] : memref<5120xi32, #tpu.memory_space<vmem>> -> memref<64xi32, #tpu.memory_space<vmem>>
    %dma_start3A_255 = arith.constant 0 : i32
    %dma_start3A_256 = arith.constant 0 : i32
    %dma_start3A_257 = tpu.memref_slice %arg2[%dma_start3A_255, %dma_start3A_256] : memref<10240x128xf32, #tpu.memory_space<hbm>> -> memref<10240x128xf32, #tpu.memory_space<hbm>>
    tpu.enqueue_indirect_dma source(%dma_start3A_257 : memref<10240x128xf32, #tpu.memory_space<hbm>>) target(%dma_start3A_252 : memref<64x128xf32, #tpu.memory_space<vmem>>) offsets(%dma_start3A_254 : memref<64xi32, #tpu.memory_space<vmem>>) semaphore(%arg11 : memref<!tpu.dma_semaphore, #tpu.memory_space<semaphore_mem>>)
    %dma_start3A_258 = arith.constant 1 : i32
    %dma_start3A_259 = arith.constant 77 : i32
    %dma_start3A_260 = arith.constant 0 : i32
    %dma_start3A_261 = arith.constant 0 : i32
    %dma_start3A_262 = tpu.memref_slice %arg9[%dma_start3A_258, %dma_start3A_260, %dma_start3A_261] : memref<4x64x128xf32, #tpu.memory_space<vmem>> -> memref<1x64x128xf32, #tpu.memory_space<vmem>>
    %dma_start3A_263 = tpu.memref_squeeze %dma_start3A_262 : memref<1x64x128xf32, #tpu.memory_space<vmem>> -> memref<64x128xf32, #tpu.memory_space<vmem>>
    %dma_start3A_264 = arith.constant 0 : i32
    %dma_start3A_265 = tpu.memref_slice %arg8[%dma_start3A_259, %dma_start3A_264] : memref<80x64xi32, #tpu.memory_space<vmem>> -> memref<1x64xi32, #tpu.memory_space<vmem>>
    %dma_start3A_266 = tpu.memref_squeeze %dma_start3A_265 : memref<1x64xi32, #tpu.memory_space<vmem>> -> memref<64xi32, #tpu.memory_space<vmem>>
    %dma_start3A_267 = arith.constant 0 : i32
    %dma_start3A_268 = arith.constant 0 : i32
    %dma_start3A_269 = tpu.memref_slice %arg10[%dma_start3A_267, %dma_start3A_268] : memref<10240x128xf32, #tpu.memory_space<vmem_shared>> -> memref<10240x128xf32, #tpu.memory_space<vmem_shared>>
    tpu.enqueue_indirect_dma source(%dma_start3A_263 : memref<64x128xf32, #tpu.memory_space<vmem>>) target(%dma_start3A_269 : memref<10240x128xf32, #tpu.memory_space<vmem_shared>>) offsets(%dma_start3A_266 : memref<64xi32, #tpu.memory_space<vmem>>) semaphore(%arg12 : memref<!tpu.dma_semaphore, #tpu.memory_space<semaphore_mem>>) {add = true}
    %dma_wait3A_270 = arith.constant 2 : i32
    %dma_wait3A_271 = arith.constant 0 : i32
    %dma_wait3A_272 = arith.constant 0 : i32
    %dma_wait3A_273 = tpu.memref_slice %arg9[%dma_wait3A_270, %dma_wait3A_271, %dma_wait3A_272] : memref<4x64x128xf32, #tpu.memory_space<vmem>> -> memref<1x64x128xf32, #tpu.memory_space<vmem>>
    %dma_wait3A_274 = tpu.memref_squeeze %dma_wait3A_273 : memref<1x64x128xf32, #tpu.memory_space<vmem>> -> memref<64x128xf32, #tpu.memory_space<vmem>>
    %dma_wait3A_275 = arith.constant 4992 : i32
    %dma_wait3A_276 = tpu.memref_slice %arg7[%dma_wait3A_275] : memref<5120xi32, #tpu.memory_space<vmem>> -> memref<64xi32, #tpu.memory_space<vmem>>
    %dma_wait3A_277 = arith.constant 0 : i32
    %dma_wait3A_278 = arith.constant 0 : i32
    %dma_wait3A_279 = tpu.memref_slice %arg2[%dma_wait3A_277, %dma_wait3A_278] : memref<10240x128xf32, #tpu.memory_space<hbm>> -> memref<10240x128xf32, #tpu.memory_space<hbm>>
    tpu.wait_indirect_dma semaphore(%arg11 : memref<!tpu.dma_semaphore, #tpu.memory_space<semaphore_mem>>) src(%dma_wait3A_279 : memref<10240x128xf32, #tpu.memory_space<hbm>>) dst(%dma_wait3A_274 : memref<64x128xf32, #tpu.memory_space<vmem>>)
    %dma_wait3A_280 = arith.constant 0 : i32
    %dma_wait3A_281 = arith.constant 76 : i32
    %dma_wait3A_282 = arith.constant 0 : i32
    %dma_wait3A_283 = arith.constant 0 : i32
    %dma_wait3A_284 = tpu.memref_slice %arg9[%dma_wait3A_280, %dma_wait3A_282, %dma_wait3A_283] : memref<4x64x128xf32, #tpu.memory_space<vmem>> -> memref<1x64x128xf32, #tpu.memory_space<vmem>>
    %dma_wait3A_285 = tpu.memref_squeeze %dma_wait3A_284 : memref<1x64x128xf32, #tpu.memory_space<vmem>> -> memref<64x128xf32, #tpu.memory_space<vmem>>
    %dma_wait3A_286 = arith.constant 0 : i32
    %dma_wait3A_287 = tpu.memref_slice %arg8[%dma_wait3A_281, %dma_wait3A_286] : memref<80x64xi32, #tpu.memory_space<vmem>> -> memref<1x64xi32, #tpu.memory_space<vmem>>
    %dma_wait3A_288 = tpu.memref_squeeze %dma_wait3A_287 : memref<1x64xi32, #tpu.memory_space<vmem>> -> memref<64xi32, #tpu.memory_space<vmem>>
    %dma_wait3A_289 = arith.constant 0 : i32
    %dma_wait3A_290 = arith.constant 0 : i32
    %dma_wait3A_291 = tpu.memref_slice %arg10[%dma_wait3A_289, %dma_wait3A_290] : memref<10240x128xf32, #tpu.memory_space<vmem_shared>> -> memref<10240x128xf32, #tpu.memory_space<vmem_shared>>
    tpu.wait_indirect_dma semaphore(%arg12 : memref<!tpu.dma_semaphore, #tpu.memory_space<semaphore_mem>>) src(%dma_wait3A_285 : memref<64x128xf32, #tpu.memory_space<vmem>>) dst(%dma_wait3A_291 : memref<10240x128xf32, #tpu.memory_space<vmem_shared>>)
    %dma_start3A_292 = arith.constant 2 : i32
    %dma_start3A_293 = arith.constant 78 : i32
    %dma_start3A_294 = arith.constant 0 : i32
    %dma_start3A_295 = arith.constant 0 : i32
    %dma_start3A_296 = tpu.memref_slice %arg9[%dma_start3A_292, %dma_start3A_294, %dma_start3A_295] : memref<4x64x128xf32, #tpu.memory_space<vmem>> -> memref<1x64x128xf32, #tpu.memory_space<vmem>>
    %dma_start3A_297 = tpu.memref_squeeze %dma_start3A_296 : memref<1x64x128xf32, #tpu.memory_space<vmem>> -> memref<64x128xf32, #tpu.memory_space<vmem>>
    %dma_start3A_298 = arith.constant 0 : i32
    %dma_start3A_299 = tpu.memref_slice %arg8[%dma_start3A_293, %dma_start3A_298] : memref<80x64xi32, #tpu.memory_space<vmem>> -> memref<1x64xi32, #tpu.memory_space<vmem>>
    %dma_start3A_300 = tpu.memref_squeeze %dma_start3A_299 : memref<1x64xi32, #tpu.memory_space<vmem>> -> memref<64xi32, #tpu.memory_space<vmem>>
    %dma_start3A_301 = arith.constant 0 : i32
    %dma_start3A_302 = arith.constant 0 : i32
    %dma_start3A_303 = tpu.memref_slice %arg10[%dma_start3A_301, %dma_start3A_302] : memref<10240x128xf32, #tpu.memory_space<vmem_shared>> -> memref<10240x128xf32, #tpu.memory_space<vmem_shared>>
    tpu.enqueue_indirect_dma source(%dma_start3A_297 : memref<64x128xf32, #tpu.memory_space<vmem>>) target(%dma_start3A_303 : memref<10240x128xf32, #tpu.memory_space<vmem_shared>>) offsets(%dma_start3A_300 : memref<64xi32, #tpu.memory_space<vmem>>) semaphore(%arg12 : memref<!tpu.dma_semaphore, #tpu.memory_space<semaphore_mem>>) {add = true}
    %dma_wait3A_304 = arith.constant 3 : i32
    %dma_wait3A_305 = arith.constant 0 : i32
    %dma_wait3A_306 = arith.constant 0 : i32
    %dma_wait3A_307 = tpu.memref_slice %arg9[%dma_wait3A_304, %dma_wait3A_305, %dma_wait3A_306] : memref<4x64x128xf32, #tpu.memory_space<vmem>> -> memref<1x64x128xf32, #tpu.memory_space<vmem>>
    %dma_wait3A_308 = tpu.memref_squeeze %dma_wait3A_307 : memref<1x64x128xf32, #tpu.memory_space<vmem>> -> memref<64x128xf32, #tpu.memory_space<vmem>>
    %dma_wait3A_309 = arith.constant 5056 : i32
    %dma_wait3A_310 = tpu.memref_slice %arg7[%dma_wait3A_309] : memref<5120xi32, #tpu.memory_space<vmem>> -> memref<64xi32, #tpu.memory_space<vmem>>
    %dma_wait3A_311 = arith.constant 0 : i32
    %dma_wait3A_312 = arith.constant 0 : i32
    %dma_wait3A_313 = tpu.memref_slice %arg2[%dma_wait3A_311, %dma_wait3A_312] : memref<10240x128xf32, #tpu.memory_space<hbm>> -> memref<10240x128xf32, #tpu.memory_space<hbm>>
    tpu.wait_indirect_dma semaphore(%arg11 : memref<!tpu.dma_semaphore, #tpu.memory_space<semaphore_mem>>) src(%dma_wait3A_313 : memref<10240x128xf32, #tpu.memory_space<hbm>>) dst(%dma_wait3A_308 : memref<64x128xf32, #tpu.memory_space<vmem>>)
    %dma_wait3A_314 = arith.constant 1 : i32
    %dma_wait3A_315 = arith.constant 77 : i32
    %dma_wait3A_316 = arith.constant 0 : i32
    %dma_wait3A_317 = arith.constant 0 : i32
    %dma_wait3A_318 = tpu.memref_slice %arg9[%dma_wait3A_314, %dma_wait3A_316, %dma_wait3A_317] : memref<4x64x128xf32, #tpu.memory_space<vmem>> -> memref<1x64x128xf32, #tpu.memory_space<vmem>>
    %dma_wait3A_319 = tpu.memref_squeeze %dma_wait3A_318 : memref<1x64x128xf32, #tpu.memory_space<vmem>> -> memref<64x128xf32, #tpu.memory_space<vmem>>
    %dma_wait3A_320 = arith.constant 0 : i32
    %dma_wait3A_321 = tpu.memref_slice %arg8[%dma_wait3A_315, %dma_wait3A_320] : memref<80x64xi32, #tpu.memory_space<vmem>> -> memref<1x64xi32, #tpu.memory_space<vmem>>
    %dma_wait3A_322 = tpu.memref_squeeze %dma_wait3A_321 : memref<1x64xi32, #tpu.memory_space<vmem>> -> memref<64xi32, #tpu.memory_space<vmem>>
    %dma_wait3A_323 = arith.constant 0 : i32
    %dma_wait3A_324 = arith.constant 0 : i32
    %dma_wait3A_325 = tpu.memref_slice %arg10[%dma_wait3A_323, %dma_wait3A_324] : memref<10240x128xf32, #tpu.memory_space<vmem_shared>> -> memref<10240x128xf32, #tpu.memory_space<vmem_shared>>
    tpu.wait_indirect_dma semaphore(%arg12 : memref<!tpu.dma_semaphore, #tpu.memory_space<semaphore_mem>>) src(%dma_wait3A_319 : memref<64x128xf32, #tpu.memory_space<vmem>>) dst(%dma_wait3A_325 : memref<10240x128xf32, #tpu.memory_space<vmem_shared>>)
    %dma_start3A_326 = arith.constant 3 : i32
    %dma_start3A_327 = arith.constant 79 : i32
    %dma_start3A_328 = arith.constant 0 : i32
    %dma_start3A_329 = arith.constant 0 : i32
    %dma_start3A_330 = tpu.memref_slice %arg9[%dma_start3A_326, %dma_start3A_328, %dma_start3A_329] : memref<4x64x128xf32, #tpu.memory_space<vmem>> -> memref<1x64x128xf32, #tpu.memory_space<vmem>>
    %dma_start3A_331 = tpu.memref_squeeze %dma_start3A_330 : memref<1x64x128xf32, #tpu.memory_space<vmem>> -> memref<64x128xf32, #tpu.memory_space<vmem>>
    %dma_start3A_332 = arith.constant 0 : i32
    %dma_start3A_333 = tpu.memref_slice %arg8[%dma_start3A_327, %dma_start3A_332] : memref<80x64xi32, #tpu.memory_space<vmem>> -> memref<1x64xi32, #tpu.memory_space<vmem>>
    %dma_start3A_334 = tpu.memref_squeeze %dma_start3A_333 : memref<1x64xi32, #tpu.memory_space<vmem>> -> memref<64xi32, #tpu.memory_space<vmem>>
    %dma_start3A_335 = arith.constant 0 : i32
    %dma_start3A_336 = arith.constant 0 : i32
    %dma_start3A_337 = tpu.memref_slice %arg10[%dma_start3A_335, %dma_start3A_336] : memref<10240x128xf32, #tpu.memory_space<vmem_shared>> -> memref<10240x128xf32, #tpu.memory_space<vmem_shared>>
    tpu.enqueue_indirect_dma source(%dma_start3A_331 : memref<64x128xf32, #tpu.memory_space<vmem>>) target(%dma_start3A_337 : memref<10240x128xf32, #tpu.memory_space<vmem_shared>>) offsets(%dma_start3A_334 : memref<64xi32, #tpu.memory_space<vmem>>) semaphore(%arg12 : memref<!tpu.dma_semaphore, #tpu.memory_space<semaphore_mem>>) {add = true}
    %dma_wait3A_338 = arith.constant 2 : i32
    %dma_wait3A_339 = arith.constant 78 : i32
    %dma_wait3A_340 = arith.constant 0 : i32
    %dma_wait3A_341 = arith.constant 0 : i32
    %dma_wait3A_342 = tpu.memref_slice %arg9[%dma_wait3A_338, %dma_wait3A_340, %dma_wait3A_341] : memref<4x64x128xf32, #tpu.memory_space<vmem>> -> memref<1x64x128xf32, #tpu.memory_space<vmem>>
    %dma_wait3A_343 = tpu.memref_squeeze %dma_wait3A_342 : memref<1x64x128xf32, #tpu.memory_space<vmem>> -> memref<64x128xf32, #tpu.memory_space<vmem>>
    %dma_wait3A_344 = arith.constant 0 : i32
    %dma_wait3A_345 = tpu.memref_slice %arg8[%dma_wait3A_339, %dma_wait3A_344] : memref<80x64xi32, #tpu.memory_space<vmem>> -> memref<1x64xi32, #tpu.memory_space<vmem>>
    %dma_wait3A_346 = tpu.memref_squeeze %dma_wait3A_345 : memref<1x64xi32, #tpu.memory_space<vmem>> -> memref<64xi32, #tpu.memory_space<vmem>>
    %dma_wait3A_347 = arith.constant 0 : i32
    %dma_wait3A_348 = arith.constant 0 : i32
    %dma_wait3A_349 = tpu.memref_slice %arg10[%dma_wait3A_347, %dma_wait3A_348] : memref<10240x128xf32, #tpu.memory_space<vmem_shared>> -> memref<10240x128xf32, #tpu.memory_space<vmem_shared>>
    tpu.wait_indirect_dma semaphore(%arg12 : memref<!tpu.dma_semaphore, #tpu.memory_space<semaphore_mem>>) src(%dma_wait3A_343 : memref<64x128xf32, #tpu.memory_space<vmem>>) dst(%dma_wait3A_349 : memref<10240x128xf32, #tpu.memory_space<vmem_shared>>)
    %dma_wait3A_350 = arith.constant 3 : i32
    %dma_wait3A_351 = arith.constant 79 : i32
    %dma_wait3A_352 = arith.constant 0 : i32
    %dma_wait3A_353 = arith.constant 0 : i32
    %dma_wait3A_354 = tpu.memref_slice %arg9[%dma_wait3A_350, %dma_wait3A_352, %dma_wait3A_353] : memref<4x64x128xf32, #tpu.memory_space<vmem>> -> memref<1x64x128xf32, #tpu.memory_space<vmem>>
    %dma_wait3A_355 = tpu.memref_squeeze %dma_wait3A_354 : memref<1x64x128xf32, #tpu.memory_space<vmem>> -> memref<64x128xf32, #tpu.memory_space<vmem>>
    %dma_wait3A_356 = arith.constant 0 : i32
    %dma_wait3A_357 = tpu.memref_slice %arg8[%dma_wait3A_351, %dma_wait3A_356] : memref<80x64xi32, #tpu.memory_space<vmem>> -> memref<1x64xi32, #tpu.memory_space<vmem>>
    %dma_wait3A_358 = tpu.memref_squeeze %dma_wait3A_357 : memref<1x64xi32, #tpu.memory_space<vmem>> -> memref<64xi32, #tpu.memory_space<vmem>>
    %dma_wait3A_359 = arith.constant 0 : i32
    %dma_wait3A_360 = arith.constant 0 : i32
    %dma_wait3A_361 = tpu.memref_slice %arg10[%dma_wait3A_359, %dma_wait3A_360] : memref<10240x128xf32, #tpu.memory_space<vmem_shared>> -> memref<10240x128xf32, #tpu.memory_space<vmem_shared>>
    tpu.wait_indirect_dma semaphore(%arg12 : memref<!tpu.dma_semaphore, #tpu.memory_space<semaphore_mem>>) src(%dma_wait3A_355 : memref<64x128xf32, #tpu.memory_space<vmem>>) dst(%dma_wait3A_361 : memref<10240x128xf32, #tpu.memory_space<vmem_shared>>)
    "tpu.region"() ({
      %run_scoped3A = tpu.sem_alloc : memref<!tpu.dma_semaphore, #tpu.memory_space<semaphore_mem>>
      %dma_start3A_729 = arith.constant 5120 : i32
      %dma_start3A_730 = tpu.memref_slice %arg3[%add3A, %dma_start3A_729] : memref<32x10240xi32, #tpu.memory_space<hbm>> -> memref<1x5120xi32, #tpu.memory_space<hbm>>
      %dma_start3A_731 = tpu.memref_squeeze %dma_start3A_730 : memref<1x5120xi32, #tpu.memory_space<hbm>> -> memref<5120xi32, #tpu.memory_space<hbm>>
      %dma_start3A_732 = arith.constant 5120 : i32
      %dma_start3A_733 = tpu.memref_slice %arg3[%add3A, %dma_start3A_732] : memref<32x10240xi32, #tpu.memory_space<hbm>> -> memref<1x5120xi32, #tpu.memory_space<hbm>>
      %dma_start3A_734 = tpu.memref_squeeze %dma_start3A_733 : memref<1x5120xi32, #tpu.memory_space<hbm>> -> memref<5120xi32, #tpu.memory_space<hbm>>
      tpu.enqueue_dma source(%dma_start3A_734 : memref<5120xi32, #tpu.memory_space<hbm>>) target(%arg7 : memref<5120xi32, #tpu.memory_space<vmem>>) target_semaphore(%run_scoped3A : memref<!tpu.dma_semaphore, #tpu.memory_space<semaphore_mem>>)
      %dma_wait3A_735 = arith.constant 5120 : i32
      %dma_wait3A_736 = tpu.memref_slice %arg3[%add3A, %dma_wait3A_735] : memref<32x10240xi32, #tpu.memory_space<hbm>> -> memref<1x5120xi32, #tpu.memory_space<hbm>>
      %dma_wait3A_737 = tpu.memref_squeeze %dma_wait3A_736 : memref<1x5120xi32, #tpu.memory_space<hbm>> -> memref<5120xi32, #tpu.memory_space<hbm>>
      %dma_wait3A_738 = arith.constant 5120 : i32
      %dma_wait3A_739 = tpu.memref_slice %arg3[%add3A, %dma_wait3A_738] : memref<32x10240xi32, #tpu.memory_space<hbm>> -> memref<1x5120xi32, #tpu.memory_space<hbm>>
      %dma_wait3A_740 = tpu.memref_squeeze %dma_wait3A_739 : memref<1x5120xi32, #tpu.memory_space<hbm>> -> memref<5120xi32, #tpu.memory_space<hbm>>
      tpu.wait_dma2 semaphore(%run_scoped3A : memref<!tpu.dma_semaphore, #tpu.memory_space<semaphore_mem>>) src(%dma_wait3A_740 : memref<5120xi32, #tpu.memory_space<hbm>>) dst(%arg7 : memref<5120xi32, #tpu.memory_space<vmem>>)
      tpu.yield
    }) : () -> ()
    "tpu.region"() ({
      %run_scoped3A = tpu.sem_alloc : memref<!tpu.dma_semaphore, #tpu.memory_space<semaphore_mem>>
      %dma_start3A_729 = arith.constant 80 : i32
      %dma_start3A_730 = arith.constant 0 : i32
      %dma_start3A_731 = tpu.memref_slice %arg4[%add3A, %dma_start3A_729, %dma_start3A_730] : memref<32x160x64xi32, #tpu.memory_space<hbm>> -> memref<1x80x64xi32, #tpu.memory_space<hbm>>
      %dma_start3A_732 = tpu.memref_squeeze %dma_start3A_731 : memref<1x80x64xi32, #tpu.memory_space<hbm>> -> memref<80x64xi32, #tpu.memory_space<hbm>>
      %dma_start3A_733 = arith.constant 80 : i32
      %dma_start3A_734 = arith.constant 0 : i32
      %dma_start3A_735 = tpu.memref_slice %arg4[%add3A, %dma_start3A_733, %dma_start3A_734] : memref<32x160x64xi32, #tpu.memory_space<hbm>> -> memref<1x80x64xi32, #tpu.memory_space<hbm>>
      %dma_start3A_736 = tpu.memref_squeeze %dma_start3A_735 : memref<1x80x64xi32, #tpu.memory_space<hbm>> -> memref<80x64xi32, #tpu.memory_space<hbm>>
      tpu.enqueue_dma source(%dma_start3A_736 : memref<80x64xi32, #tpu.memory_space<hbm>>) target(%arg8 : memref<80x64xi32, #tpu.memory_space<vmem>>) target_semaphore(%run_scoped3A : memref<!tpu.dma_semaphore, #tpu.memory_space<semaphore_mem>>)
      %dma_wait3A_737 = arith.constant 80 : i32
      %dma_wait3A_738 = arith.constant 0 : i32
      %dma_wait3A_739 = tpu.memref_slice %arg4[%add3A, %dma_wait3A_737, %dma_wait3A_738] : memref<32x160x64xi32, #tpu.memory_space<hbm>> -> memref<1x80x64xi32, #tpu.memory_space<hbm>>
      %dma_wait3A_740 = tpu.memref_squeeze %dma_wait3A_739 : memref<1x80x64xi32, #tpu.memory_space<hbm>> -> memref<80x64xi32, #tpu.memory_space<hbm>>
      %dma_wait3A_741 = arith.constant 80 : i32
      %dma_wait3A_742 = arith.constant 0 : i32
      %dma_wait3A_743 = tpu.memref_slice %arg4[%add3A, %dma_wait3A_741, %dma_wait3A_742] : memref<32x160x64xi32, #tpu.memory_space<hbm>> -> memref<1x80x64xi32, #tpu.memory_space<hbm>>
      %dma_wait3A_744 = tpu.memref_squeeze %dma_wait3A_743 : memref<1x80x64xi32, #tpu.memory_space<hbm>> -> memref<80x64xi32, #tpu.memory_space<hbm>>
      tpu.wait_dma2 semaphore(%run_scoped3A : memref<!tpu.dma_semaphore, #tpu.memory_space<semaphore_mem>>) src(%dma_wait3A_744 : memref<80x64xi32, #tpu.memory_space<hbm>>) dst(%arg8 : memref<80x64xi32, #tpu.memory_space<vmem>>)
      tpu.yield
    }) : () -> ()
    %dma_start3A_362 = arith.constant 0 : i32
    %dma_start3A_363 = arith.constant 0 : i32
    %dma_start3A_364 = arith.constant 0 : i32
    %dma_start3A_365 = tpu.memref_slice %arg9[%dma_start3A_362, %dma_start3A_363, %dma_start3A_364] : memref<4x64x128xf32, #tpu.memory_space<vmem>> -> memref<1x64x128xf32, #tpu.memory_space<vmem>>
    %dma_start3A_366 = tpu.memref_squeeze %dma_start3A_365 : memref<1x64x128xf32, #tpu.memory_space<vmem>> -> memref<64x128xf32, #tpu.memory_space<vmem>>
    %dma_start3A_367 = arith.constant 0 : i32
    %dma_start3A_368 = tpu.memref_slice %arg7[%dma_start3A_367] : memref<5120xi32, #tpu.memory_space<vmem>> -> memref<64xi32, #tpu.memory_space<vmem>>
    %dma_start3A_369 = arith.constant 0 : i32
    %dma_start3A_370 = arith.constant 0 : i32
    %dma_start3A_371 = tpu.memref_slice %arg2[%dma_start3A_369, %dma_start3A_370] : memref<10240x128xf32, #tpu.memory_space<hbm>> -> memref<10240x128xf32, #tpu.memory_space<hbm>>
    tpu.enqueue_indirect_dma source(%dma_start3A_371 : memref<10240x128xf32, #tpu.memory_space<hbm>>) target(%dma_start3A_366 : memref<64x128xf32, #tpu.memory_space<vmem>>) offsets(%dma_start3A_368 : memref<64xi32, #tpu.memory_space<vmem>>) semaphore(%arg11 : memref<!tpu.dma_semaphore, #tpu.memory_space<semaphore_mem>>)
    %dma_start3A_372 = arith.constant 1 : i32
    %dma_start3A_373 = arith.constant 0 : i32
    %dma_start3A_374 = arith.constant 0 : i32
    %dma_start3A_375 = tpu.memref_slice %arg9[%dma_start3A_372, %dma_start3A_373, %dma_start3A_374] : memref<4x64x128xf32, #tpu.memory_space<vmem>> -> memref<1x64x128xf32, #tpu.memory_space<vmem>>
    %dma_start3A_376 = tpu.memref_squeeze %dma_start3A_375 : memref<1x64x128xf32, #tpu.memory_space<vmem>> -> memref<64x128xf32, #tpu.memory_space<vmem>>
    %dma_start3A_377 = arith.constant 64 : i32
    %dma_start3A_378 = tpu.memref_slice %arg7[%dma_start3A_377] : memref<5120xi32, #tpu.memory_space<vmem>> -> memref<64xi32, #tpu.memory_space<vmem>>
    %dma_start3A_379 = arith.constant 0 : i32
    %dma_start3A_380 = arith.constant 0 : i32
    %dma_start3A_381 = tpu.memref_slice %arg2[%dma_start3A_379, %dma_start3A_380] : memref<10240x128xf32, #tpu.memory_space<hbm>> -> memref<10240x128xf32, #tpu.memory_space<hbm>>
    tpu.enqueue_indirect_dma source(%dma_start3A_381 : memref<10240x128xf32, #tpu.memory_space<hbm>>) target(%dma_start3A_376 : memref<64x128xf32, #tpu.memory_space<vmem>>) offsets(%dma_start3A_378 : memref<64xi32, #tpu.memory_space<vmem>>) semaphore(%arg11 : memref<!tpu.dma_semaphore, #tpu.memory_space<semaphore_mem>>)
    %dma_wait3A_382 = arith.constant 0 : i32
    %dma_wait3A_383 = arith.constant 0 : i32
    %dma_wait3A_384 = arith.constant 0 : i32
    %dma_wait3A_385 = tpu.memref_slice %arg9[%dma_wait3A_382, %dma_wait3A_383, %dma_wait3A_384] : memref<4x64x128xf32, #tpu.memory_space<vmem>> -> memref<1x64x128xf32, #tpu.memory_space<vmem>>
    %dma_wait3A_386 = tpu.memref_squeeze %dma_wait3A_385 : memref<1x64x128xf32, #tpu.memory_space<vmem>> -> memref<64x128xf32, #tpu.memory_space<vmem>>
    %dma_wait3A_387 = arith.constant 0 : i32
    %dma_wait3A_388 = tpu.memref_slice %arg7[%dma_wait3A_387] : memref<5120xi32, #tpu.memory_space<vmem>> -> memref<64xi32, #tpu.memory_space<vmem>>
    %dma_wait3A_389 = arith.constant 0 : i32
    %dma_wait3A_390 = arith.constant 0 : i32
    %dma_wait3A_391 = tpu.memref_slice %arg2[%dma_wait3A_389, %dma_wait3A_390] : memref<10240x128xf32, #tpu.memory_space<hbm>> -> memref<10240x128xf32, #tpu.memory_space<hbm>>
    tpu.wait_indirect_dma semaphore(%arg11 : memref<!tpu.dma_semaphore, #tpu.memory_space<semaphore_mem>>) src(%dma_wait3A_391 : memref<10240x128xf32, #tpu.memory_space<hbm>>) dst(%dma_wait3A_386 : memref<64x128xf32, #tpu.memory_space<vmem>>)
    %dma_start3A_392 = arith.constant 2 : i32
    %dma_start3A_393 = arith.constant 0 : i32
    %dma_start3A_394 = arith.constant 0 : i32
    %dma_start3A_395 = tpu.memref_slice %arg9[%dma_start3A_392, %dma_start3A_393, %dma_start3A_394] : memref<4x64x128xf32, #tpu.memory_space<vmem>> -> memref<1x64x128xf32, #tpu.memory_space<vmem>>
    %dma_start3A_396 = tpu.memref_squeeze %dma_start3A_395 : memref<1x64x128xf32, #tpu.memory_space<vmem>> -> memref<64x128xf32, #tpu.memory_space<vmem>>
    %dma_start3A_397 = arith.constant 128 : i32
    %dma_start3A_398 = tpu.memref_slice %arg7[%dma_start3A_397] : memref<5120xi32, #tpu.memory_space<vmem>> -> memref<64xi32, #tpu.memory_space<vmem>>
    %dma_start3A_399 = arith.constant 0 : i32
    %dma_start3A_400 = arith.constant 0 : i32
    %dma_start3A_401 = tpu.memref_slice %arg2[%dma_start3A_399, %dma_start3A_400] : memref<10240x128xf32, #tpu.memory_space<hbm>> -> memref<10240x128xf32, #tpu.memory_space<hbm>>
    tpu.enqueue_indirect_dma source(%dma_start3A_401 : memref<10240x128xf32, #tpu.memory_space<hbm>>) target(%dma_start3A_396 : memref<64x128xf32, #tpu.memory_space<vmem>>) offsets(%dma_start3A_398 : memref<64xi32, #tpu.memory_space<vmem>>) semaphore(%arg11 : memref<!tpu.dma_semaphore, #tpu.memory_space<semaphore_mem>>)
    %dma_start3A_402 = arith.constant 0 : i32
    %dma_start3A_403 = arith.constant 0 : i32
    %dma_start3A_404 = arith.constant 0 : i32
    %dma_start3A_405 = arith.constant 0 : i32
    %dma_start3A_406 = tpu.memref_slice %arg9[%dma_start3A_402, %dma_start3A_404, %dma_start3A_405] : memref<4x64x128xf32, #tpu.memory_space<vmem>> -> memref<1x64x128xf32, #tpu.memory_space<vmem>>
    %dma_start3A_407 = tpu.memref_squeeze %dma_start3A_406 : memref<1x64x128xf32, #tpu.memory_space<vmem>> -> memref<64x128xf32, #tpu.memory_space<vmem>>
    %dma_start3A_408 = arith.constant 0 : i32
    %dma_start3A_409 = tpu.memref_slice %arg8[%dma_start3A_403, %dma_start3A_408] : memref<80x64xi32, #tpu.memory_space<vmem>> -> memref<1x64xi32, #tpu.memory_space<vmem>>
    %dma_start3A_410 = tpu.memref_squeeze %dma_start3A_409 : memref<1x64xi32, #tpu.memory_space<vmem>> -> memref<64xi32, #tpu.memory_space<vmem>>
    %dma_start3A_411 = arith.constant 0 : i32
    %dma_start3A_412 = arith.constant 0 : i32
    %dma_start3A_413 = tpu.memref_slice %arg10[%dma_start3A_411, %dma_start3A_412] : memref<10240x128xf32, #tpu.memory_space<vmem_shared>> -> memref<10240x128xf32, #tpu.memory_space<vmem_shared>>
    tpu.enqueue_indirect_dma source(%dma_start3A_407 : memref<64x128xf32, #tpu.memory_space<vmem>>) target(%dma_start3A_413 : memref<10240x128xf32, #tpu.memory_space<vmem_shared>>) offsets(%dma_start3A_410 : memref<64xi32, #tpu.memory_space<vmem>>) semaphore(%arg12 : memref<!tpu.dma_semaphore, #tpu.memory_space<semaphore_mem>>) {add = true}
    %dma_wait3A_414 = arith.constant 1 : i32
    %dma_wait3A_415 = arith.constant 0 : i32
    %dma_wait3A_416 = arith.constant 0 : i32
    %dma_wait3A_417 = tpu.memref_slice %arg9[%dma_wait3A_414, %dma_wait3A_415, %dma_wait3A_416] : memref<4x64x128xf32, #tpu.memory_space<vmem>> -> memref<1x64x128xf32, #tpu.memory_space<vmem>>
    %dma_wait3A_418 = tpu.memref_squeeze %dma_wait3A_417 : memref<1x64x128xf32, #tpu.memory_space<vmem>> -> memref<64x128xf32, #tpu.memory_space<vmem>>
    %dma_wait3A_419 = arith.constant 64 : i32
    %dma_wait3A_420 = tpu.memref_slice %arg7[%dma_wait3A_419] : memref<5120xi32, #tpu.memory_space<vmem>> -> memref<64xi32, #tpu.memory_space<vmem>>
    %dma_wait3A_421 = arith.constant 0 : i32
    %dma_wait3A_422 = arith.constant 0 : i32
    %dma_wait3A_423 = tpu.memref_slice %arg2[%dma_wait3A_421, %dma_wait3A_422] : memref<10240x128xf32, #tpu.memory_space<hbm>> -> memref<10240x128xf32, #tpu.memory_space<hbm>>
    tpu.wait_indirect_dma semaphore(%arg11 : memref<!tpu.dma_semaphore, #tpu.memory_space<semaphore_mem>>) src(%dma_wait3A_423 : memref<10240x128xf32, #tpu.memory_space<hbm>>) dst(%dma_wait3A_418 : memref<64x128xf32, #tpu.memory_space<vmem>>)
    %dma_start3A_424 = arith.constant 3 : i32
    %dma_start3A_425 = arith.constant 0 : i32
    %dma_start3A_426 = arith.constant 0 : i32
    %dma_start3A_427 = tpu.memref_slice %arg9[%dma_start3A_424, %dma_start3A_425, %dma_start3A_426] : memref<4x64x128xf32, #tpu.memory_space<vmem>> -> memref<1x64x128xf32, #tpu.memory_space<vmem>>
    %dma_start3A_428 = tpu.memref_squeeze %dma_start3A_427 : memref<1x64x128xf32, #tpu.memory_space<vmem>> -> memref<64x128xf32, #tpu.memory_space<vmem>>
    %dma_start3A_429 = arith.constant 192 : i32
    %dma_start3A_430 = tpu.memref_slice %arg7[%dma_start3A_429] : memref<5120xi32, #tpu.memory_space<vmem>> -> memref<64xi32, #tpu.memory_space<vmem>>
    %dma_start3A_431 = arith.constant 0 : i32
    %dma_start3A_432 = arith.constant 0 : i32
    %dma_start3A_433 = tpu.memref_slice %arg2[%dma_start3A_431, %dma_start3A_432] : memref<10240x128xf32, #tpu.memory_space<hbm>> -> memref<10240x128xf32, #tpu.memory_space<hbm>>
    tpu.enqueue_indirect_dma source(%dma_start3A_433 : memref<10240x128xf32, #tpu.memory_space<hbm>>) target(%dma_start3A_428 : memref<64x128xf32, #tpu.memory_space<vmem>>) offsets(%dma_start3A_430 : memref<64xi32, #tpu.memory_space<vmem>>) semaphore(%arg11 : memref<!tpu.dma_semaphore, #tpu.memory_space<semaphore_mem>>)
    %dma_start3A_434 = arith.constant 1 : i32
    %dma_start3A_435 = arith.constant 1 : i32
    %dma_start3A_436 = arith.constant 0 : i32
    %dma_start3A_437 = arith.constant 0 : i32
    %dma_start3A_438 = tpu.memref_slice %arg9[%dma_start3A_434, %dma_start3A_436, %dma_start3A_437] : memref<4x64x128xf32, #tpu.memory_space<vmem>> -> memref<1x64x128xf32, #tpu.memory_space<vmem>>
    %dma_start3A_439 = tpu.memref_squeeze %dma_start3A_438 : memref<1x64x128xf32, #tpu.memory_space<vmem>> -> memref<64x128xf32, #tpu.memory_space<vmem>>
    %dma_start3A_440 = arith.constant 0 : i32
    %dma_start3A_441 = tpu.memref_slice %arg8[%dma_start3A_435, %dma_start3A_440] : memref<80x64xi32, #tpu.memory_space<vmem>> -> memref<1x64xi32, #tpu.memory_space<vmem>>
    %dma_start3A_442 = tpu.memref_squeeze %dma_start3A_441 : memref<1x64xi32, #tpu.memory_space<vmem>> -> memref<64xi32, #tpu.memory_space<vmem>>
    %dma_start3A_443 = arith.constant 0 : i32
    %dma_start3A_444 = arith.constant 0 : i32
    %dma_start3A_445 = tpu.memref_slice %arg10[%dma_start3A_443, %dma_start3A_444] : memref<10240x128xf32, #tpu.memory_space<vmem_shared>> -> memref<10240x128xf32, #tpu.memory_space<vmem_shared>>
    tpu.enqueue_indirect_dma source(%dma_start3A_439 : memref<64x128xf32, #tpu.memory_space<vmem>>) target(%dma_start3A_445 : memref<10240x128xf32, #tpu.memory_space<vmem_shared>>) offsets(%dma_start3A_442 : memref<64xi32, #tpu.memory_space<vmem>>) semaphore(%arg12 : memref<!tpu.dma_semaphore, #tpu.memory_space<semaphore_mem>>) {add = true}
    %dma_wait3A_446 = arith.constant 2 : i32
    %dma_wait3A_447 = arith.constant 0 : i32
    %dma_wait3A_448 = arith.constant 0 : i32
    %dma_wait3A_449 = tpu.memref_slice %arg9[%dma_wait3A_446, %dma_wait3A_447, %dma_wait3A_448] : memref<4x64x128xf32, #tpu.memory_space<vmem>> -> memref<1x64x128xf32, #tpu.memory_space<vmem>>
    %dma_wait3A_450 = tpu.memref_squeeze %dma_wait3A_449 : memref<1x64x128xf32, #tpu.memory_space<vmem>> -> memref<64x128xf32, #tpu.memory_space<vmem>>
    %dma_wait3A_451 = arith.constant 128 : i32
    %dma_wait3A_452 = tpu.memref_slice %arg7[%dma_wait3A_451] : memref<5120xi32, #tpu.memory_space<vmem>> -> memref<64xi32, #tpu.memory_space<vmem>>
    %dma_wait3A_453 = arith.constant 0 : i32
    %dma_wait3A_454 = arith.constant 0 : i32
    %dma_wait3A_455 = tpu.memref_slice %arg2[%dma_wait3A_453, %dma_wait3A_454] : memref<10240x128xf32, #tpu.memory_space<hbm>> -> memref<10240x128xf32, #tpu.memory_space<hbm>>
    tpu.wait_indirect_dma semaphore(%arg11 : memref<!tpu.dma_semaphore, #tpu.memory_space<semaphore_mem>>) src(%dma_wait3A_455 : memref<10240x128xf32, #tpu.memory_space<hbm>>) dst(%dma_wait3A_450 : memref<64x128xf32, #tpu.memory_space<vmem>>)
    %dma_wait3A_456 = arith.constant 0 : i32
    %dma_wait3A_457 = arith.constant 0 : i32
    %dma_wait3A_458 = arith.constant 0 : i32
    %dma_wait3A_459 = arith.constant 0 : i32
    %dma_wait3A_460 = tpu.memref_slice %arg9[%dma_wait3A_456, %dma_wait3A_458, %dma_wait3A_459] : memref<4x64x128xf32, #tpu.memory_space<vmem>> -> memref<1x64x128xf32, #tpu.memory_space<vmem>>
    %dma_wait3A_461 = tpu.memref_squeeze %dma_wait3A_460 : memref<1x64x128xf32, #tpu.memory_space<vmem>> -> memref<64x128xf32, #tpu.memory_space<vmem>>
    %dma_wait3A_462 = arith.constant 0 : i32
    %dma_wait3A_463 = tpu.memref_slice %arg8[%dma_wait3A_457, %dma_wait3A_462] : memref<80x64xi32, #tpu.memory_space<vmem>> -> memref<1x64xi32, #tpu.memory_space<vmem>>
    %dma_wait3A_464 = tpu.memref_squeeze %dma_wait3A_463 : memref<1x64xi32, #tpu.memory_space<vmem>> -> memref<64xi32, #tpu.memory_space<vmem>>
    %dma_wait3A_465 = arith.constant 0 : i32
    %dma_wait3A_466 = arith.constant 0 : i32
    %dma_wait3A_467 = tpu.memref_slice %arg10[%dma_wait3A_465, %dma_wait3A_466] : memref<10240x128xf32, #tpu.memory_space<vmem_shared>> -> memref<10240x128xf32, #tpu.memory_space<vmem_shared>>
    tpu.wait_indirect_dma semaphore(%arg12 : memref<!tpu.dma_semaphore, #tpu.memory_space<semaphore_mem>>) src(%dma_wait3A_461 : memref<64x128xf32, #tpu.memory_space<vmem>>) dst(%dma_wait3A_467 : memref<10240x128xf32, #tpu.memory_space<vmem_shared>>)
    %dma_start3A_468 = arith.constant 0 : i32
    %dma_start3A_469 = arith.constant 0 : i32
    %dma_start3A_470 = arith.constant 0 : i32
    %dma_start3A_471 = tpu.memref_slice %arg9[%dma_start3A_468, %dma_start3A_469, %dma_start3A_470] : memref<4x64x128xf32, #tpu.memory_space<vmem>> -> memref<1x64x128xf32, #tpu.memory_space<vmem>>
    %dma_start3A_472 = tpu.memref_squeeze %dma_start3A_471 : memref<1x64x128xf32, #tpu.memory_space<vmem>> -> memref<64x128xf32, #tpu.memory_space<vmem>>
    %dma_start3A_473 = arith.constant 256 : i32
    %dma_start3A_474 = tpu.memref_slice %arg7[%dma_start3A_473] : memref<5120xi32, #tpu.memory_space<vmem>> -> memref<64xi32, #tpu.memory_space<vmem>>
    %dma_start3A_475 = arith.constant 0 : i32
    %dma_start3A_476 = arith.constant 0 : i32
    %dma_start3A_477 = tpu.memref_slice %arg2[%dma_start3A_475, %dma_start3A_476] : memref<10240x128xf32, #tpu.memory_space<hbm>> -> memref<10240x128xf32, #tpu.memory_space<hbm>>
    tpu.enqueue_indirect_dma source(%dma_start3A_477 : memref<10240x128xf32, #tpu.memory_space<hbm>>) target(%dma_start3A_472 : memref<64x128xf32, #tpu.memory_space<vmem>>) offsets(%dma_start3A_474 : memref<64xi32, #tpu.memory_space<vmem>>) semaphore(%arg11 : memref<!tpu.dma_semaphore, #tpu.memory_space<semaphore_mem>>)
    %dma_start3A_478 = arith.constant 2 : i32
    %dma_start3A_479 = arith.constant 2 : i32
    %dma_start3A_480 = arith.constant 0 : i32
    %dma_start3A_481 = arith.constant 0 : i32
    %dma_start3A_482 = tpu.memref_slice %arg9[%dma_start3A_478, %dma_start3A_480, %dma_start3A_481] : memref<4x64x128xf32, #tpu.memory_space<vmem>> -> memref<1x64x128xf32, #tpu.memory_space<vmem>>
    %dma_start3A_483 = tpu.memref_squeeze %dma_start3A_482 : memref<1x64x128xf32, #tpu.memory_space<vmem>> -> memref<64x128xf32, #tpu.memory_space<vmem>>
    %dma_start3A_484 = arith.constant 0 : i32
    %dma_start3A_485 = tpu.memref_slice %arg8[%dma_start3A_479, %dma_start3A_484] : memref<80x64xi32, #tpu.memory_space<vmem>> -> memref<1x64xi32, #tpu.memory_space<vmem>>
    %dma_start3A_486 = tpu.memref_squeeze %dma_start3A_485 : memref<1x64xi32, #tpu.memory_space<vmem>> -> memref<64xi32, #tpu.memory_space<vmem>>
    %dma_start3A_487 = arith.constant 0 : i32
    %dma_start3A_488 = arith.constant 0 : i32
    %dma_start3A_489 = tpu.memref_slice %arg10[%dma_start3A_487, %dma_start3A_488] : memref<10240x128xf32, #tpu.memory_space<vmem_shared>> -> memref<10240x128xf32, #tpu.memory_space<vmem_shared>>
    tpu.enqueue_indirect_dma source(%dma_start3A_483 : memref<64x128xf32, #tpu.memory_space<vmem>>) target(%dma_start3A_489 : memref<10240x128xf32, #tpu.memory_space<vmem_shared>>) offsets(%dma_start3A_486 : memref<64xi32, #tpu.memory_space<vmem>>) semaphore(%arg12 : memref<!tpu.dma_semaphore, #tpu.memory_space<semaphore_mem>>) {add = true}
    %dma_wait3A_490 = arith.constant 3 : i32
    %dma_wait3A_491 = arith.constant 0 : i32
    %dma_wait3A_492 = arith.constant 0 : i32
    %dma_wait3A_493 = tpu.memref_slice %arg9[%dma_wait3A_490, %dma_wait3A_491, %dma_wait3A_492] : memref<4x64x128xf32, #tpu.memory_space<vmem>> -> memref<1x64x128xf32, #tpu.memory_space<vmem>>
    %dma_wait3A_494 = tpu.memref_squeeze %dma_wait3A_493 : memref<1x64x128xf32, #tpu.memory_space<vmem>> -> memref<64x128xf32, #tpu.memory_space<vmem>>
    %dma_wait3A_495 = arith.constant 192 : i32
    %dma_wait3A_496 = tpu.memref_slice %arg7[%dma_wait3A_495] : memref<5120xi32, #tpu.memory_space<vmem>> -> memref<64xi32, #tpu.memory_space<vmem>>
    %dma_wait3A_497 = arith.constant 0 : i32
    %dma_wait3A_498 = arith.constant 0 : i32
    %dma_wait3A_499 = tpu.memref_slice %arg2[%dma_wait3A_497, %dma_wait3A_498] : memref<10240x128xf32, #tpu.memory_space<hbm>> -> memref<10240x128xf32, #tpu.memory_space<hbm>>
    tpu.wait_indirect_dma semaphore(%arg11 : memref<!tpu.dma_semaphore, #tpu.memory_space<semaphore_mem>>) src(%dma_wait3A_499 : memref<10240x128xf32, #tpu.memory_space<hbm>>) dst(%dma_wait3A_494 : memref<64x128xf32, #tpu.memory_space<vmem>>)
    %dma_wait3A_500 = arith.constant 1 : i32
    %dma_wait3A_501 = arith.constant 1 : i32
    %dma_wait3A_502 = arith.constant 0 : i32
    %dma_wait3A_503 = arith.constant 0 : i32
    %dma_wait3A_504 = tpu.memref_slice %arg9[%dma_wait3A_500, %dma_wait3A_502, %dma_wait3A_503] : memref<4x64x128xf32, #tpu.memory_space<vmem>> -> memref<1x64x128xf32, #tpu.memory_space<vmem>>
    %dma_wait3A_505 = tpu.memref_squeeze %dma_wait3A_504 : memref<1x64x128xf32, #tpu.memory_space<vmem>> -> memref<64x128xf32, #tpu.memory_space<vmem>>
    %dma_wait3A_506 = arith.constant 0 : i32
    %dma_wait3A_507 = tpu.memref_slice %arg8[%dma_wait3A_501, %dma_wait3A_506] : memref<80x64xi32, #tpu.memory_space<vmem>> -> memref<1x64xi32, #tpu.memory_space<vmem>>
    %dma_wait3A_508 = tpu.memref_squeeze %dma_wait3A_507 : memref<1x64xi32, #tpu.memory_space<vmem>> -> memref<64xi32, #tpu.memory_space<vmem>>
    %dma_wait3A_509 = arith.constant 0 : i32
    %dma_wait3A_510 = arith.constant 0 : i32
    %dma_wait3A_511 = tpu.memref_slice %arg10[%dma_wait3A_509, %dma_wait3A_510] : memref<10240x128xf32, #tpu.memory_space<vmem_shared>> -> memref<10240x128xf32, #tpu.memory_space<vmem_shared>>
    tpu.wait_indirect_dma semaphore(%arg12 : memref<!tpu.dma_semaphore, #tpu.memory_space<semaphore_mem>>) src(%dma_wait3A_505 : memref<64x128xf32, #tpu.memory_space<vmem>>) dst(%dma_wait3A_511 : memref<10240x128xf32, #tpu.memory_space<vmem_shared>>)
    %dma_start3A_512 = arith.constant 1 : i32
    %dma_start3A_513 = arith.constant 0 : i32
    %dma_start3A_514 = arith.constant 0 : i32
    %dma_start3A_515 = tpu.memref_slice %arg9[%dma_start3A_512, %dma_start3A_513, %dma_start3A_514] : memref<4x64x128xf32, #tpu.memory_space<vmem>> -> memref<1x64x128xf32, #tpu.memory_space<vmem>>
    %dma_start3A_516 = tpu.memref_squeeze %dma_start3A_515 : memref<1x64x128xf32, #tpu.memory_space<vmem>> -> memref<64x128xf32, #tpu.memory_space<vmem>>
    %dma_start3A_517 = arith.constant 320 : i32
    %dma_start3A_518 = tpu.memref_slice %arg7[%dma_start3A_517] : memref<5120xi32, #tpu.memory_space<vmem>> -> memref<64xi32, #tpu.memory_space<vmem>>
    %dma_start3A_519 = arith.constant 0 : i32
    %dma_start3A_520 = arith.constant 0 : i32
    %dma_start3A_521 = tpu.memref_slice %arg2[%dma_start3A_519, %dma_start3A_520] : memref<10240x128xf32, #tpu.memory_space<hbm>> -> memref<10240x128xf32, #tpu.memory_space<hbm>>
    tpu.enqueue_indirect_dma source(%dma_start3A_521 : memref<10240x128xf32, #tpu.memory_space<hbm>>) target(%dma_start3A_516 : memref<64x128xf32, #tpu.memory_space<vmem>>) offsets(%dma_start3A_518 : memref<64xi32, #tpu.memory_space<vmem>>) semaphore(%arg11 : memref<!tpu.dma_semaphore, #tpu.memory_space<semaphore_mem>>)
    %dma_start3A_522 = arith.constant 3 : i32
    %dma_start3A_523 = arith.constant 3 : i32
    %dma_start3A_524 = arith.constant 0 : i32
    %dma_start3A_525 = arith.constant 0 : i32
    %dma_start3A_526 = tpu.memref_slice %arg9[%dma_start3A_522, %dma_start3A_524, %dma_start3A_525] : memref<4x64x128xf32, #tpu.memory_space<vmem>> -> memref<1x64x128xf32, #tpu.memory_space<vmem>>
    %dma_start3A_527 = tpu.memref_squeeze %dma_start3A_526 : memref<1x64x128xf32, #tpu.memory_space<vmem>> -> memref<64x128xf32, #tpu.memory_space<vmem>>
    %dma_start3A_528 = arith.constant 0 : i32
    %dma_start3A_529 = tpu.memref_slice %arg8[%dma_start3A_523, %dma_start3A_528] : memref<80x64xi32, #tpu.memory_space<vmem>> -> memref<1x64xi32, #tpu.memory_space<vmem>>
    %dma_start3A_530 = tpu.memref_squeeze %dma_start3A_529 : memref<1x64xi32, #tpu.memory_space<vmem>> -> memref<64xi32, #tpu.memory_space<vmem>>
    %dma_start3A_531 = arith.constant 0 : i32
    %dma_start3A_532 = arith.constant 0 : i32
    %dma_start3A_533 = tpu.memref_slice %arg10[%dma_start3A_531, %dma_start3A_532] : memref<10240x128xf32, #tpu.memory_space<vmem_shared>> -> memref<10240x128xf32, #tpu.memory_space<vmem_shared>>
    tpu.enqueue_indirect_dma source(%dma_start3A_527 : memref<64x128xf32, #tpu.memory_space<vmem>>) target(%dma_start3A_533 : memref<10240x128xf32, #tpu.memory_space<vmem_shared>>) offsets(%dma_start3A_530 : memref<64xi32, #tpu.memory_space<vmem>>) semaphore(%arg12 : memref<!tpu.dma_semaphore, #tpu.memory_space<semaphore_mem>>) {add = true}
    %scan3A_534 = arith.constant 0 : i32
    %scan3A_535 = arith.constant 0 : i32
    %scan3A_536 = arith.constant 2 : i32
    %scan3A_537 = arith.constant 1 : i32
    %scan3A_538 = arith.constant 3 : i32
    %scan3A_539 = arith.constant 1 : i32
    %scan3A_540 = arith.constant 18 : i32
    %scan3A_541 = arith.addi %scan3A_539, %scan3A_540 : i32
    %scan3A_542 = arith.constant 1 : i32
    scf.for %scan3A_729 = %scan3A_539 to %scan3A_541 step %scan3A_542  : i32 {
      %mul3A_730 = arith.constant 4 : i32
      %mul3A_731 = arith.muli %mul3A_730, %scan3A_729 : i32
      %mul3A_732 = arith.constant 64 : i32
      %mul3A_733 = arith.muli %mul3A_731, %mul3A_732 : i32
      %dma_wait3A_734 = arith.constant 0 : i32
      %dma_wait3A_735 = arith.constant 0 : i32
      %dma_wait3A_736 = tpu.memref_slice %arg9[%scan3A_535, %dma_wait3A_734, %dma_wait3A_735] : memref<4x64x128xf32, #tpu.memory_space<vmem>> -> memref<1x64x128xf32, #tpu.memory_space<vmem>>
      %dma_wait3A_737 = tpu.memref_squeeze %dma_wait3A_736 : memref<1x64x128xf32, #tpu.memory_space<vmem>> -> memref<64x128xf32, #tpu.memory_space<vmem>>
      %dma_wait3A_738 = tpu.memref_slice %arg7[%mul3A_733] : memref<5120xi32, #tpu.memory_space<vmem>> -> memref<64xi32, #tpu.memory_space<vmem>>
      %dma_wait3A_739 = arith.constant 0 : i32
      %dma_wait3A_740 = arith.constant 0 : i32
      %dma_wait3A_741 = tpu.memref_slice %arg2[%dma_wait3A_739, %dma_wait3A_740] : memref<10240x128xf32, #tpu.memory_space<hbm>> -> memref<10240x128xf32, #tpu.memory_space<hbm>>
      tpu.wait_indirect_dma semaphore(%arg11 : memref<!tpu.dma_semaphore, #tpu.memory_space<semaphore_mem>>) src(%dma_wait3A_741 : memref<10240x128xf32, #tpu.memory_space<hbm>>) dst(%dma_wait3A_737 : memref<64x128xf32, #tpu.memory_space<vmem>>)
      %sub3A = arith.constant 2 : i32
      %sub3A_742 = arith.subi %mul3A_731, %sub3A : i32
      %dma_wait3A_743 = arith.constant 0 : i32
      %dma_wait3A_744 = arith.constant 0 : i32
      %dma_wait3A_745 = tpu.memref_slice %arg9[%scan3A_536, %dma_wait3A_743, %dma_wait3A_744] : memref<4x64x128xf32, #tpu.memory_space<vmem>> -> memref<1x64x128xf32, #tpu.memory_space<vmem>>
      %dma_wait3A_746 = tpu.memref_squeeze %dma_wait3A_745 : memref<1x64x128xf32, #tpu.memory_space<vmem>> -> memref<64x128xf32, #tpu.memory_space<vmem>>
      %dma_wait3A_747 = arith.constant 0 : i32
      %dma_wait3A_748 = tpu.memref_slice %arg8[%sub3A_742, %dma_wait3A_747] : memref<80x64xi32, #tpu.memory_space<vmem>> -> memref<1x64xi32, #tpu.memory_space<vmem>>
      %dma_wait3A_749 = tpu.memref_squeeze %dma_wait3A_748 : memref<1x64xi32, #tpu.memory_space<vmem>> -> memref<64xi32, #tpu.memory_space<vmem>>
      %dma_wait3A_750 = arith.constant 0 : i32
      %dma_wait3A_751 = arith.constant 0 : i32
      %dma_wait3A_752 = tpu.memref_slice %arg10[%dma_wait3A_750, %dma_wait3A_751] : memref<10240x128xf32, #tpu.memory_space<vmem_shared>> -> memref<10240x128xf32, #tpu.memory_space<vmem_shared>>
      tpu.wait_indirect_dma semaphore(%arg12 : memref<!tpu.dma_semaphore, #tpu.memory_space<semaphore_mem>>) src(%dma_wait3A_746 : memref<64x128xf32, #tpu.memory_space<vmem>>) dst(%dma_wait3A_752 : memref<10240x128xf32, #tpu.memory_space<vmem_shared>>)
      %add3A_753 = arith.constant 2 : i32
      %add3A_754 = arith.addi %mul3A_731, %add3A_753 : i32
      %mul3A_755 = arith.constant 64 : i32
      %mul3A_756 = arith.muli %add3A_754, %mul3A_755 : i32
      %dma_start3A_757 = arith.constant 0 : i32
      %dma_start3A_758 = arith.constant 0 : i32
      %dma_start3A_759 = tpu.memref_slice %arg9[%scan3A_536, %dma_start3A_757, %dma_start3A_758] : memref<4x64x128xf32, #tpu.memory_space<vmem>> -> memref<1x64x128xf32, #tpu.memory_space<vmem>>
      %dma_start3A_760 = tpu.memref_squeeze %dma_start3A_759 : memref<1x64x128xf32, #tpu.memory_space<vmem>> -> memref<64x128xf32, #tpu.memory_space<vmem>>
      %dma_start3A_761 = tpu.memref_slice %arg7[%mul3A_756] : memref<5120xi32, #tpu.memory_space<vmem>> -> memref<64xi32, #tpu.memory_space<vmem>>
      %dma_start3A_762 = arith.constant 0 : i32
      %dma_start3A_763 = arith.constant 0 : i32
      %dma_start3A_764 = tpu.memref_slice %arg2[%dma_start3A_762, %dma_start3A_763] : memref<10240x128xf32, #tpu.memory_space<hbm>> -> memref<10240x128xf32, #tpu.memory_space<hbm>>
      tpu.enqueue_indirect_dma source(%dma_start3A_764 : memref<10240x128xf32, #tpu.memory_space<hbm>>) target(%dma_start3A_760 : memref<64x128xf32, #tpu.memory_space<vmem>>) offsets(%dma_start3A_761 : memref<64xi32, #tpu.memory_space<vmem>>) semaphore(%arg11 : memref<!tpu.dma_semaphore, #tpu.memory_space<semaphore_mem>>)
      %dma_start3A_765 = arith.constant 0 : i32
      %dma_start3A_766 = arith.constant 0 : i32
      %dma_start3A_767 = tpu.memref_slice %arg9[%scan3A_535, %dma_start3A_765, %dma_start3A_766] : memref<4x64x128xf32, #tpu.memory_space<vmem>> -> memref<1x64x128xf32, #tpu.memory_space<vmem>>
      %dma_start3A_768 = tpu.memref_squeeze %dma_start3A_767 : memref<1x64x128xf32, #tpu.memory_space<vmem>> -> memref<64x128xf32, #tpu.memory_space<vmem>>
      %dma_start3A_769 = arith.constant 0 : i32
      %dma_start3A_770 = tpu.memref_slice %arg8[%mul3A_731, %dma_start3A_769] : memref<80x64xi32, #tpu.memory_space<vmem>> -> memref<1x64xi32, #tpu.memory_space<vmem>>
      %dma_start3A_771 = tpu.memref_squeeze %dma_start3A_770 : memref<1x64xi32, #tpu.memory_space<vmem>> -> memref<64xi32, #tpu.memory_space<vmem>>
      %dma_start3A_772 = arith.constant 0 : i32
      %dma_start3A_773 = arith.constant 0 : i32
      %dma_start3A_774 = tpu.memref_slice %arg10[%dma_start3A_772, %dma_start3A_773] : memref<10240x128xf32, #tpu.memory_space<vmem_shared>> -> memref<10240x128xf32, #tpu.memory_space<vmem_shared>>
      tpu.enqueue_indirect_dma source(%dma_start3A_768 : memref<64x128xf32, #tpu.memory_space<vmem>>) target(%dma_start3A_774 : memref<10240x128xf32, #tpu.memory_space<vmem_shared>>) offsets(%dma_start3A_771 : memref<64xi32, #tpu.memory_space<vmem>>) semaphore(%arg12 : memref<!tpu.dma_semaphore, #tpu.memory_space<semaphore_mem>>) {add = true}
      %add3A_775 = arith.constant 1 : i32
      %add3A_776 = arith.addi %mul3A_731, %add3A_775 : i32
      %mul3A_777 = arith.constant 64 : i32
      %mul3A_778 = arith.muli %add3A_776, %mul3A_777 : i32
      %dma_wait3A_779 = arith.constant 0 : i32
      %dma_wait3A_780 = arith.constant 0 : i32
      %dma_wait3A_781 = tpu.memref_slice %arg9[%scan3A_537, %dma_wait3A_779, %dma_wait3A_780] : memref<4x64x128xf32, #tpu.memory_space<vmem>> -> memref<1x64x128xf32, #tpu.memory_space<vmem>>
      %dma_wait3A_782 = tpu.memref_squeeze %dma_wait3A_781 : memref<1x64x128xf32, #tpu.memory_space<vmem>> -> memref<64x128xf32, #tpu.memory_space<vmem>>
      %dma_wait3A_783 = tpu.memref_slice %arg7[%mul3A_778] : memref<5120xi32, #tpu.memory_space<vmem>> -> memref<64xi32, #tpu.memory_space<vmem>>
      %dma_wait3A_784 = arith.constant 0 : i32
      %dma_wait3A_785 = arith.constant 0 : i32
      %dma_wait3A_786 = tpu.memref_slice %arg2[%dma_wait3A_784, %dma_wait3A_785] : memref<10240x128xf32, #tpu.memory_space<hbm>> -> memref<10240x128xf32, #tpu.memory_space<hbm>>
      tpu.wait_indirect_dma semaphore(%arg11 : memref<!tpu.dma_semaphore, #tpu.memory_space<semaphore_mem>>) src(%dma_wait3A_786 : memref<10240x128xf32, #tpu.memory_space<hbm>>) dst(%dma_wait3A_782 : memref<64x128xf32, #tpu.memory_space<vmem>>)
      %sub3A_787 = arith.constant 1 : i32
      %sub3A_788 = arith.subi %mul3A_731, %sub3A_787 : i32
      %dma_wait3A_789 = arith.constant 0 : i32
      %dma_wait3A_790 = arith.constant 0 : i32
      %dma_wait3A_791 = tpu.memref_slice %arg9[%scan3A_538, %dma_wait3A_789, %dma_wait3A_790] : memref<4x64x128xf32, #tpu.memory_space<vmem>> -> memref<1x64x128xf32, #tpu.memory_space<vmem>>
      %dma_wait3A_792 = tpu.memref_squeeze %dma_wait3A_791 : memref<1x64x128xf32, #tpu.memory_space<vmem>> -> memref<64x128xf32, #tpu.memory_space<vmem>>
      %dma_wait3A_793 = arith.constant 0 : i32
      %dma_wait3A_794 = tpu.memref_slice %arg8[%sub3A_788, %dma_wait3A_793] : memref<80x64xi32, #tpu.memory_space<vmem>> -> memref<1x64xi32, #tpu.memory_space<vmem>>
      %dma_wait3A_795 = tpu.memref_squeeze %dma_wait3A_794 : memref<1x64xi32, #tpu.memory_space<vmem>> -> memref<64xi32, #tpu.memory_space<vmem>>
      %dma_wait3A_796 = arith.constant 0 : i32
      %dma_wait3A_797 = arith.constant 0 : i32
      %dma_wait3A_798 = tpu.memref_slice %arg10[%dma_wait3A_796, %dma_wait3A_797] : memref<10240x128xf32, #tpu.memory_space<vmem_shared>> -> memref<10240x128xf32, #tpu.memory_space<vmem_shared>>
      tpu.wait_indirect_dma semaphore(%arg12 : memref<!tpu.dma_semaphore, #tpu.memory_space<semaphore_mem>>) src(%dma_wait3A_792 : memref<64x128xf32, #tpu.memory_space<vmem>>) dst(%dma_wait3A_798 : memref<10240x128xf32, #tpu.memory_space<vmem_shared>>)
      %add3A_799 = arith.constant 3 : i32
      %add3A_800 = arith.addi %mul3A_731, %add3A_799 : i32
      %mul3A_801 = arith.constant 64 : i32
      %mul3A_802 = arith.muli %add3A_800, %mul3A_801 : i32
      %dma_start3A_803 = arith.constant 0 : i32
      %dma_start3A_804 = arith.constant 0 : i32
      %dma_start3A_805 = tpu.memref_slice %arg9[%scan3A_538, %dma_start3A_803, %dma_start3A_804] : memref<4x64x128xf32, #tpu.memory_space<vmem>> -> memref<1x64x128xf32, #tpu.memory_space<vmem>>
      %dma_start3A_806 = tpu.memref_squeeze %dma_start3A_805 : memref<1x64x128xf32, #tpu.memory_space<vmem>> -> memref<64x128xf32, #tpu.memory_space<vmem>>
      %dma_start3A_807 = tpu.memref_slice %arg7[%mul3A_802] : memref<5120xi32, #tpu.memory_space<vmem>> -> memref<64xi32, #tpu.memory_space<vmem>>
      %dma_start3A_808 = arith.constant 0 : i32
      %dma_start3A_809 = arith.constant 0 : i32
      %dma_start3A_810 = tpu.memref_slice %arg2[%dma_start3A_808, %dma_start3A_809] : memref<10240x128xf32, #tpu.memory_space<hbm>> -> memref<10240x128xf32, #tpu.memory_space<hbm>>
      tpu.enqueue_indirect_dma source(%dma_start3A_810 : memref<10240x128xf32, #tpu.memory_space<hbm>>) target(%dma_start3A_806 : memref<64x128xf32, #tpu.memory_space<vmem>>) offsets(%dma_start3A_807 : memref<64xi32, #tpu.memory_space<vmem>>) semaphore(%arg11 : memref<!tpu.dma_semaphore, #tpu.memory_space<semaphore_mem>>)
      %add3A_811 = arith.constant 1 : i32
      %add3A_812 = arith.addi %mul3A_731, %add3A_811 : i32
      %dma_start3A_813 = arith.constant 0 : i32
      %dma_start3A_814 = arith.constant 0 : i32
      %dma_start3A_815 = tpu.memref_slice %arg9[%scan3A_537, %dma_start3A_813, %dma_start3A_814] : memref<4x64x128xf32, #tpu.memory_space<vmem>> -> memref<1x64x128xf32, #tpu.memory_space<vmem>>
      %dma_start3A_816 = tpu.memref_squeeze %dma_start3A_815 : memref<1x64x128xf32, #tpu.memory_space<vmem>> -> memref<64x128xf32, #tpu.memory_space<vmem>>
      %dma_start3A_817 = arith.constant 0 : i32
      %dma_start3A_818 = tpu.memref_slice %arg8[%add3A_812, %dma_start3A_817] : memref<80x64xi32, #tpu.memory_space<vmem>> -> memref<1x64xi32, #tpu.memory_space<vmem>>
      %dma_start3A_819 = tpu.memref_squeeze %dma_start3A_818 : memref<1x64xi32, #tpu.memory_space<vmem>> -> memref<64xi32, #tpu.memory_space<vmem>>
      %dma_start3A_820 = arith.constant 0 : i32
      %dma_start3A_821 = arith.constant 0 : i32
      %dma_start3A_822 = tpu.memref_slice %arg10[%dma_start3A_820, %dma_start3A_821] : memref<10240x128xf32, #tpu.memory_space<vmem_shared>> -> memref<10240x128xf32, #tpu.memory_space<vmem_shared>>
      tpu.enqueue_indirect_dma source(%dma_start3A_816 : memref<64x128xf32, #tpu.memory_space<vmem>>) target(%dma_start3A_822 : memref<10240x128xf32, #tpu.memory_space<vmem_shared>>) offsets(%dma_start3A_819 : memref<64xi32, #tpu.memory_space<vmem>>) semaphore(%arg12 : memref<!tpu.dma_semaphore, #tpu.memory_space<semaphore_mem>>) {add = true}
      %add3A_823 = arith.constant 2 : i32
      %add3A_824 = arith.addi %mul3A_731, %add3A_823 : i32
      %mul3A_825 = arith.constant 64 : i32
      %mul3A_826 = arith.muli %add3A_824, %mul3A_825 : i32
      %dma_wait3A_827 = arith.constant 0 : i32
      %dma_wait3A_828 = arith.constant 0 : i32
      %dma_wait3A_829 = tpu.memref_slice %arg9[%scan3A_536, %dma_wait3A_827, %dma_wait3A_828] : memref<4x64x128xf32, #tpu.memory_space<vmem>> -> memref<1x64x128xf32, #tpu.memory_space<vmem>>
      %dma_wait3A_830 = tpu.memref_squeeze %dma_wait3A_829 : memref<1x64x128xf32, #tpu.memory_space<vmem>> -> memref<64x128xf32, #tpu.memory_space<vmem>>
      %dma_wait3A_831 = tpu.memref_slice %arg7[%mul3A_826] : memref<5120xi32, #tpu.memory_space<vmem>> -> memref<64xi32, #tpu.memory_space<vmem>>
      %dma_wait3A_832 = arith.constant 0 : i32
      %dma_wait3A_833 = arith.constant 0 : i32
      %dma_wait3A_834 = tpu.memref_slice %arg2[%dma_wait3A_832, %dma_wait3A_833] : memref<10240x128xf32, #tpu.memory_space<hbm>> -> memref<10240x128xf32, #tpu.memory_space<hbm>>
      tpu.wait_indirect_dma semaphore(%arg11 : memref<!tpu.dma_semaphore, #tpu.memory_space<semaphore_mem>>) src(%dma_wait3A_834 : memref<10240x128xf32, #tpu.memory_space<hbm>>) dst(%dma_wait3A_830 : memref<64x128xf32, #tpu.memory_space<vmem>>)
      %dma_wait3A_835 = arith.constant 0 : i32
      %dma_wait3A_836 = arith.constant 0 : i32
      %dma_wait3A_837 = tpu.memref_slice %arg9[%scan3A_535, %dma_wait3A_835, %dma_wait3A_836] : memref<4x64x128xf32, #tpu.memory_space<vmem>> -> memref<1x64x128xf32, #tpu.memory_space<vmem>>
      %dma_wait3A_838 = tpu.memref_squeeze %dma_wait3A_837 : memref<1x64x128xf32, #tpu.memory_space<vmem>> -> memref<64x128xf32, #tpu.memory_space<vmem>>
      %dma_wait3A_839 = arith.constant 0 : i32
      %dma_wait3A_840 = tpu.memref_slice %arg8[%mul3A_731, %dma_wait3A_839] : memref<80x64xi32, #tpu.memory_space<vmem>> -> memref<1x64xi32, #tpu.memory_space<vmem>>
      %dma_wait3A_841 = tpu.memref_squeeze %dma_wait3A_840 : memref<1x64xi32, #tpu.memory_space<vmem>> -> memref<64xi32, #tpu.memory_space<vmem>>
      %dma_wait3A_842 = arith.constant 0 : i32
      %dma_wait3A_843 = arith.constant 0 : i32
      %dma_wait3A_844 = tpu.memref_slice %arg10[%dma_wait3A_842, %dma_wait3A_843] : memref<10240x128xf32, #tpu.memory_space<vmem_shared>> -> memref<10240x128xf32, #tpu.memory_space<vmem_shared>>
      tpu.wait_indirect_dma semaphore(%arg12 : memref<!tpu.dma_semaphore, #tpu.memory_space<semaphore_mem>>) src(%dma_wait3A_838 : memref<64x128xf32, #tpu.memory_space<vmem>>) dst(%dma_wait3A_844 : memref<10240x128xf32, #tpu.memory_space<vmem_shared>>)
      %add3A_845 = arith.constant 4 : i32
      %add3A_846 = arith.addi %mul3A_731, %add3A_845 : i32
      %mul3A_847 = arith.constant 64 : i32
      %mul3A_848 = arith.muli %add3A_846, %mul3A_847 : i32
      %dma_start3A_849 = arith.constant 0 : i32
      %dma_start3A_850 = arith.constant 0 : i32
      %dma_start3A_851 = tpu.memref_slice %arg9[%scan3A_535, %dma_start3A_849, %dma_start3A_850] : memref<4x64x128xf32, #tpu.memory_space<vmem>> -> memref<1x64x128xf32, #tpu.memory_space<vmem>>
      %dma_start3A_852 = tpu.memref_squeeze %dma_start3A_851 : memref<1x64x128xf32, #tpu.memory_space<vmem>> -> memref<64x128xf32, #tpu.memory_space<vmem>>
      %dma_start3A_853 = tpu.memref_slice %arg7[%mul3A_848] : memref<5120xi32, #tpu.memory_space<vmem>> -> memref<64xi32, #tpu.memory_space<vmem>>
      %dma_start3A_854 = arith.constant 0 : i32
      %dma_start3A_855 = arith.constant 0 : i32
      %dma_start3A_856 = tpu.memref_slice %arg2[%dma_start3A_854, %dma_start3A_855] : memref<10240x128xf32, #tpu.memory_space<hbm>> -> memref<10240x128xf32, #tpu.memory_space<hbm>>
      tpu.enqueue_indirect_dma source(%dma_start3A_856 : memref<10240x128xf32, #tpu.memory_space<hbm>>) target(%dma_start3A_852 : memref<64x128xf32, #tpu.memory_space<vmem>>) offsets(%dma_start3A_853 : memref<64xi32, #tpu.memory_space<vmem>>) semaphore(%arg11 : memref<!tpu.dma_semaphore, #tpu.memory_space<semaphore_mem>>)
      %add3A_857 = arith.constant 2 : i32
      %add3A_858 = arith.addi %mul3A_731, %add3A_857 : i32
      %dma_start3A_859 = arith.constant 0 : i32
      %dma_start3A_860 = arith.constant 0 : i32
      %dma_start3A_861 = tpu.memref_slice %arg9[%scan3A_536, %dma_start3A_859, %dma_start3A_860] : memref<4x64x128xf32, #tpu.memory_space<vmem>> -> memref<1x64x128xf32, #tpu.memory_space<vmem>>
      %dma_start3A_862 = tpu.memref_squeeze %dma_start3A_861 : memref<1x64x128xf32, #tpu.memory_space<vmem>> -> memref<64x128xf32, #tpu.memory_space<vmem>>
      %dma_start3A_863 = arith.constant 0 : i32
      %dma_start3A_864 = tpu.memref_slice %arg8[%add3A_858, %dma_start3A_863] : memref<80x64xi32, #tpu.memory_space<vmem>> -> memref<1x64xi32, #tpu.memory_space<vmem>>
      %dma_start3A_865 = tpu.memref_squeeze %dma_start3A_864 : memref<1x64xi32, #tpu.memory_space<vmem>> -> memref<64xi32, #tpu.memory_space<vmem>>
      %dma_start3A_866 = arith.constant 0 : i32
      %dma_start3A_867 = arith.constant 0 : i32
      %dma_start3A_868 = tpu.memref_slice %arg10[%dma_start3A_866, %dma_start3A_867] : memref<10240x128xf32, #tpu.memory_space<vmem_shared>> -> memref<10240x128xf32, #tpu.memory_space<vmem_shared>>
      tpu.enqueue_indirect_dma source(%dma_start3A_862 : memref<64x128xf32, #tpu.memory_space<vmem>>) target(%dma_start3A_868 : memref<10240x128xf32, #tpu.memory_space<vmem_shared>>) offsets(%dma_start3A_865 : memref<64xi32, #tpu.memory_space<vmem>>) semaphore(%arg12 : memref<!tpu.dma_semaphore, #tpu.memory_space<semaphore_mem>>) {add = true}
      %add3A_869 = arith.constant 3 : i32
      %add3A_870 = arith.addi %mul3A_731, %add3A_869 : i32
      %mul3A_871 = arith.constant 64 : i32
      %mul3A_872 = arith.muli %add3A_870, %mul3A_871 : i32
      %dma_wait3A_873 = arith.constant 0 : i32
      %dma_wait3A_874 = arith.constant 0 : i32
      %dma_wait3A_875 = tpu.memref_slice %arg9[%scan3A_538, %dma_wait3A_873, %dma_wait3A_874] : memref<4x64x128xf32, #tpu.memory_space<vmem>> -> memref<1x64x128xf32, #tpu.memory_space<vmem>>
      %dma_wait3A_876 = tpu.memref_squeeze %dma_wait3A_875 : memref<1x64x128xf32, #tpu.memory_space<vmem>> -> memref<64x128xf32, #tpu.memory_space<vmem>>
      %dma_wait3A_877 = tpu.memref_slice %arg7[%mul3A_872] : memref<5120xi32, #tpu.memory_space<vmem>> -> memref<64xi32, #tpu.memory_space<vmem>>
      %dma_wait3A_878 = arith.constant 0 : i32
      %dma_wait3A_879 = arith.constant 0 : i32
      %dma_wait3A_880 = tpu.memref_slice %arg2[%dma_wait3A_878, %dma_wait3A_879] : memref<10240x128xf32, #tpu.memory_space<hbm>> -> memref<10240x128xf32, #tpu.memory_space<hbm>>
      tpu.wait_indirect_dma semaphore(%arg11 : memref<!tpu.dma_semaphore, #tpu.memory_space<semaphore_mem>>) src(%dma_wait3A_880 : memref<10240x128xf32, #tpu.memory_space<hbm>>) dst(%dma_wait3A_876 : memref<64x128xf32, #tpu.memory_space<vmem>>)
      %add3A_881 = arith.constant 1 : i32
      %add3A_882 = arith.addi %mul3A_731, %add3A_881 : i32
      %dma_wait3A_883 = arith.constant 0 : i32
      %dma_wait3A_884 = arith.constant 0 : i32
      %dma_wait3A_885 = tpu.memref_slice %arg9[%scan3A_537, %dma_wait3A_883, %dma_wait3A_884] : memref<4x64x128xf32, #tpu.memory_space<vmem>> -> memref<1x64x128xf32, #tpu.memory_space<vmem>>
      %dma_wait3A_886 = tpu.memref_squeeze %dma_wait3A_885 : memref<1x64x128xf32, #tpu.memory_space<vmem>> -> memref<64x128xf32, #tpu.memory_space<vmem>>
      %dma_wait3A_887 = arith.constant 0 : i32
      %dma_wait3A_888 = tpu.memref_slice %arg8[%add3A_882, %dma_wait3A_887] : memref<80x64xi32, #tpu.memory_space<vmem>> -> memref<1x64xi32, #tpu.memory_space<vmem>>
      %dma_wait3A_889 = tpu.memref_squeeze %dma_wait3A_888 : memref<1x64xi32, #tpu.memory_space<vmem>> -> memref<64xi32, #tpu.memory_space<vmem>>
      %dma_wait3A_890 = arith.constant 0 : i32
      %dma_wait3A_891 = arith.constant 0 : i32
      %dma_wait3A_892 = tpu.memref_slice %arg10[%dma_wait3A_890, %dma_wait3A_891] : memref<10240x128xf32, #tpu.memory_space<vmem_shared>> -> memref<10240x128xf32, #tpu.memory_space<vmem_shared>>
      tpu.wait_indirect_dma semaphore(%arg12 : memref<!tpu.dma_semaphore, #tpu.memory_space<semaphore_mem>>) src(%dma_wait3A_886 : memref<64x128xf32, #tpu.memory_space<vmem>>) dst(%dma_wait3A_892 : memref<10240x128xf32, #tpu.memory_space<vmem_shared>>)
      %add3A_893 = arith.constant 5 : i32
      %add3A_894 = arith.addi %mul3A_731, %add3A_893 : i32
      %mul3A_895 = arith.constant 64 : i32
      %mul3A_896 = arith.muli %add3A_894, %mul3A_895 : i32
      %dma_start3A_897 = arith.constant 0 : i32
      %dma_start3A_898 = arith.constant 0 : i32
      %dma_start3A_899 = tpu.memref_slice %arg9[%scan3A_537, %dma_start3A_897, %dma_start3A_898] : memref<4x64x128xf32, #tpu.memory_space<vmem>> -> memref<1x64x128xf32, #tpu.memory_space<vmem>>
      %dma_start3A_900 = tpu.memref_squeeze %dma_start3A_899 : memref<1x64x128xf32, #tpu.memory_space<vmem>> -> memref<64x128xf32, #tpu.memory_space<vmem>>
      %dma_start3A_901 = tpu.memref_slice %arg7[%mul3A_896] : memref<5120xi32, #tpu.memory_space<vmem>> -> memref<64xi32, #tpu.memory_space<vmem>>
      %dma_start3A_902 = arith.constant 0 : i32
      %dma_start3A_903 = arith.constant 0 : i32
      %dma_start3A_904 = tpu.memref_slice %arg2[%dma_start3A_902, %dma_start3A_903] : memref<10240x128xf32, #tpu.memory_space<hbm>> -> memref<10240x128xf32, #tpu.memory_space<hbm>>
      tpu.enqueue_indirect_dma source(%dma_start3A_904 : memref<10240x128xf32, #tpu.memory_space<hbm>>) target(%dma_start3A_900 : memref<64x128xf32, #tpu.memory_space<vmem>>) offsets(%dma_start3A_901 : memref<64xi32, #tpu.memory_space<vmem>>) semaphore(%arg11 : memref<!tpu.dma_semaphore, #tpu.memory_space<semaphore_mem>>)
      %add3A_905 = arith.constant 3 : i32
      %add3A_906 = arith.addi %mul3A_731, %add3A_905 : i32
      %dma_start3A_907 = arith.constant 0 : i32
      %dma_start3A_908 = arith.constant 0 : i32
      %dma_start3A_909 = tpu.memref_slice %arg9[%scan3A_538, %dma_start3A_907, %dma_start3A_908] : memref<4x64x128xf32, #tpu.memory_space<vmem>> -> memref<1x64x128xf32, #tpu.memory_space<vmem>>
      %dma_start3A_910 = tpu.memref_squeeze %dma_start3A_909 : memref<1x64x128xf32, #tpu.memory_space<vmem>> -> memref<64x128xf32, #tpu.memory_space<vmem>>
      %dma_start3A_911 = arith.constant 0 : i32
      %dma_start3A_912 = tpu.memref_slice %arg8[%add3A_906, %dma_start3A_911] : memref<80x64xi32, #tpu.memory_space<vmem>> -> memref<1x64xi32, #tpu.memory_space<vmem>>
      %dma_start3A_913 = tpu.memref_squeeze %dma_start3A_912 : memref<1x64xi32, #tpu.memory_space<vmem>> -> memref<64xi32, #tpu.memory_space<vmem>>
      %dma_start3A_914 = arith.constant 0 : i32
      %dma_start3A_915 = arith.constant 0 : i32
      %dma_start3A_916 = tpu.memref_slice %arg10[%dma_start3A_914, %dma_start3A_915] : memref<10240x128xf32, #tpu.memory_space<vmem_shared>> -> memref<10240x128xf32, #tpu.memory_space<vmem_shared>>
      tpu.enqueue_indirect_dma source(%dma_start3A_910 : memref<64x128xf32, #tpu.memory_space<vmem>>) target(%dma_start3A_916 : memref<10240x128xf32, #tpu.memory_space<vmem_shared>>) offsets(%dma_start3A_913 : memref<64xi32, #tpu.memory_space<vmem>>) semaphore(%arg12 : memref<!tpu.dma_semaphore, #tpu.memory_space<semaphore_mem>>) {add = true}
    }
    %scan3A_543 = arith.constant 18 : i32
    %dma_wait3A_544 = arith.constant 0 : i32
    %dma_wait3A_545 = arith.constant 0 : i32
    %dma_wait3A_546 = arith.constant 0 : i32
    %dma_wait3A_547 = tpu.memref_slice %arg9[%dma_wait3A_544, %dma_wait3A_545, %dma_wait3A_546] : memref<4x64x128xf32, #tpu.memory_space<vmem>> -> memref<1x64x128xf32, #tpu.memory_space<vmem>>
    %dma_wait3A_548 = tpu.memref_squeeze %dma_wait3A_547 : memref<1x64x128xf32, #tpu.memory_space<vmem>> -> memref<64x128xf32, #tpu.memory_space<vmem>>
    %dma_wait3A_549 = arith.constant 4864 : i32
    %dma_wait3A_550 = tpu.memref_slice %arg7[%dma_wait3A_549] : memref<5120xi32, #tpu.memory_space<vmem>> -> memref<64xi32, #tpu.memory_space<vmem>>
    %dma_wait3A_551 = arith.constant 0 : i32
    %dma_wait3A_552 = arith.constant 0 : i32
    %dma_wait3A_553 = tpu.memref_slice %arg2[%dma_wait3A_551, %dma_wait3A_552] : memref<10240x128xf32, #tpu.memory_space<hbm>> -> memref<10240x128xf32, #tpu.memory_space<hbm>>
    tpu.wait_indirect_dma semaphore(%arg11 : memref<!tpu.dma_semaphore, #tpu.memory_space<semaphore_mem>>) src(%dma_wait3A_553 : memref<10240x128xf32, #tpu.memory_space<hbm>>) dst(%dma_wait3A_548 : memref<64x128xf32, #tpu.memory_space<vmem>>)
    %dma_wait3A_554 = arith.constant 2 : i32
    %dma_wait3A_555 = arith.constant 74 : i32
    %dma_wait3A_556 = arith.constant 0 : i32
    %dma_wait3A_557 = arith.constant 0 : i32
    %dma_wait3A_558 = tpu.memref_slice %arg9[%dma_wait3A_554, %dma_wait3A_556, %dma_wait3A_557] : memref<4x64x128xf32, #tpu.memory_space<vmem>> -> memref<1x64x128xf32, #tpu.memory_space<vmem>>
    %dma_wait3A_559 = tpu.memref_squeeze %dma_wait3A_558 : memref<1x64x128xf32, #tpu.memory_space<vmem>> -> memref<64x128xf32, #tpu.memory_space<vmem>>
    %dma_wait3A_560 = arith.constant 0 : i32
    %dma_wait3A_561 = tpu.memref_slice %arg8[%dma_wait3A_555, %dma_wait3A_560] : memref<80x64xi32, #tpu.memory_space<vmem>> -> memref<1x64xi32, #tpu.memory_space<vmem>>
    %dma_wait3A_562 = tpu.memref_squeeze %dma_wait3A_561 : memref<1x64xi32, #tpu.memory_space<vmem>> -> memref<64xi32, #tpu.memory_space<vmem>>
    %dma_wait3A_563 = arith.constant 0 : i32
    %dma_wait3A_564 = arith.constant 0 : i32
    %dma_wait3A_565 = tpu.memref_slice %arg10[%dma_wait3A_563, %dma_wait3A_564] : memref<10240x128xf32, #tpu.memory_space<vmem_shared>> -> memref<10240x128xf32, #tpu.memory_space<vmem_shared>>
    tpu.wait_indirect_dma semaphore(%arg12 : memref<!tpu.dma_semaphore, #tpu.memory_space<semaphore_mem>>) src(%dma_wait3A_559 : memref<64x128xf32, #tpu.memory_space<vmem>>) dst(%dma_wait3A_565 : memref<10240x128xf32, #tpu.memory_space<vmem_shared>>)
    %dma_start3A_566 = arith.constant 2 : i32
    %dma_start3A_567 = arith.constant 0 : i32
    %dma_start3A_568 = arith.constant 0 : i32
    %dma_start3A_569 = tpu.memref_slice %arg9[%dma_start3A_566, %dma_start3A_567, %dma_start3A_568] : memref<4x64x128xf32, #tpu.memory_space<vmem>> -> memref<1x64x128xf32, #tpu.memory_space<vmem>>
    %dma_start3A_570 = tpu.memref_squeeze %dma_start3A_569 : memref<1x64x128xf32, #tpu.memory_space<vmem>> -> memref<64x128xf32, #tpu.memory_space<vmem>>
    %dma_start3A_571 = arith.constant 4992 : i32
    %dma_start3A_572 = tpu.memref_slice %arg7[%dma_start3A_571] : memref<5120xi32, #tpu.memory_space<vmem>> -> memref<64xi32, #tpu.memory_space<vmem>>
    %dma_start3A_573 = arith.constant 0 : i32
    %dma_start3A_574 = arith.constant 0 : i32
    %dma_start3A_575 = tpu.memref_slice %arg2[%dma_start3A_573, %dma_start3A_574] : memref<10240x128xf32, #tpu.memory_space<hbm>> -> memref<10240x128xf32, #tpu.memory_space<hbm>>
    tpu.enqueue_indirect_dma source(%dma_start3A_575 : memref<10240x128xf32, #tpu.memory_space<hbm>>) target(%dma_start3A_570 : memref<64x128xf32, #tpu.memory_space<vmem>>) offsets(%dma_start3A_572 : memref<64xi32, #tpu.memory_space<vmem>>) semaphore(%arg11 : memref<!tpu.dma_semaphore, #tpu.memory_space<semaphore_mem>>)
    %dma_start3A_576 = arith.constant 0 : i32
    %dma_start3A_577 = arith.constant 76 : i32
    %dma_start3A_578 = arith.constant 0 : i32
    %dma_start3A_579 = arith.constant 0 : i32
    %dma_start3A_580 = tpu.memref_slice %arg9[%dma_start3A_576, %dma_start3A_578, %dma_start3A_579] : memref<4x64x128xf32, #tpu.memory_space<vmem>> -> memref<1x64x128xf32, #tpu.memory_space<vmem>>
    %dma_start3A_581 = tpu.memref_squeeze %dma_start3A_580 : memref<1x64x128xf32, #tpu.memory_space<vmem>> -> memref<64x128xf32, #tpu.memory_space<vmem>>
    %dma_start3A_582 = arith.constant 0 : i32
    %dma_start3A_583 = tpu.memref_slice %arg8[%dma_start3A_577, %dma_start3A_582] : memref<80x64xi32, #tpu.memory_space<vmem>> -> memref<1x64xi32, #tpu.memory_space<vmem>>
    %dma_start3A_584 = tpu.memref_squeeze %dma_start3A_583 : memref<1x64xi32, #tpu.memory_space<vmem>> -> memref<64xi32, #tpu.memory_space<vmem>>
    %dma_start3A_585 = arith.constant 0 : i32
    %dma_start3A_586 = arith.constant 0 : i32
    %dma_start3A_587 = tpu.memref_slice %arg10[%dma_start3A_585, %dma_start3A_586] : memref<10240x128xf32, #tpu.memory_space<vmem_shared>> -> memref<10240x128xf32, #tpu.memory_space<vmem_shared>>
    tpu.enqueue_indirect_dma source(%dma_start3A_581 : memref<64x128xf32, #tpu.memory_space<vmem>>) target(%dma_start3A_587 : memref<10240x128xf32, #tpu.memory_space<vmem_shared>>) offsets(%dma_start3A_584 : memref<64xi32, #tpu.memory_space<vmem>>) semaphore(%arg12 : memref<!tpu.dma_semaphore, #tpu.memory_space<semaphore_mem>>) {add = true}
    %dma_wait3A_588 = arith.constant 1 : i32
    %dma_wait3A_589 = arith.constant 0 : i32
    %dma_wait3A_590 = arith.constant 0 : i32
    %dma_wait3A_591 = tpu.memref_slice %arg9[%dma_wait3A_588, %dma_wait3A_589, %dma_wait3A_590] : memref<4x64x128xf32, #tpu.memory_space<vmem>> -> memref<1x64x128xf32, #tpu.memory_space<vmem>>
    %dma_wait3A_592 = tpu.memref_squeeze %dma_wait3A_591 : memref<1x64x128xf32, #tpu.memory_space<vmem>> -> memref<64x128xf32, #tpu.memory_space<vmem>>
    %dma_wait3A_593 = arith.constant 4928 : i32
    %dma_wait3A_594 = tpu.memref_slice %arg7[%dma_wait3A_593] : memref<5120xi32, #tpu.memory_space<vmem>> -> memref<64xi32, #tpu.memory_space<vmem>>
    %dma_wait3A_595 = arith.constant 0 : i32
    %dma_wait3A_596 = arith.constant 0 : i32
    %dma_wait3A_597 = tpu.memref_slice %arg2[%dma_wait3A_595, %dma_wait3A_596] : memref<10240x128xf32, #tpu.memory_space<hbm>> -> memref<10240x128xf32, #tpu.memory_space<hbm>>
    tpu.wait_indirect_dma semaphore(%arg11 : memref<!tpu.dma_semaphore, #tpu.memory_space<semaphore_mem>>) src(%dma_wait3A_597 : memref<10240x128xf32, #tpu.memory_space<hbm>>) dst(%dma_wait3A_592 : memref<64x128xf32, #tpu.memory_space<vmem>>)
    %dma_wait3A_598 = arith.constant 3 : i32
    %dma_wait3A_599 = arith.constant 75 : i32
    %dma_wait3A_600 = arith.constant 0 : i32
    %dma_wait3A_601 = arith.constant 0 : i32
    %dma_wait3A_602 = tpu.memref_slice %arg9[%dma_wait3A_598, %dma_wait3A_600, %dma_wait3A_601] : memref<4x64x128xf32, #tpu.memory_space<vmem>> -> memref<1x64x128xf32, #tpu.memory_space<vmem>>
    %dma_wait3A_603 = tpu.memref_squeeze %dma_wait3A_602 : memref<1x64x128xf32, #tpu.memory_space<vmem>> -> memref<64x128xf32, #tpu.memory_space<vmem>>
    %dma_wait3A_604 = arith.constant 0 : i32
    %dma_wait3A_605 = tpu.memref_slice %arg8[%dma_wait3A_599, %dma_wait3A_604] : memref<80x64xi32, #tpu.memory_space<vmem>> -> memref<1x64xi32, #tpu.memory_space<vmem>>
    %dma_wait3A_606 = tpu.memref_squeeze %dma_wait3A_605 : memref<1x64xi32, #tpu.memory_space<vmem>> -> memref<64xi32, #tpu.memory_space<vmem>>
    %dma_wait3A_607 = arith.constant 0 : i32
    %dma_wait3A_608 = arith.constant 0 : i32
    %dma_wait3A_609 = tpu.memref_slice %arg10[%dma_wait3A_607, %dma_wait3A_608] : memref<10240x128xf32, #tpu.memory_space<vmem_shared>> -> memref<10240x128xf32, #tpu.memory_space<vmem_shared>>
    tpu.wait_indirect_dma semaphore(%arg12 : memref<!tpu.dma_semaphore, #tpu.memory_space<semaphore_mem>>) src(%dma_wait3A_603 : memref<64x128xf32, #tpu.memory_space<vmem>>) dst(%dma_wait3A_609 : memref<10240x128xf32, #tpu.memory_space<vmem_shared>>)
    %dma_start3A_610 = arith.constant 3 : i32
    %dma_start3A_611 = arith.constant 0 : i32
    %dma_start3A_612 = arith.constant 0 : i32
    %dma_start3A_613 = tpu.memref_slice %arg9[%dma_start3A_610, %dma_start3A_611, %dma_start3A_612] : memref<4x64x128xf32, #tpu.memory_space<vmem>> -> memref<1x64x128xf32, #tpu.memory_space<vmem>>
    %dma_start3A_614 = tpu.memref_squeeze %dma_start3A_613 : memref<1x64x128xf32, #tpu.memory_space<vmem>> -> memref<64x128xf32, #tpu.memory_space<vmem>>
    %dma_start3A_615 = arith.constant 5056 : i32
    %dma_start3A_616 = tpu.memref_slice %arg7[%dma_start3A_615] : memref<5120xi32, #tpu.memory_space<vmem>> -> memref<64xi32, #tpu.memory_space<vmem>>
    %dma_start3A_617 = arith.constant 0 : i32
    %dma_start3A_618 = arith.constant 0 : i32
    %dma_start3A_619 = tpu.memref_slice %arg2[%dma_start3A_617, %dma_start3A_618] : memref<10240x128xf32, #tpu.memory_space<hbm>> -> memref<10240x128xf32, #tpu.memory_space<hbm>>
    tpu.enqueue_indirect_dma source(%dma_start3A_619 : memref<10240x128xf32, #tpu.memory_space<hbm>>) target(%dma_start3A_614 : memref<64x128xf32, #tpu.memory_space<vmem>>) offsets(%dma_start3A_616 : memref<64xi32, #tpu.memory_space<vmem>>) semaphore(%arg11 : memref<!tpu.dma_semaphore, #tpu.memory_space<semaphore_mem>>)
    %dma_start3A_620 = arith.constant 1 : i32
    %dma_start3A_621 = arith.constant 77 : i32
    %dma_start3A_622 = arith.constant 0 : i32
    %dma_start3A_623 = arith.constant 0 : i32
    %dma_start3A_624 = tpu.memref_slice %arg9[%dma_start3A_620, %dma_start3A_622, %dma_start3A_623] : memref<4x64x128xf32, #tpu.memory_space<vmem>> -> memref<1x64x128xf32, #tpu.memory_space<vmem>>
    %dma_start3A_625 = tpu.memref_squeeze %dma_start3A_624 : memref<1x64x128xf32, #tpu.memory_space<vmem>> -> memref<64x128xf32, #tpu.memory_space<vmem>>
    %dma_start3A_626 = arith.constant 0 : i32
    %dma_start3A_627 = tpu.memref_slice %arg8[%dma_start3A_621, %dma_start3A_626] : memref<80x64xi32, #tpu.memory_space<vmem>> -> memref<1x64xi32, #tpu.memory_space<vmem>>
    %dma_start3A_628 = tpu.memref_squeeze %dma_start3A_627 : memref<1x64xi32, #tpu.memory_space<vmem>> -> memref<64xi32, #tpu.memory_space<vmem>>
    %dma_start3A_629 = arith.constant 0 : i32
    %dma_start3A_630 = arith.constant 0 : i32
    %dma_start3A_631 = tpu.memref_slice %arg10[%dma_start3A_629, %dma_start3A_630] : memref<10240x128xf32, #tpu.memory_space<vmem_shared>> -> memref<10240x128xf32, #tpu.memory_space<vmem_shared>>
    tpu.enqueue_indirect_dma source(%dma_start3A_625 : memref<64x128xf32, #tpu.memory_space<vmem>>) target(%dma_start3A_631 : memref<10240x128xf32, #tpu.memory_space<vmem_shared>>) offsets(%dma_start3A_628 : memref<64xi32, #tpu.memory_space<vmem>>) semaphore(%arg12 : memref<!tpu.dma_semaphore, #tpu.memory_space<semaphore_mem>>) {add = true}
    %dma_wait3A_632 = arith.constant 2 : i32
    %dma_wait3A_633 = arith.constant 0 : i32
    %dma_wait3A_634 = arith.constant 0 : i32
    %dma_wait3A_635 = tpu.memref_slice %arg9[%dma_wait3A_632, %dma_wait3A_633, %dma_wait3A_634] : memref<4x64x128xf32, #tpu.memory_space<vmem>> -> memref<1x64x128xf32, #tpu.memory_space<vmem>>
    %dma_wait3A_636 = tpu.memref_squeeze %dma_wait3A_635 : memref<1x64x128xf32, #tpu.memory_space<vmem>> -> memref<64x128xf32, #tpu.memory_space<vmem>>
    %dma_wait3A_637 = arith.constant 4992 : i32
    %dma_wait3A_638 = tpu.memref_slice %arg7[%dma_wait3A_637] : memref<5120xi32, #tpu.memory_space<vmem>> -> memref<64xi32, #tpu.memory_space<vmem>>
    %dma_wait3A_639 = arith.constant 0 : i32
    %dma_wait3A_640 = arith.constant 0 : i32
    %dma_wait3A_641 = tpu.memref_slice %arg2[%dma_wait3A_639, %dma_wait3A_640] : memref<10240x128xf32, #tpu.memory_space<hbm>> -> memref<10240x128xf32, #tpu.memory_space<hbm>>
    tpu.wait_indirect_dma semaphore(%arg11 : memref<!tpu.dma_semaphore, #tpu.memory_space<semaphore_mem>>) src(%dma_wait3A_641 : memref<10240x128xf32, #tpu.memory_space<hbm>>) dst(%dma_wait3A_636 : memref<64x128xf32, #tpu.memory_space<vmem>>)
    %dma_wait3A_642 = arith.constant 0 : i32
    %dma_wait3A_643 = arith.constant 76 : i32
    %dma_wait3A_644 = arith.constant 0 : i32
    %dma_wait3A_645 = arith.constant 0 : i32
    %dma_wait3A_646 = tpu.memref_slice %arg9[%dma_wait3A_642, %dma_wait3A_644, %dma_wait3A_645] : memref<4x64x128xf32, #tpu.memory_space<vmem>> -> memref<1x64x128xf32, #tpu.memory_space<vmem>>
    %dma_wait3A_647 = tpu.memref_squeeze %dma_wait3A_646 : memref<1x64x128xf32, #tpu.memory_space<vmem>> -> memref<64x128xf32, #tpu.memory_space<vmem>>
    %dma_wait3A_648 = arith.constant 0 : i32
    %dma_wait3A_649 = tpu.memref_slice %arg8[%dma_wait3A_643, %dma_wait3A_648] : memref<80x64xi32, #tpu.memory_space<vmem>> -> memref<1x64xi32, #tpu.memory_space<vmem>>
    %dma_wait3A_650 = tpu.memref_squeeze %dma_wait3A_649 : memref<1x64xi32, #tpu.memory_space<vmem>> -> memref<64xi32, #tpu.memory_space<vmem>>
    %dma_wait3A_651 = arith.constant 0 : i32
    %dma_wait3A_652 = arith.constant 0 : i32
    %dma_wait3A_653 = tpu.memref_slice %arg10[%dma_wait3A_651, %dma_wait3A_652] : memref<10240x128xf32, #tpu.memory_space<vmem_shared>> -> memref<10240x128xf32, #tpu.memory_space<vmem_shared>>
    tpu.wait_indirect_dma semaphore(%arg12 : memref<!tpu.dma_semaphore, #tpu.memory_space<semaphore_mem>>) src(%dma_wait3A_647 : memref<64x128xf32, #tpu.memory_space<vmem>>) dst(%dma_wait3A_653 : memref<10240x128xf32, #tpu.memory_space<vmem_shared>>)
    %dma_start3A_654 = arith.constant 2 : i32
    %dma_start3A_655 = arith.constant 78 : i32
    %dma_start3A_656 = arith.constant 0 : i32
    %dma_start3A_657 = arith.constant 0 : i32
    %dma_start3A_658 = tpu.memref_slice %arg9[%dma_start3A_654, %dma_start3A_656, %dma_start3A_657] : memref<4x64x128xf32, #tpu.memory_space<vmem>> -> memref<1x64x128xf32, #tpu.memory_space<vmem>>
    %dma_start3A_659 = tpu.memref_squeeze %dma_start3A_658 : memref<1x64x128xf32, #tpu.memory_space<vmem>> -> memref<64x128xf32, #tpu.memory_space<vmem>>
    %dma_start3A_660 = arith.constant 0 : i32
    %dma_start3A_661 = tpu.memref_slice %arg8[%dma_start3A_655, %dma_start3A_660] : memref<80x64xi32, #tpu.memory_space<vmem>> -> memref<1x64xi32, #tpu.memory_space<vmem>>
    %dma_start3A_662 = tpu.memref_squeeze %dma_start3A_661 : memref<1x64xi32, #tpu.memory_space<vmem>> -> memref<64xi32, #tpu.memory_space<vmem>>
    %dma_start3A_663 = arith.constant 0 : i32
    %dma_start3A_664 = arith.constant 0 : i32
    %dma_start3A_665 = tpu.memref_slice %arg10[%dma_start3A_663, %dma_start3A_664] : memref<10240x128xf32, #tpu.memory_space<vmem_shared>> -> memref<10240x128xf32, #tpu.memory_space<vmem_shared>>
    tpu.enqueue_indirect_dma source(%dma_start3A_659 : memref<64x128xf32, #tpu.memory_space<vmem>>) target(%dma_start3A_665 : memref<10240x128xf32, #tpu.memory_space<vmem_shared>>) offsets(%dma_start3A_662 : memref<64xi32, #tpu.memory_space<vmem>>) semaphore(%arg12 : memref<!tpu.dma_semaphore, #tpu.memory_space<semaphore_mem>>) {add = true}
    %dma_wait3A_666 = arith.constant 3 : i32
    %dma_wait3A_667 = arith.constant 0 : i32
    %dma_wait3A_668 = arith.constant 0 : i32
    %dma_wait3A_669 = tpu.memref_slice %arg9[%dma_wait3A_666, %dma_wait3A_667, %dma_wait3A_668] : memref<4x64x128xf32, #tpu.memory_space<vmem>> -> memref<1x64x128xf32, #tpu.memory_space<vmem>>
    %dma_wait3A_670 = tpu.memref_squeeze %dma_wait3A_669 : memref<1x64x128xf32, #tpu.memory_space<vmem>> -> memref<64x128xf32, #tpu.memory_space<vmem>>
    %dma_wait3A_671 = arith.constant 5056 : i32
    %dma_wait3A_672 = tpu.memref_slice %arg7[%dma_wait3A_671] : memref<5120xi32, #tpu.memory_space<vmem>> -> memref<64xi32, #tpu.memory_space<vmem>>
    %dma_wait3A_673 = arith.constant 0 : i32
    %dma_wait3A_674 = arith.constant 0 : i32
    %dma_wait3A_675 = tpu.memref_slice %arg2[%dma_wait3A_673, %dma_wait3A_674] : memref<10240x128xf32, #tpu.memory_space<hbm>> -> memref<10240x128xf32, #tpu.memory_space<hbm>>
    tpu.wait_indirect_dma semaphore(%arg11 : memref<!tpu.dma_semaphore, #tpu.memory_space<semaphore_mem>>) src(%dma_wait3A_675 : memref<10240x128xf32, #tpu.memory_space<hbm>>) dst(%dma_wait3A_670 : memref<64x128xf32, #tpu.memory_space<vmem>>)
    %dma_wait3A_676 = arith.constant 1 : i32
    %dma_wait3A_677 = arith.constant 77 : i32
    %dma_wait3A_678 = arith.constant 0 : i32
    %dma_wait3A_679 = arith.constant 0 : i32
    %dma_wait3A_680 = tpu.memref_slice %arg9[%dma_wait3A_676, %dma_wait3A_678, %dma_wait3A_679] : memref<4x64x128xf32, #tpu.memory_space<vmem>> -> memref<1x64x128xf32, #tpu.memory_space<vmem>>
    %dma_wait3A_681 = tpu.memref_squeeze %dma_wait3A_680 : memref<1x64x128xf32, #tpu.memory_space<vmem>> -> memref<64x128xf32, #tpu.memory_space<vmem>>
    %dma_wait3A_682 = arith.constant 0 : i32
    %dma_wait3A_683 = tpu.memref_slice %arg8[%dma_wait3A_677, %dma_wait3A_682] : memref<80x64xi32, #tpu.memory_space<vmem>> -> memref<1x64xi32, #tpu.memory_space<vmem>>
    %dma_wait3A_684 = tpu.memref_squeeze %dma_wait3A_683 : memref<1x64xi32, #tpu.memory_space<vmem>> -> memref<64xi32, #tpu.memory_space<vmem>>
    %dma_wait3A_685 = arith.constant 0 : i32
    %dma_wait3A_686 = arith.constant 0 : i32
    %dma_wait3A_687 = tpu.memref_slice %arg10[%dma_wait3A_685, %dma_wait3A_686] : memref<10240x128xf32, #tpu.memory_space<vmem_shared>> -> memref<10240x128xf32, #tpu.memory_space<vmem_shared>>
    tpu.wait_indirect_dma semaphore(%arg12 : memref<!tpu.dma_semaphore, #tpu.memory_space<semaphore_mem>>) src(%dma_wait3A_681 : memref<64x128xf32, #tpu.memory_space<vmem>>) dst(%dma_wait3A_687 : memref<10240x128xf32, #tpu.memory_space<vmem_shared>>)
    %dma_start3A_688 = arith.constant 3 : i32
    %dma_start3A_689 = arith.constant 79 : i32
    %dma_start3A_690 = arith.constant 0 : i32
    %dma_start3A_691 = arith.constant 0 : i32
    %dma_start3A_692 = tpu.memref_slice %arg9[%dma_start3A_688, %dma_start3A_690, %dma_start3A_691] : memref<4x64x128xf32, #tpu.memory_space<vmem>> -> memref<1x64x128xf32, #tpu.memory_space<vmem>>
    %dma_start3A_693 = tpu.memref_squeeze %dma_start3A_692 : memref<1x64x128xf32, #tpu.memory_space<vmem>> -> memref<64x128xf32, #tpu.memory_space<vmem>>
    %dma_start3A_694 = arith.constant 0 : i32
    %dma_start3A_695 = tpu.memref_slice %arg8[%dma_start3A_689, %dma_start3A_694] : memref<80x64xi32, #tpu.memory_space<vmem>> -> memref<1x64xi32, #tpu.memory_space<vmem>>
    %dma_start3A_696 = tpu.memref_squeeze %dma_start3A_695 : memref<1x64xi32, #tpu.memory_space<vmem>> -> memref<64xi32, #tpu.memory_space<vmem>>
    %dma_start3A_697 = arith.constant 0 : i32
    %dma_start3A_698 = arith.constant 0 : i32
    %dma_start3A_699 = tpu.memref_slice %arg10[%dma_start3A_697, %dma_start3A_698] : memref<10240x128xf32, #tpu.memory_space<vmem_shared>> -> memref<10240x128xf32, #tpu.memory_space<vmem_shared>>
    tpu.enqueue_indirect_dma source(%dma_start3A_693 : memref<64x128xf32, #tpu.memory_space<vmem>>) target(%dma_start3A_699 : memref<10240x128xf32, #tpu.memory_space<vmem_shared>>) offsets(%dma_start3A_696 : memref<64xi32, #tpu.memory_space<vmem>>) semaphore(%arg12 : memref<!tpu.dma_semaphore, #tpu.memory_space<semaphore_mem>>) {add = true}
    %dma_wait3A_700 = arith.constant 2 : i32
    %dma_wait3A_701 = arith.constant 78 : i32
    %dma_wait3A_702 = arith.constant 0 : i32
    %dma_wait3A_703 = arith.constant 0 : i32
    %dma_wait3A_704 = tpu.memref_slice %arg9[%dma_wait3A_700, %dma_wait3A_702, %dma_wait3A_703] : memref<4x64x128xf32, #tpu.memory_space<vmem>> -> memref<1x64x128xf32, #tpu.memory_space<vmem>>
    %dma_wait3A_705 = tpu.memref_squeeze %dma_wait3A_704 : memref<1x64x128xf32, #tpu.memory_space<vmem>> -> memref<64x128xf32, #tpu.memory_space<vmem>>
    %dma_wait3A_706 = arith.constant 0 : i32
    %dma_wait3A_707 = tpu.memref_slice %arg8[%dma_wait3A_701, %dma_wait3A_706] : memref<80x64xi32, #tpu.memory_space<vmem>> -> memref<1x64xi32, #tpu.memory_space<vmem>>
    %dma_wait3A_708 = tpu.memref_squeeze %dma_wait3A_707 : memref<1x64xi32, #tpu.memory_space<vmem>> -> memref<64xi32, #tpu.memory_space<vmem>>
    %dma_wait3A_709 = arith.constant 0 : i32
    %dma_wait3A_710 = arith.constant 0 : i32
    %dma_wait3A_711 = tpu.memref_slice %arg10[%dma_wait3A_709, %dma_wait3A_710] : memref<10240x128xf32, #tpu.memory_space<vmem_shared>> -> memref<10240x128xf32, #tpu.memory_space<vmem_shared>>
    tpu.wait_indirect_dma semaphore(%arg12 : memref<!tpu.dma_semaphore, #tpu.memory_space<semaphore_mem>>) src(%dma_wait3A_705 : memref<64x128xf32, #tpu.memory_space<vmem>>) dst(%dma_wait3A_711 : memref<10240x128xf32, #tpu.memory_space<vmem_shared>>)
    %dma_wait3A_712 = arith.constant 3 : i32
    %dma_wait3A_713 = arith.constant 79 : i32
    %dma_wait3A_714 = arith.constant 0 : i32
    %dma_wait3A_715 = arith.constant 0 : i32
    %dma_wait3A_716 = tpu.memref_slice %arg9[%dma_wait3A_712, %dma_wait3A_714, %dma_wait3A_715] : memref<4x64x128xf32, #tpu.memory_space<vmem>> -> memref<1x64x128xf32, #tpu.memory_space<vmem>>
    %dma_wait3A_717 = tpu.memref_squeeze %dma_wait3A_716 : memref<1x64x128xf32, #tpu.memory_space<vmem>> -> memref<64x128xf32, #tpu.memory_space<vmem>>
    %dma_wait3A_718 = arith.constant 0 : i32
    %dma_wait3A_719 = tpu.memref_slice %arg8[%dma_wait3A_713, %dma_wait3A_718] : memref<80x64xi32, #tpu.memory_space<vmem>> -> memref<1x64xi32, #tpu.memory_space<vmem>>
    %dma_wait3A_720 = tpu.memref_squeeze %dma_wait3A_719 : memref<1x64xi32, #tpu.memory_space<vmem>> -> memref<64xi32, #tpu.memory_space<vmem>>
    %dma_wait3A_721 = arith.constant 0 : i32
    %dma_wait3A_722 = arith.constant 0 : i32
    %dma_wait3A_723 = tpu.memref_slice %arg10[%dma_wait3A_721, %dma_wait3A_722] : memref<10240x128xf32, #tpu.memory_space<vmem_shared>> -> memref<10240x128xf32, #tpu.memory_space<vmem_shared>>
    tpu.wait_indirect_dma semaphore(%arg12 : memref<!tpu.dma_semaphore, #tpu.memory_space<semaphore_mem>>) src(%dma_wait3A_717 : memref<64x128xf32, #tpu.memory_space<vmem>>) dst(%dma_wait3A_723 : memref<10240x128xf32, #tpu.memory_space<vmem_shared>>)
    %barrier3A_724 = arith.constant 0 : index
    tpu.barrier barrier_id(%barrier3A_724)
    %mul3A_725 = arith.constant 640 : i32
    %mul3A_726 = arith.muli %arg1, %mul3A_725 : i32
    %mul3A_727 = arith.constant 640 : i32
    %mul3A_728 = arith.muli %arg1, %mul3A_727 : i32
    "tpu.region"() ({
      %run_scoped3A = tpu.sem_alloc : memref<!tpu.dma_semaphore, #tpu.memory_space<semaphore_mem>>
      %dma_start3A_729 = arith.constant 0 : i32
      %dma_start3A_730 = tpu.memref_slice %arg6[%arg0, %mul3A_728, %dma_start3A_729] : memref<2x10240x128xf32, #tpu.memory_space<hbm>> -> memref<1x640x128xf32, #tpu.memory_space<hbm>>
      %dma_start3A_731 = tpu.memref_squeeze %dma_start3A_730 : memref<1x640x128xf32, #tpu.memory_space<hbm>> -> memref<640x128xf32, #tpu.memory_space<hbm>>
      %dma_start3A_732 = arith.constant 0 : i32
      %dma_start3A_733 = tpu.memref_slice %arg10[%mul3A_726, %dma_start3A_732] : memref<10240x128xf32, #tpu.memory_space<vmem_shared>> -> memref<640x128xf32, #tpu.memory_space<vmem_shared>>
      tpu.enqueue_dma source(%dma_start3A_733 : memref<640x128xf32, #tpu.memory_space<vmem_shared>>) target(%dma_start3A_731 : memref<640x128xf32, #tpu.memory_space<hbm>>) target_semaphore(%run_scoped3A : memref<!tpu.dma_semaphore, #tpu.memory_space<semaphore_mem>>)
      %dma_wait3A_734 = arith.constant 0 : i32
      %dma_wait3A_735 = tpu.memref_slice %arg6[%arg0, %mul3A_728, %dma_wait3A_734] : memref<2x10240x128xf32, #tpu.memory_space<hbm>> -> memref<1x640x128xf32, #tpu.memory_space<hbm>>
      %dma_wait3A_736 = tpu.memref_squeeze %dma_wait3A_735 : memref<1x640x128xf32, #tpu.memory_space<hbm>> -> memref<640x128xf32, #tpu.memory_space<hbm>>
      %dma_wait3A_737 = arith.constant 0 : i32
      %dma_wait3A_738 = tpu.memref_slice %arg10[%mul3A_726, %dma_wait3A_737] : memref<10240x128xf32, #tpu.memory_space<vmem_shared>> -> memref<640x128xf32, #tpu.memory_space<vmem_shared>>
      tpu.wait_dma2 semaphore(%run_scoped3A : memref<!tpu.dma_semaphore, #tpu.memory_space<semaphore_mem>>) src(%dma_wait3A_738 : memref<640x128xf32, #tpu.memory_space<vmem_shared>>) dst(%dma_wait3A_736 : memref<640x128xf32, #tpu.memory_space<hbm>>)
      tpu.yield
    }) : () -> ()
    return
  }
}

#map = affine_map<(d0, d1) -> (0, 0, 0)>
#map1 = affine_map<(d0, d1) -> (0)>
#map2 = affine_map<(d0, d1) -> (0, 0)>
module attributes {stable_mosaic.version = 14 : i64} {
  func.func @sc_deg(%arg0: i32, %arg1: i32, %arg2: memref<32x160x64xi32, #tpu.memory_space<hbm>>, %arg3: memref<81920xf32, #tpu.memory_space<hbm>>, %arg4: memref<32x10240xf32, #tpu.memory_space<hbm>>, %arg5: memref<160x64xi32, #tpu.memory_space<vmem>>, %arg6: memref<81936xf32, #tpu.memory_space<vmem>>, %arg7: memref<10240xf32, #tpu.memory_space<vmem>>) attributes {dimension_semantics = [#tpu.dimension_semantics<core_parallel>, #tpu.dimension_semantics<subcore_parallel>], iteration_bounds = array<i64: 2, 16>, scalar_prefetch = 0 : i64, scratch_operands = 3 : i64, tpu.core_type = #tpu.core_type<sc_vector_subcore>, window_params = [{transform_indices = #map}, {transform_indices = #map1}, {transform_indices = #map2}]} {
    %mul3A = arith.constant 2 : i32
    %mul3A_0 = arith.muli %arg1, %mul3A : i32
    %add3A = arith.addi %mul3A_0, %arg0 : i32
    "tpu.region"() ({
      %run_scoped3A = tpu.sem_alloc : memref<!tpu.dma_semaphore, #tpu.memory_space<semaphore_mem>>
      %dma_start3A = arith.constant 0 : i32
      %dma_start3A_31 = arith.constant 0 : i32
      %dma_start3A_32 = tpu.memref_slice %arg2[%add3A, %dma_start3A, %dma_start3A_31] : memref<32x160x64xi32, #tpu.memory_space<hbm>> -> memref<1x160x64xi32, #tpu.memory_space<hbm>>
      %dma_start3A_33 = tpu.memref_squeeze %dma_start3A_32 : memref<1x160x64xi32, #tpu.memory_space<hbm>> -> memref<160x64xi32, #tpu.memory_space<hbm>>
      %dma_start3A_34 = arith.constant 0 : i32
      %dma_start3A_35 = arith.constant 0 : i32
      %dma_start3A_36 = tpu.memref_slice %arg2[%add3A, %dma_start3A_34, %dma_start3A_35] : memref<32x160x64xi32, #tpu.memory_space<hbm>> -> memref<1x160x64xi32, #tpu.memory_space<hbm>>
      %dma_start3A_37 = tpu.memref_squeeze %dma_start3A_36 : memref<1x160x64xi32, #tpu.memory_space<hbm>> -> memref<160x64xi32, #tpu.memory_space<hbm>>
      tpu.enqueue_dma source(%dma_start3A_37 : memref<160x64xi32, #tpu.memory_space<hbm>>) target(%arg5 : memref<160x64xi32, #tpu.memory_space<vmem>>) target_semaphore(%run_scoped3A : memref<!tpu.dma_semaphore, #tpu.memory_space<semaphore_mem>>)
      %dma_wait3A = arith.constant 0 : i32
      %dma_wait3A_38 = arith.constant 0 : i32
      %dma_wait3A_39 = tpu.memref_slice %arg2[%add3A, %dma_wait3A, %dma_wait3A_38] : memref<32x160x64xi32, #tpu.memory_space<hbm>> -> memref<1x160x64xi32, #tpu.memory_space<hbm>>
      %dma_wait3A_40 = tpu.memref_squeeze %dma_wait3A_39 : memref<1x160x64xi32, #tpu.memory_space<hbm>> -> memref<160x64xi32, #tpu.memory_space<hbm>>
      %dma_wait3A_41 = arith.constant 0 : i32
      %dma_wait3A_42 = arith.constant 0 : i32
      %dma_wait3A_43 = tpu.memref_slice %arg2[%add3A, %dma_wait3A_41, %dma_wait3A_42] : memref<32x160x64xi32, #tpu.memory_space<hbm>> -> memref<1x160x64xi32, #tpu.memory_space<hbm>>
      %dma_wait3A_44 = tpu.memref_squeeze %dma_wait3A_43 : memref<1x160x64xi32, #tpu.memory_space<hbm>> -> memref<160x64xi32, #tpu.memory_space<hbm>>
      tpu.wait_dma2 semaphore(%run_scoped3A : memref<!tpu.dma_semaphore, #tpu.memory_space<semaphore_mem>>) src(%dma_wait3A_44 : memref<160x64xi32, #tpu.memory_space<hbm>>) dst(%arg5 : memref<160x64xi32, #tpu.memory_space<vmem>>)
      tpu.yield
    }) : () -> ()
    %iota3A = tpu.iota {dimensions = array<i32: 0>} : vector<16xi32>
    %mul3A_1 = arith.constant 5120 : i32
    %mul3A_2 = vector.broadcast %mul3A_1 : i32 to vector<16xi32>
    %mul3A_3 = arith.muli %iota3A, %mul3A_2 : vector<16xi32>
    %add3A_4 = arith.constant 81920 : i32
    %add3A_5 = vector.broadcast %add3A_4 : i32 to vector<16xi32>
    %add3A_6 = arith.addi %add3A_5, %iota3A : vector<16xi32>
    %broadcast_in_dim3A = arith.constant 1.000000e+00 : f32
    %broadcast_in_dim3A_7 = vector.broadcast %broadcast_in_dim3A : f32 to vector<16xf32>
    "tpu.region"() ({
      %run_scoped3A = tpu.sem_alloc : memref<!tpu.dma_semaphore, #tpu.memory_space<semaphore_mem>>
      %dma_start3A = arith.constant 0 : i32
      %dma_start3A_31 = tpu.memref_slice %arg6[%dma_start3A] : memref<81936xf32, #tpu.memory_space<vmem>> -> memref<81920xf32, #tpu.memory_space<vmem>>
      %dma_start3A_32 = arith.constant 0 : i32
      %dma_start3A_33 = tpu.memref_slice %arg6[%dma_start3A_32] : memref<81936xf32, #tpu.memory_space<vmem>> -> memref<81920xf32, #tpu.memory_space<vmem>>
      tpu.enqueue_dma source(%arg3 : memref<81920xf32, #tpu.memory_space<hbm>>) target(%dma_start3A_33 : memref<81920xf32, #tpu.memory_space<vmem>>) target_semaphore(%run_scoped3A : memref<!tpu.dma_semaphore, #tpu.memory_space<semaphore_mem>>)
      %dma_wait3A = arith.constant 0 : i32
      %dma_wait3A_34 = tpu.memref_slice %arg6[%dma_wait3A] : memref<81936xf32, #tpu.memory_space<vmem>> -> memref<81920xf32, #tpu.memory_space<vmem>>
      %dma_wait3A_35 = arith.constant 0 : i32
      %dma_wait3A_36 = tpu.memref_slice %arg6[%dma_wait3A_35] : memref<81936xf32, #tpu.memory_space<vmem>> -> memref<81920xf32, #tpu.memory_space<vmem>>
      tpu.wait_dma2 semaphore(%run_scoped3A : memref<!tpu.dma_semaphore, #tpu.memory_space<semaphore_mem>>) src(%arg3 : memref<81920xf32, #tpu.memory_space<hbm>>) dst(%dma_wait3A_36 : memref<81920xf32, #tpu.memory_space<vmem>>)
      tpu.yield
    }) : () -> ()
    %scan3A = arith.constant 0 : i32
    %scan3A_8 = arith.constant 0 : i32
    %scan3A_9 = arith.constant 160 : i32
    %scan3A_10 = arith.addi %scan3A_8, %scan3A_9 : i32
    %scan3A_11 = arith.constant 1 : i32
    scf.for %scan3A_31 = %scan3A_8 to %scan3A_10 step %scan3A_11  : i32 {
      %get3A = arith.index_cast %scan3A_31 : i32 to index
      %get3A_32 = arith.constant 0 : index
      %get3A_33 = tpu.vector_load %arg5[%get3A, %get3A_32] {strides = array<i32>} : memref<160x64xi32, #tpu.memory_space<vmem>>, vector<16xi32>,
      %sub3A = arith.constant 0 : i32
      %sub3A_34 = vector.broadcast %sub3A : i32 to vector<16xi32>
      %sub3A_35 = arith.subi %get3A_33, %sub3A_34 : vector<16xi32>
      %ge3A = arith.constant 0 : i32
      %ge3A_36 = vector.broadcast %ge3A : i32 to vector<16xi32>
      %ge3A_37 = arith.cmpi sge, %sub3A_35, %ge3A_36 : vector<16xi32>
      %lt3A = arith.constant 5120 : i32
      %lt3A_38 = vector.broadcast %lt3A : i32 to vector<16xi32>
      %lt3A_39 = arith.cmpi slt, %sub3A_35, %lt3A_38 : vector<16xi32>
      %and3A = arith.andi %ge3A_37, %lt3A_39 : vector<16xi1>
      %add3A_40 = arith.addi %mul3A_3, %sub3A_35 : vector<16xi32>
      %select_n3A = arith.select %and3A, %add3A_40, %add3A_6 : vector<16xi1>, vector<16xi32>
      %gather3A = tpu.vector_load_idx %arg6[%select_n3A] : memref<81936xf32, #tpu.memory_space<vmem>>[vector<16xi32>], vector<16xf32>,
      %add3A_41 = arith.addf %gather3A, %broadcast_in_dim3A_7 : vector<16xf32>
      tpu.vector_store_idx %arg6[%select_n3A], %add3A_41 : memref<81936xf32, #tpu.memory_space<vmem>>[vector<16xi32>], vector<16xf32>,
      %get3A_42 = arith.index_cast %scan3A_31 : i32 to index
      %get3A_43 = arith.constant 16 : index
      %get3A_44 = tpu.vector_load %arg5[%get3A_42, %get3A_43] {strides = array<i32>} : memref<160x64xi32, #tpu.memory_space<vmem>>, vector<16xi32>,
      %sub3A_45 = arith.constant 0 : i32
      %sub3A_46 = vector.broadcast %sub3A_45 : i32 to vector<16xi32>
      %sub3A_47 = arith.subi %get3A_44, %sub3A_46 : vector<16xi32>
      %ge3A_48 = arith.constant 0 : i32
      %ge3A_49 = vector.broadcast %ge3A_48 : i32 to vector<16xi32>
      %ge3A_50 = arith.cmpi sge, %sub3A_47, %ge3A_49 : vector<16xi32>
      %lt3A_51 = arith.constant 5120 : i32
      %lt3A_52 = vector.broadcast %lt3A_51 : i32 to vector<16xi32>
      %lt3A_53 = arith.cmpi slt, %sub3A_47, %lt3A_52 : vector<16xi32>
      %and3A_54 = arith.andi %ge3A_50, %lt3A_53 : vector<16xi1>
      %add3A_55 = arith.addi %mul3A_3, %sub3A_47 : vector<16xi32>
      %select_n3A_56 = arith.select %and3A_54, %add3A_55, %add3A_6 : vector<16xi1>, vector<16xi32>
      %gather3A_57 = tpu.vector_load_idx %arg6[%select_n3A_56] : memref<81936xf32, #tpu.memory_space<vmem>>[vector<16xi32>], vector<16xf32>,
      %add3A_58 = arith.addf %gather3A_57, %broadcast_in_dim3A_7 : vector<16xf32>
      tpu.vector_store_idx %arg6[%select_n3A_56], %add3A_58 : memref<81936xf32, #tpu.memory_space<vmem>>[vector<16xi32>], vector<16xf32>,
      %get3A_59 = arith.index_cast %scan3A_31 : i32 to index
      %get3A_60 = arith.constant 32 : index
      %get3A_61 = tpu.vector_load %arg5[%get3A_59, %get3A_60] {strides = array<i32>} : memref<160x64xi32, #tpu.memory_space<vmem>>, vector<16xi32>,
      %sub3A_62 = arith.constant 0 : i32
      %sub3A_63 = vector.broadcast %sub3A_62 : i32 to vector<16xi32>
      %sub3A_64 = arith.subi %get3A_61, %sub3A_63 : vector<16xi32>
      %ge3A_65 = arith.constant 0 : i32
      %ge3A_66 = vector.broadcast %ge3A_65 : i32 to vector<16xi32>
      %ge3A_67 = arith.cmpi sge, %sub3A_64, %ge3A_66 : vector<16xi32>
      %lt3A_68 = arith.constant 5120 : i32
      %lt3A_69 = vector.broadcast %lt3A_68 : i32 to vector<16xi32>
      %lt3A_70 = arith.cmpi slt, %sub3A_64, %lt3A_69 : vector<16xi32>
      %and3A_71 = arith.andi %ge3A_67, %lt3A_70 : vector<16xi1>
      %add3A_72 = arith.addi %mul3A_3, %sub3A_64 : vector<16xi32>
      %select_n3A_73 = arith.select %and3A_71, %add3A_72, %add3A_6 : vector<16xi1>, vector<16xi32>
      %gather3A_74 = tpu.vector_load_idx %arg6[%select_n3A_73] : memref<81936xf32, #tpu.memory_space<vmem>>[vector<16xi32>], vector<16xf32>,
      %add3A_75 = arith.addf %gather3A_74, %broadcast_in_dim3A_7 : vector<16xf32>
      tpu.vector_store_idx %arg6[%select_n3A_73], %add3A_75 : memref<81936xf32, #tpu.memory_space<vmem>>[vector<16xi32>], vector<16xf32>,
      %get3A_76 = arith.index_cast %scan3A_31 : i32 to index
      %get3A_77 = arith.constant 48 : index
      %get3A_78 = tpu.vector_load %arg5[%get3A_76, %get3A_77] {strides = array<i32>} : memref<160x64xi32, #tpu.memory_space<vmem>>, vector<16xi32>,
      %sub3A_79 = arith.constant 0 : i32
      %sub3A_80 = vector.broadcast %sub3A_79 : i32 to vector<16xi32>
      %sub3A_81 = arith.subi %get3A_78, %sub3A_80 : vector<16xi32>
      %ge3A_82 = arith.constant 0 : i32
      %ge3A_83 = vector.broadcast %ge3A_82 : i32 to vector<16xi32>
      %ge3A_84 = arith.cmpi sge, %sub3A_81, %ge3A_83 : vector<16xi32>
      %lt3A_85 = arith.constant 5120 : i32
      %lt3A_86 = vector.broadcast %lt3A_85 : i32 to vector<16xi32>
      %lt3A_87 = arith.cmpi slt, %sub3A_81, %lt3A_86 : vector<16xi32>
      %and3A_88 = arith.andi %ge3A_84, %lt3A_87 : vector<16xi1>
      %add3A_89 = arith.addi %mul3A_3, %sub3A_81 : vector<16xi32>
      %select_n3A_90 = arith.select %and3A_88, %add3A_89, %add3A_6 : vector<16xi1>, vector<16xi32>
      %gather3A_91 = tpu.vector_load_idx %arg6[%select_n3A_90] : memref<81936xf32, #tpu.memory_space<vmem>>[vector<16xi32>], vector<16xf32>,
      %add3A_92 = arith.addf %gather3A_91, %broadcast_in_dim3A_7 : vector<16xf32>
      tpu.vector_store_idx %arg6[%select_n3A_90], %add3A_92 : memref<81936xf32, #tpu.memory_space<vmem>>[vector<16xi32>], vector<16xf32>,
    }
    %scan3A_12 = arith.constant 160 : i32
    %scan3A_13 = arith.constant 0 : i32
    %scan3A_14 = arith.constant 0 : i32
    %scan3A_15 = arith.constant 320 : i32
    %scan3A_16 = arith.addi %scan3A_14, %scan3A_15 : i32
    %scan3A_17 = arith.constant 1 : i32
    scf.for %scan3A_31 = %scan3A_14 to %scan3A_16 step %scan3A_17  : i32 {
      %mul3A_32 = arith.constant 16 : i32
      %mul3A_33 = arith.muli %scan3A_31, %mul3A_32 : i32
      %get3A = arith.index_cast %mul3A_33 : i32 to index
      %get3A_34 = tpu.vector_load %arg6[%get3A] {strides = array<i32>} : memref<81936xf32, #tpu.memory_space<vmem>>, vector<16xf32>,
      %mul3A_35 = arith.constant 16 : i32
      %mul3A_36 = arith.muli %scan3A_31, %mul3A_35 : i32
      %add3A_37 = arith.constant 5120 : i32
      %add3A_38 = arith.addi %add3A_37, %mul3A_36 : i32
      %get3A_39 = arith.index_cast %add3A_38 : i32 to index
      %get3A_40 = tpu.vector_load %arg6[%get3A_39] {strides = array<i32>} : memref<81936xf32, #tpu.memory_space<vmem>>, vector<16xf32>,
      %add3A_41 = arith.addf %get3A_34, %get3A_40 : vector<16xf32>
      %mul3A_42 = arith.constant 16 : i32
      %mul3A_43 = arith.muli %scan3A_31, %mul3A_42 : i32
      %add3A_44 = arith.constant 10240 : i32
      %add3A_45 = arith.addi %add3A_44, %mul3A_43 : i32
      %get3A_46 = arith.index_cast %add3A_45 : i32 to index
      %get3A_47 = tpu.vector_load %arg6[%get3A_46] {strides = array<i32>} : memref<81936xf32, #tpu.memory_space<vmem>>, vector<16xf32>,
      %add3A_48 = arith.addf %add3A_41, %get3A_47 : vector<16xf32>
      %mul3A_49 = arith.constant 16 : i32
      %mul3A_50 = arith.muli %scan3A_31, %mul3A_49 : i32
      %add3A_51 = arith.constant 15360 : i32
      %add3A_52 = arith.addi %add3A_51, %mul3A_50 : i32
      %get3A_53 = arith.index_cast %add3A_52 : i32 to index
      %get3A_54 = tpu.vector_load %arg6[%get3A_53] {strides = array<i32>} : memref<81936xf32, #tpu.memory_space<vmem>>, vector<16xf32>,
      %add3A_55 = arith.addf %add3A_48, %get3A_54 : vector<16xf32>
      %mul3A_56 = arith.constant 16 : i32
      %mul3A_57 = arith.muli %scan3A_31, %mul3A_56 : i32
      %add3A_58 = arith.constant 20480 : i32
      %add3A_59 = arith.addi %add3A_58, %mul3A_57 : i32
      %get3A_60 = arith.index_cast %add3A_59 : i32 to index
      %get3A_61 = tpu.vector_load %arg6[%get3A_60] {strides = array<i32>} : memref<81936xf32, #tpu.memory_space<vmem>>, vector<16xf32>,
      %add3A_62 = arith.addf %add3A_55, %get3A_61 : vector<16xf32>
      %mul3A_63 = arith.constant 16 : i32
      %mul3A_64 = arith.muli %scan3A_31, %mul3A_63 : i32
      %add3A_65 = arith.constant 25600 : i32
      %add3A_66 = arith.addi %add3A_65, %mul3A_64 : i32
      %get3A_67 = arith.index_cast %add3A_66 : i32 to index
      %get3A_68 = tpu.vector_load %arg6[%get3A_67] {strides = array<i32>} : memref<81936xf32, #tpu.memory_space<vmem>>, vector<16xf32>,
      %add3A_69 = arith.addf %add3A_62, %get3A_68 : vector<16xf32>
      %mul3A_70 = arith.constant 16 : i32
      %mul3A_71 = arith.muli %scan3A_31, %mul3A_70 : i32
      %add3A_72 = arith.constant 30720 : i32
      %add3A_73 = arith.addi %add3A_72, %mul3A_71 : i32
      %get3A_74 = arith.index_cast %add3A_73 : i32 to index
      %get3A_75 = tpu.vector_load %arg6[%get3A_74] {strides = array<i32>} : memref<81936xf32, #tpu.memory_space<vmem>>, vector<16xf32>,
      %add3A_76 = arith.addf %add3A_69, %get3A_75 : vector<16xf32>
      %mul3A_77 = arith.constant 16 : i32
      %mul3A_78 = arith.muli %scan3A_31, %mul3A_77 : i32
      %add3A_79 = arith.constant 35840 : i32
      %add3A_80 = arith.addi %add3A_79, %mul3A_78 : i32
      %get3A_81 = arith.index_cast %add3A_80 : i32 to index
      %get3A_82 = tpu.vector_load %arg6[%get3A_81] {strides = array<i32>} : memref<81936xf32, #tpu.memory_space<vmem>>, vector<16xf32>,
      %add3A_83 = arith.addf %add3A_76, %get3A_82 : vector<16xf32>
      %mul3A_84 = arith.constant 16 : i32
      %mul3A_85 = arith.muli %scan3A_31, %mul3A_84 : i32
      %add3A_86 = arith.constant 40960 : i32
      %add3A_87 = arith.addi %add3A_86, %mul3A_85 : i32
      %get3A_88 = arith.index_cast %add3A_87 : i32 to index
      %get3A_89 = tpu.vector_load %arg6[%get3A_88] {strides = array<i32>} : memref<81936xf32, #tpu.memory_space<vmem>>, vector<16xf32>,
      %add3A_90 = arith.addf %add3A_83, %get3A_89 : vector<16xf32>
      %mul3A_91 = arith.constant 16 : i32
      %mul3A_92 = arith.muli %scan3A_31, %mul3A_91 : i32
      %add3A_93 = arith.constant 46080 : i32
      %add3A_94 = arith.addi %add3A_93, %mul3A_92 : i32
      %get3A_95 = arith.index_cast %add3A_94 : i32 to index
      %get3A_96 = tpu.vector_load %arg6[%get3A_95] {strides = array<i32>} : memref<81936xf32, #tpu.memory_space<vmem>>, vector<16xf32>,
      %add3A_97 = arith.addf %add3A_90, %get3A_96 : vector<16xf32>
      %mul3A_98 = arith.constant 16 : i32
      %mul3A_99 = arith.muli %scan3A_31, %mul3A_98 : i32
      %add3A_100 = arith.constant 51200 : i32
      %add3A_101 = arith.addi %add3A_100, %mul3A_99 : i32
      %get3A_102 = arith.index_cast %add3A_101 : i32 to index
      %get3A_103 = tpu.vector_load %arg6[%get3A_102] {strides = array<i32>} : memref<81936xf32, #tpu.memory_space<vmem>>, vector<16xf32>,
      %add3A_104 = arith.addf %add3A_97, %get3A_103 : vector<16xf32>
      %mul3A_105 = arith.constant 16 : i32
      %mul3A_106 = arith.muli %scan3A_31, %mul3A_105 : i32
      %add3A_107 = arith.constant 56320 : i32
      %add3A_108 = arith.addi %add3A_107, %mul3A_106 : i32
      %get3A_109 = arith.index_cast %add3A_108 : i32 to index
      %get3A_110 = tpu.vector_load %arg6[%get3A_109] {strides = array<i32>} : memref<81936xf32, #tpu.memory_space<vmem>>, vector<16xf32>,
      %add3A_111 = arith.addf %add3A_104, %get3A_110 : vector<16xf32>
      %mul3A_112 = arith.constant 16 : i32
      %mul3A_113 = arith.muli %scan3A_31, %mul3A_112 : i32
      %add3A_114 = arith.constant 61440 : i32
      %add3A_115 = arith.addi %add3A_114, %mul3A_113 : i32
      %get3A_116 = arith.index_cast %add3A_115 : i32 to index
      %get3A_117 = tpu.vector_load %arg6[%get3A_116] {strides = array<i32>} : memref<81936xf32, #tpu.memory_space<vmem>>, vector<16xf32>,
      %add3A_118 = arith.addf %add3A_111, %get3A_117 : vector<16xf32>
      %mul3A_119 = arith.constant 16 : i32
      %mul3A_120 = arith.muli %scan3A_31, %mul3A_119 : i32
      %add3A_121 = arith.constant 66560 : i32
      %add3A_122 = arith.addi %add3A_121, %mul3A_120 : i32
      %get3A_123 = arith.index_cast %add3A_122 : i32 to index
      %get3A_124 = tpu.vector_load %arg6[%get3A_123] {strides = array<i32>} : memref<81936xf32, #tpu.memory_space<vmem>>, vector<16xf32>,
      %add3A_125 = arith.addf %add3A_118, %get3A_124 : vector<16xf32>
      %mul3A_126 = arith.constant 16 : i32
      %mul3A_127 = arith.muli %scan3A_31, %mul3A_126 : i32
      %add3A_128 = arith.constant 71680 : i32
      %add3A_129 = arith.addi %add3A_128, %mul3A_127 : i32
      %get3A_130 = arith.index_cast %add3A_129 : i32 to index
      %get3A_131 = tpu.vector_load %arg6[%get3A_130] {strides = array<i32>} : memref<81936xf32, #tpu.memory_space<vmem>>, vector<16xf32>,
      %add3A_132 = arith.addf %add3A_125, %get3A_131 : vector<16xf32>
      %mul3A_133 = arith.constant 16 : i32
      %mul3A_134 = arith.muli %scan3A_31, %mul3A_133 : i32
      %add3A_135 = arith.constant 76800 : i32
      %add3A_136 = arith.addi %add3A_135, %mul3A_134 : i32
      %get3A_137 = arith.index_cast %add3A_136 : i32 to index
      %get3A_138 = tpu.vector_load %arg6[%get3A_137] {strides = array<i32>} : memref<81936xf32, #tpu.memory_space<vmem>>, vector<16xf32>,
      %add3A_139 = arith.addf %add3A_132, %get3A_138 : vector<16xf32>
      %mul3A_140 = arith.constant 16 : i32
      %mul3A_141 = arith.muli %scan3A_31, %mul3A_140 : i32
      %add3A_142 = arith.constant 0 : i32
      %add3A_143 = arith.addi %add3A_142, %mul3A_141 : i32
      %swap3A = arith.index_cast %add3A_143 : i32 to index
      %swap3A_144 = tpu.vector_load %arg7[%swap3A] {strides = array<i32>} : memref<10240xf32, #tpu.memory_space<vmem>>, vector<16xf32>,
      tpu.vector_store %arg7[%swap3A], %add3A_139 {strides = array<i32>} : memref<10240xf32, #tpu.memory_space<vmem>>, vector<16xf32>,
    }
    %scan3A_18 = arith.constant 320 : i32
    "tpu.region"() ({
      %run_scoped3A = tpu.sem_alloc : memref<!tpu.dma_semaphore, #tpu.memory_space<semaphore_mem>>
      %dma_start3A = arith.constant 0 : i32
      %dma_start3A_31 = tpu.memref_slice %arg6[%dma_start3A] : memref<81936xf32, #tpu.memory_space<vmem>> -> memref<81920xf32, #tpu.memory_space<vmem>>
      %dma_start3A_32 = arith.constant 0 : i32
      %dma_start3A_33 = tpu.memref_slice %arg6[%dma_start3A_32] : memref<81936xf32, #tpu.memory_space<vmem>> -> memref<81920xf32, #tpu.memory_space<vmem>>
      tpu.enqueue_dma source(%arg3 : memref<81920xf32, #tpu.memory_space<hbm>>) target(%dma_start3A_33 : memref<81920xf32, #tpu.memory_space<vmem>>) target_semaphore(%run_scoped3A : memref<!tpu.dma_semaphore, #tpu.memory_space<semaphore_mem>>)
      %dma_wait3A = arith.constant 0 : i32
      %dma_wait3A_34 = tpu.memref_slice %arg6[%dma_wait3A] : memref<81936xf32, #tpu.memory_space<vmem>> -> memref<81920xf32, #tpu.memory_space<vmem>>
      %dma_wait3A_35 = arith.constant 0 : i32
      %dma_wait3A_36 = tpu.memref_slice %arg6[%dma_wait3A_35] : memref<81936xf32, #tpu.memory_space<vmem>> -> memref<81920xf32, #tpu.memory_space<vmem>>
      tpu.wait_dma2 semaphore(%run_scoped3A : memref<!tpu.dma_semaphore, #tpu.memory_space<semaphore_mem>>) src(%arg3 : memref<81920xf32, #tpu.memory_space<hbm>>) dst(%dma_wait3A_36 : memref<81920xf32, #tpu.memory_space<vmem>>)
      tpu.yield
    }) : () -> ()
    %scan3A_19 = arith.constant 0 : i32
    %scan3A_20 = arith.constant 0 : i32
    %scan3A_21 = arith.constant 160 : i32
    %scan3A_22 = arith.addi %scan3A_20, %scan3A_21 : i32
    %scan3A_23 = arith.constant 1 : i32
    scf.for %scan3A_31 = %scan3A_20 to %scan3A_22 step %scan3A_23  : i32 {
      %get3A = arith.index_cast %scan3A_31 : i32 to index
      %get3A_32 = arith.constant 0 : index
      %get3A_33 = tpu.vector_load %arg5[%get3A, %get3A_32] {strides = array<i32>} : memref<160x64xi32, #tpu.memory_space<vmem>>, vector<16xi32>,
      %sub3A = arith.constant 5120 : i32
      %sub3A_34 = vector.broadcast %sub3A : i32 to vector<16xi32>
      %sub3A_35 = arith.subi %get3A_33, %sub3A_34 : vector<16xi32>
      %ge3A = arith.constant 0 : i32
      %ge3A_36 = vector.broadcast %ge3A : i32 to vector<16xi32>
      %ge3A_37 = arith.cmpi sge, %sub3A_35, %ge3A_36 : vector<16xi32>
      %lt3A = arith.constant 5120 : i32
      %lt3A_38 = vector.broadcast %lt3A : i32 to vector<16xi32>
      %lt3A_39 = arith.cmpi slt, %sub3A_35, %lt3A_38 : vector<16xi32>
      %and3A = arith.andi %ge3A_37, %lt3A_39 : vector<16xi1>
      %add3A_40 = arith.addi %mul3A_3, %sub3A_35 : vector<16xi32>
      %select_n3A = arith.select %and3A, %add3A_40, %add3A_6 : vector<16xi1>, vector<16xi32>
      %gather3A = tpu.vector_load_idx %arg6[%select_n3A] : memref<81936xf32, #tpu.memory_space<vmem>>[vector<16xi32>], vector<16xf32>,
      %add3A_41 = arith.addf %gather3A, %broadcast_in_dim3A_7 : vector<16xf32>
      tpu.vector_store_idx %arg6[%select_n3A], %add3A_41 : memref<81936xf32, #tpu.memory_space<vmem>>[vector<16xi32>], vector<16xf32>,
      %get3A_42 = arith.index_cast %scan3A_31 : i32 to index
      %get3A_43 = arith.constant 16 : index
      %get3A_44 = tpu.vector_load %arg5[%get3A_42, %get3A_43] {strides = array<i32>} : memref<160x64xi32, #tpu.memory_space<vmem>>, vector<16xi32>,
      %sub3A_45 = arith.constant 5120 : i32
      %sub3A_46 = vector.broadcast %sub3A_45 : i32 to vector<16xi32>
      %sub3A_47 = arith.subi %get3A_44, %sub3A_46 : vector<16xi32>
      %ge3A_48 = arith.constant 0 : i32
      %ge3A_49 = vector.broadcast %ge3A_48 : i32 to vector<16xi32>
      %ge3A_50 = arith.cmpi sge, %sub3A_47, %ge3A_49 : vector<16xi32>
      %lt3A_51 = arith.constant 5120 : i32
      %lt3A_52 = vector.broadcast %lt3A_51 : i32 to vector<16xi32>
      %lt3A_53 = arith.cmpi slt, %sub3A_47, %lt3A_52 : vector<16xi32>
      %and3A_54 = arith.andi %ge3A_50, %lt3A_53 : vector<16xi1>
      %add3A_55 = arith.addi %mul3A_3, %sub3A_47 : vector<16xi32>
      %select_n3A_56 = arith.select %and3A_54, %add3A_55, %add3A_6 : vector<16xi1>, vector<16xi32>
      %gather3A_57 = tpu.vector_load_idx %arg6[%select_n3A_56] : memref<81936xf32, #tpu.memory_space<vmem>>[vector<16xi32>], vector<16xf32>,
      %add3A_58 = arith.addf %gather3A_57, %broadcast_in_dim3A_7 : vector<16xf32>
      tpu.vector_store_idx %arg6[%select_n3A_56], %add3A_58 : memref<81936xf32, #tpu.memory_space<vmem>>[vector<16xi32>], vector<16xf32>,
      %get3A_59 = arith.index_cast %scan3A_31 : i32 to index
      %get3A_60 = arith.constant 32 : index
      %get3A_61 = tpu.vector_load %arg5[%get3A_59, %get3A_60] {strides = array<i32>} : memref<160x64xi32, #tpu.memory_space<vmem>>, vector<16xi32>,
      %sub3A_62 = arith.constant 5120 : i32
      %sub3A_63 = vector.broadcast %sub3A_62 : i32 to vector<16xi32>
      %sub3A_64 = arith.subi %get3A_61, %sub3A_63 : vector<16xi32>
      %ge3A_65 = arith.constant 0 : i32
      %ge3A_66 = vector.broadcast %ge3A_65 : i32 to vector<16xi32>
      %ge3A_67 = arith.cmpi sge, %sub3A_64, %ge3A_66 : vector<16xi32>
      %lt3A_68 = arith.constant 5120 : i32
      %lt3A_69 = vector.broadcast %lt3A_68 : i32 to vector<16xi32>
      %lt3A_70 = arith.cmpi slt, %sub3A_64, %lt3A_69 : vector<16xi32>
      %and3A_71 = arith.andi %ge3A_67, %lt3A_70 : vector<16xi1>
      %add3A_72 = arith.addi %mul3A_3, %sub3A_64 : vector<16xi32>
      %select_n3A_73 = arith.select %and3A_71, %add3A_72, %add3A_6 : vector<16xi1>, vector<16xi32>
      %gather3A_74 = tpu.vector_load_idx %arg6[%select_n3A_73] : memref<81936xf32, #tpu.memory_space<vmem>>[vector<16xi32>], vector<16xf32>,
      %add3A_75 = arith.addf %gather3A_74, %broadcast_in_dim3A_7 : vector<16xf32>
      tpu.vector_store_idx %arg6[%select_n3A_73], %add3A_75 : memref<81936xf32, #tpu.memory_space<vmem>>[vector<16xi32>], vector<16xf32>,
      %get3A_76 = arith.index_cast %scan3A_31 : i32 to index
      %get3A_77 = arith.constant 48 : index
      %get3A_78 = tpu.vector_load %arg5[%get3A_76, %get3A_77] {strides = array<i32>} : memref<160x64xi32, #tpu.memory_space<vmem>>, vector<16xi32>,
      %sub3A_79 = arith.constant 5120 : i32
      %sub3A_80 = vector.broadcast %sub3A_79 : i32 to vector<16xi32>
      %sub3A_81 = arith.subi %get3A_78, %sub3A_80 : vector<16xi32>
      %ge3A_82 = arith.constant 0 : i32
      %ge3A_83 = vector.broadcast %ge3A_82 : i32 to vector<16xi32>
      %ge3A_84 = arith.cmpi sge, %sub3A_81, %ge3A_83 : vector<16xi32>
      %lt3A_85 = arith.constant 5120 : i32
      %lt3A_86 = vector.broadcast %lt3A_85 : i32 to vector<16xi32>
      %lt3A_87 = arith.cmpi slt, %sub3A_81, %lt3A_86 : vector<16xi32>
      %and3A_88 = arith.andi %ge3A_84, %lt3A_87 : vector<16xi1>
      %add3A_89 = arith.addi %mul3A_3, %sub3A_81 : vector<16xi32>
      %select_n3A_90 = arith.select %and3A_88, %add3A_89, %add3A_6 : vector<16xi1>, vector<16xi32>
      %gather3A_91 = tpu.vector_load_idx %arg6[%select_n3A_90] : memref<81936xf32, #tpu.memory_space<vmem>>[vector<16xi32>], vector<16xf32>,
      %add3A_92 = arith.addf %gather3A_91, %broadcast_in_dim3A_7 : vector<16xf32>
      tpu.vector_store_idx %arg6[%select_n3A_90], %add3A_92 : memref<81936xf32, #tpu.memory_space<vmem>>[vector<16xi32>], vector<16xf32>,
    }
    %scan3A_24 = arith.constant 160 : i32
    %scan3A_25 = arith.constant 0 : i32
    %scan3A_26 = arith.constant 0 : i32
    %scan3A_27 = arith.constant 320 : i32
    %scan3A_28 = arith.addi %scan3A_26, %scan3A_27 : i32
    %scan3A_29 = arith.constant 1 : i32
    scf.for %scan3A_31 = %scan3A_26 to %scan3A_28 step %scan3A_29  : i32 {
      %mul3A_32 = arith.constant 16 : i32
      %mul3A_33 = arith.muli %scan3A_31, %mul3A_32 : i32
      %get3A = arith.index_cast %mul3A_33 : i32 to index
      %get3A_34 = tpu.vector_load %arg6[%get3A] {strides = array<i32>} : memref<81936xf32, #tpu.memory_space<vmem>>, vector<16xf32>,
      %mul3A_35 = arith.constant 16 : i32
      %mul3A_36 = arith.muli %scan3A_31, %mul3A_35 : i32
      %add3A_37 = arith.constant 5120 : i32
      %add3A_38 = arith.addi %add3A_37, %mul3A_36 : i32
      %get3A_39 = arith.index_cast %add3A_38 : i32 to index
      %get3A_40 = tpu.vector_load %arg6[%get3A_39] {strides = array<i32>} : memref<81936xf32, #tpu.memory_space<vmem>>, vector<16xf32>,
      %add3A_41 = arith.addf %get3A_34, %get3A_40 : vector<16xf32>
      %mul3A_42 = arith.constant 16 : i32
      %mul3A_43 = arith.muli %scan3A_31, %mul3A_42 : i32
      %add3A_44 = arith.constant 10240 : i32
      %add3A_45 = arith.addi %add3A_44, %mul3A_43 : i32
      %get3A_46 = arith.index_cast %add3A_45 : i32 to index
      %get3A_47 = tpu.vector_load %arg6[%get3A_46] {strides = array<i32>} : memref<81936xf32, #tpu.memory_space<vmem>>, vector<16xf32>,
      %add3A_48 = arith.addf %add3A_41, %get3A_47 : vector<16xf32>
      %mul3A_49 = arith.constant 16 : i32
      %mul3A_50 = arith.muli %scan3A_31, %mul3A_49 : i32
      %add3A_51 = arith.constant 15360 : i32
      %add3A_52 = arith.addi %add3A_51, %mul3A_50 : i32
      %get3A_53 = arith.index_cast %add3A_52 : i32 to index
      %get3A_54 = tpu.vector_load %arg6[%get3A_53] {strides = array<i32>} : memref<81936xf32, #tpu.memory_space<vmem>>, vector<16xf32>,
      %add3A_55 = arith.addf %add3A_48, %get3A_54 : vector<16xf32>
      %mul3A_56 = arith.constant 16 : i32
      %mul3A_57 = arith.muli %scan3A_31, %mul3A_56 : i32
      %add3A_58 = arith.constant 20480 : i32
      %add3A_59 = arith.addi %add3A_58, %mul3A_57 : i32
      %get3A_60 = arith.index_cast %add3A_59 : i32 to index
      %get3A_61 = tpu.vector_load %arg6[%get3A_60] {strides = array<i32>} : memref<81936xf32, #tpu.memory_space<vmem>>, vector<16xf32>,
      %add3A_62 = arith.addf %add3A_55, %get3A_61 : vector<16xf32>
      %mul3A_63 = arith.constant 16 : i32
      %mul3A_64 = arith.muli %scan3A_31, %mul3A_63 : i32
      %add3A_65 = arith.constant 25600 : i32
      %add3A_66 = arith.addi %add3A_65, %mul3A_64 : i32
      %get3A_67 = arith.index_cast %add3A_66 : i32 to index
      %get3A_68 = tpu.vector_load %arg6[%get3A_67] {strides = array<i32>} : memref<81936xf32, #tpu.memory_space<vmem>>, vector<16xf32>,
      %add3A_69 = arith.addf %add3A_62, %get3A_68 : vector<16xf32>
      %mul3A_70 = arith.constant 16 : i32
      %mul3A_71 = arith.muli %scan3A_31, %mul3A_70 : i32
      %add3A_72 = arith.constant 30720 : i32
      %add3A_73 = arith.addi %add3A_72, %mul3A_71 : i32
      %get3A_74 = arith.index_cast %add3A_73 : i32 to index
      %get3A_75 = tpu.vector_load %arg6[%get3A_74] {strides = array<i32>} : memref<81936xf32, #tpu.memory_space<vmem>>, vector<16xf32>,
      %add3A_76 = arith.addf %add3A_69, %get3A_75 : vector<16xf32>
      %mul3A_77 = arith.constant 16 : i32
      %mul3A_78 = arith.muli %scan3A_31, %mul3A_77 : i32
      %add3A_79 = arith.constant 35840 : i32
      %add3A_80 = arith.addi %add3A_79, %mul3A_78 : i32
      %get3A_81 = arith.index_cast %add3A_80 : i32 to index
      %get3A_82 = tpu.vector_load %arg6[%get3A_81] {strides = array<i32>} : memref<81936xf32, #tpu.memory_space<vmem>>, vector<16xf32>,
      %add3A_83 = arith.addf %add3A_76, %get3A_82 : vector<16xf32>
      %mul3A_84 = arith.constant 16 : i32
      %mul3A_85 = arith.muli %scan3A_31, %mul3A_84 : i32
      %add3A_86 = arith.constant 40960 : i32
      %add3A_87 = arith.addi %add3A_86, %mul3A_85 : i32
      %get3A_88 = arith.index_cast %add3A_87 : i32 to index
      %get3A_89 = tpu.vector_load %arg6[%get3A_88] {strides = array<i32>} : memref<81936xf32, #tpu.memory_space<vmem>>, vector<16xf32>,
      %add3A_90 = arith.addf %add3A_83, %get3A_89 : vector<16xf32>
      %mul3A_91 = arith.constant 16 : i32
      %mul3A_92 = arith.muli %scan3A_31, %mul3A_91 : i32
      %add3A_93 = arith.constant 46080 : i32
      %add3A_94 = arith.addi %add3A_93, %mul3A_92 : i32
      %get3A_95 = arith.index_cast %add3A_94 : i32 to index
      %get3A_96 = tpu.vector_load %arg6[%get3A_95] {strides = array<i32>} : memref<81936xf32, #tpu.memory_space<vmem>>, vector<16xf32>,
      %add3A_97 = arith.addf %add3A_90, %get3A_96 : vector<16xf32>
      %mul3A_98 = arith.constant 16 : i32
      %mul3A_99 = arith.muli %scan3A_31, %mul3A_98 : i32
      %add3A_100 = arith.constant 51200 : i32
      %add3A_101 = arith.addi %add3A_100, %mul3A_99 : i32
      %get3A_102 = arith.index_cast %add3A_101 : i32 to index
      %get3A_103 = tpu.vector_load %arg6[%get3A_102] {strides = array<i32>} : memref<81936xf32, #tpu.memory_space<vmem>>, vector<16xf32>,
      %add3A_104 = arith.addf %add3A_97, %get3A_103 : vector<16xf32>
      %mul3A_105 = arith.constant 16 : i32
      %mul3A_106 = arith.muli %scan3A_31, %mul3A_105 : i32
      %add3A_107 = arith.constant 56320 : i32
      %add3A_108 = arith.addi %add3A_107, %mul3A_106 : i32
      %get3A_109 = arith.index_cast %add3A_108 : i32 to index
      %get3A_110 = tpu.vector_load %arg6[%get3A_109] {strides = array<i32>} : memref<81936xf32, #tpu.memory_space<vmem>>, vector<16xf32>,
      %add3A_111 = arith.addf %add3A_104, %get3A_110 : vector<16xf32>
      %mul3A_112 = arith.constant 16 : i32
      %mul3A_113 = arith.muli %scan3A_31, %mul3A_112 : i32
      %add3A_114 = arith.constant 61440 : i32
      %add3A_115 = arith.addi %add3A_114, %mul3A_113 : i32
      %get3A_116 = arith.index_cast %add3A_115 : i32 to index
      %get3A_117 = tpu.vector_load %arg6[%get3A_116] {strides = array<i32>} : memref<81936xf32, #tpu.memory_space<vmem>>, vector<16xf32>,
      %add3A_118 = arith.addf %add3A_111, %get3A_117 : vector<16xf32>
      %mul3A_119 = arith.constant 16 : i32
      %mul3A_120 = arith.muli %scan3A_31, %mul3A_119 : i32
      %add3A_121 = arith.constant 66560 : i32
      %add3A_122 = arith.addi %add3A_121, %mul3A_120 : i32
      %get3A_123 = arith.index_cast %add3A_122 : i32 to index
      %get3A_124 = tpu.vector_load %arg6[%get3A_123] {strides = array<i32>} : memref<81936xf32, #tpu.memory_space<vmem>>, vector<16xf32>,
      %add3A_125 = arith.addf %add3A_118, %get3A_124 : vector<16xf32>
      %mul3A_126 = arith.constant 16 : i32
      %mul3A_127 = arith.muli %scan3A_31, %mul3A_126 : i32
      %add3A_128 = arith.constant 71680 : i32
      %add3A_129 = arith.addi %add3A_128, %mul3A_127 : i32
      %get3A_130 = arith.index_cast %add3A_129 : i32 to index
      %get3A_131 = tpu.vector_load %arg6[%get3A_130] {strides = array<i32>} : memref<81936xf32, #tpu.memory_space<vmem>>, vector<16xf32>,
      %add3A_132 = arith.addf %add3A_125, %get3A_131 : vector<16xf32>
      %mul3A_133 = arith.constant 16 : i32
      %mul3A_134 = arith.muli %scan3A_31, %mul3A_133 : i32
      %add3A_135 = arith.constant 76800 : i32
      %add3A_136 = arith.addi %add3A_135, %mul3A_134 : i32
      %get3A_137 = arith.index_cast %add3A_136 : i32 to index
      %get3A_138 = tpu.vector_load %arg6[%get3A_137] {strides = array<i32>} : memref<81936xf32, #tpu.memory_space<vmem>>, vector<16xf32>,
      %add3A_139 = arith.addf %add3A_132, %get3A_138 : vector<16xf32>
      %mul3A_140 = arith.constant 16 : i32
      %mul3A_141 = arith.muli %scan3A_31, %mul3A_140 : i32
      %add3A_142 = arith.constant 5120 : i32
      %add3A_143 = arith.addi %add3A_142, %mul3A_141 : i32
      %swap3A = arith.index_cast %add3A_143 : i32 to index
      %swap3A_144 = tpu.vector_load %arg7[%swap3A] {strides = array<i32>} : memref<10240xf32, #tpu.memory_space<vmem>>, vector<16xf32>,
      tpu.vector_store %arg7[%swap3A], %add3A_139 {strides = array<i32>} : memref<10240xf32, #tpu.memory_space<vmem>>, vector<16xf32>,
    }
    %scan3A_30 = arith.constant 320 : i32
    "tpu.region"() ({
      %run_scoped3A = tpu.sem_alloc : memref<!tpu.dma_semaphore, #tpu.memory_space<semaphore_mem>>
      %dma_start3A = arith.constant 0 : i32
      %dma_start3A_31 = tpu.memref_slice %arg4[%add3A, %dma_start3A] : memref<32x10240xf32, #tpu.memory_space<hbm>> -> memref<1x10240xf32, #tpu.memory_space<hbm>>
      %dma_start3A_32 = tpu.memref_squeeze %dma_start3A_31 : memref<1x10240xf32, #tpu.memory_space<hbm>> -> memref<10240xf32, #tpu.memory_space<hbm>>
      %dma_start3A_33 = arith.constant 0 : i32
      %dma_start3A_34 = tpu.memref_slice %arg4[%add3A, %dma_start3A_33] : memref<32x10240xf32, #tpu.memory_space<hbm>> -> memref<1x10240xf32, #tpu.memory_space<hbm>>
      %dma_start3A_35 = tpu.memref_squeeze %dma_start3A_34 : memref<1x10240xf32, #tpu.memory_space<hbm>> -> memref<10240xf32, #tpu.memory_space<hbm>>
      tpu.enqueue_dma source(%arg7 : memref<10240xf32, #tpu.memory_space<vmem>>) target(%dma_start3A_35 : memref<10240xf32, #tpu.memory_space<hbm>>) target_semaphore(%run_scoped3A : memref<!tpu.dma_semaphore, #tpu.memory_space<semaphore_mem>>)
      %dma_wait3A = arith.constant 0 : i32
      %dma_wait3A_36 = tpu.memref_slice %arg4[%add3A, %dma_wait3A] : memref<32x10240xf32, #tpu.memory_space<hbm>> -> memref<1x10240xf32, #tpu.memory_space<hbm>>
      %dma_wait3A_37 = tpu.memref_squeeze %dma_wait3A_36 : memref<1x10240xf32, #tpu.memory_space<hbm>> -> memref<10240xf32, #tpu.memory_space<hbm>>
      %dma_wait3A_38 = arith.constant 0 : i32
      %dma_wait3A_39 = tpu.memref_slice %arg4[%add3A, %dma_wait3A_38] : memref<32x10240xf32, #tpu.memory_space<hbm>> -> memref<1x10240xf32, #tpu.memory_space<hbm>>
      %dma_wait3A_40 = tpu.memref_squeeze %dma_wait3A_39 : memref<1x10240xf32, #tpu.memory_space<hbm>> -> memref<10240xf32, #tpu.memory_space<hbm>>
      tpu.wait_dma2 semaphore(%run_scoped3A : memref<!tpu.dma_semaphore, #tpu.memory_space<semaphore_mem>>) src(%arg7 : memref<10240xf32, #tpu.memory_space<vmem>>) dst(%dma_wait3A_40 : memref<10240xf32, #tpu.memory_space<hbm>>)
      tpu.yield
    }) : () -> ()
    return
  }
}

#map = affine_map<(d0, d1) -> (0, 0)>
#map1 = affine_map<(d0, d1) -> (0, 0, 0)>
module attributes {stable_mosaic.version = 14 : i64} {
  func.func @sc_agg(%arg0: i32, %arg1: i32, %arg2: memref<10240x128xf32, #tpu.memory_space<hbm>>, %arg3: memref<32x10240xi32, #tpu.memory_space<hbm>>, %arg4: memref<32x160x64xi32, #tpu.memory_space<hbm>>, %arg5: memref<640x128xf32, #tpu.memory_space<hbm>>, %arg6: memref<2x10240x128xf32, #tpu.memory_space<hbm>>, %arg7: memref<5120xi32, #tpu.memory_space<vmem>>, %arg8: memref<80x64xi32, #tpu.memory_space<vmem>>, %arg9: memref<4x64x128xf32, #tpu.memory_space<vmem>>, %arg10: memref<10240x128xf32, #tpu.memory_space<vmem_shared>>, %arg11: memref<!tpu.dma_semaphore, #tpu.memory_space<semaphore_mem>>, %arg12: memref<!tpu.dma_semaphore, #tpu.memory_space<semaphore_mem>>) attributes {dimension_semantics = [#tpu.dimension_semantics<core_parallel>, #tpu.dimension_semantics<subcore_parallel>], iteration_bounds = array<i64: 2, 16>, scalar_prefetch = 0 : i64, scratch_operands = 6 : i64, tpu.core_type = #tpu.core_type<sc_vector_subcore>, window_params = [{transform_indices = #map}, {transform_indices = #map}, {transform_indices = #map1}, {transform_indices = #map}, {transform_indices = #map1}]} {
    %mul3A = arith.constant 2 : i32
    %mul3A_0 = arith.muli %arg1, %mul3A : i32
    %add3A = arith.addi %mul3A_0, %arg0 : i32
    %mul3A_1 = arith.constant 640 : i32
    %mul3A_2 = arith.muli %arg1, %mul3A_1 : i32
    "tpu.region"() ({
      %run_scoped3A = tpu.sem_alloc : memref<!tpu.dma_semaphore, #tpu.memory_space<semaphore_mem>>
      %dma_start3A_729 = arith.constant 0 : i32
      %dma_start3A_730 = tpu.memref_slice %arg10[%mul3A_2, %dma_start3A_729] : memref<10240x128xf32, #tpu.memory_space<vmem_shared>> -> memref<640x128xf32, #tpu.memory_space<vmem_shared>>
      tpu.enqueue_dma source(%arg5 : memref<640x128xf32, #tpu.memory_space<hbm>>) target(%dma_start3A_730 : memref<640x128xf32, #tpu.memory_space<vmem_shared>>) target_semaphore(%run_scoped3A : memref<!tpu.dma_semaphore, #tpu.memory_space<semaphore_mem>>)
      %dma_wait3A_731 = arith.constant 0 : i32
      %dma_wait3A_732 = tpu.memref_slice %arg10[%mul3A_2, %dma_wait3A_731] : memref<10240x128xf32, #tpu.memory_space<vmem_shared>> -> memref<640x128xf32, #tpu.memory_space<vmem_shared>>
      tpu.wait_dma2 semaphore(%run_scoped3A : memref<!tpu.dma_semaphore, #tpu.memory_space<semaphore_mem>>) src(%arg5 : memref<640x128xf32, #tpu.memory_space<hbm>>) dst(%dma_wait3A_732 : memref<640x128xf32, #tpu.memory_space<vmem_shared>>)
      tpu.yield
    }) : () -> ()
    %barrier3A = arith.constant 0 : index
    tpu.barrier barrier_id(%barrier3A)
    "tpu.region"() ({
      %run_scoped3A = tpu.sem_alloc : memref<!tpu.dma_semaphore, #tpu.memory_space<semaphore_mem>>
      %dma_start3A_729 = arith.constant 0 : i32
      %dma_start3A_730 = tpu.memref_slice %arg3[%add3A, %dma_start3A_729] : memref<32x10240xi32, #tpu.memory_space<hbm>> -> memref<1x5120xi32, #tpu.memory_space<hbm>>
      %dma_start3A_731 = tpu.memref_squeeze %dma_start3A_730 : memref<1x5120xi32, #tpu.memory_space<hbm>> -> memref<5120xi32, #tpu.memory_space<hbm>>
      %dma_start3A_732 = arith.constant 0 : i32
      %dma_start3A_733 = tpu.memref_slice %arg3[%add3A, %dma_start3A_732] : memref<32x10240xi32, #tpu.memory_space<hbm>> -> memref<1x5120xi32, #tpu.memory_space<hbm>>
      %dma_start3A_734 = tpu.memref_squeeze %dma_start3A_733 : memref<1x5120xi32, #tpu.memory_space<hbm>> -> memref<5120xi32, #tpu.memory_space<hbm>>
      tpu.enqueue_dma source(%dma_start3A_734 : memref<5120xi32, #tpu.memory_space<hbm>>) target(%arg7 : memref<5120xi32, #tpu.memory_space<vmem>>) target_semaphore(%run_scoped3A : memref<!tpu.dma_semaphore, #tpu.memory_space<semaphore_mem>>)
      %dma_wait3A_735 = arith.constant 0 : i32
      %dma_wait3A_736 = tpu.memref_slice %arg3[%add3A, %dma_wait3A_735] : memref<32x10240xi32, #tpu.memory_space<hbm>> -> memref<1x5120xi32, #tpu.memory_space<hbm>>
      %dma_wait3A_737 = tpu.memref_squeeze %dma_wait3A_736 : memref<1x5120xi32, #tpu.memory_space<hbm>> -> memref<5120xi32, #tpu.memory_space<hbm>>
      %dma_wait3A_738 = arith.constant 0 : i32
      %dma_wait3A_739 = tpu.memref_slice %arg3[%add3A, %dma_wait3A_738] : memref<32x10240xi32, #tpu.memory_space<hbm>> -> memref<1x5120xi32, #tpu.memory_space<hbm>>
      %dma_wait3A_740 = tpu.memref_squeeze %dma_wait3A_739 : memref<1x5120xi32, #tpu.memory_space<hbm>> -> memref<5120xi32, #tpu.memory_space<hbm>>
      tpu.wait_dma2 semaphore(%run_scoped3A : memref<!tpu.dma_semaphore, #tpu.memory_space<semaphore_mem>>) src(%dma_wait3A_740 : memref<5120xi32, #tpu.memory_space<hbm>>) dst(%arg7 : memref<5120xi32, #tpu.memory_space<vmem>>)
      tpu.yield
    }) : () -> ()
    "tpu.region"() ({
      %run_scoped3A = tpu.sem_alloc : memref<!tpu.dma_semaphore, #tpu.memory_space<semaphore_mem>>
      %dma_start3A_729 = arith.constant 0 : i32
      %dma_start3A_730 = arith.constant 0 : i32
      %dma_start3A_731 = tpu.memref_slice %arg4[%add3A, %dma_start3A_729, %dma_start3A_730] : memref<32x160x64xi32, #tpu.memory_space<hbm>> -> memref<1x80x64xi32, #tpu.memory_space<hbm>>
      %dma_start3A_732 = tpu.memref_squeeze %dma_start3A_731 : memref<1x80x64xi32, #tpu.memory_space<hbm>> -> memref<80x64xi32, #tpu.memory_space<hbm>>
      %dma_start3A_733 = arith.constant 0 : i32
      %dma_start3A_734 = arith.constant 0 : i32
      %dma_start3A_735 = tpu.memref_slice %arg4[%add3A, %dma_start3A_733, %dma_start3A_734] : memref<32x160x64xi32, #tpu.memory_space<hbm>> -> memref<1x80x64xi32, #tpu.memory_space<hbm>>
      %dma_start3A_736 = tpu.memref_squeeze %dma_start3A_735 : memref<1x80x64xi32, #tpu.memory_space<hbm>> -> memref<80x64xi32, #tpu.memory_space<hbm>>
      tpu.enqueue_dma source(%dma_start3A_736 : memref<80x64xi32, #tpu.memory_space<hbm>>) target(%arg8 : memref<80x64xi32, #tpu.memory_space<vmem>>) target_semaphore(%run_scoped3A : memref<!tpu.dma_semaphore, #tpu.memory_space<semaphore_mem>>)
      %dma_wait3A_737 = arith.constant 0 : i32
      %dma_wait3A_738 = arith.constant 0 : i32
      %dma_wait3A_739 = tpu.memref_slice %arg4[%add3A, %dma_wait3A_737, %dma_wait3A_738] : memref<32x160x64xi32, #tpu.memory_space<hbm>> -> memref<1x80x64xi32, #tpu.memory_space<hbm>>
      %dma_wait3A_740 = tpu.memref_squeeze %dma_wait3A_739 : memref<1x80x64xi32, #tpu.memory_space<hbm>> -> memref<80x64xi32, #tpu.memory_space<hbm>>
      %dma_wait3A_741 = arith.constant 0 : i32
      %dma_wait3A_742 = arith.constant 0 : i32
      %dma_wait3A_743 = tpu.memref_slice %arg4[%add3A, %dma_wait3A_741, %dma_wait3A_742] : memref<32x160x64xi32, #tpu.memory_space<hbm>> -> memref<1x80x64xi32, #tpu.memory_space<hbm>>
      %dma_wait3A_744 = tpu.memref_squeeze %dma_wait3A_743 : memref<1x80x64xi32, #tpu.memory_space<hbm>> -> memref<80x64xi32, #tpu.memory_space<hbm>>
      tpu.wait_dma2 semaphore(%run_scoped3A : memref<!tpu.dma_semaphore, #tpu.memory_space<semaphore_mem>>) src(%dma_wait3A_744 : memref<80x64xi32, #tpu.memory_space<hbm>>) dst(%arg8 : memref<80x64xi32, #tpu.memory_space<vmem>>)
      tpu.yield
    }) : () -> ()
    %dma_start3A = arith.constant 0 : i32
    %dma_start3A_3 = arith.constant 0 : i32
    %dma_start3A_4 = arith.constant 0 : i32
    %dma_start3A_5 = tpu.memref_slice %arg9[%dma_start3A, %dma_start3A_3, %dma_start3A_4] : memref<4x64x128xf32, #tpu.memory_space<vmem>> -> memref<1x64x128xf32, #tpu.memory_space<vmem>>
    %dma_start3A_6 = tpu.memref_squeeze %dma_start3A_5 : memref<1x64x128xf32, #tpu.memory_space<vmem>> -> memref<64x128xf32, #tpu.memory_space<vmem>>
    %dma_start3A_7 = arith.constant 0 : i32
    %dma_start3A_8 = tpu.memref_slice %arg7[%dma_start3A_7] : memref<5120xi32, #tpu.memory_space<vmem>> -> memref<64xi32, #tpu.memory_space<vmem>>
    %dma_start3A_9 = arith.constant 0 : i32
    %dma_start3A_10 = arith.constant 0 : i32
    %dma_start3A_11 = tpu.memref_slice %arg2[%dma_start3A_9, %dma_start3A_10] : memref<10240x128xf32, #tpu.memory_space<hbm>> -> memref<10240x128xf32, #tpu.memory_space<hbm>>
    tpu.enqueue_indirect_dma source(%dma_start3A_11 : memref<10240x128xf32, #tpu.memory_space<hbm>>) target(%dma_start3A_6 : memref<64x128xf32, #tpu.memory_space<vmem>>) offsets(%dma_start3A_8 : memref<64xi32, #tpu.memory_space<vmem>>) semaphore(%arg11 : memref<!tpu.dma_semaphore, #tpu.memory_space<semaphore_mem>>)
    %dma_start3A_12 = arith.constant 1 : i32
    %dma_start3A_13 = arith.constant 0 : i32
    %dma_start3A_14 = arith.constant 0 : i32
    %dma_start3A_15 = tpu.memref_slice %arg9[%dma_start3A_12, %dma_start3A_13, %dma_start3A_14] : memref<4x64x128xf32, #tpu.memory_space<vmem>> -> memref<1x64x128xf32, #tpu.memory_space<vmem>>
    %dma_start3A_16 = tpu.memref_squeeze %dma_start3A_15 : memref<1x64x128xf32, #tpu.memory_space<vmem>> -> memref<64x128xf32, #tpu.memory_space<vmem>>
    %dma_start3A_17 = arith.constant 64 : i32
    %dma_start3A_18 = tpu.memref_slice %arg7[%dma_start3A_17] : memref<5120xi32, #tpu.memory_space<vmem>> -> memref<64xi32, #tpu.memory_space<vmem>>
    %dma_start3A_19 = arith.constant 0 : i32
    %dma_start3A_20 = arith.constant 0 : i32
    %dma_start3A_21 = tpu.memref_slice %arg2[%dma_start3A_19, %dma_start3A_20] : memref<10240x128xf32, #tpu.memory_space<hbm>> -> memref<10240x128xf32, #tpu.memory_space<hbm>>
    tpu.enqueue_indirect_dma source(%dma_start3A_21 : memref<10240x128xf32, #tpu.memory_space<hbm>>) target(%dma_start3A_16 : memref<64x128xf32, #tpu.memory_space<vmem>>) offsets(%dma_start3A_18 : memref<64xi32, #tpu.memory_space<vmem>>) semaphore(%arg11 : memref<!tpu.dma_semaphore, #tpu.memory_space<semaphore_mem>>)
    %dma_wait3A = arith.constant 0 : i32
    %dma_wait3A_22 = arith.constant 0 : i32
    %dma_wait3A_23 = arith.constant 0 : i32
    %dma_wait3A_24 = tpu.memref_slice %arg9[%dma_wait3A, %dma_wait3A_22, %dma_wait3A_23] : memref<4x64x128xf32, #tpu.memory_space<vmem>> -> memref<1x64x128xf32, #tpu.memory_space<vmem>>
    %dma_wait3A_25 = tpu.memref_squeeze %dma_wait3A_24 : memref<1x64x128xf32, #tpu.memory_space<vmem>> -> memref<64x128xf32, #tpu.memory_space<vmem>>
    %dma_wait3A_26 = arith.constant 0 : i32
    %dma_wait3A_27 = tpu.memref_slice %arg7[%dma_wait3A_26] : memref<5120xi32, #tpu.memory_space<vmem>> -> memref<64xi32, #tpu.memory_space<vmem>>
    %dma_wait3A_28 = arith.constant 0 : i32
    %dma_wait3A_29 = arith.constant 0 : i32
    %dma_wait3A_30 = tpu.memref_slice %arg2[%dma_wait3A_28, %dma_wait3A_29] : memref<10240x128xf32, #tpu.memory_space<hbm>> -> memref<10240x128xf32, #tpu.memory_space<hbm>>
    tpu.wait_indirect_dma semaphore(%arg11 : memref<!tpu.dma_semaphore, #tpu.memory_space<semaphore_mem>>) src(%dma_wait3A_30 : memref<10240x128xf32, #tpu.memory_space<hbm>>) dst(%dma_wait3A_25 : memref<64x128xf32, #tpu.memory_space<vmem>>)
    %dma_start3A_31 = arith.constant 2 : i32
    %dma_start3A_32 = arith.constant 0 : i32
    %dma_start3A_33 = arith.constant 0 : i32
    %dma_start3A_34 = tpu.memref_slice %arg9[%dma_start3A_31, %dma_start3A_32, %dma_start3A_33] : memref<4x64x128xf32, #tpu.memory_space<vmem>> -> memref<1x64x128xf32, #tpu.memory_space<vmem>>
    %dma_start3A_35 = tpu.memref_squeeze %dma_start3A_34 : memref<1x64x128xf32, #tpu.memory_space<vmem>> -> memref<64x128xf32, #tpu.memory_space<vmem>>
    %dma_start3A_36 = arith.constant 128 : i32
    %dma_start3A_37 = tpu.memref_slice %arg7[%dma_start3A_36] : memref<5120xi32, #tpu.memory_space<vmem>> -> memref<64xi32, #tpu.memory_space<vmem>>
    %dma_start3A_38 = arith.constant 0 : i32
    %dma_start3A_39 = arith.constant 0 : i32
    %dma_start3A_40 = tpu.memref_slice %arg2[%dma_start3A_38, %dma_start3A_39] : memref<10240x128xf32, #tpu.memory_space<hbm>> -> memref<10240x128xf32, #tpu.memory_space<hbm>>
    tpu.enqueue_indirect_dma source(%dma_start3A_40 : memref<10240x128xf32, #tpu.memory_space<hbm>>) target(%dma_start3A_35 : memref<64x128xf32, #tpu.memory_space<vmem>>) offsets(%dma_start3A_37 : memref<64xi32, #tpu.memory_space<vmem>>) semaphore(%arg11 : memref<!tpu.dma_semaphore, #tpu.memory_space<semaphore_mem>>)
    %dma_start3A_41 = arith.constant 0 : i32
    %dma_start3A_42 = arith.constant 0 : i32
    %dma_start3A_43 = arith.constant 0 : i32
    %dma_start3A_44 = arith.constant 0 : i32
    %dma_start3A_45 = tpu.memref_slice %arg9[%dma_start3A_41, %dma_start3A_43, %dma_start3A_44] : memref<4x64x128xf32, #tpu.memory_space<vmem>> -> memref<1x64x128xf32, #tpu.memory_space<vmem>>
    %dma_start3A_46 = tpu.memref_squeeze %dma_start3A_45 : memref<1x64x128xf32, #tpu.memory_space<vmem>> -> memref<64x128xf32, #tpu.memory_space<vmem>>
    %dma_start3A_47 = arith.constant 0 : i32
    %dma_start3A_48 = tpu.memref_slice %arg8[%dma_start3A_42, %dma_start3A_47] : memref<80x64xi32, #tpu.memory_space<vmem>> -> memref<1x64xi32, #tpu.memory_space<vmem>>
    %dma_start3A_49 = tpu.memref_squeeze %dma_start3A_48 : memref<1x64xi32, #tpu.memory_space<vmem>> -> memref<64xi32, #tpu.memory_space<vmem>>
    %dma_start3A_50 = arith.constant 0 : i32
    %dma_start3A_51 = arith.constant 0 : i32
    %dma_start3A_52 = tpu.memref_slice %arg10[%dma_start3A_50, %dma_start3A_51] : memref<10240x128xf32, #tpu.memory_space<vmem_shared>> -> memref<10240x128xf32, #tpu.memory_space<vmem_shared>>
    tpu.enqueue_indirect_dma source(%dma_start3A_46 : memref<64x128xf32, #tpu.memory_space<vmem>>) target(%dma_start3A_52 : memref<10240x128xf32, #tpu.memory_space<vmem_shared>>) offsets(%dma_start3A_49 : memref<64xi32, #tpu.memory_space<vmem>>) semaphore(%arg12 : memref<!tpu.dma_semaphore, #tpu.memory_space<semaphore_mem>>) {add = true}
    %dma_wait3A_53 = arith.constant 1 : i32
    %dma_wait3A_54 = arith.constant 0 : i32
    %dma_wait3A_55 = arith.constant 0 : i32
    %dma_wait3A_56 = tpu.memref_slice %arg9[%dma_wait3A_53, %dma_wait3A_54, %dma_wait3A_55] : memref<4x64x128xf32, #tpu.memory_space<vmem>> -> memref<1x64x128xf32, #tpu.memory_space<vmem>>
    %dma_wait3A_57 = tpu.memref_squeeze %dma_wait3A_56 : memref<1x64x128xf32, #tpu.memory_space<vmem>> -> memref<64x128xf32, #tpu.memory_space<vmem>>
    %dma_wait3A_58 = arith.constant 64 : i32
    %dma_wait3A_59 = tpu.memref_slice %arg7[%dma_wait3A_58] : memref<5120xi32, #tpu.memory_space<vmem>> -> memref<64xi32, #tpu.memory_space<vmem>>
    %dma_wait3A_60 = arith.constant 0 : i32
    %dma_wait3A_61 = arith.constant 0 : i32
    %dma_wait3A_62 = tpu.memref_slice %arg2[%dma_wait3A_60, %dma_wait3A_61] : memref<10240x128xf32, #tpu.memory_space<hbm>> -> memref<10240x128xf32, #tpu.memory_space<hbm>>
    tpu.wait_indirect_dma semaphore(%arg11 : memref<!tpu.dma_semaphore, #tpu.memory_space<semaphore_mem>>) src(%dma_wait3A_62 : memref<10240x128xf32, #tpu.memory_space<hbm>>) dst(%dma_wait3A_57 : memref<64x128xf32, #tpu.memory_space<vmem>>)
    %dma_start3A_63 = arith.constant 3 : i32
    %dma_start3A_64 = arith.constant 0 : i32
    %dma_start3A_65 = arith.constant 0 : i32
    %dma_start3A_66 = tpu.memref_slice %arg9[%dma_start3A_63, %dma_start3A_64, %dma_start3A_65] : memref<4x64x128xf32, #tpu.memory_space<vmem>> -> memref<1x64x128xf32, #tpu.memory_space<vmem>>
    %dma_start3A_67 = tpu.memref_squeeze %dma_start3A_66 : memref<1x64x128xf32, #tpu.memory_space<vmem>> -> memref<64x128xf32, #tpu.memory_space<vmem>>
    %dma_start3A_68 = arith.constant 192 : i32
    %dma_start3A_69 = tpu.memref_slice %arg7[%dma_start3A_68] : memref<5120xi32, #tpu.memory_space<vmem>> -> memref<64xi32, #tpu.memory_space<vmem>>
    %dma_start3A_70 = arith.constant 0 : i32
    %dma_start3A_71 = arith.constant 0 : i32
    %dma_start3A_72 = tpu.memref_slice %arg2[%dma_start3A_70, %dma_start3A_71] : memref<10240x128xf32, #tpu.memory_space<hbm>> -> memref<10240x128xf32, #tpu.memory_space<hbm>>
    tpu.enqueue_indirect_dma source(%dma_start3A_72 : memref<10240x128xf32, #tpu.memory_space<hbm>>) target(%dma_start3A_67 : memref<64x128xf32, #tpu.memory_space<vmem>>) offsets(%dma_start3A_69 : memref<64xi32, #tpu.memory_space<vmem>>) semaphore(%arg11 : memref<!tpu.dma_semaphore, #tpu.memory_space<semaphore_mem>>)
    %dma_start3A_73 = arith.constant 1 : i32
    %dma_start3A_74 = arith.constant 1 : i32
    %dma_start3A_75 = arith.constant 0 : i32
    %dma_start3A_76 = arith.constant 0 : i32
    %dma_start3A_77 = tpu.memref_slice %arg9[%dma_start3A_73, %dma_start3A_75, %dma_start3A_76] : memref<4x64x128xf32, #tpu.memory_space<vmem>> -> memref<1x64x128xf32, #tpu.memory_space<vmem>>
    %dma_start3A_78 = tpu.memref_squeeze %dma_start3A_77 : memref<1x64x128xf32, #tpu.memory_space<vmem>> -> memref<64x128xf32, #tpu.memory_space<vmem>>
    %dma_start3A_79 = arith.constant 0 : i32
    %dma_start3A_80 = tpu.memref_slice %arg8[%dma_start3A_74, %dma_start3A_79] : memref<80x64xi32, #tpu.memory_space<vmem>> -> memref<1x64xi32, #tpu.memory_space<vmem>>
    %dma_start3A_81 = tpu.memref_squeeze %dma_start3A_80 : memref<1x64xi32, #tpu.memory_space<vmem>> -> memref<64xi32, #tpu.memory_space<vmem>>
    %dma_start3A_82 = arith.constant 0 : i32
    %dma_start3A_83 = arith.constant 0 : i32
    %dma_start3A_84 = tpu.memref_slice %arg10[%dma_start3A_82, %dma_start3A_83] : memref<10240x128xf32, #tpu.memory_space<vmem_shared>> -> memref<10240x128xf32, #tpu.memory_space<vmem_shared>>
    tpu.enqueue_indirect_dma source(%dma_start3A_78 : memref<64x128xf32, #tpu.memory_space<vmem>>) target(%dma_start3A_84 : memref<10240x128xf32, #tpu.memory_space<vmem_shared>>) offsets(%dma_start3A_81 : memref<64xi32, #tpu.memory_space<vmem>>) semaphore(%arg12 : memref<!tpu.dma_semaphore, #tpu.memory_space<semaphore_mem>>) {add = true}
    %dma_wait3A_85 = arith.constant 2 : i32
    %dma_wait3A_86 = arith.constant 0 : i32
    %dma_wait3A_87 = arith.constant 0 : i32
    %dma_wait3A_88 = tpu.memref_slice %arg9[%dma_wait3A_85, %dma_wait3A_86, %dma_wait3A_87] : memref<4x64x128xf32, #tpu.memory_space<vmem>> -> memref<1x64x128xf32, #tpu.memory_space<vmem>>
    %dma_wait3A_89 = tpu.memref_squeeze %dma_wait3A_88 : memref<1x64x128xf32, #tpu.memory_space<vmem>> -> memref<64x128xf32, #tpu.memory_space<vmem>>
    %dma_wait3A_90 = arith.constant 128 : i32
    %dma_wait3A_91 = tpu.memref_slice %arg7[%dma_wait3A_90] : memref<5120xi32, #tpu.memory_space<vmem>> -> memref<64xi32, #tpu.memory_space<vmem>>
    %dma_wait3A_92 = arith.constant 0 : i32
    %dma_wait3A_93 = arith.constant 0 : i32
    %dma_wait3A_94 = tpu.memref_slice %arg2[%dma_wait3A_92, %dma_wait3A_93] : memref<10240x128xf32, #tpu.memory_space<hbm>> -> memref<10240x128xf32, #tpu.memory_space<hbm>>
    tpu.wait_indirect_dma semaphore(%arg11 : memref<!tpu.dma_semaphore, #tpu.memory_space<semaphore_mem>>) src(%dma_wait3A_94 : memref<10240x128xf32, #tpu.memory_space<hbm>>) dst(%dma_wait3A_89 : memref<64x128xf32, #tpu.memory_space<vmem>>)
    %dma_wait3A_95 = arith.constant 0 : i32
    %dma_wait3A_96 = arith.constant 0 : i32
    %dma_wait3A_97 = arith.constant 0 : i32
    %dma_wait3A_98 = arith.constant 0 : i32
    %dma_wait3A_99 = tpu.memref_slice %arg9[%dma_wait3A_95, %dma_wait3A_97, %dma_wait3A_98] : memref<4x64x128xf32, #tpu.memory_space<vmem>> -> memref<1x64x128xf32, #tpu.memory_space<vmem>>
    %dma_wait3A_100 = tpu.memref_squeeze %dma_wait3A_99 : memref<1x64x128xf32, #tpu.memory_space<vmem>> -> memref<64x128xf32, #tpu.memory_space<vmem>>
    %dma_wait3A_101 = arith.constant 0 : i32
    %dma_wait3A_102 = tpu.memref_slice %arg8[%dma_wait3A_96, %dma_wait3A_101] : memref<80x64xi32, #tpu.memory_space<vmem>> -> memref<1x64xi32, #tpu.memory_space<vmem>>
    %dma_wait3A_103 = tpu.memref_squeeze %dma_wait3A_102 : memref<1x64xi32, #tpu.memory_space<vmem>> -> memref<64xi32, #tpu.memory_space<vmem>>
    %dma_wait3A_104 = arith.constant 0 : i32
    %dma_wait3A_105 = arith.constant 0 : i32
    %dma_wait3A_106 = tpu.memref_slice %arg10[%dma_wait3A_104, %dma_wait3A_105] : memref<10240x128xf32, #tpu.memory_space<vmem_shared>> -> memref<10240x128xf32, #tpu.memory_space<vmem_shared>>
    tpu.wait_indirect_dma semaphore(%arg12 : memref<!tpu.dma_semaphore, #tpu.memory_space<semaphore_mem>>) src(%dma_wait3A_100 : memref<64x128xf32, #tpu.memory_space<vmem>>) dst(%dma_wait3A_106 : memref<10240x128xf32, #tpu.memory_space<vmem_shared>>)
    %dma_start3A_107 = arith.constant 0 : i32
    %dma_start3A_108 = arith.constant 0 : i32
    %dma_start3A_109 = arith.constant 0 : i32
    %dma_start3A_110 = tpu.memref_slice %arg9[%dma_start3A_107, %dma_start3A_108, %dma_start3A_109] : memref<4x64x128xf32, #tpu.memory_space<vmem>> -> memref<1x64x128xf32, #tpu.memory_space<vmem>>
    %dma_start3A_111 = tpu.memref_squeeze %dma_start3A_110 : memref<1x64x128xf32, #tpu.memory_space<vmem>> -> memref<64x128xf32, #tpu.memory_space<vmem>>
    %dma_start3A_112 = arith.constant 256 : i32
    %dma_start3A_113 = tpu.memref_slice %arg7[%dma_start3A_112] : memref<5120xi32, #tpu.memory_space<vmem>> -> memref<64xi32, #tpu.memory_space<vmem>>
    %dma_start3A_114 = arith.constant 0 : i32
    %dma_start3A_115 = arith.constant 0 : i32
    %dma_start3A_116 = tpu.memref_slice %arg2[%dma_start3A_114, %dma_start3A_115] : memref<10240x128xf32, #tpu.memory_space<hbm>> -> memref<10240x128xf32, #tpu.memory_space<hbm>>
    tpu.enqueue_indirect_dma source(%dma_start3A_116 : memref<10240x128xf32, #tpu.memory_space<hbm>>) target(%dma_start3A_111 : memref<64x128xf32, #tpu.memory_space<vmem>>) offsets(%dma_start3A_113 : memref<64xi32, #tpu.memory_space<vmem>>) semaphore(%arg11 : memref<!tpu.dma_semaphore, #tpu.memory_space<semaphore_mem>>)
    %dma_start3A_117 = arith.constant 2 : i32
    %dma_start3A_118 = arith.constant 2 : i32
    %dma_start3A_119 = arith.constant 0 : i32
    %dma_start3A_120 = arith.constant 0 : i32
    %dma_start3A_121 = tpu.memref_slice %arg9[%dma_start3A_117, %dma_start3A_119, %dma_start3A_120] : memref<4x64x128xf32, #tpu.memory_space<vmem>> -> memref<1x64x128xf32, #tpu.memory_space<vmem>>
    %dma_start3A_122 = tpu.memref_squeeze %dma_start3A_121 : memref<1x64x128xf32, #tpu.memory_space<vmem>> -> memref<64x128xf32, #tpu.memory_space<vmem>>
    %dma_start3A_123 = arith.constant 0 : i32
    %dma_start3A_124 = tpu.memref_slice %arg8[%dma_start3A_118, %dma_start3A_123] : memref<80x64xi32, #tpu.memory_space<vmem>> -> memref<1x64xi32, #tpu.memory_space<vmem>>
    %dma_start3A_125 = tpu.memref_squeeze %dma_start3A_124 : memref<1x64xi32, #tpu.memory_space<vmem>> -> memref<64xi32, #tpu.memory_space<vmem>>
    %dma_start3A_126 = arith.constant 0 : i32
    %dma_start3A_127 = arith.constant 0 : i32
    %dma_start3A_128 = tpu.memref_slice %arg10[%dma_start3A_126, %dma_start3A_127] : memref<10240x128xf32, #tpu.memory_space<vmem_shared>> -> memref<10240x128xf32, #tpu.memory_space<vmem_shared>>
    tpu.enqueue_indirect_dma source(%dma_start3A_122 : memref<64x128xf32, #tpu.memory_space<vmem>>) target(%dma_start3A_128 : memref<10240x128xf32, #tpu.memory_space<vmem_shared>>) offsets(%dma_start3A_125 : memref<64xi32, #tpu.memory_space<vmem>>) semaphore(%arg12 : memref<!tpu.dma_semaphore, #tpu.memory_space<semaphore_mem>>) {add = true}
    %dma_wait3A_129 = arith.constant 3 : i32
    %dma_wait3A_130 = arith.constant 0 : i32
    %dma_wait3A_131 = arith.constant 0 : i32
    %dma_wait3A_132 = tpu.memref_slice %arg9[%dma_wait3A_129, %dma_wait3A_130, %dma_wait3A_131] : memref<4x64x128xf32, #tpu.memory_space<vmem>> -> memref<1x64x128xf32, #tpu.memory_space<vmem>>
    %dma_wait3A_133 = tpu.memref_squeeze %dma_wait3A_132 : memref<1x64x128xf32, #tpu.memory_space<vmem>> -> memref<64x128xf32, #tpu.memory_space<vmem>>
    %dma_wait3A_134 = arith.constant 192 : i32
    %dma_wait3A_135 = tpu.memref_slice %arg7[%dma_wait3A_134] : memref<5120xi32, #tpu.memory_space<vmem>> -> memref<64xi32, #tpu.memory_space<vmem>>
    %dma_wait3A_136 = arith.constant 0 : i32
    %dma_wait3A_137 = arith.constant 0 : i32
    %dma_wait3A_138 = tpu.memref_slice %arg2[%dma_wait3A_136, %dma_wait3A_137] : memref<10240x128xf32, #tpu.memory_space<hbm>> -> memref<10240x128xf32, #tpu.memory_space<hbm>>
    tpu.wait_indirect_dma semaphore(%arg11 : memref<!tpu.dma_semaphore, #tpu.memory_space<semaphore_mem>>) src(%dma_wait3A_138 : memref<10240x128xf32, #tpu.memory_space<hbm>>) dst(%dma_wait3A_133 : memref<64x128xf32, #tpu.memory_space<vmem>>)
    %dma_wait3A_139 = arith.constant 1 : i32
    %dma_wait3A_140 = arith.constant 1 : i32
    %dma_wait3A_141 = arith.constant 0 : i32
    %dma_wait3A_142 = arith.constant 0 : i32
    %dma_wait3A_143 = tpu.memref_slice %arg9[%dma_wait3A_139, %dma_wait3A_141, %dma_wait3A_142] : memref<4x64x128xf32, #tpu.memory_space<vmem>> -> memref<1x64x128xf32, #tpu.memory_space<vmem>>
    %dma_wait3A_144 = tpu.memref_squeeze %dma_wait3A_143 : memref<1x64x128xf32, #tpu.memory_space<vmem>> -> memref<64x128xf32, #tpu.memory_space<vmem>>
    %dma_wait3A_145 = arith.constant 0 : i32
    %dma_wait3A_146 = tpu.memref_slice %arg8[%dma_wait3A_140, %dma_wait3A_145] : memref<80x64xi32, #tpu.memory_space<vmem>> -> memref<1x64xi32, #tpu.memory_space<vmem>>
    %dma_wait3A_147 = tpu.memref_squeeze %dma_wait3A_146 : memref<1x64xi32, #tpu.memory_space<vmem>> -> memref<64xi32, #tpu.memory_space<vmem>>
    %dma_wait3A_148 = arith.constant 0 : i32
    %dma_wait3A_149 = arith.constant 0 : i32
    %dma_wait3A_150 = tpu.memref_slice %arg10[%dma_wait3A_148, %dma_wait3A_149] : memref<10240x128xf32, #tpu.memory_space<vmem_shared>> -> memref<10240x128xf32, #tpu.memory_space<vmem_shared>>
    tpu.wait_indirect_dma semaphore(%arg12 : memref<!tpu.dma_semaphore, #tpu.memory_space<semaphore_mem>>) src(%dma_wait3A_144 : memref<64x128xf32, #tpu.memory_space<vmem>>) dst(%dma_wait3A_150 : memref<10240x128xf32, #tpu.memory_space<vmem_shared>>)
    %dma_start3A_151 = arith.constant 1 : i32
    %dma_start3A_152 = arith.constant 0 : i32
    %dma_start3A_153 = arith.constant 0 : i32
    %dma_start3A_154 = tpu.memref_slice %arg9[%dma_start3A_151, %dma_start3A_152, %dma_start3A_153] : memref<4x64x128xf32, #tpu.memory_space<vmem>> -> memref<1x64x128xf32, #tpu.memory_space<vmem>>
    %dma_start3A_155 = tpu.memref_squeeze %dma_start3A_154 : memref<1x64x128xf32, #tpu.memory_space<vmem>> -> memref<64x128xf32, #tpu.memory_space<vmem>>
    %dma_start3A_156 = arith.constant 320 : i32
    %dma_start3A_157 = tpu.memref_slice %arg7[%dma_start3A_156] : memref<5120xi32, #tpu.memory_space<vmem>> -> memref<64xi32, #tpu.memory_space<vmem>>
    %dma_start3A_158 = arith.constant 0 : i32
    %dma_start3A_159 = arith.constant 0 : i32
    %dma_start3A_160 = tpu.memref_slice %arg2[%dma_start3A_158, %dma_start3A_159] : memref<10240x128xf32, #tpu.memory_space<hbm>> -> memref<10240x128xf32, #tpu.memory_space<hbm>>
    tpu.enqueue_indirect_dma source(%dma_start3A_160 : memref<10240x128xf32, #tpu.memory_space<hbm>>) target(%dma_start3A_155 : memref<64x128xf32, #tpu.memory_space<vmem>>) offsets(%dma_start3A_157 : memref<64xi32, #tpu.memory_space<vmem>>) semaphore(%arg11 : memref<!tpu.dma_semaphore, #tpu.memory_space<semaphore_mem>>)
    %dma_start3A_161 = arith.constant 3 : i32
    %dma_start3A_162 = arith.constant 3 : i32
    %dma_start3A_163 = arith.constant 0 : i32
    %dma_start3A_164 = arith.constant 0 : i32
    %dma_start3A_165 = tpu.memref_slice %arg9[%dma_start3A_161, %dma_start3A_163, %dma_start3A_164] : memref<4x64x128xf32, #tpu.memory_space<vmem>> -> memref<1x64x128xf32, #tpu.memory_space<vmem>>
    %dma_start3A_166 = tpu.memref_squeeze %dma_start3A_165 : memref<1x64x128xf32, #tpu.memory_space<vmem>> -> memref<64x128xf32, #tpu.memory_space<vmem>>
    %dma_start3A_167 = arith.constant 0 : i32
    %dma_start3A_168 = tpu.memref_slice %arg8[%dma_start3A_162, %dma_start3A_167] : memref<80x64xi32, #tpu.memory_space<vmem>> -> memref<1x64xi32, #tpu.memory_space<vmem>>
    %dma_start3A_169 = tpu.memref_squeeze %dma_start3A_168 : memref<1x64xi32, #tpu.memory_space<vmem>> -> memref<64xi32, #tpu.memory_space<vmem>>
    %dma_start3A_170 = arith.constant 0 : i32
    %dma_start3A_171 = arith.constant 0 : i32
    %dma_start3A_172 = tpu.memref_slice %arg10[%dma_start3A_170, %dma_start3A_171] : memref<10240x128xf32, #tpu.memory_space<vmem_shared>> -> memref<10240x128xf32, #tpu.memory_space<vmem_shared>>
    tpu.enqueue_indirect_dma source(%dma_start3A_166 : memref<64x128xf32, #tpu.memory_space<vmem>>) target(%dma_start3A_172 : memref<10240x128xf32, #tpu.memory_space<vmem_shared>>) offsets(%dma_start3A_169 : memref<64xi32, #tpu.memory_space<vmem>>) semaphore(%arg12 : memref<!tpu.dma_semaphore, #tpu.memory_space<semaphore_mem>>) {add = true}
    %scan3A = arith.constant 0 : i32
    %scan3A_173 = arith.constant 0 : i32
    %scan3A_174 = arith.constant 2 : i32
    %scan3A_175 = arith.constant 1 : i32
    %scan3A_176 = arith.constant 3 : i32
    %scan3A_177 = arith.constant 1 : i32
    %scan3A_178 = arith.constant 18 : i32
    %scan3A_179 = arith.addi %scan3A_177, %scan3A_178 : i32
    %scan3A_180 = arith.constant 1 : i32
    scf.for %scan3A_729 = %scan3A_177 to %scan3A_179 step %scan3A_180  : i32 {
      %mul3A_730 = arith.constant 4 : i32
      %mul3A_731 = arith.muli %mul3A_730, %scan3A_729 : i32
      %mul3A_732 = arith.constant 64 : i32
      %mul3A_733 = arith.muli %mul3A_731, %mul3A_732 : i32
      %dma_wait3A_734 = arith.constant 0 : i32
      %dma_wait3A_735 = arith.constant 0 : i32
      %dma_wait3A_736 = tpu.memref_slice %arg9[%scan3A_173, %dma_wait3A_734, %dma_wait3A_735] : memref<4x64x128xf32, #tpu.memory_space<vmem>> -> memref<1x64x128xf32, #tpu.memory_space<vmem>>
      %dma_wait3A_737 = tpu.memref_squeeze %dma_wait3A_736 : memref<1x64x128xf32, #tpu.memory_space<vmem>> -> memref<64x128xf32, #tpu.memory_space<vmem>>
      %dma_wait3A_738 = tpu.memref_slice %arg7[%mul3A_733] : memref<5120xi32, #tpu.memory_space<vmem>> -> memref<64xi32, #tpu.memory_space<vmem>>
      %dma_wait3A_739 = arith.constant 0 : i32
      %dma_wait3A_740 = arith.constant 0 : i32
      %dma_wait3A_741 = tpu.memref_slice %arg2[%dma_wait3A_739, %dma_wait3A_740] : memref<10240x128xf32, #tpu.memory_space<hbm>> -> memref<10240x128xf32, #tpu.memory_space<hbm>>
      tpu.wait_indirect_dma semaphore(%arg11 : memref<!tpu.dma_semaphore, #tpu.memory_space<semaphore_mem>>) src(%dma_wait3A_741 : memref<10240x128xf32, #tpu.memory_space<hbm>>) dst(%dma_wait3A_737 : memref<64x128xf32, #tpu.memory_space<vmem>>)
      %sub3A = arith.constant 2 : i32
      %sub3A_742 = arith.subi %mul3A_731, %sub3A : i32
      %dma_wait3A_743 = arith.constant 0 : i32
      %dma_wait3A_744 = arith.constant 0 : i32
      %dma_wait3A_745 = tpu.memref_slice %arg9[%scan3A_174, %dma_wait3A_743, %dma_wait3A_744] : memref<4x64x128xf32, #tpu.memory_space<vmem>> -> memref<1x64x128xf32, #tpu.memory_space<vmem>>
      %dma_wait3A_746 = tpu.memref_squeeze %dma_wait3A_745 : memref<1x64x128xf32, #tpu.memory_space<vmem>> -> memref<64x128xf32, #tpu.memory_space<vmem>>
      %dma_wait3A_747 = arith.constant 0 : i32
      %dma_wait3A_748 = tpu.memref_slice %arg8[%sub3A_742, %dma_wait3A_747] : memref<80x64xi32, #tpu.memory_space<vmem>> -> memref<1x64xi32, #tpu.memory_space<vmem>>
      %dma_wait3A_749 = tpu.memref_squeeze %dma_wait3A_748 : memref<1x64xi32, #tpu.memory_space<vmem>> -> memref<64xi32, #tpu.memory_space<vmem>>
      %dma_wait3A_750 = arith.constant 0 : i32
      %dma_wait3A_751 = arith.constant 0 : i32
      %dma_wait3A_752 = tpu.memref_slice %arg10[%dma_wait3A_750, %dma_wait3A_751] : memref<10240x128xf32, #tpu.memory_space<vmem_shared>> -> memref<10240x128xf32, #tpu.memory_space<vmem_shared>>
      tpu.wait_indirect_dma semaphore(%arg12 : memref<!tpu.dma_semaphore, #tpu.memory_space<semaphore_mem>>) src(%dma_wait3A_746 : memref<64x128xf32, #tpu.memory_space<vmem>>) dst(%dma_wait3A_752 : memref<10240x128xf32, #tpu.memory_space<vmem_shared>>)
      %add3A_753 = arith.constant 2 : i32
      %add3A_754 = arith.addi %mul3A_731, %add3A_753 : i32
      %mul3A_755 = arith.constant 64 : i32
      %mul3A_756 = arith.muli %add3A_754, %mul3A_755 : i32
      %dma_start3A_757 = arith.constant 0 : i32
      %dma_start3A_758 = arith.constant 0 : i32
      %dma_start3A_759 = tpu.memref_slice %arg9[%scan3A_174, %dma_start3A_757, %dma_start3A_758] : memref<4x64x128xf32, #tpu.memory_space<vmem>> -> memref<1x64x128xf32, #tpu.memory_space<vmem>>
      %dma_start3A_760 = tpu.memref_squeeze %dma_start3A_759 : memref<1x64x128xf32, #tpu.memory_space<vmem>> -> memref<64x128xf32, #tpu.memory_space<vmem>>
      %dma_start3A_761 = tpu.memref_slice %arg7[%mul3A_756] : memref<5120xi32, #tpu.memory_space<vmem>> -> memref<64xi32, #tpu.memory_space<vmem>>
      %dma_start3A_762 = arith.constant 0 : i32
      %dma_start3A_763 = arith.constant 0 : i32
      %dma_start3A_764 = tpu.memref_slice %arg2[%dma_start3A_762, %dma_start3A_763] : memref<10240x128xf32, #tpu.memory_space<hbm>> -> memref<10240x128xf32, #tpu.memory_space<hbm>>
      tpu.enqueue_indirect_dma source(%dma_start3A_764 : memref<10240x128xf32, #tpu.memory_space<hbm>>) target(%dma_start3A_760 : memref<64x128xf32, #tpu.memory_space<vmem>>) offsets(%dma_start3A_761 : memref<64xi32, #tpu.memory_space<vmem>>) semaphore(%arg11 : memref<!tpu.dma_semaphore, #tpu.memory_space<semaphore_mem>>)
      %dma_start3A_765 = arith.constant 0 : i32
      %dma_start3A_766 = arith.constant 0 : i32
      %dma_start3A_767 = tpu.memref_slice %arg9[%scan3A_173, %dma_start3A_765, %dma_start3A_766] : memref<4x64x128xf32, #tpu.memory_space<vmem>> -> memref<1x64x128xf32, #tpu.memory_space<vmem>>
      %dma_start3A_768 = tpu.memref_squeeze %dma_start3A_767 : memref<1x64x128xf32, #tpu.memory_space<vmem>> -> memref<64x128xf32, #tpu.memory_space<vmem>>
      %dma_start3A_769 = arith.constant 0 : i32
      %dma_start3A_770 = tpu.memref_slice %arg8[%mul3A_731, %dma_start3A_769] : memref<80x64xi32, #tpu.memory_space<vmem>> -> memref<1x64xi32, #tpu.memory_space<vmem>>
      %dma_start3A_771 = tpu.memref_squeeze %dma_start3A_770 : memref<1x64xi32, #tpu.memory_space<vmem>> -> memref<64xi32, #tpu.memory_space<vmem>>
      %dma_start3A_772 = arith.constant 0 : i32
      %dma_start3A_773 = arith.constant 0 : i32
      %dma_start3A_774 = tpu.memref_slice %arg10[%dma_start3A_772, %dma_start3A_773] : memref<10240x128xf32, #tpu.memory_space<vmem_shared>> -> memref<10240x128xf32, #tpu.memory_space<vmem_shared>>
      tpu.enqueue_indirect_dma source(%dma_start3A_768 : memref<64x128xf32, #tpu.memory_space<vmem>>) target(%dma_start3A_774 : memref<10240x128xf32, #tpu.memory_space<vmem_shared>>) offsets(%dma_start3A_771 : memref<64xi32, #tpu.memory_space<vmem>>) semaphore(%arg12 : memref<!tpu.dma_semaphore, #tpu.memory_space<semaphore_mem>>) {add = true}
      %add3A_775 = arith.constant 1 : i32
      %add3A_776 = arith.addi %mul3A_731, %add3A_775 : i32
      %mul3A_777 = arith.constant 64 : i32
      %mul3A_778 = arith.muli %add3A_776, %mul3A_777 : i32
      %dma_wait3A_779 = arith.constant 0 : i32
      %dma_wait3A_780 = arith.constant 0 : i32
      %dma_wait3A_781 = tpu.memref_slice %arg9[%scan3A_175, %dma_wait3A_779, %dma_wait3A_780] : memref<4x64x128xf32, #tpu.memory_space<vmem>> -> memref<1x64x128xf32, #tpu.memory_space<vmem>>
      %dma_wait3A_782 = tpu.memref_squeeze %dma_wait3A_781 : memref<1x64x128xf32, #tpu.memory_space<vmem>> -> memref<64x128xf32, #tpu.memory_space<vmem>>
      %dma_wait3A_783 = tpu.memref_slice %arg7[%mul3A_778] : memref<5120xi32, #tpu.memory_space<vmem>> -> memref<64xi32, #tpu.memory_space<vmem>>
      %dma_wait3A_784 = arith.constant 0 : i32
      %dma_wait3A_785 = arith.constant 0 : i32
      %dma_wait3A_786 = tpu.memref_slice %arg2[%dma_wait3A_784, %dma_wait3A_785] : memref<10240x128xf32, #tpu.memory_space<hbm>> -> memref<10240x128xf32, #tpu.memory_space<hbm>>
      tpu.wait_indirect_dma semaphore(%arg11 : memref<!tpu.dma_semaphore, #tpu.memory_space<semaphore_mem>>) src(%dma_wait3A_786 : memref<10240x128xf32, #tpu.memory_space<hbm>>) dst(%dma_wait3A_782 : memref<64x128xf32, #tpu.memory_space<vmem>>)
      %sub3A_787 = arith.constant 1 : i32
      %sub3A_788 = arith.subi %mul3A_731, %sub3A_787 : i32
      %dma_wait3A_789 = arith.constant 0 : i32
      %dma_wait3A_790 = arith.constant 0 : i32
      %dma_wait3A_791 = tpu.memref_slice %arg9[%scan3A_176, %dma_wait3A_789, %dma_wait3A_790] : memref<4x64x128xf32, #tpu.memory_space<vmem>> -> memref<1x64x128xf32, #tpu.memory_space<vmem>>
      %dma_wait3A_792 = tpu.memref_squeeze %dma_wait3A_791 : memref<1x64x128xf32, #tpu.memory_space<vmem>> -> memref<64x128xf32, #tpu.memory_space<vmem>>
      %dma_wait3A_793 = arith.constant 0 : i32
      %dma_wait3A_794 = tpu.memref_slice %arg8[%sub3A_788, %dma_wait3A_793] : memref<80x64xi32, #tpu.memory_space<vmem>> -> memref<1x64xi32, #tpu.memory_space<vmem>>
      %dma_wait3A_795 = tpu.memref_squeeze %dma_wait3A_794 : memref<1x64xi32, #tpu.memory_space<vmem>> -> memref<64xi32, #tpu.memory_space<vmem>>
      %dma_wait3A_796 = arith.constant 0 : i32
      %dma_wait3A_797 = arith.constant 0 : i32
      %dma_wait3A_798 = tpu.memref_slice %arg10[%dma_wait3A_796, %dma_wait3A_797] : memref<10240x128xf32, #tpu.memory_space<vmem_shared>> -> memref<10240x128xf32, #tpu.memory_space<vmem_shared>>
      tpu.wait_indirect_dma semaphore(%arg12 : memref<!tpu.dma_semaphore, #tpu.memory_space<semaphore_mem>>) src(%dma_wait3A_792 : memref<64x128xf32, #tpu.memory_space<vmem>>) dst(%dma_wait3A_798 : memref<10240x128xf32, #tpu.memory_space<vmem_shared>>)
      %add3A_799 = arith.constant 3 : i32
      %add3A_800 = arith.addi %mul3A_731, %add3A_799 : i32
      %mul3A_801 = arith.constant 64 : i32
      %mul3A_802 = arith.muli %add3A_800, %mul3A_801 : i32
      %dma_start3A_803 = arith.constant 0 : i32
      %dma_start3A_804 = arith.constant 0 : i32
      %dma_start3A_805 = tpu.memref_slice %arg9[%scan3A_176, %dma_start3A_803, %dma_start3A_804] : memref<4x64x128xf32, #tpu.memory_space<vmem>> -> memref<1x64x128xf32, #tpu.memory_space<vmem>>
      %dma_start3A_806 = tpu.memref_squeeze %dma_start3A_805 : memref<1x64x128xf32, #tpu.memory_space<vmem>> -> memref<64x128xf32, #tpu.memory_space<vmem>>
      %dma_start3A_807 = tpu.memref_slice %arg7[%mul3A_802] : memref<5120xi32, #tpu.memory_space<vmem>> -> memref<64xi32, #tpu.memory_space<vmem>>
      %dma_start3A_808 = arith.constant 0 : i32
      %dma_start3A_809 = arith.constant 0 : i32
      %dma_start3A_810 = tpu.memref_slice %arg2[%dma_start3A_808, %dma_start3A_809] : memref<10240x128xf32, #tpu.memory_space<hbm>> -> memref<10240x128xf32, #tpu.memory_space<hbm>>
      tpu.enqueue_indirect_dma source(%dma_start3A_810 : memref<10240x128xf32, #tpu.memory_space<hbm>>) target(%dma_start3A_806 : memref<64x128xf32, #tpu.memory_space<vmem>>) offsets(%dma_start3A_807 : memref<64xi32, #tpu.memory_space<vmem>>) semaphore(%arg11 : memref<!tpu.dma_semaphore, #tpu.memory_space<semaphore_mem>>)
      %add3A_811 = arith.constant 1 : i32
      %add3A_812 = arith.addi %mul3A_731, %add3A_811 : i32
      %dma_start3A_813 = arith.constant 0 : i32
      %dma_start3A_814 = arith.constant 0 : i32
      %dma_start3A_815 = tpu.memref_slice %arg9[%scan3A_175, %dma_start3A_813, %dma_start3A_814] : memref<4x64x128xf32, #tpu.memory_space<vmem>> -> memref<1x64x128xf32, #tpu.memory_space<vmem>>
      %dma_start3A_816 = tpu.memref_squeeze %dma_start3A_815 : memref<1x64x128xf32, #tpu.memory_space<vmem>> -> memref<64x128xf32, #tpu.memory_space<vmem>>
      %dma_start3A_817 = arith.constant 0 : i32
      %dma_start3A_818 = tpu.memref_slice %arg8[%add3A_812, %dma_start3A_817] : memref<80x64xi32, #tpu.memory_space<vmem>> -> memref<1x64xi32, #tpu.memory_space<vmem>>
      %dma_start3A_819 = tpu.memref_squeeze %dma_start3A_818 : memref<1x64xi32, #tpu.memory_space<vmem>> -> memref<64xi32, #tpu.memory_space<vmem>>
      %dma_start3A_820 = arith.constant 0 : i32
      %dma_start3A_821 = arith.constant 0 : i32
      %dma_start3A_822 = tpu.memref_slice %arg10[%dma_start3A_820, %dma_start3A_821] : memref<10240x128xf32, #tpu.memory_space<vmem_shared>> -> memref<10240x128xf32, #tpu.memory_space<vmem_shared>>
      tpu.enqueue_indirect_dma source(%dma_start3A_816 : memref<64x128xf32, #tpu.memory_space<vmem>>) target(%dma_start3A_822 : memref<10240x128xf32, #tpu.memory_space<vmem_shared>>) offsets(%dma_start3A_819 : memref<64xi32, #tpu.memory_space<vmem>>) semaphore(%arg12 : memref<!tpu.dma_semaphore, #tpu.memory_space<semaphore_mem>>) {add = true}
      %add3A_823 = arith.constant 2 : i32
      %add3A_824 = arith.addi %mul3A_731, %add3A_823 : i32
      %mul3A_825 = arith.constant 64 : i32
      %mul3A_826 = arith.muli %add3A_824, %mul3A_825 : i32
      %dma_wait3A_827 = arith.constant 0 : i32
      %dma_wait3A_828 = arith.constant 0 : i32
      %dma_wait3A_829 = tpu.memref_slice %arg9[%scan3A_174, %dma_wait3A_827, %dma_wait3A_828] : memref<4x64x128xf32, #tpu.memory_space<vmem>> -> memref<1x64x128xf32, #tpu.memory_space<vmem>>
      %dma_wait3A_830 = tpu.memref_squeeze %dma_wait3A_829 : memref<1x64x128xf32, #tpu.memory_space<vmem>> -> memref<64x128xf32, #tpu.memory_space<vmem>>
      %dma_wait3A_831 = tpu.memref_slice %arg7[%mul3A_826] : memref<5120xi32, #tpu.memory_space<vmem>> -> memref<64xi32, #tpu.memory_space<vmem>>
      %dma_wait3A_832 = arith.constant 0 : i32
      %dma_wait3A_833 = arith.constant 0 : i32
      %dma_wait3A_834 = tpu.memref_slice %arg2[%dma_wait3A_832, %dma_wait3A_833] : memref<10240x128xf32, #tpu.memory_space<hbm>> -> memref<10240x128xf32, #tpu.memory_space<hbm>>
      tpu.wait_indirect_dma semaphore(%arg11 : memref<!tpu.dma_semaphore, #tpu.memory_space<semaphore_mem>>) src(%dma_wait3A_834 : memref<10240x128xf32, #tpu.memory_space<hbm>>) dst(%dma_wait3A_830 : memref<64x128xf32, #tpu.memory_space<vmem>>)
      %dma_wait3A_835 = arith.constant 0 : i32
      %dma_wait3A_836 = arith.constant 0 : i32
      %dma_wait3A_837 = tpu.memref_slice %arg9[%scan3A_173, %dma_wait3A_835, %dma_wait3A_836] : memref<4x64x128xf32, #tpu.memory_space<vmem>> -> memref<1x64x128xf32, #tpu.memory_space<vmem>>
      %dma_wait3A_838 = tpu.memref_squeeze %dma_wait3A_837 : memref<1x64x128xf32, #tpu.memory_space<vmem>> -> memref<64x128xf32, #tpu.memory_space<vmem>>
      %dma_wait3A_839 = arith.constant 0 : i32
      %dma_wait3A_840 = tpu.memref_slice %arg8[%mul3A_731, %dma_wait3A_839] : memref<80x64xi32, #tpu.memory_space<vmem>> -> memref<1x64xi32, #tpu.memory_space<vmem>>
      %dma_wait3A_841 = tpu.memref_squeeze %dma_wait3A_840 : memref<1x64xi32, #tpu.memory_space<vmem>> -> memref<64xi32, #tpu.memory_space<vmem>>
      %dma_wait3A_842 = arith.constant 0 : i32
      %dma_wait3A_843 = arith.constant 0 : i32
      %dma_wait3A_844 = tpu.memref_slice %arg10[%dma_wait3A_842, %dma_wait3A_843] : memref<10240x128xf32, #tpu.memory_space<vmem_shared>> -> memref<10240x128xf32, #tpu.memory_space<vmem_shared>>
      tpu.wait_indirect_dma semaphore(%arg12 : memref<!tpu.dma_semaphore, #tpu.memory_space<semaphore_mem>>) src(%dma_wait3A_838 : memref<64x128xf32, #tpu.memory_space<vmem>>) dst(%dma_wait3A_844 : memref<10240x128xf32, #tpu.memory_space<vmem_shared>>)
      %add3A_845 = arith.constant 4 : i32
      %add3A_846 = arith.addi %mul3A_731, %add3A_845 : i32
      %mul3A_847 = arith.constant 64 : i32
      %mul3A_848 = arith.muli %add3A_846, %mul3A_847 : i32
      %dma_start3A_849 = arith.constant 0 : i32
      %dma_start3A_850 = arith.constant 0 : i32
      %dma_start3A_851 = tpu.memref_slice %arg9[%scan3A_173, %dma_start3A_849, %dma_start3A_850] : memref<4x64x128xf32, #tpu.memory_space<vmem>> -> memref<1x64x128xf32, #tpu.memory_space<vmem>>
      %dma_start3A_852 = tpu.memref_squeeze %dma_start3A_851 : memref<1x64x128xf32, #tpu.memory_space<vmem>> -> memref<64x128xf32, #tpu.memory_space<vmem>>
      %dma_start3A_853 = tpu.memref_slice %arg7[%mul3A_848] : memref<5120xi32, #tpu.memory_space<vmem>> -> memref<64xi32, #tpu.memory_space<vmem>>
      %dma_start3A_854 = arith.constant 0 : i32
      %dma_start3A_855 = arith.constant 0 : i32
      %dma_start3A_856 = tpu.memref_slice %arg2[%dma_start3A_854, %dma_start3A_855] : memref<10240x128xf32, #tpu.memory_space<hbm>> -> memref<10240x128xf32, #tpu.memory_space<hbm>>
      tpu.enqueue_indirect_dma source(%dma_start3A_856 : memref<10240x128xf32, #tpu.memory_space<hbm>>) target(%dma_start3A_852 : memref<64x128xf32, #tpu.memory_space<vmem>>) offsets(%dma_start3A_853 : memref<64xi32, #tpu.memory_space<vmem>>) semaphore(%arg11 : memref<!tpu.dma_semaphore, #tpu.memory_space<semaphore_mem>>)
      %add3A_857 = arith.constant 2 : i32
      %add3A_858 = arith.addi %mul3A_731, %add3A_857 : i32
      %dma_start3A_859 = arith.constant 0 : i32
      %dma_start3A_860 = arith.constant 0 : i32
      %dma_start3A_861 = tpu.memref_slice %arg9[%scan3A_174, %dma_start3A_859, %dma_start3A_860] : memref<4x64x128xf32, #tpu.memory_space<vmem>> -> memref<1x64x128xf32, #tpu.memory_space<vmem>>
      %dma_start3A_862 = tpu.memref_squeeze %dma_start3A_861 : memref<1x64x128xf32, #tpu.memory_space<vmem>> -> memref<64x128xf32, #tpu.memory_space<vmem>>
      %dma_start3A_863 = arith.constant 0 : i32
      %dma_start3A_864 = tpu.memref_slice %arg8[%add3A_858, %dma_start3A_863] : memref<80x64xi32, #tpu.memory_space<vmem>> -> memref<1x64xi32, #tpu.memory_space<vmem>>
      %dma_start3A_865 = tpu.memref_squeeze %dma_start3A_864 : memref<1x64xi32, #tpu.memory_space<vmem>> -> memref<64xi32, #tpu.memory_space<vmem>>
      %dma_start3A_866 = arith.constant 0 : i32
      %dma_start3A_867 = arith.constant 0 : i32
      %dma_start3A_868 = tpu.memref_slice %arg10[%dma_start3A_866, %dma_start3A_867] : memref<10240x128xf32, #tpu.memory_space<vmem_shared>> -> memref<10240x128xf32, #tpu.memory_space<vmem_shared>>
      tpu.enqueue_indirect_dma source(%dma_start3A_862 : memref<64x128xf32, #tpu.memory_space<vmem>>) target(%dma_start3A_868 : memref<10240x128xf32, #tpu.memory_space<vmem_shared>>) offsets(%dma_start3A_865 : memref<64xi32, #tpu.memory_space<vmem>>) semaphore(%arg12 : memref<!tpu.dma_semaphore, #tpu.memory_space<semaphore_mem>>) {add = true}
      %add3A_869 = arith.constant 3 : i32
      %add3A_870 = arith.addi %mul3A_731, %add3A_869 : i32
      %mul3A_871 = arith.constant 64 : i32
      %mul3A_872 = arith.muli %add3A_870, %mul3A_871 : i32
      %dma_wait3A_873 = arith.constant 0 : i32
      %dma_wait3A_874 = arith.constant 0 : i32
      %dma_wait3A_875 = tpu.memref_slice %arg9[%scan3A_176, %dma_wait3A_873, %dma_wait3A_874] : memref<4x64x128xf32, #tpu.memory_space<vmem>> -> memref<1x64x128xf32, #tpu.memory_space<vmem>>
      %dma_wait3A_876 = tpu.memref_squeeze %dma_wait3A_875 : memref<1x64x128xf32, #tpu.memory_space<vmem>> -> memref<64x128xf32, #tpu.memory_space<vmem>>
      %dma_wait3A_877 = tpu.memref_slice %arg7[%mul3A_872] : memref<5120xi32, #tpu.memory_space<vmem>> -> memref<64xi32, #tpu.memory_space<vmem>>
      %dma_wait3A_878 = arith.constant 0 : i32
      %dma_wait3A_879 = arith.constant 0 : i32
      %dma_wait3A_880 = tpu.memref_slice %arg2[%dma_wait3A_878, %dma_wait3A_879] : memref<10240x128xf32, #tpu.memory_space<hbm>> -> memref<10240x128xf32, #tpu.memory_space<hbm>>
      tpu.wait_indirect_dma semaphore(%arg11 : memref<!tpu.dma_semaphore, #tpu.memory_space<semaphore_mem>>) src(%dma_wait3A_880 : memref<10240x128xf32, #tpu.memory_space<hbm>>) dst(%dma_wait3A_876 : memref<64x128xf32, #tpu.memory_space<vmem>>)
      %add3A_881 = arith.constant 1 : i32
      %add3A_882 = arith.addi %mul3A_731, %add3A_881 : i32
      %dma_wait3A_883 = arith.constant 0 : i32
      %dma_wait3A_884 = arith.constant 0 : i32
      %dma_wait3A_885 = tpu.memref_slice %arg9[%scan3A_175, %dma_wait3A_883, %dma_wait3A_884] : memref<4x64x128xf32, #tpu.memory_space<vmem>> -> memref<1x64x128xf32, #tpu.memory_space<vmem>>
      %dma_wait3A_886 = tpu.memref_squeeze %dma_wait3A_885 : memref<1x64x128xf32, #tpu.memory_space<vmem>> -> memref<64x128xf32, #tpu.memory_space<vmem>>
      %dma_wait3A_887 = arith.constant 0 : i32
      %dma_wait3A_888 = tpu.memref_slice %arg8[%add3A_882, %dma_wait3A_887] : memref<80x64xi32, #tpu.memory_space<vmem>> -> memref<1x64xi32, #tpu.memory_space<vmem>>
      %dma_wait3A_889 = tpu.memref_squeeze %dma_wait3A_888 : memref<1x64xi32, #tpu.memory_space<vmem>> -> memref<64xi32, #tpu.memory_space<vmem>>
      %dma_wait3A_890 = arith.constant 0 : i32
      %dma_wait3A_891 = arith.constant 0 : i32
      %dma_wait3A_892 = tpu.memref_slice %arg10[%dma_wait3A_890, %dma_wait3A_891] : memref<10240x128xf32, #tpu.memory_space<vmem_shared>> -> memref<10240x128xf32, #tpu.memory_space<vmem_shared>>
      tpu.wait_indirect_dma semaphore(%arg12 : memref<!tpu.dma_semaphore, #tpu.memory_space<semaphore_mem>>) src(%dma_wait3A_886 : memref<64x128xf32, #tpu.memory_space<vmem>>) dst(%dma_wait3A_892 : memref<10240x128xf32, #tpu.memory_space<vmem_shared>>)
      %add3A_893 = arith.constant 5 : i32
      %add3A_894 = arith.addi %mul3A_731, %add3A_893 : i32
      %mul3A_895 = arith.constant 64 : i32
      %mul3A_896 = arith.muli %add3A_894, %mul3A_895 : i32
      %dma_start3A_897 = arith.constant 0 : i32
      %dma_start3A_898 = arith.constant 0 : i32
      %dma_start3A_899 = tpu.memref_slice %arg9[%scan3A_175, %dma_start3A_897, %dma_start3A_898] : memref<4x64x128xf32, #tpu.memory_space<vmem>> -> memref<1x64x128xf32, #tpu.memory_space<vmem>>
      %dma_start3A_900 = tpu.memref_squeeze %dma_start3A_899 : memref<1x64x128xf32, #tpu.memory_space<vmem>> -> memref<64x128xf32, #tpu.memory_space<vmem>>
      %dma_start3A_901 = tpu.memref_slice %arg7[%mul3A_896] : memref<5120xi32, #tpu.memory_space<vmem>> -> memref<64xi32, #tpu.memory_space<vmem>>
      %dma_start3A_902 = arith.constant 0 : i32
      %dma_start3A_903 = arith.constant 0 : i32
      %dma_start3A_904 = tpu.memref_slice %arg2[%dma_start3A_902, %dma_start3A_903] : memref<10240x128xf32, #tpu.memory_space<hbm>> -> memref<10240x128xf32, #tpu.memory_space<hbm>>
      tpu.enqueue_indirect_dma source(%dma_start3A_904 : memref<10240x128xf32, #tpu.memory_space<hbm>>) target(%dma_start3A_900 : memref<64x128xf32, #tpu.memory_space<vmem>>) offsets(%dma_start3A_901 : memref<64xi32, #tpu.memory_space<vmem>>) semaphore(%arg11 : memref<!tpu.dma_semaphore, #tpu.memory_space<semaphore_mem>>)
      %add3A_905 = arith.constant 3 : i32
      %add3A_906 = arith.addi %mul3A_731, %add3A_905 : i32
      %dma_start3A_907 = arith.constant 0 : i32
      %dma_start3A_908 = arith.constant 0 : i32
      %dma_start3A_909 = tpu.memref_slice %arg9[%scan3A_176, %dma_start3A_907, %dma_start3A_908] : memref<4x64x128xf32, #tpu.memory_space<vmem>> -> memref<1x64x128xf32, #tpu.memory_space<vmem>>
      %dma_start3A_910 = tpu.memref_squeeze %dma_start3A_909 : memref<1x64x128xf32, #tpu.memory_space<vmem>> -> memref<64x128xf32, #tpu.memory_space<vmem>>
      %dma_start3A_911 = arith.constant 0 : i32
      %dma_start3A_912 = tpu.memref_slice %arg8[%add3A_906, %dma_start3A_911] : memref<80x64xi32, #tpu.memory_space<vmem>> -> memref<1x64xi32, #tpu.memory_space<vmem>>
      %dma_start3A_913 = tpu.memref_squeeze %dma_start3A_912 : memref<1x64xi32, #tpu.memory_space<vmem>> -> memref<64xi32, #tpu.memory_space<vmem>>
      %dma_start3A_914 = arith.constant 0 : i32
      %dma_start3A_915 = arith.constant 0 : i32
      %dma_start3A_916 = tpu.memref_slice %arg10[%dma_start3A_914, %dma_start3A_915] : memref<10240x128xf32, #tpu.memory_space<vmem_shared>> -> memref<10240x128xf32, #tpu.memory_space<vmem_shared>>
      tpu.enqueue_indirect_dma source(%dma_start3A_910 : memref<64x128xf32, #tpu.memory_space<vmem>>) target(%dma_start3A_916 : memref<10240x128xf32, #tpu.memory_space<vmem_shared>>) offsets(%dma_start3A_913 : memref<64xi32, #tpu.memory_space<vmem>>) semaphore(%arg12 : memref<!tpu.dma_semaphore, #tpu.memory_space<semaphore_mem>>) {add = true}
    }
    %scan3A_181 = arith.constant 18 : i32
    %dma_wait3A_182 = arith.constant 0 : i32
    %dma_wait3A_183 = arith.constant 0 : i32
    %dma_wait3A_184 = arith.constant 0 : i32
    %dma_wait3A_185 = tpu.memref_slice %arg9[%dma_wait3A_182, %dma_wait3A_183, %dma_wait3A_184] : memref<4x64x128xf32, #tpu.memory_space<vmem>> -> memref<1x64x128xf32, #tpu.memory_space<vmem>>
    %dma_wait3A_186 = tpu.memref_squeeze %dma_wait3A_185 : memref<1x64x128xf32, #tpu.memory_space<vmem>> -> memref<64x128xf32, #tpu.memory_space<vmem>>
    %dma_wait3A_187 = arith.constant 4864 : i32
    %dma_wait3A_188 = tpu.memref_slice %arg7[%dma_wait3A_187] : memref<5120xi32, #tpu.memory_space<vmem>> -> memref<64xi32, #tpu.memory_space<vmem>>
    %dma_wait3A_189 = arith.constant 0 : i32
    %dma_wait3A_190 = arith.constant 0 : i32
    %dma_wait3A_191 = tpu.memref_slice %arg2[%dma_wait3A_189, %dma_wait3A_190] : memref<10240x128xf32, #tpu.memory_space<hbm>> -> memref<10240x128xf32, #tpu.memory_space<hbm>>
    tpu.wait_indirect_dma semaphore(%arg11 : memref<!tpu.dma_semaphore, #tpu.memory_space<semaphore_mem>>) src(%dma_wait3A_191 : memref<10240x128xf32, #tpu.memory_space<hbm>>) dst(%dma_wait3A_186 : memref<64x128xf32, #tpu.memory_space<vmem>>)
    %dma_wait3A_192 = arith.constant 2 : i32
    %dma_wait3A_193 = arith.constant 74 : i32
    %dma_wait3A_194 = arith.constant 0 : i32
    %dma_wait3A_195 = arith.constant 0 : i32
    %dma_wait3A_196 = tpu.memref_slice %arg9[%dma_wait3A_192, %dma_wait3A_194, %dma_wait3A_195] : memref<4x64x128xf32, #tpu.memory_space<vmem>> -> memref<1x64x128xf32, #tpu.memory_space<vmem>>
    %dma_wait3A_197 = tpu.memref_squeeze %dma_wait3A_196 : memref<1x64x128xf32, #tpu.memory_space<vmem>> -> memref<64x128xf32, #tpu.memory_space<vmem>>
    %dma_wait3A_198 = arith.constant 0 : i32
    %dma_wait3A_199 = tpu.memref_slice %arg8[%dma_wait3A_193, %dma_wait3A_198] : memref<80x64xi32, #tpu.memory_space<vmem>> -> memref<1x64xi32, #tpu.memory_space<vmem>>
    %dma_wait3A_200 = tpu.memref_squeeze %dma_wait3A_199 : memref<1x64xi32, #tpu.memory_space<vmem>> -> memref<64xi32, #tpu.memory_space<vmem>>
    %dma_wait3A_201 = arith.constant 0 : i32
    %dma_wait3A_202 = arith.constant 0 : i32
    %dma_wait3A_203 = tpu.memref_slice %arg10[%dma_wait3A_201, %dma_wait3A_202] : memref<10240x128xf32, #tpu.memory_space<vmem_shared>> -> memref<10240x128xf32, #tpu.memory_space<vmem_shared>>
    tpu.wait_indirect_dma semaphore(%arg12 : memref<!tpu.dma_semaphore, #tpu.memory_space<semaphore_mem>>) src(%dma_wait3A_197 : memref<64x128xf32, #tpu.memory_space<vmem>>) dst(%dma_wait3A_203 : memref<10240x128xf32, #tpu.memory_space<vmem_shared>>)
    %dma_start3A_204 = arith.constant 2 : i32
    %dma_start3A_205 = arith.constant 0 : i32
    %dma_start3A_206 = arith.constant 0 : i32
    %dma_start3A_207 = tpu.memref_slice %arg9[%dma_start3A_204, %dma_start3A_205, %dma_start3A_206] : memref<4x64x128xf32, #tpu.memory_space<vmem>> -> memref<1x64x128xf32, #tpu.memory_space<vmem>>
    %dma_start3A_208 = tpu.memref_squeeze %dma_start3A_207 : memref<1x64x128xf32, #tpu.memory_space<vmem>> -> memref<64x128xf32, #tpu.memory_space<vmem>>
    %dma_start3A_209 = arith.constant 4992 : i32
    %dma_start3A_210 = tpu.memref_slice %arg7[%dma_start3A_209] : memref<5120xi32, #tpu.memory_space<vmem>> -> memref<64xi32, #tpu.memory_space<vmem>>
    %dma_start3A_211 = arith.constant 0 : i32
    %dma_start3A_212 = arith.constant 0 : i32
    %dma_start3A_213 = tpu.memref_slice %arg2[%dma_start3A_211, %dma_start3A_212] : memref<10240x128xf32, #tpu.memory_space<hbm>> -> memref<10240x128xf32, #tpu.memory_space<hbm>>
    tpu.enqueue_indirect_dma source(%dma_start3A_213 : memref<10240x128xf32, #tpu.memory_space<hbm>>) target(%dma_start3A_208 : memref<64x128xf32, #tpu.memory_space<vmem>>) offsets(%dma_start3A_210 : memref<64xi32, #tpu.memory_space<vmem>>) semaphore(%arg11 : memref<!tpu.dma_semaphore, #tpu.memory_space<semaphore_mem>>)
    %dma_start3A_214 = arith.constant 0 : i32
    %dma_start3A_215 = arith.constant 76 : i32
    %dma_start3A_216 = arith.constant 0 : i32
    %dma_start3A_217 = arith.constant 0 : i32
    %dma_start3A_218 = tpu.memref_slice %arg9[%dma_start3A_214, %dma_start3A_216, %dma_start3A_217] : memref<4x64x128xf32, #tpu.memory_space<vmem>> -> memref<1x64x128xf32, #tpu.memory_space<vmem>>
    %dma_start3A_219 = tpu.memref_squeeze %dma_start3A_218 : memref<1x64x128xf32, #tpu.memory_space<vmem>> -> memref<64x128xf32, #tpu.memory_space<vmem>>
    %dma_start3A_220 = arith.constant 0 : i32
    %dma_start3A_221 = tpu.memref_slice %arg8[%dma_start3A_215, %dma_start3A_220] : memref<80x64xi32, #tpu.memory_space<vmem>> -> memref<1x64xi32, #tpu.memory_space<vmem>>
    %dma_start3A_222 = tpu.memref_squeeze %dma_start3A_221 : memref<1x64xi32, #tpu.memory_space<vmem>> -> memref<64xi32, #tpu.memory_space<vmem>>
    %dma_start3A_223 = arith.constant 0 : i32
    %dma_start3A_224 = arith.constant 0 : i32
    %dma_start3A_225 = tpu.memref_slice %arg10[%dma_start3A_223, %dma_start3A_224] : memref<10240x128xf32, #tpu.memory_space<vmem_shared>> -> memref<10240x128xf32, #tpu.memory_space<vmem_shared>>
    tpu.enqueue_indirect_dma source(%dma_start3A_219 : memref<64x128xf32, #tpu.memory_space<vmem>>) target(%dma_start3A_225 : memref<10240x128xf32, #tpu.memory_space<vmem_shared>>) offsets(%dma_start3A_222 : memref<64xi32, #tpu.memory_space<vmem>>) semaphore(%arg12 : memref<!tpu.dma_semaphore, #tpu.memory_space<semaphore_mem>>) {add = true}
    %dma_wait3A_226 = arith.constant 1 : i32
    %dma_wait3A_227 = arith.constant 0 : i32
    %dma_wait3A_228 = arith.constant 0 : i32
    %dma_wait3A_229 = tpu.memref_slice %arg9[%dma_wait3A_226, %dma_wait3A_227, %dma_wait3A_228] : memref<4x64x128xf32, #tpu.memory_space<vmem>> -> memref<1x64x128xf32, #tpu.memory_space<vmem>>
    %dma_wait3A_230 = tpu.memref_squeeze %dma_wait3A_229 : memref<1x64x128xf32, #tpu.memory_space<vmem>> -> memref<64x128xf32, #tpu.memory_space<vmem>>
    %dma_wait3A_231 = arith.constant 4928 : i32
    %dma_wait3A_232 = tpu.memref_slice %arg7[%dma_wait3A_231] : memref<5120xi32, #tpu.memory_space<vmem>> -> memref<64xi32, #tpu.memory_space<vmem>>
    %dma_wait3A_233 = arith.constant 0 : i32
    %dma_wait3A_234 = arith.constant 0 : i32
    %dma_wait3A_235 = tpu.memref_slice %arg2[%dma_wait3A_233, %dma_wait3A_234] : memref<10240x128xf32, #tpu.memory_space<hbm>> -> memref<10240x128xf32, #tpu.memory_space<hbm>>
    tpu.wait_indirect_dma semaphore(%arg11 : memref<!tpu.dma_semaphore, #tpu.memory_space<semaphore_mem>>) src(%dma_wait3A_235 : memref<10240x128xf32, #tpu.memory_space<hbm>>) dst(%dma_wait3A_230 : memref<64x128xf32, #tpu.memory_space<vmem>>)
    %dma_wait3A_236 = arith.constant 3 : i32
    %dma_wait3A_237 = arith.constant 75 : i32
    %dma_wait3A_238 = arith.constant 0 : i32
    %dma_wait3A_239 = arith.constant 0 : i32
    %dma_wait3A_240 = tpu.memref_slice %arg9[%dma_wait3A_236, %dma_wait3A_238, %dma_wait3A_239] : memref<4x64x128xf32, #tpu.memory_space<vmem>> -> memref<1x64x128xf32, #tpu.memory_space<vmem>>
    %dma_wait3A_241 = tpu.memref_squeeze %dma_wait3A_240 : memref<1x64x128xf32, #tpu.memory_space<vmem>> -> memref<64x128xf32, #tpu.memory_space<vmem>>
    %dma_wait3A_242 = arith.constant 0 : i32
    %dma_wait3A_243 = tpu.memref_slice %arg8[%dma_wait3A_237, %dma_wait3A_242] : memref<80x64xi32, #tpu.memory_space<vmem>> -> memref<1x64xi32, #tpu.memory_space<vmem>>
    %dma_wait3A_244 = tpu.memref_squeeze %dma_wait3A_243 : memref<1x64xi32, #tpu.memory_space<vmem>> -> memref<64xi32, #tpu.memory_space<vmem>>
    %dma_wait3A_245 = arith.constant 0 : i32
    %dma_wait3A_246 = arith.constant 0 : i32
    %dma_wait3A_247 = tpu.memref_slice %arg10[%dma_wait3A_245, %dma_wait3A_246] : memref<10240x128xf32, #tpu.memory_space<vmem_shared>> -> memref<10240x128xf32, #tpu.memory_space<vmem_shared>>
    tpu.wait_indirect_dma semaphore(%arg12 : memref<!tpu.dma_semaphore, #tpu.memory_space<semaphore_mem>>) src(%dma_wait3A_241 : memref<64x128xf32, #tpu.memory_space<vmem>>) dst(%dma_wait3A_247 : memref<10240x128xf32, #tpu.memory_space<vmem_shared>>)
    %dma_start3A_248 = arith.constant 3 : i32
    %dma_start3A_249 = arith.constant 0 : i32
    %dma_start3A_250 = arith.constant 0 : i32
    %dma_start3A_251 = tpu.memref_slice %arg9[%dma_start3A_248, %dma_start3A_249, %dma_start3A_250] : memref<4x64x128xf32, #tpu.memory_space<vmem>> -> memref<1x64x128xf32, #tpu.memory_space<vmem>>
    %dma_start3A_252 = tpu.memref_squeeze %dma_start3A_251 : memref<1x64x128xf32, #tpu.memory_space<vmem>> -> memref<64x128xf32, #tpu.memory_space<vmem>>
    %dma_start3A_253 = arith.constant 5056 : i32
    %dma_start3A_254 = tpu.memref_slice %arg7[%dma_start3A_253] : memref<5120xi32, #tpu.memory_space<vmem>> -> memref<64xi32, #tpu.memory_space<vmem>>
    %dma_start3A_255 = arith.constant 0 : i32
    %dma_start3A_256 = arith.constant 0 : i32
    %dma_start3A_257 = tpu.memref_slice %arg2[%dma_start3A_255, %dma_start3A_256] : memref<10240x128xf32, #tpu.memory_space<hbm>> -> memref<10240x128xf32, #tpu.memory_space<hbm>>
    tpu.enqueue_indirect_dma source(%dma_start3A_257 : memref<10240x128xf32, #tpu.memory_space<hbm>>) target(%dma_start3A_252 : memref<64x128xf32, #tpu.memory_space<vmem>>) offsets(%dma_start3A_254 : memref<64xi32, #tpu.memory_space<vmem>>) semaphore(%arg11 : memref<!tpu.dma_semaphore, #tpu.memory_space<semaphore_mem>>)
    %dma_start3A_258 = arith.constant 1 : i32
    %dma_start3A_259 = arith.constant 77 : i32
    %dma_start3A_260 = arith.constant 0 : i32
    %dma_start3A_261 = arith.constant 0 : i32
    %dma_start3A_262 = tpu.memref_slice %arg9[%dma_start3A_258, %dma_start3A_260, %dma_start3A_261] : memref<4x64x128xf32, #tpu.memory_space<vmem>> -> memref<1x64x128xf32, #tpu.memory_space<vmem>>
    %dma_start3A_263 = tpu.memref_squeeze %dma_start3A_262 : memref<1x64x128xf32, #tpu.memory_space<vmem>> -> memref<64x128xf32, #tpu.memory_space<vmem>>
    %dma_start3A_264 = arith.constant 0 : i32
    %dma_start3A_265 = tpu.memref_slice %arg8[%dma_start3A_259, %dma_start3A_264] : memref<80x64xi32, #tpu.memory_space<vmem>> -> memref<1x64xi32, #tpu.memory_space<vmem>>
    %dma_start3A_266 = tpu.memref_squeeze %dma_start3A_265 : memref<1x64xi32, #tpu.memory_space<vmem>> -> memref<64xi32, #tpu.memory_space<vmem>>
    %dma_start3A_267 = arith.constant 0 : i32
    %dma_start3A_268 = arith.constant 0 : i32
    %dma_start3A_269 = tpu.memref_slice %arg10[%dma_start3A_267, %dma_start3A_268] : memref<10240x128xf32, #tpu.memory_space<vmem_shared>> -> memref<10240x128xf32, #tpu.memory_space<vmem_shared>>
    tpu.enqueue_indirect_dma source(%dma_start3A_263 : memref<64x128xf32, #tpu.memory_space<vmem>>) target(%dma_start3A_269 : memref<10240x128xf32, #tpu.memory_space<vmem_shared>>) offsets(%dma_start3A_266 : memref<64xi32, #tpu.memory_space<vmem>>) semaphore(%arg12 : memref<!tpu.dma_semaphore, #tpu.memory_space<semaphore_mem>>) {add = true}
    %dma_wait3A_270 = arith.constant 2 : i32
    %dma_wait3A_271 = arith.constant 0 : i32
    %dma_wait3A_272 = arith.constant 0 : i32
    %dma_wait3A_273 = tpu.memref_slice %arg9[%dma_wait3A_270, %dma_wait3A_271, %dma_wait3A_272] : memref<4x64x128xf32, #tpu.memory_space<vmem>> -> memref<1x64x128xf32, #tpu.memory_space<vmem>>
    %dma_wait3A_274 = tpu.memref_squeeze %dma_wait3A_273 : memref<1x64x128xf32, #tpu.memory_space<vmem>> -> memref<64x128xf32, #tpu.memory_space<vmem>>
    %dma_wait3A_275 = arith.constant 4992 : i32
    %dma_wait3A_276 = tpu.memref_slice %arg7[%dma_wait3A_275] : memref<5120xi32, #tpu.memory_space<vmem>> -> memref<64xi32, #tpu.memory_space<vmem>>
    %dma_wait3A_277 = arith.constant 0 : i32
    %dma_wait3A_278 = arith.constant 0 : i32
    %dma_wait3A_279 = tpu.memref_slice %arg2[%dma_wait3A_277, %dma_wait3A_278] : memref<10240x128xf32, #tpu.memory_space<hbm>> -> memref<10240x128xf32, #tpu.memory_space<hbm>>
    tpu.wait_indirect_dma semaphore(%arg11 : memref<!tpu.dma_semaphore, #tpu.memory_space<semaphore_mem>>) src(%dma_wait3A_279 : memref<10240x128xf32, #tpu.memory_space<hbm>>) dst(%dma_wait3A_274 : memref<64x128xf32, #tpu.memory_space<vmem>>)
    %dma_wait3A_280 = arith.constant 0 : i32
    %dma_wait3A_281 = arith.constant 76 : i32
    %dma_wait3A_282 = arith.constant 0 : i32
    %dma_wait3A_283 = arith.constant 0 : i32
    %dma_wait3A_284 = tpu.memref_slice %arg9[%dma_wait3A_280, %dma_wait3A_282, %dma_wait3A_283] : memref<4x64x128xf32, #tpu.memory_space<vmem>> -> memref<1x64x128xf32, #tpu.memory_space<vmem>>
    %dma_wait3A_285 = tpu.memref_squeeze %dma_wait3A_284 : memref<1x64x128xf32, #tpu.memory_space<vmem>> -> memref<64x128xf32, #tpu.memory_space<vmem>>
    %dma_wait3A_286 = arith.constant 0 : i32
    %dma_wait3A_287 = tpu.memref_slice %arg8[%dma_wait3A_281, %dma_wait3A_286] : memref<80x64xi32, #tpu.memory_space<vmem>> -> memref<1x64xi32, #tpu.memory_space<vmem>>
    %dma_wait3A_288 = tpu.memref_squeeze %dma_wait3A_287 : memref<1x64xi32, #tpu.memory_space<vmem>> -> memref<64xi32, #tpu.memory_space<vmem>>
    %dma_wait3A_289 = arith.constant 0 : i32
    %dma_wait3A_290 = arith.constant 0 : i32
    %dma_wait3A_291 = tpu.memref_slice %arg10[%dma_wait3A_289, %dma_wait3A_290] : memref<10240x128xf32, #tpu.memory_space<vmem_shared>> -> memref<10240x128xf32, #tpu.memory_space<vmem_shared>>
    tpu.wait_indirect_dma semaphore(%arg12 : memref<!tpu.dma_semaphore, #tpu.memory_space<semaphore_mem>>) src(%dma_wait3A_285 : memref<64x128xf32, #tpu.memory_space<vmem>>) dst(%dma_wait3A_291 : memref<10240x128xf32, #tpu.memory_space<vmem_shared>>)
    %dma_start3A_292 = arith.constant 2 : i32
    %dma_start3A_293 = arith.constant 78 : i32
    %dma_start3A_294 = arith.constant 0 : i32
    %dma_start3A_295 = arith.constant 0 : i32
    %dma_start3A_296 = tpu.memref_slice %arg9[%dma_start3A_292, %dma_start3A_294, %dma_start3A_295] : memref<4x64x128xf32, #tpu.memory_space<vmem>> -> memref<1x64x128xf32, #tpu.memory_space<vmem>>
    %dma_start3A_297 = tpu.memref_squeeze %dma_start3A_296 : memref<1x64x128xf32, #tpu.memory_space<vmem>> -> memref<64x128xf32, #tpu.memory_space<vmem>>
    %dma_start3A_298 = arith.constant 0 : i32
    %dma_start3A_299 = tpu.memref_slice %arg8[%dma_start3A_293, %dma_start3A_298] : memref<80x64xi32, #tpu.memory_space<vmem>> -> memref<1x64xi32, #tpu.memory_space<vmem>>
    %dma_start3A_300 = tpu.memref_squeeze %dma_start3A_299 : memref<1x64xi32, #tpu.memory_space<vmem>> -> memref<64xi32, #tpu.memory_space<vmem>>
    %dma_start3A_301 = arith.constant 0 : i32
    %dma_start3A_302 = arith.constant 0 : i32
    %dma_start3A_303 = tpu.memref_slice %arg10[%dma_start3A_301, %dma_start3A_302] : memref<10240x128xf32, #tpu.memory_space<vmem_shared>> -> memref<10240x128xf32, #tpu.memory_space<vmem_shared>>
    tpu.enqueue_indirect_dma source(%dma_start3A_297 : memref<64x128xf32, #tpu.memory_space<vmem>>) target(%dma_start3A_303 : memref<10240x128xf32, #tpu.memory_space<vmem_shared>>) offsets(%dma_start3A_300 : memref<64xi32, #tpu.memory_space<vmem>>) semaphore(%arg12 : memref<!tpu.dma_semaphore, #tpu.memory_space<semaphore_mem>>) {add = true}
    %dma_wait3A_304 = arith.constant 3 : i32
    %dma_wait3A_305 = arith.constant 0 : i32
    %dma_wait3A_306 = arith.constant 0 : i32
    %dma_wait3A_307 = tpu.memref_slice %arg9[%dma_wait3A_304, %dma_wait3A_305, %dma_wait3A_306] : memref<4x64x128xf32, #tpu.memory_space<vmem>> -> memref<1x64x128xf32, #tpu.memory_space<vmem>>
    %dma_wait3A_308 = tpu.memref_squeeze %dma_wait3A_307 : memref<1x64x128xf32, #tpu.memory_space<vmem>> -> memref<64x128xf32, #tpu.memory_space<vmem>>
    %dma_wait3A_309 = arith.constant 5056 : i32
    %dma_wait3A_310 = tpu.memref_slice %arg7[%dma_wait3A_309] : memref<5120xi32, #tpu.memory_space<vmem>> -> memref<64xi32, #tpu.memory_space<vmem>>
    %dma_wait3A_311 = arith.constant 0 : i32
    %dma_wait3A_312 = arith.constant 0 : i32
    %dma_wait3A_313 = tpu.memref_slice %arg2[%dma_wait3A_311, %dma_wait3A_312] : memref<10240x128xf32, #tpu.memory_space<hbm>> -> memref<10240x128xf32, #tpu.memory_space<hbm>>
    tpu.wait_indirect_dma semaphore(%arg11 : memref<!tpu.dma_semaphore, #tpu.memory_space<semaphore_mem>>) src(%dma_wait3A_313 : memref<10240x128xf32, #tpu.memory_space<hbm>>) dst(%dma_wait3A_308 : memref<64x128xf32, #tpu.memory_space<vmem>>)
    %dma_wait3A_314 = arith.constant 1 : i32
    %dma_wait3A_315 = arith.constant 77 : i32
    %dma_wait3A_316 = arith.constant 0 : i32
    %dma_wait3A_317 = arith.constant 0 : i32
    %dma_wait3A_318 = tpu.memref_slice %arg9[%dma_wait3A_314, %dma_wait3A_316, %dma_wait3A_317] : memref<4x64x128xf32, #tpu.memory_space<vmem>> -> memref<1x64x128xf32, #tpu.memory_space<vmem>>
    %dma_wait3A_319 = tpu.memref_squeeze %dma_wait3A_318 : memref<1x64x128xf32, #tpu.memory_space<vmem>> -> memref<64x128xf32, #tpu.memory_space<vmem>>
    %dma_wait3A_320 = arith.constant 0 : i32
    %dma_wait3A_321 = tpu.memref_slice %arg8[%dma_wait3A_315, %dma_wait3A_320] : memref<80x64xi32, #tpu.memory_space<vmem>> -> memref<1x64xi32, #tpu.memory_space<vmem>>
    %dma_wait3A_322 = tpu.memref_squeeze %dma_wait3A_321 : memref<1x64xi32, #tpu.memory_space<vmem>> -> memref<64xi32, #tpu.memory_space<vmem>>
    %dma_wait3A_323 = arith.constant 0 : i32
    %dma_wait3A_324 = arith.constant 0 : i32
    %dma_wait3A_325 = tpu.memref_slice %arg10[%dma_wait3A_323, %dma_wait3A_324] : memref<10240x128xf32, #tpu.memory_space<vmem_shared>> -> memref<10240x128xf32, #tpu.memory_space<vmem_shared>>
    tpu.wait_indirect_dma semaphore(%arg12 : memref<!tpu.dma_semaphore, #tpu.memory_space<semaphore_mem>>) src(%dma_wait3A_319 : memref<64x128xf32, #tpu.memory_space<vmem>>) dst(%dma_wait3A_325 : memref<10240x128xf32, #tpu.memory_space<vmem_shared>>)
    %dma_start3A_326 = arith.constant 3 : i32
    %dma_start3A_327 = arith.constant 79 : i32
    %dma_start3A_328 = arith.constant 0 : i32
    %dma_start3A_329 = arith.constant 0 : i32
    %dma_start3A_330 = tpu.memref_slice %arg9[%dma_start3A_326, %dma_start3A_328, %dma_start3A_329] : memref<4x64x128xf32, #tpu.memory_space<vmem>> -> memref<1x64x128xf32, #tpu.memory_space<vmem>>
    %dma_start3A_331 = tpu.memref_squeeze %dma_start3A_330 : memref<1x64x128xf32, #tpu.memory_space<vmem>> -> memref<64x128xf32, #tpu.memory_space<vmem>>
    %dma_start3A_332 = arith.constant 0 : i32
    %dma_start3A_333 = tpu.memref_slice %arg8[%dma_start3A_327, %dma_start3A_332] : memref<80x64xi32, #tpu.memory_space<vmem>> -> memref<1x64xi32, #tpu.memory_space<vmem>>
    %dma_start3A_334 = tpu.memref_squeeze %dma_start3A_333 : memref<1x64xi32, #tpu.memory_space<vmem>> -> memref<64xi32, #tpu.memory_space<vmem>>
    %dma_start3A_335 = arith.constant 0 : i32
    %dma_start3A_336 = arith.constant 0 : i32
    %dma_start3A_337 = tpu.memref_slice %arg10[%dma_start3A_335, %dma_start3A_336] : memref<10240x128xf32, #tpu.memory_space<vmem_shared>> -> memref<10240x128xf32, #tpu.memory_space<vmem_shared>>
    tpu.enqueue_indirect_dma source(%dma_start3A_331 : memref<64x128xf32, #tpu.memory_space<vmem>>) target(%dma_start3A_337 : memref<10240x128xf32, #tpu.memory_space<vmem_shared>>) offsets(%dma_start3A_334 : memref<64xi32, #tpu.memory_space<vmem>>) semaphore(%arg12 : memref<!tpu.dma_semaphore, #tpu.memory_space<semaphore_mem>>) {add = true}
    %dma_wait3A_338 = arith.constant 2 : i32
    %dma_wait3A_339 = arith.constant 78 : i32
    %dma_wait3A_340 = arith.constant 0 : i32
    %dma_wait3A_341 = arith.constant 0 : i32
    %dma_wait3A_342 = tpu.memref_slice %arg9[%dma_wait3A_338, %dma_wait3A_340, %dma_wait3A_341] : memref<4x64x128xf32, #tpu.memory_space<vmem>> -> memref<1x64x128xf32, #tpu.memory_space<vmem>>
    %dma_wait3A_343 = tpu.memref_squeeze %dma_wait3A_342 : memref<1x64x128xf32, #tpu.memory_space<vmem>> -> memref<64x128xf32, #tpu.memory_space<vmem>>
    %dma_wait3A_344 = arith.constant 0 : i32
    %dma_wait3A_345 = tpu.memref_slice %arg8[%dma_wait3A_339, %dma_wait3A_344] : memref<80x64xi32, #tpu.memory_space<vmem>> -> memref<1x64xi32, #tpu.memory_space<vmem>>
    %dma_wait3A_346 = tpu.memref_squeeze %dma_wait3A_345 : memref<1x64xi32, #tpu.memory_space<vmem>> -> memref<64xi32, #tpu.memory_space<vmem>>
    %dma_wait3A_347 = arith.constant 0 : i32
    %dma_wait3A_348 = arith.constant 0 : i32
    %dma_wait3A_349 = tpu.memref_slice %arg10[%dma_wait3A_347, %dma_wait3A_348] : memref<10240x128xf32, #tpu.memory_space<vmem_shared>> -> memref<10240x128xf32, #tpu.memory_space<vmem_shared>>
    tpu.wait_indirect_dma semaphore(%arg12 : memref<!tpu.dma_semaphore, #tpu.memory_space<semaphore_mem>>) src(%dma_wait3A_343 : memref<64x128xf32, #tpu.memory_space<vmem>>) dst(%dma_wait3A_349 : memref<10240x128xf32, #tpu.memory_space<vmem_shared>>)
    %dma_wait3A_350 = arith.constant 3 : i32
    %dma_wait3A_351 = arith.constant 79 : i32
    %dma_wait3A_352 = arith.constant 0 : i32
    %dma_wait3A_353 = arith.constant 0 : i32
    %dma_wait3A_354 = tpu.memref_slice %arg9[%dma_wait3A_350, %dma_wait3A_352, %dma_wait3A_353] : memref<4x64x128xf32, #tpu.memory_space<vmem>> -> memref<1x64x128xf32, #tpu.memory_space<vmem>>
    %dma_wait3A_355 = tpu.memref_squeeze %dma_wait3A_354 : memref<1x64x128xf32, #tpu.memory_space<vmem>> -> memref<64x128xf32, #tpu.memory_space<vmem>>
    %dma_wait3A_356 = arith.constant 0 : i32
    %dma_wait3A_357 = tpu.memref_slice %arg8[%dma_wait3A_351, %dma_wait3A_356] : memref<80x64xi32, #tpu.memory_space<vmem>> -> memref<1x64xi32, #tpu.memory_space<vmem>>
    %dma_wait3A_358 = tpu.memref_squeeze %dma_wait3A_357 : memref<1x64xi32, #tpu.memory_space<vmem>> -> memref<64xi32, #tpu.memory_space<vmem>>
    %dma_wait3A_359 = arith.constant 0 : i32
    %dma_wait3A_360 = arith.constant 0 : i32
    %dma_wait3A_361 = tpu.memref_slice %arg10[%dma_wait3A_359, %dma_wait3A_360] : memref<10240x128xf32, #tpu.memory_space<vmem_shared>> -> memref<10240x128xf32, #tpu.memory_space<vmem_shared>>
    tpu.wait_indirect_dma semaphore(%arg12 : memref<!tpu.dma_semaphore, #tpu.memory_space<semaphore_mem>>) src(%dma_wait3A_355 : memref<64x128xf32, #tpu.memory_space<vmem>>) dst(%dma_wait3A_361 : memref<10240x128xf32, #tpu.memory_space<vmem_shared>>)
    "tpu.region"() ({
      %run_scoped3A = tpu.sem_alloc : memref<!tpu.dma_semaphore, #tpu.memory_space<semaphore_mem>>
      %dma_start3A_729 = arith.constant 5120 : i32
      %dma_start3A_730 = tpu.memref_slice %arg3[%add3A, %dma_start3A_729] : memref<32x10240xi32, #tpu.memory_space<hbm>> -> memref<1x5120xi32, #tpu.memory_space<hbm>>
      %dma_start3A_731 = tpu.memref_squeeze %dma_start3A_730 : memref<1x5120xi32, #tpu.memory_space<hbm>> -> memref<5120xi32, #tpu.memory_space<hbm>>
      %dma_start3A_732 = arith.constant 5120 : i32
      %dma_start3A_733 = tpu.memref_slice %arg3[%add3A, %dma_start3A_732] : memref<32x10240xi32, #tpu.memory_space<hbm>> -> memref<1x5120xi32, #tpu.memory_space<hbm>>
      %dma_start3A_734 = tpu.memref_squeeze %dma_start3A_733 : memref<1x5120xi32, #tpu.memory_space<hbm>> -> memref<5120xi32, #tpu.memory_space<hbm>>
      tpu.enqueue_dma source(%dma_start3A_734 : memref<5120xi32, #tpu.memory_space<hbm>>) target(%arg7 : memref<5120xi32, #tpu.memory_space<vmem>>) target_semaphore(%run_scoped3A : memref<!tpu.dma_semaphore, #tpu.memory_space<semaphore_mem>>)
      %dma_wait3A_735 = arith.constant 5120 : i32
      %dma_wait3A_736 = tpu.memref_slice %arg3[%add3A, %dma_wait3A_735] : memref<32x10240xi32, #tpu.memory_space<hbm>> -> memref<1x5120xi32, #tpu.memory_space<hbm>>
      %dma_wait3A_737 = tpu.memref_squeeze %dma_wait3A_736 : memref<1x5120xi32, #tpu.memory_space<hbm>> -> memref<5120xi32, #tpu.memory_space<hbm>>
      %dma_wait3A_738 = arith.constant 5120 : i32
      %dma_wait3A_739 = tpu.memref_slice %arg3[%add3A, %dma_wait3A_738] : memref<32x10240xi32, #tpu.memory_space<hbm>> -> memref<1x5120xi32, #tpu.memory_space<hbm>>
      %dma_wait3A_740 = tpu.memref_squeeze %dma_wait3A_739 : memref<1x5120xi32, #tpu.memory_space<hbm>> -> memref<5120xi32, #tpu.memory_space<hbm>>
      tpu.wait_dma2 semaphore(%run_scoped3A : memref<!tpu.dma_semaphore, #tpu.memory_space<semaphore_mem>>) src(%dma_wait3A_740 : memref<5120xi32, #tpu.memory_space<hbm>>) dst(%arg7 : memref<5120xi32, #tpu.memory_space<vmem>>)
      tpu.yield
    }) : () -> ()
    "tpu.region"() ({
      %run_scoped3A = tpu.sem_alloc : memref<!tpu.dma_semaphore, #tpu.memory_space<semaphore_mem>>
      %dma_start3A_729 = arith.constant 80 : i32
      %dma_start3A_730 = arith.constant 0 : i32
      %dma_start3A_731 = tpu.memref_slice %arg4[%add3A, %dma_start3A_729, %dma_start3A_730] : memref<32x160x64xi32, #tpu.memory_space<hbm>> -> memref<1x80x64xi32, #tpu.memory_space<hbm>>
      %dma_start3A_732 = tpu.memref_squeeze %dma_start3A_731 : memref<1x80x64xi32, #tpu.memory_space<hbm>> -> memref<80x64xi32, #tpu.memory_space<hbm>>
      %dma_start3A_733 = arith.constant 80 : i32
      %dma_start3A_734 = arith.constant 0 : i32
      %dma_start3A_735 = tpu.memref_slice %arg4[%add3A, %dma_start3A_733, %dma_start3A_734] : memref<32x160x64xi32, #tpu.memory_space<hbm>> -> memref<1x80x64xi32, #tpu.memory_space<hbm>>
      %dma_start3A_736 = tpu.memref_squeeze %dma_start3A_735 : memref<1x80x64xi32, #tpu.memory_space<hbm>> -> memref<80x64xi32, #tpu.memory_space<hbm>>
      tpu.enqueue_dma source(%dma_start3A_736 : memref<80x64xi32, #tpu.memory_space<hbm>>) target(%arg8 : memref<80x64xi32, #tpu.memory_space<vmem>>) target_semaphore(%run_scoped3A : memref<!tpu.dma_semaphore, #tpu.memory_space<semaphore_mem>>)
      %dma_wait3A_737 = arith.constant 80 : i32
      %dma_wait3A_738 = arith.constant 0 : i32
      %dma_wait3A_739 = tpu.memref_slice %arg4[%add3A, %dma_wait3A_737, %dma_wait3A_738] : memref<32x160x64xi32, #tpu.memory_space<hbm>> -> memref<1x80x64xi32, #tpu.memory_space<hbm>>
      %dma_wait3A_740 = tpu.memref_squeeze %dma_wait3A_739 : memref<1x80x64xi32, #tpu.memory_space<hbm>> -> memref<80x64xi32, #tpu.memory_space<hbm>>
      %dma_wait3A_741 = arith.constant 80 : i32
      %dma_wait3A_742 = arith.constant 0 : i32
      %dma_wait3A_743 = tpu.memref_slice %arg4[%add3A, %dma_wait3A_741, %dma_wait3A_742] : memref<32x160x64xi32, #tpu.memory_space<hbm>> -> memref<1x80x64xi32, #tpu.memory_space<hbm>>
      %dma_wait3A_744 = tpu.memref_squeeze %dma_wait3A_743 : memref<1x80x64xi32, #tpu.memory_space<hbm>> -> memref<80x64xi32, #tpu.memory_space<hbm>>
      tpu.wait_dma2 semaphore(%run_scoped3A : memref<!tpu.dma_semaphore, #tpu.memory_space<semaphore_mem>>) src(%dma_wait3A_744 : memref<80x64xi32, #tpu.memory_space<hbm>>) dst(%arg8 : memref<80x64xi32, #tpu.memory_space<vmem>>)
      tpu.yield
    }) : () -> ()
    %dma_start3A_362 = arith.constant 0 : i32
    %dma_start3A_363 = arith.constant 0 : i32
    %dma_start3A_364 = arith.constant 0 : i32
    %dma_start3A_365 = tpu.memref_slice %arg9[%dma_start3A_362, %dma_start3A_363, %dma_start3A_364] : memref<4x64x128xf32, #tpu.memory_space<vmem>> -> memref<1x64x128xf32, #tpu.memory_space<vmem>>
    %dma_start3A_366 = tpu.memref_squeeze %dma_start3A_365 : memref<1x64x128xf32, #tpu.memory_space<vmem>> -> memref<64x128xf32, #tpu.memory_space<vmem>>
    %dma_start3A_367 = arith.constant 0 : i32
    %dma_start3A_368 = tpu.memref_slice %arg7[%dma_start3A_367] : memref<5120xi32, #tpu.memory_space<vmem>> -> memref<64xi32, #tpu.memory_space<vmem>>
    %dma_start3A_369 = arith.constant 0 : i32
    %dma_start3A_370 = arith.constant 0 : i32
    %dma_start3A_371 = tpu.memref_slice %arg2[%dma_start3A_369, %dma_start3A_370] : memref<10240x128xf32, #tpu.memory_space<hbm>> -> memref<10240x128xf32, #tpu.memory_space<hbm>>
    tpu.enqueue_indirect_dma source(%dma_start3A_371 : memref<10240x128xf32, #tpu.memory_space<hbm>>) target(%dma_start3A_366 : memref<64x128xf32, #tpu.memory_space<vmem>>) offsets(%dma_start3A_368 : memref<64xi32, #tpu.memory_space<vmem>>) semaphore(%arg11 : memref<!tpu.dma_semaphore, #tpu.memory_space<semaphore_mem>>)
    %dma_start3A_372 = arith.constant 1 : i32
    %dma_start3A_373 = arith.constant 0 : i32
    %dma_start3A_374 = arith.constant 0 : i32
    %dma_start3A_375 = tpu.memref_slice %arg9[%dma_start3A_372, %dma_start3A_373, %dma_start3A_374] : memref<4x64x128xf32, #tpu.memory_space<vmem>> -> memref<1x64x128xf32, #tpu.memory_space<vmem>>
    %dma_start3A_376 = tpu.memref_squeeze %dma_start3A_375 : memref<1x64x128xf32, #tpu.memory_space<vmem>> -> memref<64x128xf32, #tpu.memory_space<vmem>>
    %dma_start3A_377 = arith.constant 64 : i32
    %dma_start3A_378 = tpu.memref_slice %arg7[%dma_start3A_377] : memref<5120xi32, #tpu.memory_space<vmem>> -> memref<64xi32, #tpu.memory_space<vmem>>
    %dma_start3A_379 = arith.constant 0 : i32
    %dma_start3A_380 = arith.constant 0 : i32
    %dma_start3A_381 = tpu.memref_slice %arg2[%dma_start3A_379, %dma_start3A_380] : memref<10240x128xf32, #tpu.memory_space<hbm>> -> memref<10240x128xf32, #tpu.memory_space<hbm>>
    tpu.enqueue_indirect_dma source(%dma_start3A_381 : memref<10240x128xf32, #tpu.memory_space<hbm>>) target(%dma_start3A_376 : memref<64x128xf32, #tpu.memory_space<vmem>>) offsets(%dma_start3A_378 : memref<64xi32, #tpu.memory_space<vmem>>) semaphore(%arg11 : memref<!tpu.dma_semaphore, #tpu.memory_space<semaphore_mem>>)
    %dma_wait3A_382 = arith.constant 0 : i32
    %dma_wait3A_383 = arith.constant 0 : i32
    %dma_wait3A_384 = arith.constant 0 : i32
    %dma_wait3A_385 = tpu.memref_slice %arg9[%dma_wait3A_382, %dma_wait3A_383, %dma_wait3A_384] : memref<4x64x128xf32, #tpu.memory_space<vmem>> -> memref<1x64x128xf32, #tpu.memory_space<vmem>>
    %dma_wait3A_386 = tpu.memref_squeeze %dma_wait3A_385 : memref<1x64x128xf32, #tpu.memory_space<vmem>> -> memref<64x128xf32, #tpu.memory_space<vmem>>
    %dma_wait3A_387 = arith.constant 0 : i32
    %dma_wait3A_388 = tpu.memref_slice %arg7[%dma_wait3A_387] : memref<5120xi32, #tpu.memory_space<vmem>> -> memref<64xi32, #tpu.memory_space<vmem>>
    %dma_wait3A_389 = arith.constant 0 : i32
    %dma_wait3A_390 = arith.constant 0 : i32
    %dma_wait3A_391 = tpu.memref_slice %arg2[%dma_wait3A_389, %dma_wait3A_390] : memref<10240x128xf32, #tpu.memory_space<hbm>> -> memref<10240x128xf32, #tpu.memory_space<hbm>>
    tpu.wait_indirect_dma semaphore(%arg11 : memref<!tpu.dma_semaphore, #tpu.memory_space<semaphore_mem>>) src(%dma_wait3A_391 : memref<10240x128xf32, #tpu.memory_space<hbm>>) dst(%dma_wait3A_386 : memref<64x128xf32, #tpu.memory_space<vmem>>)
    %dma_start3A_392 = arith.constant 2 : i32
    %dma_start3A_393 = arith.constant 0 : i32
    %dma_start3A_394 = arith.constant 0 : i32
    %dma_start3A_395 = tpu.memref_slice %arg9[%dma_start3A_392, %dma_start3A_393, %dma_start3A_394] : memref<4x64x128xf32, #tpu.memory_space<vmem>> -> memref<1x64x128xf32, #tpu.memory_space<vmem>>
    %dma_start3A_396 = tpu.memref_squeeze %dma_start3A_395 : memref<1x64x128xf32, #tpu.memory_space<vmem>> -> memref<64x128xf32, #tpu.memory_space<vmem>>
    %dma_start3A_397 = arith.constant 128 : i32
    %dma_start3A_398 = tpu.memref_slice %arg7[%dma_start3A_397] : memref<5120xi32, #tpu.memory_space<vmem>> -> memref<64xi32, #tpu.memory_space<vmem>>
    %dma_start3A_399 = arith.constant 0 : i32
    %dma_start3A_400 = arith.constant 0 : i32
    %dma_start3A_401 = tpu.memref_slice %arg2[%dma_start3A_399, %dma_start3A_400] : memref<10240x128xf32, #tpu.memory_space<hbm>> -> memref<10240x128xf32, #tpu.memory_space<hbm>>
    tpu.enqueue_indirect_dma source(%dma_start3A_401 : memref<10240x128xf32, #tpu.memory_space<hbm>>) target(%dma_start3A_396 : memref<64x128xf32, #tpu.memory_space<vmem>>) offsets(%dma_start3A_398 : memref<64xi32, #tpu.memory_space<vmem>>) semaphore(%arg11 : memref<!tpu.dma_semaphore, #tpu.memory_space<semaphore_mem>>)
    %dma_start3A_402 = arith.constant 0 : i32
    %dma_start3A_403 = arith.constant 0 : i32
    %dma_start3A_404 = arith.constant 0 : i32
    %dma_start3A_405 = arith.constant 0 : i32
    %dma_start3A_406 = tpu.memref_slice %arg9[%dma_start3A_402, %dma_start3A_404, %dma_start3A_405] : memref<4x64x128xf32, #tpu.memory_space<vmem>> -> memref<1x64x128xf32, #tpu.memory_space<vmem>>
    %dma_start3A_407 = tpu.memref_squeeze %dma_start3A_406 : memref<1x64x128xf32, #tpu.memory_space<vmem>> -> memref<64x128xf32, #tpu.memory_space<vmem>>
    %dma_start3A_408 = arith.constant 0 : i32
    %dma_start3A_409 = tpu.memref_slice %arg8[%dma_start3A_403, %dma_start3A_408] : memref<80x64xi32, #tpu.memory_space<vmem>> -> memref<1x64xi32, #tpu.memory_space<vmem>>
    %dma_start3A_410 = tpu.memref_squeeze %dma_start3A_409 : memref<1x64xi32, #tpu.memory_space<vmem>> -> memref<64xi32, #tpu.memory_space<vmem>>
    %dma_start3A_411 = arith.constant 0 : i32
    %dma_start3A_412 = arith.constant 0 : i32
    %dma_start3A_413 = tpu.memref_slice %arg10[%dma_start3A_411, %dma_start3A_412] : memref<10240x128xf32, #tpu.memory_space<vmem_shared>> -> memref<10240x128xf32, #tpu.memory_space<vmem_shared>>
    tpu.enqueue_indirect_dma source(%dma_start3A_407 : memref<64x128xf32, #tpu.memory_space<vmem>>) target(%dma_start3A_413 : memref<10240x128xf32, #tpu.memory_space<vmem_shared>>) offsets(%dma_start3A_410 : memref<64xi32, #tpu.memory_space<vmem>>) semaphore(%arg12 : memref<!tpu.dma_semaphore, #tpu.memory_space<semaphore_mem>>) {add = true}
    %dma_wait3A_414 = arith.constant 1 : i32
    %dma_wait3A_415 = arith.constant 0 : i32
    %dma_wait3A_416 = arith.constant 0 : i32
    %dma_wait3A_417 = tpu.memref_slice %arg9[%dma_wait3A_414, %dma_wait3A_415, %dma_wait3A_416] : memref<4x64x128xf32, #tpu.memory_space<vmem>> -> memref<1x64x128xf32, #tpu.memory_space<vmem>>
    %dma_wait3A_418 = tpu.memref_squeeze %dma_wait3A_417 : memref<1x64x128xf32, #tpu.memory_space<vmem>> -> memref<64x128xf32, #tpu.memory_space<vmem>>
    %dma_wait3A_419 = arith.constant 64 : i32
    %dma_wait3A_420 = tpu.memref_slice %arg7[%dma_wait3A_419] : memref<5120xi32, #tpu.memory_space<vmem>> -> memref<64xi32, #tpu.memory_space<vmem>>
    %dma_wait3A_421 = arith.constant 0 : i32
    %dma_wait3A_422 = arith.constant 0 : i32
    %dma_wait3A_423 = tpu.memref_slice %arg2[%dma_wait3A_421, %dma_wait3A_422] : memref<10240x128xf32, #tpu.memory_space<hbm>> -> memref<10240x128xf32, #tpu.memory_space<hbm>>
    tpu.wait_indirect_dma semaphore(%arg11 : memref<!tpu.dma_semaphore, #tpu.memory_space<semaphore_mem>>) src(%dma_wait3A_423 : memref<10240x128xf32, #tpu.memory_space<hbm>>) dst(%dma_wait3A_418 : memref<64x128xf32, #tpu.memory_space<vmem>>)
    %dma_start3A_424 = arith.constant 3 : i32
    %dma_start3A_425 = arith.constant 0 : i32
    %dma_start3A_426 = arith.constant 0 : i32
    %dma_start3A_427 = tpu.memref_slice %arg9[%dma_start3A_424, %dma_start3A_425, %dma_start3A_426] : memref<4x64x128xf32, #tpu.memory_space<vmem>> -> memref<1x64x128xf32, #tpu.memory_space<vmem>>
    %dma_start3A_428 = tpu.memref_squeeze %dma_start3A_427 : memref<1x64x128xf32, #tpu.memory_space<vmem>> -> memref<64x128xf32, #tpu.memory_space<vmem>>
    %dma_start3A_429 = arith.constant 192 : i32
    %dma_start3A_430 = tpu.memref_slice %arg7[%dma_start3A_429] : memref<5120xi32, #tpu.memory_space<vmem>> -> memref<64xi32, #tpu.memory_space<vmem>>
    %dma_start3A_431 = arith.constant 0 : i32
    %dma_start3A_432 = arith.constant 0 : i32
    %dma_start3A_433 = tpu.memref_slice %arg2[%dma_start3A_431, %dma_start3A_432] : memref<10240x128xf32, #tpu.memory_space<hbm>> -> memref<10240x128xf32, #tpu.memory_space<hbm>>
    tpu.enqueue_indirect_dma source(%dma_start3A_433 : memref<10240x128xf32, #tpu.memory_space<hbm>>) target(%dma_start3A_428 : memref<64x128xf32, #tpu.memory_space<vmem>>) offsets(%dma_start3A_430 : memref<64xi32, #tpu.memory_space<vmem>>) semaphore(%arg11 : memref<!tpu.dma_semaphore, #tpu.memory_space<semaphore_mem>>)
    %dma_start3A_434 = arith.constant 1 : i32
    %dma_start3A_435 = arith.constant 1 : i32
    %dma_start3A_436 = arith.constant 0 : i32
    %dma_start3A_437 = arith.constant 0 : i32
    %dma_start3A_438 = tpu.memref_slice %arg9[%dma_start3A_434, %dma_start3A_436, %dma_start3A_437] : memref<4x64x128xf32, #tpu.memory_space<vmem>> -> memref<1x64x128xf32, #tpu.memory_space<vmem>>
    %dma_start3A_439 = tpu.memref_squeeze %dma_start3A_438 : memref<1x64x128xf32, #tpu.memory_space<vmem>> -> memref<64x128xf32, #tpu.memory_space<vmem>>
    %dma_start3A_440 = arith.constant 0 : i32
    %dma_start3A_441 = tpu.memref_slice %arg8[%dma_start3A_435, %dma_start3A_440] : memref<80x64xi32, #tpu.memory_space<vmem>> -> memref<1x64xi32, #tpu.memory_space<vmem>>
    %dma_start3A_442 = tpu.memref_squeeze %dma_start3A_441 : memref<1x64xi32, #tpu.memory_space<vmem>> -> memref<64xi32, #tpu.memory_space<vmem>>
    %dma_start3A_443 = arith.constant 0 : i32
    %dma_start3A_444 = arith.constant 0 : i32
    %dma_start3A_445 = tpu.memref_slice %arg10[%dma_start3A_443, %dma_start3A_444] : memref<10240x128xf32, #tpu.memory_space<vmem_shared>> -> memref<10240x128xf32, #tpu.memory_space<vmem_shared>>
    tpu.enqueue_indirect_dma source(%dma_start3A_439 : memref<64x128xf32, #tpu.memory_space<vmem>>) target(%dma_start3A_445 : memref<10240x128xf32, #tpu.memory_space<vmem_shared>>) offsets(%dma_start3A_442 : memref<64xi32, #tpu.memory_space<vmem>>) semaphore(%arg12 : memref<!tpu.dma_semaphore, #tpu.memory_space<semaphore_mem>>) {add = true}
    %dma_wait3A_446 = arith.constant 2 : i32
    %dma_wait3A_447 = arith.constant 0 : i32
    %dma_wait3A_448 = arith.constant 0 : i32
    %dma_wait3A_449 = tpu.memref_slice %arg9[%dma_wait3A_446, %dma_wait3A_447, %dma_wait3A_448] : memref<4x64x128xf32, #tpu.memory_space<vmem>> -> memref<1x64x128xf32, #tpu.memory_space<vmem>>
    %dma_wait3A_450 = tpu.memref_squeeze %dma_wait3A_449 : memref<1x64x128xf32, #tpu.memory_space<vmem>> -> memref<64x128xf32, #tpu.memory_space<vmem>>
    %dma_wait3A_451 = arith.constant 128 : i32
    %dma_wait3A_452 = tpu.memref_slice %arg7[%dma_wait3A_451] : memref<5120xi32, #tpu.memory_space<vmem>> -> memref<64xi32, #tpu.memory_space<vmem>>
    %dma_wait3A_453 = arith.constant 0 : i32
    %dma_wait3A_454 = arith.constant 0 : i32
    %dma_wait3A_455 = tpu.memref_slice %arg2[%dma_wait3A_453, %dma_wait3A_454] : memref<10240x128xf32, #tpu.memory_space<hbm>> -> memref<10240x128xf32, #tpu.memory_space<hbm>>
    tpu.wait_indirect_dma semaphore(%arg11 : memref<!tpu.dma_semaphore, #tpu.memory_space<semaphore_mem>>) src(%dma_wait3A_455 : memref<10240x128xf32, #tpu.memory_space<hbm>>) dst(%dma_wait3A_450 : memref<64x128xf32, #tpu.memory_space<vmem>>)
    %dma_wait3A_456 = arith.constant 0 : i32
    %dma_wait3A_457 = arith.constant 0 : i32
    %dma_wait3A_458 = arith.constant 0 : i32
    %dma_wait3A_459 = arith.constant 0 : i32
    %dma_wait3A_460 = tpu.memref_slice %arg9[%dma_wait3A_456, %dma_wait3A_458, %dma_wait3A_459] : memref<4x64x128xf32, #tpu.memory_space<vmem>> -> memref<1x64x128xf32, #tpu.memory_space<vmem>>
    %dma_wait3A_461 = tpu.memref_squeeze %dma_wait3A_460 : memref<1x64x128xf32, #tpu.memory_space<vmem>> -> memref<64x128xf32, #tpu.memory_space<vmem>>
    %dma_wait3A_462 = arith.constant 0 : i32
    %dma_wait3A_463 = tpu.memref_slice %arg8[%dma_wait3A_457, %dma_wait3A_462] : memref<80x64xi32, #tpu.memory_space<vmem>> -> memref<1x64xi32, #tpu.memory_space<vmem>>
    %dma_wait3A_464 = tpu.memref_squeeze %dma_wait3A_463 : memref<1x64xi32, #tpu.memory_space<vmem>> -> memref<64xi32, #tpu.memory_space<vmem>>
    %dma_wait3A_465 = arith.constant 0 : i32
    %dma_wait3A_466 = arith.constant 0 : i32
    %dma_wait3A_467 = tpu.memref_slice %arg10[%dma_wait3A_465, %dma_wait3A_466] : memref<10240x128xf32, #tpu.memory_space<vmem_shared>> -> memref<10240x128xf32, #tpu.memory_space<vmem_shared>>
    tpu.wait_indirect_dma semaphore(%arg12 : memref<!tpu.dma_semaphore, #tpu.memory_space<semaphore_mem>>) src(%dma_wait3A_461 : memref<64x128xf32, #tpu.memory_space<vmem>>) dst(%dma_wait3A_467 : memref<10240x128xf32, #tpu.memory_space<vmem_shared>>)
    %dma_start3A_468 = arith.constant 0 : i32
    %dma_start3A_469 = arith.constant 0 : i32
    %dma_start3A_470 = arith.constant 0 : i32
    %dma_start3A_471 = tpu.memref_slice %arg9[%dma_start3A_468, %dma_start3A_469, %dma_start3A_470] : memref<4x64x128xf32, #tpu.memory_space<vmem>> -> memref<1x64x128xf32, #tpu.memory_space<vmem>>
    %dma_start3A_472 = tpu.memref_squeeze %dma_start3A_471 : memref<1x64x128xf32, #tpu.memory_space<vmem>> -> memref<64x128xf32, #tpu.memory_space<vmem>>
    %dma_start3A_473 = arith.constant 256 : i32
    %dma_start3A_474 = tpu.memref_slice %arg7[%dma_start3A_473] : memref<5120xi32, #tpu.memory_space<vmem>> -> memref<64xi32, #tpu.memory_space<vmem>>
    %dma_start3A_475 = arith.constant 0 : i32
    %dma_start3A_476 = arith.constant 0 : i32
    %dma_start3A_477 = tpu.memref_slice %arg2[%dma_start3A_475, %dma_start3A_476] : memref<10240x128xf32, #tpu.memory_space<hbm>> -> memref<10240x128xf32, #tpu.memory_space<hbm>>
    tpu.enqueue_indirect_dma source(%dma_start3A_477 : memref<10240x128xf32, #tpu.memory_space<hbm>>) target(%dma_start3A_472 : memref<64x128xf32, #tpu.memory_space<vmem>>) offsets(%dma_start3A_474 : memref<64xi32, #tpu.memory_space<vmem>>) semaphore(%arg11 : memref<!tpu.dma_semaphore, #tpu.memory_space<semaphore_mem>>)
    %dma_start3A_478 = arith.constant 2 : i32
    %dma_start3A_479 = arith.constant 2 : i32
    %dma_start3A_480 = arith.constant 0 : i32
    %dma_start3A_481 = arith.constant 0 : i32
    %dma_start3A_482 = tpu.memref_slice %arg9[%dma_start3A_478, %dma_start3A_480, %dma_start3A_481] : memref<4x64x128xf32, #tpu.memory_space<vmem>> -> memref<1x64x128xf32, #tpu.memory_space<vmem>>
    %dma_start3A_483 = tpu.memref_squeeze %dma_start3A_482 : memref<1x64x128xf32, #tpu.memory_space<vmem>> -> memref<64x128xf32, #tpu.memory_space<vmem>>
    %dma_start3A_484 = arith.constant 0 : i32
    %dma_start3A_485 = tpu.memref_slice %arg8[%dma_start3A_479, %dma_start3A_484] : memref<80x64xi32, #tpu.memory_space<vmem>> -> memref<1x64xi32, #tpu.memory_space<vmem>>
    %dma_start3A_486 = tpu.memref_squeeze %dma_start3A_485 : memref<1x64xi32, #tpu.memory_space<vmem>> -> memref<64xi32, #tpu.memory_space<vmem>>
    %dma_start3A_487 = arith.constant 0 : i32
    %dma_start3A_488 = arith.constant 0 : i32
    %dma_start3A_489 = tpu.memref_slice %arg10[%dma_start3A_487, %dma_start3A_488] : memref<10240x128xf32, #tpu.memory_space<vmem_shared>> -> memref<10240x128xf32, #tpu.memory_space<vmem_shared>>
    tpu.enqueue_indirect_dma source(%dma_start3A_483 : memref<64x128xf32, #tpu.memory_space<vmem>>) target(%dma_start3A_489 : memref<10240x128xf32, #tpu.memory_space<vmem_shared>>) offsets(%dma_start3A_486 : memref<64xi32, #tpu.memory_space<vmem>>) semaphore(%arg12 : memref<!tpu.dma_semaphore, #tpu.memory_space<semaphore_mem>>) {add = true}
    %dma_wait3A_490 = arith.constant 3 : i32
    %dma_wait3A_491 = arith.constant 0 : i32
    %dma_wait3A_492 = arith.constant 0 : i32
    %dma_wait3A_493 = tpu.memref_slice %arg9[%dma_wait3A_490, %dma_wait3A_491, %dma_wait3A_492] : memref<4x64x128xf32, #tpu.memory_space<vmem>> -> memref<1x64x128xf32, #tpu.memory_space<vmem>>
    %dma_wait3A_494 = tpu.memref_squeeze %dma_wait3A_493 : memref<1x64x128xf32, #tpu.memory_space<vmem>> -> memref<64x128xf32, #tpu.memory_space<vmem>>
    %dma_wait3A_495 = arith.constant 192 : i32
    %dma_wait3A_496 = tpu.memref_slice %arg7[%dma_wait3A_495] : memref<5120xi32, #tpu.memory_space<vmem>> -> memref<64xi32, #tpu.memory_space<vmem>>
    %dma_wait3A_497 = arith.constant 0 : i32
    %dma_wait3A_498 = arith.constant 0 : i32
    %dma_wait3A_499 = tpu.memref_slice %arg2[%dma_wait3A_497, %dma_wait3A_498] : memref<10240x128xf32, #tpu.memory_space<hbm>> -> memref<10240x128xf32, #tpu.memory_space<hbm>>
    tpu.wait_indirect_dma semaphore(%arg11 : memref<!tpu.dma_semaphore, #tpu.memory_space<semaphore_mem>>) src(%dma_wait3A_499 : memref<10240x128xf32, #tpu.memory_space<hbm>>) dst(%dma_wait3A_494 : memref<64x128xf32, #tpu.memory_space<vmem>>)
    %dma_wait3A_500 = arith.constant 1 : i32
    %dma_wait3A_501 = arith.constant 1 : i32
    %dma_wait3A_502 = arith.constant 0 : i32
    %dma_wait3A_503 = arith.constant 0 : i32
    %dma_wait3A_504 = tpu.memref_slice %arg9[%dma_wait3A_500, %dma_wait3A_502, %dma_wait3A_503] : memref<4x64x128xf32, #tpu.memory_space<vmem>> -> memref<1x64x128xf32, #tpu.memory_space<vmem>>
    %dma_wait3A_505 = tpu.memref_squeeze %dma_wait3A_504 : memref<1x64x128xf32, #tpu.memory_space<vmem>> -> memref<64x128xf32, #tpu.memory_space<vmem>>
    %dma_wait3A_506 = arith.constant 0 : i32
    %dma_wait3A_507 = tpu.memref_slice %arg8[%dma_wait3A_501, %dma_wait3A_506] : memref<80x64xi32, #tpu.memory_space<vmem>> -> memref<1x64xi32, #tpu.memory_space<vmem>>
    %dma_wait3A_508 = tpu.memref_squeeze %dma_wait3A_507 : memref<1x64xi32, #tpu.memory_space<vmem>> -> memref<64xi32, #tpu.memory_space<vmem>>
    %dma_wait3A_509 = arith.constant 0 : i32
    %dma_wait3A_510 = arith.constant 0 : i32
    %dma_wait3A_511 = tpu.memref_slice %arg10[%dma_wait3A_509, %dma_wait3A_510] : memref<10240x128xf32, #tpu.memory_space<vmem_shared>> -> memref<10240x128xf32, #tpu.memory_space<vmem_shared>>
    tpu.wait_indirect_dma semaphore(%arg12 : memref<!tpu.dma_semaphore, #tpu.memory_space<semaphore_mem>>) src(%dma_wait3A_505 : memref<64x128xf32, #tpu.memory_space<vmem>>) dst(%dma_wait3A_511 : memref<10240x128xf32, #tpu.memory_space<vmem_shared>>)
    %dma_start3A_512 = arith.constant 1 : i32
    %dma_start3A_513 = arith.constant 0 : i32
    %dma_start3A_514 = arith.constant 0 : i32
    %dma_start3A_515 = tpu.memref_slice %arg9[%dma_start3A_512, %dma_start3A_513, %dma_start3A_514] : memref<4x64x128xf32, #tpu.memory_space<vmem>> -> memref<1x64x128xf32, #tpu.memory_space<vmem>>
    %dma_start3A_516 = tpu.memref_squeeze %dma_start3A_515 : memref<1x64x128xf32, #tpu.memory_space<vmem>> -> memref<64x128xf32, #tpu.memory_space<vmem>>
    %dma_start3A_517 = arith.constant 320 : i32
    %dma_start3A_518 = tpu.memref_slice %arg7[%dma_start3A_517] : memref<5120xi32, #tpu.memory_space<vmem>> -> memref<64xi32, #tpu.memory_space<vmem>>
    %dma_start3A_519 = arith.constant 0 : i32
    %dma_start3A_520 = arith.constant 0 : i32
    %dma_start3A_521 = tpu.memref_slice %arg2[%dma_start3A_519, %dma_start3A_520] : memref<10240x128xf32, #tpu.memory_space<hbm>> -> memref<10240x128xf32, #tpu.memory_space<hbm>>
    tpu.enqueue_indirect_dma source(%dma_start3A_521 : memref<10240x128xf32, #tpu.memory_space<hbm>>) target(%dma_start3A_516 : memref<64x128xf32, #tpu.memory_space<vmem>>) offsets(%dma_start3A_518 : memref<64xi32, #tpu.memory_space<vmem>>) semaphore(%arg11 : memref<!tpu.dma_semaphore, #tpu.memory_space<semaphore_mem>>)
    %dma_start3A_522 = arith.constant 3 : i32
    %dma_start3A_523 = arith.constant 3 : i32
    %dma_start3A_524 = arith.constant 0 : i32
    %dma_start3A_525 = arith.constant 0 : i32
    %dma_start3A_526 = tpu.memref_slice %arg9[%dma_start3A_522, %dma_start3A_524, %dma_start3A_525] : memref<4x64x128xf32, #tpu.memory_space<vmem>> -> memref<1x64x128xf32, #tpu.memory_space<vmem>>
    %dma_start3A_527 = tpu.memref_squeeze %dma_start3A_526 : memref<1x64x128xf32, #tpu.memory_space<vmem>> -> memref<64x128xf32, #tpu.memory_space<vmem>>
    %dma_start3A_528 = arith.constant 0 : i32
    %dma_start3A_529 = tpu.memref_slice %arg8[%dma_start3A_523, %dma_start3A_528] : memref<80x64xi32, #tpu.memory_space<vmem>> -> memref<1x64xi32, #tpu.memory_space<vmem>>
    %dma_start3A_530 = tpu.memref_squeeze %dma_start3A_529 : memref<1x64xi32, #tpu.memory_space<vmem>> -> memref<64xi32, #tpu.memory_space<vmem>>
    %dma_start3A_531 = arith.constant 0 : i32
    %dma_start3A_532 = arith.constant 0 : i32
    %dma_start3A_533 = tpu.memref_slice %arg10[%dma_start3A_531, %dma_start3A_532] : memref<10240x128xf32, #tpu.memory_space<vmem_shared>> -> memref<10240x128xf32, #tpu.memory_space<vmem_shared>>
    tpu.enqueue_indirect_dma source(%dma_start3A_527 : memref<64x128xf32, #tpu.memory_space<vmem>>) target(%dma_start3A_533 : memref<10240x128xf32, #tpu.memory_space<vmem_shared>>) offsets(%dma_start3A_530 : memref<64xi32, #tpu.memory_space<vmem>>) semaphore(%arg12 : memref<!tpu.dma_semaphore, #tpu.memory_space<semaphore_mem>>) {add = true}
    %scan3A_534 = arith.constant 0 : i32
    %scan3A_535 = arith.constant 0 : i32
    %scan3A_536 = arith.constant 2 : i32
    %scan3A_537 = arith.constant 1 : i32
    %scan3A_538 = arith.constant 3 : i32
    %scan3A_539 = arith.constant 1 : i32
    %scan3A_540 = arith.constant 18 : i32
    %scan3A_541 = arith.addi %scan3A_539, %scan3A_540 : i32
    %scan3A_542 = arith.constant 1 : i32
    scf.for %scan3A_729 = %scan3A_539 to %scan3A_541 step %scan3A_542  : i32 {
      %mul3A_730 = arith.constant 4 : i32
      %mul3A_731 = arith.muli %mul3A_730, %scan3A_729 : i32
      %mul3A_732 = arith.constant 64 : i32
      %mul3A_733 = arith.muli %mul3A_731, %mul3A_732 : i32
      %dma_wait3A_734 = arith.constant 0 : i32
      %dma_wait3A_735 = arith.constant 0 : i32
      %dma_wait3A_736 = tpu.memref_slice %arg9[%scan3A_535, %dma_wait3A_734, %dma_wait3A_735] : memref<4x64x128xf32, #tpu.memory_space<vmem>> -> memref<1x64x128xf32, #tpu.memory_space<vmem>>
      %dma_wait3A_737 = tpu.memref_squeeze %dma_wait3A_736 : memref<1x64x128xf32, #tpu.memory_space<vmem>> -> memref<64x128xf32, #tpu.memory_space<vmem>>
      %dma_wait3A_738 = tpu.memref_slice %arg7[%mul3A_733] : memref<5120xi32, #tpu.memory_space<vmem>> -> memref<64xi32, #tpu.memory_space<vmem>>
      %dma_wait3A_739 = arith.constant 0 : i32
      %dma_wait3A_740 = arith.constant 0 : i32
      %dma_wait3A_741 = tpu.memref_slice %arg2[%dma_wait3A_739, %dma_wait3A_740] : memref<10240x128xf32, #tpu.memory_space<hbm>> -> memref<10240x128xf32, #tpu.memory_space<hbm>>
      tpu.wait_indirect_dma semaphore(%arg11 : memref<!tpu.dma_semaphore, #tpu.memory_space<semaphore_mem>>) src(%dma_wait3A_741 : memref<10240x128xf32, #tpu.memory_space<hbm>>) dst(%dma_wait3A_737 : memref<64x128xf32, #tpu.memory_space<vmem>>)
      %sub3A = arith.constant 2 : i32
      %sub3A_742 = arith.subi %mul3A_731, %sub3A : i32
      %dma_wait3A_743 = arith.constant 0 : i32
      %dma_wait3A_744 = arith.constant 0 : i32
      %dma_wait3A_745 = tpu.memref_slice %arg9[%scan3A_536, %dma_wait3A_743, %dma_wait3A_744] : memref<4x64x128xf32, #tpu.memory_space<vmem>> -> memref<1x64x128xf32, #tpu.memory_space<vmem>>
      %dma_wait3A_746 = tpu.memref_squeeze %dma_wait3A_745 : memref<1x64x128xf32, #tpu.memory_space<vmem>> -> memref<64x128xf32, #tpu.memory_space<vmem>>
      %dma_wait3A_747 = arith.constant 0 : i32
      %dma_wait3A_748 = tpu.memref_slice %arg8[%sub3A_742, %dma_wait3A_747] : memref<80x64xi32, #tpu.memory_space<vmem>> -> memref<1x64xi32, #tpu.memory_space<vmem>>
      %dma_wait3A_749 = tpu.memref_squeeze %dma_wait3A_748 : memref<1x64xi32, #tpu.memory_space<vmem>> -> memref<64xi32, #tpu.memory_space<vmem>>
      %dma_wait3A_750 = arith.constant 0 : i32
      %dma_wait3A_751 = arith.constant 0 : i32
      %dma_wait3A_752 = tpu.memref_slice %arg10[%dma_wait3A_750, %dma_wait3A_751] : memref<10240x128xf32, #tpu.memory_space<vmem_shared>> -> memref<10240x128xf32, #tpu.memory_space<vmem_shared>>
      tpu.wait_indirect_dma semaphore(%arg12 : memref<!tpu.dma_semaphore, #tpu.memory_space<semaphore_mem>>) src(%dma_wait3A_746 : memref<64x128xf32, #tpu.memory_space<vmem>>) dst(%dma_wait3A_752 : memref<10240x128xf32, #tpu.memory_space<vmem_shared>>)
      %add3A_753 = arith.constant 2 : i32
      %add3A_754 = arith.addi %mul3A_731, %add3A_753 : i32
      %mul3A_755 = arith.constant 64 : i32
      %mul3A_756 = arith.muli %add3A_754, %mul3A_755 : i32
      %dma_start3A_757 = arith.constant 0 : i32
      %dma_start3A_758 = arith.constant 0 : i32
      %dma_start3A_759 = tpu.memref_slice %arg9[%scan3A_536, %dma_start3A_757, %dma_start3A_758] : memref<4x64x128xf32, #tpu.memory_space<vmem>> -> memref<1x64x128xf32, #tpu.memory_space<vmem>>
      %dma_start3A_760 = tpu.memref_squeeze %dma_start3A_759 : memref<1x64x128xf32, #tpu.memory_space<vmem>> -> memref<64x128xf32, #tpu.memory_space<vmem>>
      %dma_start3A_761 = tpu.memref_slice %arg7[%mul3A_756] : memref<5120xi32, #tpu.memory_space<vmem>> -> memref<64xi32, #tpu.memory_space<vmem>>
      %dma_start3A_762 = arith.constant 0 : i32
      %dma_start3A_763 = arith.constant 0 : i32
      %dma_start3A_764 = tpu.memref_slice %arg2[%dma_start3A_762, %dma_start3A_763] : memref<10240x128xf32, #tpu.memory_space<hbm>> -> memref<10240x128xf32, #tpu.memory_space<hbm>>
      tpu.enqueue_indirect_dma source(%dma_start3A_764 : memref<10240x128xf32, #tpu.memory_space<hbm>>) target(%dma_start3A_760 : memref<64x128xf32, #tpu.memory_space<vmem>>) offsets(%dma_start3A_761 : memref<64xi32, #tpu.memory_space<vmem>>) semaphore(%arg11 : memref<!tpu.dma_semaphore, #tpu.memory_space<semaphore_mem>>)
      %dma_start3A_765 = arith.constant 0 : i32
      %dma_start3A_766 = arith.constant 0 : i32
      %dma_start3A_767 = tpu.memref_slice %arg9[%scan3A_535, %dma_start3A_765, %dma_start3A_766] : memref<4x64x128xf32, #tpu.memory_space<vmem>> -> memref<1x64x128xf32, #tpu.memory_space<vmem>>
      %dma_start3A_768 = tpu.memref_squeeze %dma_start3A_767 : memref<1x64x128xf32, #tpu.memory_space<vmem>> -> memref<64x128xf32, #tpu.memory_space<vmem>>
      %dma_start3A_769 = arith.constant 0 : i32
      %dma_start3A_770 = tpu.memref_slice %arg8[%mul3A_731, %dma_start3A_769] : memref<80x64xi32, #tpu.memory_space<vmem>> -> memref<1x64xi32, #tpu.memory_space<vmem>>
      %dma_start3A_771 = tpu.memref_squeeze %dma_start3A_770 : memref<1x64xi32, #tpu.memory_space<vmem>> -> memref<64xi32, #tpu.memory_space<vmem>>
      %dma_start3A_772 = arith.constant 0 : i32
      %dma_start3A_773 = arith.constant 0 : i32
      %dma_start3A_774 = tpu.memref_slice %arg10[%dma_start3A_772, %dma_start3A_773] : memref<10240x128xf32, #tpu.memory_space<vmem_shared>> -> memref<10240x128xf32, #tpu.memory_space<vmem_shared>>
      tpu.enqueue_indirect_dma source(%dma_start3A_768 : memref<64x128xf32, #tpu.memory_space<vmem>>) target(%dma_start3A_774 : memref<10240x128xf32, #tpu.memory_space<vmem_shared>>) offsets(%dma_start3A_771 : memref<64xi32, #tpu.memory_space<vmem>>) semaphore(%arg12 : memref<!tpu.dma_semaphore, #tpu.memory_space<semaphore_mem>>) {add = true}
      %add3A_775 = arith.constant 1 : i32
      %add3A_776 = arith.addi %mul3A_731, %add3A_775 : i32
      %mul3A_777 = arith.constant 64 : i32
      %mul3A_778 = arith.muli %add3A_776, %mul3A_777 : i32
      %dma_wait3A_779 = arith.constant 0 : i32
      %dma_wait3A_780 = arith.constant 0 : i32
      %dma_wait3A_781 = tpu.memref_slice %arg9[%scan3A_537, %dma_wait3A_779, %dma_wait3A_780] : memref<4x64x128xf32, #tpu.memory_space<vmem>> -> memref<1x64x128xf32, #tpu.memory_space<vmem>>
      %dma_wait3A_782 = tpu.memref_squeeze %dma_wait3A_781 : memref<1x64x128xf32, #tpu.memory_space<vmem>> -> memref<64x128xf32, #tpu.memory_space<vmem>>
      %dma_wait3A_783 = tpu.memref_slice %arg7[%mul3A_778] : memref<5120xi32, #tpu.memory_space<vmem>> -> memref<64xi32, #tpu.memory_space<vmem>>
      %dma_wait3A_784 = arith.constant 0 : i32
      %dma_wait3A_785 = arith.constant 0 : i32
      %dma_wait3A_786 = tpu.memref_slice %arg2[%dma_wait3A_784, %dma_wait3A_785] : memref<10240x128xf32, #tpu.memory_space<hbm>> -> memref<10240x128xf32, #tpu.memory_space<hbm>>
      tpu.wait_indirect_dma semaphore(%arg11 : memref<!tpu.dma_semaphore, #tpu.memory_space<semaphore_mem>>) src(%dma_wait3A_786 : memref<10240x128xf32, #tpu.memory_space<hbm>>) dst(%dma_wait3A_782 : memref<64x128xf32, #tpu.memory_space<vmem>>)
      %sub3A_787 = arith.constant 1 : i32
      %sub3A_788 = arith.subi %mul3A_731, %sub3A_787 : i32
      %dma_wait3A_789 = arith.constant 0 : i32
      %dma_wait3A_790 = arith.constant 0 : i32
      %dma_wait3A_791 = tpu.memref_slice %arg9[%scan3A_538, %dma_wait3A_789, %dma_wait3A_790] : memref<4x64x128xf32, #tpu.memory_space<vmem>> -> memref<1x64x128xf32, #tpu.memory_space<vmem>>
      %dma_wait3A_792 = tpu.memref_squeeze %dma_wait3A_791 : memref<1x64x128xf32, #tpu.memory_space<vmem>> -> memref<64x128xf32, #tpu.memory_space<vmem>>
      %dma_wait3A_793 = arith.constant 0 : i32
      %dma_wait3A_794 = tpu.memref_slice %arg8[%sub3A_788, %dma_wait3A_793] : memref<80x64xi32, #tpu.memory_space<vmem>> -> memref<1x64xi32, #tpu.memory_space<vmem>>
      %dma_wait3A_795 = tpu.memref_squeeze %dma_wait3A_794 : memref<1x64xi32, #tpu.memory_space<vmem>> -> memref<64xi32, #tpu.memory_space<vmem>>
      %dma_wait3A_796 = arith.constant 0 : i32
      %dma_wait3A_797 = arith.constant 0 : i32
      %dma_wait3A_798 = tpu.memref_slice %arg10[%dma_wait3A_796, %dma_wait3A_797] : memref<10240x128xf32, #tpu.memory_space<vmem_shared>> -> memref<10240x128xf32, #tpu.memory_space<vmem_shared>>
      tpu.wait_indirect_dma semaphore(%arg12 : memref<!tpu.dma_semaphore, #tpu.memory_space<semaphore_mem>>) src(%dma_wait3A_792 : memref<64x128xf32, #tpu.memory_space<vmem>>) dst(%dma_wait3A_798 : memref<10240x128xf32, #tpu.memory_space<vmem_shared>>)
      %add3A_799 = arith.constant 3 : i32
      %add3A_800 = arith.addi %mul3A_731, %add3A_799 : i32
      %mul3A_801 = arith.constant 64 : i32
      %mul3A_802 = arith.muli %add3A_800, %mul3A_801 : i32
      %dma_start3A_803 = arith.constant 0 : i32
      %dma_start3A_804 = arith.constant 0 : i32
      %dma_start3A_805 = tpu.memref_slice %arg9[%scan3A_538, %dma_start3A_803, %dma_start3A_804] : memref<4x64x128xf32, #tpu.memory_space<vmem>> -> memref<1x64x128xf32, #tpu.memory_space<vmem>>
      %dma_start3A_806 = tpu.memref_squeeze %dma_start3A_805 : memref<1x64x128xf32, #tpu.memory_space<vmem>> -> memref<64x128xf32, #tpu.memory_space<vmem>>
      %dma_start3A_807 = tpu.memref_slice %arg7[%mul3A_802] : memref<5120xi32, #tpu.memory_space<vmem>> -> memref<64xi32, #tpu.memory_space<vmem>>
      %dma_start3A_808 = arith.constant 0 : i32
      %dma_start3A_809 = arith.constant 0 : i32
      %dma_start3A_810 = tpu.memref_slice %arg2[%dma_start3A_808, %dma_start3A_809] : memref<10240x128xf32, #tpu.memory_space<hbm>> -> memref<10240x128xf32, #tpu.memory_space<hbm>>
      tpu.enqueue_indirect_dma source(%dma_start3A_810 : memref<10240x128xf32, #tpu.memory_space<hbm>>) target(%dma_start3A_806 : memref<64x128xf32, #tpu.memory_space<vmem>>) offsets(%dma_start3A_807 : memref<64xi32, #tpu.memory_space<vmem>>) semaphore(%arg11 : memref<!tpu.dma_semaphore, #tpu.memory_space<semaphore_mem>>)
      %add3A_811 = arith.constant 1 : i32
      %add3A_812 = arith.addi %mul3A_731, %add3A_811 : i32
      %dma_start3A_813 = arith.constant 0 : i32
      %dma_start3A_814 = arith.constant 0 : i32
      %dma_start3A_815 = tpu.memref_slice %arg9[%scan3A_537, %dma_start3A_813, %dma_start3A_814] : memref<4x64x128xf32, #tpu.memory_space<vmem>> -> memref<1x64x128xf32, #tpu.memory_space<vmem>>
      %dma_start3A_816 = tpu.memref_squeeze %dma_start3A_815 : memref<1x64x128xf32, #tpu.memory_space<vmem>> -> memref<64x128xf32, #tpu.memory_space<vmem>>
      %dma_start3A_817 = arith.constant 0 : i32
      %dma_start3A_818 = tpu.memref_slice %arg8[%add3A_812, %dma_start3A_817] : memref<80x64xi32, #tpu.memory_space<vmem>> -> memref<1x64xi32, #tpu.memory_space<vmem>>
      %dma_start3A_819 = tpu.memref_squeeze %dma_start3A_818 : memref<1x64xi32, #tpu.memory_space<vmem>> -> memref<64xi32, #tpu.memory_space<vmem>>
      %dma_start3A_820 = arith.constant 0 : i32
      %dma_start3A_821 = arith.constant 0 : i32
      %dma_start3A_822 = tpu.memref_slice %arg10[%dma_start3A_820, %dma_start3A_821] : memref<10240x128xf32, #tpu.memory_space<vmem_shared>> -> memref<10240x128xf32, #tpu.memory_space<vmem_shared>>
      tpu.enqueue_indirect_dma source(%dma_start3A_816 : memref<64x128xf32, #tpu.memory_space<vmem>>) target(%dma_start3A_822 : memref<10240x128xf32, #tpu.memory_space<vmem_shared>>) offsets(%dma_start3A_819 : memref<64xi32, #tpu.memory_space<vmem>>) semaphore(%arg12 : memref<!tpu.dma_semaphore, #tpu.memory_space<semaphore_mem>>) {add = true}
      %add3A_823 = arith.constant 2 : i32
      %add3A_824 = arith.addi %mul3A_731, %add3A_823 : i32
      %mul3A_825 = arith.constant 64 : i32
      %mul3A_826 = arith.muli %add3A_824, %mul3A_825 : i32
      %dma_wait3A_827 = arith.constant 0 : i32
      %dma_wait3A_828 = arith.constant 0 : i32
      %dma_wait3A_829 = tpu.memref_slice %arg9[%scan3A_536, %dma_wait3A_827, %dma_wait3A_828] : memref<4x64x128xf32, #tpu.memory_space<vmem>> -> memref<1x64x128xf32, #tpu.memory_space<vmem>>
      %dma_wait3A_830 = tpu.memref_squeeze %dma_wait3A_829 : memref<1x64x128xf32, #tpu.memory_space<vmem>> -> memref<64x128xf32, #tpu.memory_space<vmem>>
      %dma_wait3A_831 = tpu.memref_slice %arg7[%mul3A_826] : memref<5120xi32, #tpu.memory_space<vmem>> -> memref<64xi32, #tpu.memory_space<vmem>>
      %dma_wait3A_832 = arith.constant 0 : i32
      %dma_wait3A_833 = arith.constant 0 : i32
      %dma_wait3A_834 = tpu.memref_slice %arg2[%dma_wait3A_832, %dma_wait3A_833] : memref<10240x128xf32, #tpu.memory_space<hbm>> -> memref<10240x128xf32, #tpu.memory_space<hbm>>
      tpu.wait_indirect_dma semaphore(%arg11 : memref<!tpu.dma_semaphore, #tpu.memory_space<semaphore_mem>>) src(%dma_wait3A_834 : memref<10240x128xf32, #tpu.memory_space<hbm>>) dst(%dma_wait3A_830 : memref<64x128xf32, #tpu.memory_space<vmem>>)
      %dma_wait3A_835 = arith.constant 0 : i32
      %dma_wait3A_836 = arith.constant 0 : i32
      %dma_wait3A_837 = tpu.memref_slice %arg9[%scan3A_535, %dma_wait3A_835, %dma_wait3A_836] : memref<4x64x128xf32, #tpu.memory_space<vmem>> -> memref<1x64x128xf32, #tpu.memory_space<vmem>>
      %dma_wait3A_838 = tpu.memref_squeeze %dma_wait3A_837 : memref<1x64x128xf32, #tpu.memory_space<vmem>> -> memref<64x128xf32, #tpu.memory_space<vmem>>
      %dma_wait3A_839 = arith.constant 0 : i32
      %dma_wait3A_840 = tpu.memref_slice %arg8[%mul3A_731, %dma_wait3A_839] : memref<80x64xi32, #tpu.memory_space<vmem>> -> memref<1x64xi32, #tpu.memory_space<vmem>>
      %dma_wait3A_841 = tpu.memref_squeeze %dma_wait3A_840 : memref<1x64xi32, #tpu.memory_space<vmem>> -> memref<64xi32, #tpu.memory_space<vmem>>
      %dma_wait3A_842 = arith.constant 0 : i32
      %dma_wait3A_843 = arith.constant 0 : i32
      %dma_wait3A_844 = tpu.memref_slice %arg10[%dma_wait3A_842, %dma_wait3A_843] : memref<10240x128xf32, #tpu.memory_space<vmem_shared>> -> memref<10240x128xf32, #tpu.memory_space<vmem_shared>>
      tpu.wait_indirect_dma semaphore(%arg12 : memref<!tpu.dma_semaphore, #tpu.memory_space<semaphore_mem>>) src(%dma_wait3A_838 : memref<64x128xf32, #tpu.memory_space<vmem>>) dst(%dma_wait3A_844 : memref<10240x128xf32, #tpu.memory_space<vmem_shared>>)
      %add3A_845 = arith.constant 4 : i32
      %add3A_846 = arith.addi %mul3A_731, %add3A_845 : i32
      %mul3A_847 = arith.constant 64 : i32
      %mul3A_848 = arith.muli %add3A_846, %mul3A_847 : i32
      %dma_start3A_849 = arith.constant 0 : i32
      %dma_start3A_850 = arith.constant 0 : i32
      %dma_start3A_851 = tpu.memref_slice %arg9[%scan3A_535, %dma_start3A_849, %dma_start3A_850] : memref<4x64x128xf32, #tpu.memory_space<vmem>> -> memref<1x64x128xf32, #tpu.memory_space<vmem>>
      %dma_start3A_852 = tpu.memref_squeeze %dma_start3A_851 : memref<1x64x128xf32, #tpu.memory_space<vmem>> -> memref<64x128xf32, #tpu.memory_space<vmem>>
      %dma_start3A_853 = tpu.memref_slice %arg7[%mul3A_848] : memref<5120xi32, #tpu.memory_space<vmem>> -> memref<64xi32, #tpu.memory_space<vmem>>
      %dma_start3A_854 = arith.constant 0 : i32
      %dma_start3A_855 = arith.constant 0 : i32
      %dma_start3A_856 = tpu.memref_slice %arg2[%dma_start3A_854, %dma_start3A_855] : memref<10240x128xf32, #tpu.memory_space<hbm>> -> memref<10240x128xf32, #tpu.memory_space<hbm>>
      tpu.enqueue_indirect_dma source(%dma_start3A_856 : memref<10240x128xf32, #tpu.memory_space<hbm>>) target(%dma_start3A_852 : memref<64x128xf32, #tpu.memory_space<vmem>>) offsets(%dma_start3A_853 : memref<64xi32, #tpu.memory_space<vmem>>) semaphore(%arg11 : memref<!tpu.dma_semaphore, #tpu.memory_space<semaphore_mem>>)
      %add3A_857 = arith.constant 2 : i32
      %add3A_858 = arith.addi %mul3A_731, %add3A_857 : i32
      %dma_start3A_859 = arith.constant 0 : i32
      %dma_start3A_860 = arith.constant 0 : i32
      %dma_start3A_861 = tpu.memref_slice %arg9[%scan3A_536, %dma_start3A_859, %dma_start3A_860] : memref<4x64x128xf32, #tpu.memory_space<vmem>> -> memref<1x64x128xf32, #tpu.memory_space<vmem>>
      %dma_start3A_862 = tpu.memref_squeeze %dma_start3A_861 : memref<1x64x128xf32, #tpu.memory_space<vmem>> -> memref<64x128xf32, #tpu.memory_space<vmem>>
      %dma_start3A_863 = arith.constant 0 : i32
      %dma_start3A_864 = tpu.memref_slice %arg8[%add3A_858, %dma_start3A_863] : memref<80x64xi32, #tpu.memory_space<vmem>> -> memref<1x64xi32, #tpu.memory_space<vmem>>
      %dma_start3A_865 = tpu.memref_squeeze %dma_start3A_864 : memref<1x64xi32, #tpu.memory_space<vmem>> -> memref<64xi32, #tpu.memory_space<vmem>>
      %dma_start3A_866 = arith.constant 0 : i32
      %dma_start3A_867 = arith.constant 0 : i32
      %dma_start3A_868 = tpu.memref_slice %arg10[%dma_start3A_866, %dma_start3A_867] : memref<10240x128xf32, #tpu.memory_space<vmem_shared>> -> memref<10240x128xf32, #tpu.memory_space<vmem_shared>>
      tpu.enqueue_indirect_dma source(%dma_start3A_862 : memref<64x128xf32, #tpu.memory_space<vmem>>) target(%dma_start3A_868 : memref<10240x128xf32, #tpu.memory_space<vmem_shared>>) offsets(%dma_start3A_865 : memref<64xi32, #tpu.memory_space<vmem>>) semaphore(%arg12 : memref<!tpu.dma_semaphore, #tpu.memory_space<semaphore_mem>>) {add = true}
      %add3A_869 = arith.constant 3 : i32
      %add3A_870 = arith.addi %mul3A_731, %add3A_869 : i32
      %mul3A_871 = arith.constant 64 : i32
      %mul3A_872 = arith.muli %add3A_870, %mul3A_871 : i32
      %dma_wait3A_873 = arith.constant 0 : i32
      %dma_wait3A_874 = arith.constant 0 : i32
      %dma_wait3A_875 = tpu.memref_slice %arg9[%scan3A_538, %dma_wait3A_873, %dma_wait3A_874] : memref<4x64x128xf32, #tpu.memory_space<vmem>> -> memref<1x64x128xf32, #tpu.memory_space<vmem>>
      %dma_wait3A_876 = tpu.memref_squeeze %dma_wait3A_875 : memref<1x64x128xf32, #tpu.memory_space<vmem>> -> memref<64x128xf32, #tpu.memory_space<vmem>>
      %dma_wait3A_877 = tpu.memref_slice %arg7[%mul3A_872] : memref<5120xi32, #tpu.memory_space<vmem>> -> memref<64xi32, #tpu.memory_space<vmem>>
      %dma_wait3A_878 = arith.constant 0 : i32
      %dma_wait3A_879 = arith.constant 0 : i32
      %dma_wait3A_880 = tpu.memref_slice %arg2[%dma_wait3A_878, %dma_wait3A_879] : memref<10240x128xf32, #tpu.memory_space<hbm>> -> memref<10240x128xf32, #tpu.memory_space<hbm>>
      tpu.wait_indirect_dma semaphore(%arg11 : memref<!tpu.dma_semaphore, #tpu.memory_space<semaphore_mem>>) src(%dma_wait3A_880 : memref<10240x128xf32, #tpu.memory_space<hbm>>) dst(%dma_wait3A_876 : memref<64x128xf32, #tpu.memory_space<vmem>>)
      %add3A_881 = arith.constant 1 : i32
      %add3A_882 = arith.addi %mul3A_731, %add3A_881 : i32
      %dma_wait3A_883 = arith.constant 0 : i32
      %dma_wait3A_884 = arith.constant 0 : i32
      %dma_wait3A_885 = tpu.memref_slice %arg9[%scan3A_537, %dma_wait3A_883, %dma_wait3A_884] : memref<4x64x128xf32, #tpu.memory_space<vmem>> -> memref<1x64x128xf32, #tpu.memory_space<vmem>>
      %dma_wait3A_886 = tpu.memref_squeeze %dma_wait3A_885 : memref<1x64x128xf32, #tpu.memory_space<vmem>> -> memref<64x128xf32, #tpu.memory_space<vmem>>
      %dma_wait3A_887 = arith.constant 0 : i32
      %dma_wait3A_888 = tpu.memref_slice %arg8[%add3A_882, %dma_wait3A_887] : memref<80x64xi32, #tpu.memory_space<vmem>> -> memref<1x64xi32, #tpu.memory_space<vmem>>
      %dma_wait3A_889 = tpu.memref_squeeze %dma_wait3A_888 : memref<1x64xi32, #tpu.memory_space<vmem>> -> memref<64xi32, #tpu.memory_space<vmem>>
      %dma_wait3A_890 = arith.constant 0 : i32
      %dma_wait3A_891 = arith.constant 0 : i32
      %dma_wait3A_892 = tpu.memref_slice %arg10[%dma_wait3A_890, %dma_wait3A_891] : memref<10240x128xf32, #tpu.memory_space<vmem_shared>> -> memref<10240x128xf32, #tpu.memory_space<vmem_shared>>
      tpu.wait_indirect_dma semaphore(%arg12 : memref<!tpu.dma_semaphore, #tpu.memory_space<semaphore_mem>>) src(%dma_wait3A_886 : memref<64x128xf32, #tpu.memory_space<vmem>>) dst(%dma_wait3A_892 : memref<10240x128xf32, #tpu.memory_space<vmem_shared>>)
      %add3A_893 = arith.constant 5 : i32
      %add3A_894 = arith.addi %mul3A_731, %add3A_893 : i32
      %mul3A_895 = arith.constant 64 : i32
      %mul3A_896 = arith.muli %add3A_894, %mul3A_895 : i32
      %dma_start3A_897 = arith.constant 0 : i32
      %dma_start3A_898 = arith.constant 0 : i32
      %dma_start3A_899 = tpu.memref_slice %arg9[%scan3A_537, %dma_start3A_897, %dma_start3A_898] : memref<4x64x128xf32, #tpu.memory_space<vmem>> -> memref<1x64x128xf32, #tpu.memory_space<vmem>>
      %dma_start3A_900 = tpu.memref_squeeze %dma_start3A_899 : memref<1x64x128xf32, #tpu.memory_space<vmem>> -> memref<64x128xf32, #tpu.memory_space<vmem>>
      %dma_start3A_901 = tpu.memref_slice %arg7[%mul3A_896] : memref<5120xi32, #tpu.memory_space<vmem>> -> memref<64xi32, #tpu.memory_space<vmem>>
      %dma_start3A_902 = arith.constant 0 : i32
      %dma_start3A_903 = arith.constant 0 : i32
      %dma_start3A_904 = tpu.memref_slice %arg2[%dma_start3A_902, %dma_start3A_903] : memref<10240x128xf32, #tpu.memory_space<hbm>> -> memref<10240x128xf32, #tpu.memory_space<hbm>>
      tpu.enqueue_indirect_dma source(%dma_start3A_904 : memref<10240x128xf32, #tpu.memory_space<hbm>>) target(%dma_start3A_900 : memref<64x128xf32, #tpu.memory_space<vmem>>) offsets(%dma_start3A_901 : memref<64xi32, #tpu.memory_space<vmem>>) semaphore(%arg11 : memref<!tpu.dma_semaphore, #tpu.memory_space<semaphore_mem>>)
      %add3A_905 = arith.constant 3 : i32
      %add3A_906 = arith.addi %mul3A_731, %add3A_905 : i32
      %dma_start3A_907 = arith.constant 0 : i32
      %dma_start3A_908 = arith.constant 0 : i32
      %dma_start3A_909 = tpu.memref_slice %arg9[%scan3A_538, %dma_start3A_907, %dma_start3A_908] : memref<4x64x128xf32, #tpu.memory_space<vmem>> -> memref<1x64x128xf32, #tpu.memory_space<vmem>>
      %dma_start3A_910 = tpu.memref_squeeze %dma_start3A_909 : memref<1x64x128xf32, #tpu.memory_space<vmem>> -> memref<64x128xf32, #tpu.memory_space<vmem>>
      %dma_start3A_911 = arith.constant 0 : i32
      %dma_start3A_912 = tpu.memref_slice %arg8[%add3A_906, %dma_start3A_911] : memref<80x64xi32, #tpu.memory_space<vmem>> -> memref<1x64xi32, #tpu.memory_space<vmem>>
      %dma_start3A_913 = tpu.memref_squeeze %dma_start3A_912 : memref<1x64xi32, #tpu.memory_space<vmem>> -> memref<64xi32, #tpu.memory_space<vmem>>
      %dma_start3A_914 = arith.constant 0 : i32
      %dma_start3A_915 = arith.constant 0 : i32
      %dma_start3A_916 = tpu.memref_slice %arg10[%dma_start3A_914, %dma_start3A_915] : memref<10240x128xf32, #tpu.memory_space<vmem_shared>> -> memref<10240x128xf32, #tpu.memory_space<vmem_shared>>
      tpu.enqueue_indirect_dma source(%dma_start3A_910 : memref<64x128xf32, #tpu.memory_space<vmem>>) target(%dma_start3A_916 : memref<10240x128xf32, #tpu.memory_space<vmem_shared>>) offsets(%dma_start3A_913 : memref<64xi32, #tpu.memory_space<vmem>>) semaphore(%arg12 : memref<!tpu.dma_semaphore, #tpu.memory_space<semaphore_mem>>) {add = true}
    }
    %scan3A_543 = arith.constant 18 : i32
    %dma_wait3A_544 = arith.constant 0 : i32
    %dma_wait3A_545 = arith.constant 0 : i32
    %dma_wait3A_546 = arith.constant 0 : i32
    %dma_wait3A_547 = tpu.memref_slice %arg9[%dma_wait3A_544, %dma_wait3A_545, %dma_wait3A_546] : memref<4x64x128xf32, #tpu.memory_space<vmem>> -> memref<1x64x128xf32, #tpu.memory_space<vmem>>
    %dma_wait3A_548 = tpu.memref_squeeze %dma_wait3A_547 : memref<1x64x128xf32, #tpu.memory_space<vmem>> -> memref<64x128xf32, #tpu.memory_space<vmem>>
    %dma_wait3A_549 = arith.constant 4864 : i32
    %dma_wait3A_550 = tpu.memref_slice %arg7[%dma_wait3A_549] : memref<5120xi32, #tpu.memory_space<vmem>> -> memref<64xi32, #tpu.memory_space<vmem>>
    %dma_wait3A_551 = arith.constant 0 : i32
    %dma_wait3A_552 = arith.constant 0 : i32
    %dma_wait3A_553 = tpu.memref_slice %arg2[%dma_wait3A_551, %dma_wait3A_552] : memref<10240x128xf32, #tpu.memory_space<hbm>> -> memref<10240x128xf32, #tpu.memory_space<hbm>>
    tpu.wait_indirect_dma semaphore(%arg11 : memref<!tpu.dma_semaphore, #tpu.memory_space<semaphore_mem>>) src(%dma_wait3A_553 : memref<10240x128xf32, #tpu.memory_space<hbm>>) dst(%dma_wait3A_548 : memref<64x128xf32, #tpu.memory_space<vmem>>)
    %dma_wait3A_554 = arith.constant 2 : i32
    %dma_wait3A_555 = arith.constant 74 : i32
    %dma_wait3A_556 = arith.constant 0 : i32
    %dma_wait3A_557 = arith.constant 0 : i32
    %dma_wait3A_558 = tpu.memref_slice %arg9[%dma_wait3A_554, %dma_wait3A_556, %dma_wait3A_557] : memref<4x64x128xf32, #tpu.memory_space<vmem>> -> memref<1x64x128xf32, #tpu.memory_space<vmem>>
    %dma_wait3A_559 = tpu.memref_squeeze %dma_wait3A_558 : memref<1x64x128xf32, #tpu.memory_space<vmem>> -> memref<64x128xf32, #tpu.memory_space<vmem>>
    %dma_wait3A_560 = arith.constant 0 : i32
    %dma_wait3A_561 = tpu.memref_slice %arg8[%dma_wait3A_555, %dma_wait3A_560] : memref<80x64xi32, #tpu.memory_space<vmem>> -> memref<1x64xi32, #tpu.memory_space<vmem>>
    %dma_wait3A_562 = tpu.memref_squeeze %dma_wait3A_561 : memref<1x64xi32, #tpu.memory_space<vmem>> -> memref<64xi32, #tpu.memory_space<vmem>>
    %dma_wait3A_563 = arith.constant 0 : i32
    %dma_wait3A_564 = arith.constant 0 : i32
    %dma_wait3A_565 = tpu.memref_slice %arg10[%dma_wait3A_563, %dma_wait3A_564] : memref<10240x128xf32, #tpu.memory_space<vmem_shared>> -> memref<10240x128xf32, #tpu.memory_space<vmem_shared>>
    tpu.wait_indirect_dma semaphore(%arg12 : memref<!tpu.dma_semaphore, #tpu.memory_space<semaphore_mem>>) src(%dma_wait3A_559 : memref<64x128xf32, #tpu.memory_space<vmem>>) dst(%dma_wait3A_565 : memref<10240x128xf32, #tpu.memory_space<vmem_shared>>)
    %dma_start3A_566 = arith.constant 2 : i32
    %dma_start3A_567 = arith.constant 0 : i32
    %dma_start3A_568 = arith.constant 0 : i32
    %dma_start3A_569 = tpu.memref_slice %arg9[%dma_start3A_566, %dma_start3A_567, %dma_start3A_568] : memref<4x64x128xf32, #tpu.memory_space<vmem>> -> memref<1x64x128xf32, #tpu.memory_space<vmem>>
    %dma_start3A_570 = tpu.memref_squeeze %dma_start3A_569 : memref<1x64x128xf32, #tpu.memory_space<vmem>> -> memref<64x128xf32, #tpu.memory_space<vmem>>
    %dma_start3A_571 = arith.constant 4992 : i32
    %dma_start3A_572 = tpu.memref_slice %arg7[%dma_start3A_571] : memref<5120xi32, #tpu.memory_space<vmem>> -> memref<64xi32, #tpu.memory_space<vmem>>
    %dma_start3A_573 = arith.constant 0 : i32
    %dma_start3A_574 = arith.constant 0 : i32
    %dma_start3A_575 = tpu.memref_slice %arg2[%dma_start3A_573, %dma_start3A_574] : memref<10240x128xf32, #tpu.memory_space<hbm>> -> memref<10240x128xf32, #tpu.memory_space<hbm>>
    tpu.enqueue_indirect_dma source(%dma_start3A_575 : memref<10240x128xf32, #tpu.memory_space<hbm>>) target(%dma_start3A_570 : memref<64x128xf32, #tpu.memory_space<vmem>>) offsets(%dma_start3A_572 : memref<64xi32, #tpu.memory_space<vmem>>) semaphore(%arg11 : memref<!tpu.dma_semaphore, #tpu.memory_space<semaphore_mem>>)
    %dma_start3A_576 = arith.constant 0 : i32
    %dma_start3A_577 = arith.constant 76 : i32
    %dma_start3A_578 = arith.constant 0 : i32
    %dma_start3A_579 = arith.constant 0 : i32
    %dma_start3A_580 = tpu.memref_slice %arg9[%dma_start3A_576, %dma_start3A_578, %dma_start3A_579] : memref<4x64x128xf32, #tpu.memory_space<vmem>> -> memref<1x64x128xf32, #tpu.memory_space<vmem>>
    %dma_start3A_581 = tpu.memref_squeeze %dma_start3A_580 : memref<1x64x128xf32, #tpu.memory_space<vmem>> -> memref<64x128xf32, #tpu.memory_space<vmem>>
    %dma_start3A_582 = arith.constant 0 : i32
    %dma_start3A_583 = tpu.memref_slice %arg8[%dma_start3A_577, %dma_start3A_582] : memref<80x64xi32, #tpu.memory_space<vmem>> -> memref<1x64xi32, #tpu.memory_space<vmem>>
    %dma_start3A_584 = tpu.memref_squeeze %dma_start3A_583 : memref<1x64xi32, #tpu.memory_space<vmem>> -> memref<64xi32, #tpu.memory_space<vmem>>
    %dma_start3A_585 = arith.constant 0 : i32
    %dma_start3A_586 = arith.constant 0 : i32
    %dma_start3A_587 = tpu.memref_slice %arg10[%dma_start3A_585, %dma_start3A_586] : memref<10240x128xf32, #tpu.memory_space<vmem_shared>> -> memref<10240x128xf32, #tpu.memory_space<vmem_shared>>
    tpu.enqueue_indirect_dma source(%dma_start3A_581 : memref<64x128xf32, #tpu.memory_space<vmem>>) target(%dma_start3A_587 : memref<10240x128xf32, #tpu.memory_space<vmem_shared>>) offsets(%dma_start3A_584 : memref<64xi32, #tpu.memory_space<vmem>>) semaphore(%arg12 : memref<!tpu.dma_semaphore, #tpu.memory_space<semaphore_mem>>) {add = true}
    %dma_wait3A_588 = arith.constant 1 : i32
    %dma_wait3A_589 = arith.constant 0 : i32
    %dma_wait3A_590 = arith.constant 0 : i32
    %dma_wait3A_591 = tpu.memref_slice %arg9[%dma_wait3A_588, %dma_wait3A_589, %dma_wait3A_590] : memref<4x64x128xf32, #tpu.memory_space<vmem>> -> memref<1x64x128xf32, #tpu.memory_space<vmem>>
    %dma_wait3A_592 = tpu.memref_squeeze %dma_wait3A_591 : memref<1x64x128xf32, #tpu.memory_space<vmem>> -> memref<64x128xf32, #tpu.memory_space<vmem>>
    %dma_wait3A_593 = arith.constant 4928 : i32
    %dma_wait3A_594 = tpu.memref_slice %arg7[%dma_wait3A_593] : memref<5120xi32, #tpu.memory_space<vmem>> -> memref<64xi32, #tpu.memory_space<vmem>>
    %dma_wait3A_595 = arith.constant 0 : i32
    %dma_wait3A_596 = arith.constant 0 : i32
    %dma_wait3A_597 = tpu.memref_slice %arg2[%dma_wait3A_595, %dma_wait3A_596] : memref<10240x128xf32, #tpu.memory_space<hbm>> -> memref<10240x128xf32, #tpu.memory_space<hbm>>
    tpu.wait_indirect_dma semaphore(%arg11 : memref<!tpu.dma_semaphore, #tpu.memory_space<semaphore_mem>>) src(%dma_wait3A_597 : memref<10240x128xf32, #tpu.memory_space<hbm>>) dst(%dma_wait3A_592 : memref<64x128xf32, #tpu.memory_space<vmem>>)
    %dma_wait3A_598 = arith.constant 3 : i32
    %dma_wait3A_599 = arith.constant 75 : i32
    %dma_wait3A_600 = arith.constant 0 : i32
    %dma_wait3A_601 = arith.constant 0 : i32
    %dma_wait3A_602 = tpu.memref_slice %arg9[%dma_wait3A_598, %dma_wait3A_600, %dma_wait3A_601] : memref<4x64x128xf32, #tpu.memory_space<vmem>> -> memref<1x64x128xf32, #tpu.memory_space<vmem>>
    %dma_wait3A_603 = tpu.memref_squeeze %dma_wait3A_602 : memref<1x64x128xf32, #tpu.memory_space<vmem>> -> memref<64x128xf32, #tpu.memory_space<vmem>>
    %dma_wait3A_604 = arith.constant 0 : i32
    %dma_wait3A_605 = tpu.memref_slice %arg8[%dma_wait3A_599, %dma_wait3A_604] : memref<80x64xi32, #tpu.memory_space<vmem>> -> memref<1x64xi32, #tpu.memory_space<vmem>>
    %dma_wait3A_606 = tpu.memref_squeeze %dma_wait3A_605 : memref<1x64xi32, #tpu.memory_space<vmem>> -> memref<64xi32, #tpu.memory_space<vmem>>
    %dma_wait3A_607 = arith.constant 0 : i32
    %dma_wait3A_608 = arith.constant 0 : i32
    %dma_wait3A_609 = tpu.memref_slice %arg10[%dma_wait3A_607, %dma_wait3A_608] : memref<10240x128xf32, #tpu.memory_space<vmem_shared>> -> memref<10240x128xf32, #tpu.memory_space<vmem_shared>>
    tpu.wait_indirect_dma semaphore(%arg12 : memref<!tpu.dma_semaphore, #tpu.memory_space<semaphore_mem>>) src(%dma_wait3A_603 : memref<64x128xf32, #tpu.memory_space<vmem>>) dst(%dma_wait3A_609 : memref<10240x128xf32, #tpu.memory_space<vmem_shared>>)
    %dma_start3A_610 = arith.constant 3 : i32
    %dma_start3A_611 = arith.constant 0 : i32
    %dma_start3A_612 = arith.constant 0 : i32
    %dma_start3A_613 = tpu.memref_slice %arg9[%dma_start3A_610, %dma_start3A_611, %dma_start3A_612] : memref<4x64x128xf32, #tpu.memory_space<vmem>> -> memref<1x64x128xf32, #tpu.memory_space<vmem>>
    %dma_start3A_614 = tpu.memref_squeeze %dma_start3A_613 : memref<1x64x128xf32, #tpu.memory_space<vmem>> -> memref<64x128xf32, #tpu.memory_space<vmem>>
    %dma_start3A_615 = arith.constant 5056 : i32
    %dma_start3A_616 = tpu.memref_slice %arg7[%dma_start3A_615] : memref<5120xi32, #tpu.memory_space<vmem>> -> memref<64xi32, #tpu.memory_space<vmem>>
    %dma_start3A_617 = arith.constant 0 : i32
    %dma_start3A_618 = arith.constant 0 : i32
    %dma_start3A_619 = tpu.memref_slice %arg2[%dma_start3A_617, %dma_start3A_618] : memref<10240x128xf32, #tpu.memory_space<hbm>> -> memref<10240x128xf32, #tpu.memory_space<hbm>>
    tpu.enqueue_indirect_dma source(%dma_start3A_619 : memref<10240x128xf32, #tpu.memory_space<hbm>>) target(%dma_start3A_614 : memref<64x128xf32, #tpu.memory_space<vmem>>) offsets(%dma_start3A_616 : memref<64xi32, #tpu.memory_space<vmem>>) semaphore(%arg11 : memref<!tpu.dma_semaphore, #tpu.memory_space<semaphore_mem>>)
    %dma_start3A_620 = arith.constant 1 : i32
    %dma_start3A_621 = arith.constant 77 : i32
    %dma_start3A_622 = arith.constant 0 : i32
    %dma_start3A_623 = arith.constant 0 : i32
    %dma_start3A_624 = tpu.memref_slice %arg9[%dma_start3A_620, %dma_start3A_622, %dma_start3A_623] : memref<4x64x128xf32, #tpu.memory_space<vmem>> -> memref<1x64x128xf32, #tpu.memory_space<vmem>>
    %dma_start3A_625 = tpu.memref_squeeze %dma_start3A_624 : memref<1x64x128xf32, #tpu.memory_space<vmem>> -> memref<64x128xf32, #tpu.memory_space<vmem>>
    %dma_start3A_626 = arith.constant 0 : i32
    %dma_start3A_627 = tpu.memref_slice %arg8[%dma_start3A_621, %dma_start3A_626] : memref<80x64xi32, #tpu.memory_space<vmem>> -> memref<1x64xi32, #tpu.memory_space<vmem>>
    %dma_start3A_628 = tpu.memref_squeeze %dma_start3A_627 : memref<1x64xi32, #tpu.memory_space<vmem>> -> memref<64xi32, #tpu.memory_space<vmem>>
    %dma_start3A_629 = arith.constant 0 : i32
    %dma_start3A_630 = arith.constant 0 : i32
    %dma_start3A_631 = tpu.memref_slice %arg10[%dma_start3A_629, %dma_start3A_630] : memref<10240x128xf32, #tpu.memory_space<vmem_shared>> -> memref<10240x128xf32, #tpu.memory_space<vmem_shared>>
    tpu.enqueue_indirect_dma source(%dma_start3A_625 : memref<64x128xf32, #tpu.memory_space<vmem>>) target(%dma_start3A_631 : memref<10240x128xf32, #tpu.memory_space<vmem_shared>>) offsets(%dma_start3A_628 : memref<64xi32, #tpu.memory_space<vmem>>) semaphore(%arg12 : memref<!tpu.dma_semaphore, #tpu.memory_space<semaphore_mem>>) {add = true}
    %dma_wait3A_632 = arith.constant 2 : i32
    %dma_wait3A_633 = arith.constant 0 : i32
    %dma_wait3A_634 = arith.constant 0 : i32
    %dma_wait3A_635 = tpu.memref_slice %arg9[%dma_wait3A_632, %dma_wait3A_633, %dma_wait3A_634] : memref<4x64x128xf32, #tpu.memory_space<vmem>> -> memref<1x64x128xf32, #tpu.memory_space<vmem>>
    %dma_wait3A_636 = tpu.memref_squeeze %dma_wait3A_635 : memref<1x64x128xf32, #tpu.memory_space<vmem>> -> memref<64x128xf32, #tpu.memory_space<vmem>>
    %dma_wait3A_637 = arith.constant 4992 : i32
    %dma_wait3A_638 = tpu.memref_slice %arg7[%dma_wait3A_637] : memref<5120xi32, #tpu.memory_space<vmem>> -> memref<64xi32, #tpu.memory_space<vmem>>
    %dma_wait3A_639 = arith.constant 0 : i32
    %dma_wait3A_640 = arith.constant 0 : i32
    %dma_wait3A_641 = tpu.memref_slice %arg2[%dma_wait3A_639, %dma_wait3A_640] : memref<10240x128xf32, #tpu.memory_space<hbm>> -> memref<10240x128xf32, #tpu.memory_space<hbm>>
    tpu.wait_indirect_dma semaphore(%arg11 : memref<!tpu.dma_semaphore, #tpu.memory_space<semaphore_mem>>) src(%dma_wait3A_641 : memref<10240x128xf32, #tpu.memory_space<hbm>>) dst(%dma_wait3A_636 : memref<64x128xf32, #tpu.memory_space<vmem>>)
    %dma_wait3A_642 = arith.constant 0 : i32
    %dma_wait3A_643 = arith.constant 76 : i32
    %dma_wait3A_644 = arith.constant 0 : i32
    %dma_wait3A_645 = arith.constant 0 : i32
    %dma_wait3A_646 = tpu.memref_slice %arg9[%dma_wait3A_642, %dma_wait3A_644, %dma_wait3A_645] : memref<4x64x128xf32, #tpu.memory_space<vmem>> -> memref<1x64x128xf32, #tpu.memory_space<vmem>>
    %dma_wait3A_647 = tpu.memref_squeeze %dma_wait3A_646 : memref<1x64x128xf32, #tpu.memory_space<vmem>> -> memref<64x128xf32, #tpu.memory_space<vmem>>
    %dma_wait3A_648 = arith.constant 0 : i32
    %dma_wait3A_649 = tpu.memref_slice %arg8[%dma_wait3A_643, %dma_wait3A_648] : memref<80x64xi32, #tpu.memory_space<vmem>> -> memref<1x64xi32, #tpu.memory_space<vmem>>
    %dma_wait3A_650 = tpu.memref_squeeze %dma_wait3A_649 : memref<1x64xi32, #tpu.memory_space<vmem>> -> memref<64xi32, #tpu.memory_space<vmem>>
    %dma_wait3A_651 = arith.constant 0 : i32
    %dma_wait3A_652 = arith.constant 0 : i32
    %dma_wait3A_653 = tpu.memref_slice %arg10[%dma_wait3A_651, %dma_wait3A_652] : memref<10240x128xf32, #tpu.memory_space<vmem_shared>> -> memref<10240x128xf32, #tpu.memory_space<vmem_shared>>
    tpu.wait_indirect_dma semaphore(%arg12 : memref<!tpu.dma_semaphore, #tpu.memory_space<semaphore_mem>>) src(%dma_wait3A_647 : memref<64x128xf32, #tpu.memory_space<vmem>>) dst(%dma_wait3A_653 : memref<10240x128xf32, #tpu.memory_space<vmem_shared>>)
    %dma_start3A_654 = arith.constant 2 : i32
    %dma_start3A_655 = arith.constant 78 : i32
    %dma_start3A_656 = arith.constant 0 : i32
    %dma_start3A_657 = arith.constant 0 : i32
    %dma_start3A_658 = tpu.memref_slice %arg9[%dma_start3A_654, %dma_start3A_656, %dma_start3A_657] : memref<4x64x128xf32, #tpu.memory_space<vmem>> -> memref<1x64x128xf32, #tpu.memory_space<vmem>>
    %dma_start3A_659 = tpu.memref_squeeze %dma_start3A_658 : memref<1x64x128xf32, #tpu.memory_space<vmem>> -> memref<64x128xf32, #tpu.memory_space<vmem>>
    %dma_start3A_660 = arith.constant 0 : i32
    %dma_start3A_661 = tpu.memref_slice %arg8[%dma_start3A_655, %dma_start3A_660] : memref<80x64xi32, #tpu.memory_space<vmem>> -> memref<1x64xi32, #tpu.memory_space<vmem>>
    %dma_start3A_662 = tpu.memref_squeeze %dma_start3A_661 : memref<1x64xi32, #tpu.memory_space<vmem>> -> memref<64xi32, #tpu.memory_space<vmem>>
    %dma_start3A_663 = arith.constant 0 : i32
    %dma_start3A_664 = arith.constant 0 : i32
    %dma_start3A_665 = tpu.memref_slice %arg10[%dma_start3A_663, %dma_start3A_664] : memref<10240x128xf32, #tpu.memory_space<vmem_shared>> -> memref<10240x128xf32, #tpu.memory_space<vmem_shared>>
    tpu.enqueue_indirect_dma source(%dma_start3A_659 : memref<64x128xf32, #tpu.memory_space<vmem>>) target(%dma_start3A_665 : memref<10240x128xf32, #tpu.memory_space<vmem_shared>>) offsets(%dma_start3A_662 : memref<64xi32, #tpu.memory_space<vmem>>) semaphore(%arg12 : memref<!tpu.dma_semaphore, #tpu.memory_space<semaphore_mem>>) {add = true}
    %dma_wait3A_666 = arith.constant 3 : i32
    %dma_wait3A_667 = arith.constant 0 : i32
    %dma_wait3A_668 = arith.constant 0 : i32
    %dma_wait3A_669 = tpu.memref_slice %arg9[%dma_wait3A_666, %dma_wait3A_667, %dma_wait3A_668] : memref<4x64x128xf32, #tpu.memory_space<vmem>> -> memref<1x64x128xf32, #tpu.memory_space<vmem>>
    %dma_wait3A_670 = tpu.memref_squeeze %dma_wait3A_669 : memref<1x64x128xf32, #tpu.memory_space<vmem>> -> memref<64x128xf32, #tpu.memory_space<vmem>>
    %dma_wait3A_671 = arith.constant 5056 : i32
    %dma_wait3A_672 = tpu.memref_slice %arg7[%dma_wait3A_671] : memref<5120xi32, #tpu.memory_space<vmem>> -> memref<64xi32, #tpu.memory_space<vmem>>
    %dma_wait3A_673 = arith.constant 0 : i32
    %dma_wait3A_674 = arith.constant 0 : i32
    %dma_wait3A_675 = tpu.memref_slice %arg2[%dma_wait3A_673, %dma_wait3A_674] : memref<10240x128xf32, #tpu.memory_space<hbm>> -> memref<10240x128xf32, #tpu.memory_space<hbm>>
    tpu.wait_indirect_dma semaphore(%arg11 : memref<!tpu.dma_semaphore, #tpu.memory_space<semaphore_mem>>) src(%dma_wait3A_675 : memref<10240x128xf32, #tpu.memory_space<hbm>>) dst(%dma_wait3A_670 : memref<64x128xf32, #tpu.memory_space<vmem>>)
    %dma_wait3A_676 = arith.constant 1 : i32
    %dma_wait3A_677 = arith.constant 77 : i32
    %dma_wait3A_678 = arith.constant 0 : i32
    %dma_wait3A_679 = arith.constant 0 : i32
    %dma_wait3A_680 = tpu.memref_slice %arg9[%dma_wait3A_676, %dma_wait3A_678, %dma_wait3A_679] : memref<4x64x128xf32, #tpu.memory_space<vmem>> -> memref<1x64x128xf32, #tpu.memory_space<vmem>>
    %dma_wait3A_681 = tpu.memref_squeeze %dma_wait3A_680 : memref<1x64x128xf32, #tpu.memory_space<vmem>> -> memref<64x128xf32, #tpu.memory_space<vmem>>
    %dma_wait3A_682 = arith.constant 0 : i32
    %dma_wait3A_683 = tpu.memref_slice %arg8[%dma_wait3A_677, %dma_wait3A_682] : memref<80x64xi32, #tpu.memory_space<vmem>> -> memref<1x64xi32, #tpu.memory_space<vmem>>
    %dma_wait3A_684 = tpu.memref_squeeze %dma_wait3A_683 : memref<1x64xi32, #tpu.memory_space<vmem>> -> memref<64xi32, #tpu.memory_space<vmem>>
    %dma_wait3A_685 = arith.constant 0 : i32
    %dma_wait3A_686 = arith.constant 0 : i32
    %dma_wait3A_687 = tpu.memref_slice %arg10[%dma_wait3A_685, %dma_wait3A_686] : memref<10240x128xf32, #tpu.memory_space<vmem_shared>> -> memref<10240x128xf32, #tpu.memory_space<vmem_shared>>
    tpu.wait_indirect_dma semaphore(%arg12 : memref<!tpu.dma_semaphore, #tpu.memory_space<semaphore_mem>>) src(%dma_wait3A_681 : memref<64x128xf32, #tpu.memory_space<vmem>>) dst(%dma_wait3A_687 : memref<10240x128xf32, #tpu.memory_space<vmem_shared>>)
    %dma_start3A_688 = arith.constant 3 : i32
    %dma_start3A_689 = arith.constant 79 : i32
    %dma_start3A_690 = arith.constant 0 : i32
    %dma_start3A_691 = arith.constant 0 : i32
    %dma_start3A_692 = tpu.memref_slice %arg9[%dma_start3A_688, %dma_start3A_690, %dma_start3A_691] : memref<4x64x128xf32, #tpu.memory_space<vmem>> -> memref<1x64x128xf32, #tpu.memory_space<vmem>>
    %dma_start3A_693 = tpu.memref_squeeze %dma_start3A_692 : memref<1x64x128xf32, #tpu.memory_space<vmem>> -> memref<64x128xf32, #tpu.memory_space<vmem>>
    %dma_start3A_694 = arith.constant 0 : i32
    %dma_start3A_695 = tpu.memref_slice %arg8[%dma_start3A_689, %dma_start3A_694] : memref<80x64xi32, #tpu.memory_space<vmem>> -> memref<1x64xi32, #tpu.memory_space<vmem>>
    %dma_start3A_696 = tpu.memref_squeeze %dma_start3A_695 : memref<1x64xi32, #tpu.memory_space<vmem>> -> memref<64xi32, #tpu.memory_space<vmem>>
    %dma_start3A_697 = arith.constant 0 : i32
    %dma_start3A_698 = arith.constant 0 : i32
    %dma_start3A_699 = tpu.memref_slice %arg10[%dma_start3A_697, %dma_start3A_698] : memref<10240x128xf32, #tpu.memory_space<vmem_shared>> -> memref<10240x128xf32, #tpu.memory_space<vmem_shared>>
    tpu.enqueue_indirect_dma source(%dma_start3A_693 : memref<64x128xf32, #tpu.memory_space<vmem>>) target(%dma_start3A_699 : memref<10240x128xf32, #tpu.memory_space<vmem_shared>>) offsets(%dma_start3A_696 : memref<64xi32, #tpu.memory_space<vmem>>) semaphore(%arg12 : memref<!tpu.dma_semaphore, #tpu.memory_space<semaphore_mem>>) {add = true}
    %dma_wait3A_700 = arith.constant 2 : i32
    %dma_wait3A_701 = arith.constant 78 : i32
    %dma_wait3A_702 = arith.constant 0 : i32
    %dma_wait3A_703 = arith.constant 0 : i32
    %dma_wait3A_704 = tpu.memref_slice %arg9[%dma_wait3A_700, %dma_wait3A_702, %dma_wait3A_703] : memref<4x64x128xf32, #tpu.memory_space<vmem>> -> memref<1x64x128xf32, #tpu.memory_space<vmem>>
    %dma_wait3A_705 = tpu.memref_squeeze %dma_wait3A_704 : memref<1x64x128xf32, #tpu.memory_space<vmem>> -> memref<64x128xf32, #tpu.memory_space<vmem>>
    %dma_wait3A_706 = arith.constant 0 : i32
    %dma_wait3A_707 = tpu.memref_slice %arg8[%dma_wait3A_701, %dma_wait3A_706] : memref<80x64xi32, #tpu.memory_space<vmem>> -> memref<1x64xi32, #tpu.memory_space<vmem>>
    %dma_wait3A_708 = tpu.memref_squeeze %dma_wait3A_707 : memref<1x64xi32, #tpu.memory_space<vmem>> -> memref<64xi32, #tpu.memory_space<vmem>>
    %dma_wait3A_709 = arith.constant 0 : i32
    %dma_wait3A_710 = arith.constant 0 : i32
    %dma_wait3A_711 = tpu.memref_slice %arg10[%dma_wait3A_709, %dma_wait3A_710] : memref<10240x128xf32, #tpu.memory_space<vmem_shared>> -> memref<10240x128xf32, #tpu.memory_space<vmem_shared>>
    tpu.wait_indirect_dma semaphore(%arg12 : memref<!tpu.dma_semaphore, #tpu.memory_space<semaphore_mem>>) src(%dma_wait3A_705 : memref<64x128xf32, #tpu.memory_space<vmem>>) dst(%dma_wait3A_711 : memref<10240x128xf32, #tpu.memory_space<vmem_shared>>)
    %dma_wait3A_712 = arith.constant 3 : i32
    %dma_wait3A_713 = arith.constant 79 : i32
    %dma_wait3A_714 = arith.constant 0 : i32
    %dma_wait3A_715 = arith.constant 0 : i32
    %dma_wait3A_716 = tpu.memref_slice %arg9[%dma_wait3A_712, %dma_wait3A_714, %dma_wait3A_715] : memref<4x64x128xf32, #tpu.memory_space<vmem>> -> memref<1x64x128xf32, #tpu.memory_space<vmem>>
    %dma_wait3A_717 = tpu.memref_squeeze %dma_wait3A_716 : memref<1x64x128xf32, #tpu.memory_space<vmem>> -> memref<64x128xf32, #tpu.memory_space<vmem>>
    %dma_wait3A_718 = arith.constant 0 : i32
    %dma_wait3A_719 = tpu.memref_slice %arg8[%dma_wait3A_713, %dma_wait3A_718] : memref<80x64xi32, #tpu.memory_space<vmem>> -> memref<1x64xi32, #tpu.memory_space<vmem>>
    %dma_wait3A_720 = tpu.memref_squeeze %dma_wait3A_719 : memref<1x64xi32, #tpu.memory_space<vmem>> -> memref<64xi32, #tpu.memory_space<vmem>>
    %dma_wait3A_721 = arith.constant 0 : i32
    %dma_wait3A_722 = arith.constant 0 : i32
    %dma_wait3A_723 = tpu.memref_slice %arg10[%dma_wait3A_721, %dma_wait3A_722] : memref<10240x128xf32, #tpu.memory_space<vmem_shared>> -> memref<10240x128xf32, #tpu.memory_space<vmem_shared>>
    tpu.wait_indirect_dma semaphore(%arg12 : memref<!tpu.dma_semaphore, #tpu.memory_space<semaphore_mem>>) src(%dma_wait3A_717 : memref<64x128xf32, #tpu.memory_space<vmem>>) dst(%dma_wait3A_723 : memref<10240x128xf32, #tpu.memory_space<vmem_shared>>)
    %barrier3A_724 = arith.constant 0 : index
    tpu.barrier barrier_id(%barrier3A_724)
    %mul3A_725 = arith.constant 640 : i32
    %mul3A_726 = arith.muli %arg1, %mul3A_725 : i32
    %mul3A_727 = arith.constant 640 : i32
    %mul3A_728 = arith.muli %arg1, %mul3A_727 : i32
    "tpu.region"() ({
      %run_scoped3A = tpu.sem_alloc : memref<!tpu.dma_semaphore, #tpu.memory_space<semaphore_mem>>
      %dma_start3A_729 = arith.constant 0 : i32
      %dma_start3A_730 = tpu.memref_slice %arg6[%arg0, %mul3A_728, %dma_start3A_729] : memref<2x10240x128xf32, #tpu.memory_space<hbm>> -> memref<1x640x128xf32, #tpu.memory_space<hbm>>
      %dma_start3A_731 = tpu.memref_squeeze %dma_start3A_730 : memref<1x640x128xf32, #tpu.memory_space<hbm>> -> memref<640x128xf32, #tpu.memory_space<hbm>>
      %dma_start3A_732 = arith.constant 0 : i32
      %dma_start3A_733 = tpu.memref_slice %arg10[%mul3A_726, %dma_start3A_732] : memref<10240x128xf32, #tpu.memory_space<vmem_shared>> -> memref<640x128xf32, #tpu.memory_space<vmem_shared>>
      tpu.enqueue_dma source(%dma_start3A_733 : memref<640x128xf32, #tpu.memory_space<vmem_shared>>) target(%dma_start3A_731 : memref<640x128xf32, #tpu.memory_space<hbm>>) target_semaphore(%run_scoped3A : memref<!tpu.dma_semaphore, #tpu.memory_space<semaphore_mem>>)
      %dma_wait3A_734 = arith.constant 0 : i32
      %dma_wait3A_735 = tpu.memref_slice %arg6[%arg0, %mul3A_728, %dma_wait3A_734] : memref<2x10240x128xf32, #tpu.memory_space<hbm>> -> memref<1x640x128xf32, #tpu.memory_space<hbm>>
      %dma_wait3A_736 = tpu.memref_squeeze %dma_wait3A_735 : memref<1x640x128xf32, #tpu.memory_space<hbm>> -> memref<640x128xf32, #tpu.memory_space<hbm>>
      %dma_wait3A_737 = arith.constant 0 : i32
      %dma_wait3A_738 = tpu.memref_slice %arg10[%mul3A_726, %dma_wait3A_737] : memref<10240x128xf32, #tpu.memory_space<vmem_shared>> -> memref<640x128xf32, #tpu.memory_space<vmem_shared>>
      tpu.wait_dma2 semaphore(%run_scoped3A : memref<!tpu.dma_semaphore, #tpu.memory_space<semaphore_mem>>) src(%dma_wait3A_738 : memref<640x128xf32, #tpu.memory_space<vmem_shared>>) dst(%dma_wait3A_736 : memref<640x128xf32, #tpu.memory_space<hbm>>)
      tpu.yield
    }) : () -> ()
    return
  }
}

module attributes {stable_mosaic.version = 14 : i64} {
  func.func @_k2_body(%arg0: i32, %arg1: memref<2x5120x128xf32, #tpu.memory_space<vmem>>, %arg2: memref<32x5120xf32, #tpu.memory_space<vmem>>, %arg3: memref<5120x128xf32, #tpu.memory_space<vmem>>, %arg4: memref<1x128xf32, #tpu.memory_space<vmem>>, %arg5: memref<1x128xf32, #tpu.memory_space<vmem>>, %arg6: memref<128x256xf32, #tpu.memory_space<vmem>>, %arg7: memref<1x128xf32, #tpu.memory_space<vmem>>, %arg8: memref<5120x128xf32, #tpu.memory_space<vmem>>, %arg9: memref<5120x128xf32, #tpu.memory_space<vmem>>, %arg10: memref<5120x16xf32, #tpu.memory_space<vmem>>) attributes {dimension_semantics = [#tpu.dimension_semantics<arbitrary>], iteration_bounds = array<i64: 2>, scalar_prefetch = 0 : i64, scratch_operands = 0 : i64, tpu.core_type = #tpu.core_type<tc>, window_params = [{transform_indices = @transform_0, window_bounds = array<i64: 2, 5120, 128>}, {transform_indices = @transform_1, window_bounds = array<i64: 32, 5120>}, {transform_indices = @transform_2, window_bounds = array<i64: 5120, 128>}, {pipeline_mode = #tpu.pipeline_mode<synchronous>, transform_indices = @transform_3, window_bounds = array<i64: 1, 128>}, {pipeline_mode = #tpu.pipeline_mode<synchronous>, transform_indices = @transform_4, window_bounds = array<i64: 1, 128>}, {pipeline_mode = #tpu.pipeline_mode<synchronous>, transform_indices = @transform_5, window_bounds = array<i64: 128, 256>}, {pipeline_mode = #tpu.pipeline_mode<synchronous>, transform_indices = @transform_6, window_bounds = array<i64: 1, 128>}, {transform_indices = @transform_7, window_bounds = array<i64: 5120, 128>}, {transform_indices = @transform_8, window_bounds = array<i64: 5120, 128>}, {transform_indices = @transform_9, window_bounds = array<i64: 5120, 16>}]} {
    %get3A = arith.constant 0 : index
    %get3A_0 = arith.constant 0 : index
    %get3A_1 = arith.constant 0 : index
    %get3A_2 = vector.load %arg1[%get3A, %get3A_0, %get3A_1] : memref<2x5120x128xf32, #tpu.memory_space<vmem>>, vector<2x5120x128xf32>
    %get3A_3 = arith.constant 0 : index
    %get3A_4 = arith.constant 0 : index
    %get3A_5 = vector.load %arg2[%get3A_3, %get3A_4] : memref<32x5120xf32, #tpu.memory_space<vmem>>, vector<32x5120xf32>
    %slice3A = vector.extract_strided_slice %get3A_2 {offsets = [0, 0, 0], sizes = [1, 5120, 128], strides = [1, 1, 1]} : vector<2x5120x128xf32> to vector<1x5120x128xf32>
    %squeeze3A = vector.shape_cast %slice3A : vector<1x5120x128xf32> to vector<5120x128xf32>
    %slice3A_6 = vector.extract_strided_slice %get3A_2 {offsets = [1, 0, 0], sizes = [1, 5120, 128], strides = [1, 1, 1]} : vector<2x5120x128xf32> to vector<1x5120x128xf32>
    %squeeze3A_7 = vector.shape_cast %slice3A_6 : vector<1x5120x128xf32> to vector<5120x128xf32>
    %add3A = arith.addf %squeeze3A, %squeeze3A_7 : vector<5120x128xf32>
    %reduce_sum3A = arith.constant dense<0.000000e+00> : vector<5120xf32>
    %reduce_sum3A_8 = vector.multi_reduction <add>, %get3A_5, %reduce_sum3A [0] : vector<32x5120xf32> to vector<5120xf32>
    %broadcast_in_dim3A = vector.shape_cast %reduce_sum3A_8 : vector<5120xf32> to vector<5120x1xf32>
    %max3A = arith.constant 1.000000e+00 : f32
    %max3A_9 = vector.broadcast %max3A : f32 to vector<5120x1xf32>
    %max3A_10 = arith.maximumf %broadcast_in_dim3A, %max3A_9 : vector<5120x1xf32>
    %div3A = arith.constant 1.000000e+00 : f32
    %div3A_11 = vector.broadcast %div3A : f32 to vector<5120x1xf32>
    %div3A_12 = arith.divf %div3A_11, %max3A_10 : vector<5120x1xf32>
    %broadcast_in_dim3A_13 = vector.shape_cast %div3A_12 : vector<5120x1xf32> to vector<5120x1xf32>
    %broadcast_in_dim3A_14 = vector.broadcast %broadcast_in_dim3A_13 : vector<5120x1xf32> to vector<5120x16xf32>
    %swap3A = arith.constant 0 : index
    %swap3A_15 = arith.constant 0 : index
    %swap3A_16 = vector.load %arg10[%swap3A, %swap3A_15] : memref<5120x16xf32, #tpu.memory_space<vmem>>, vector<5120x16xf32>
    tpu.vector_store %arg10[%swap3A, %swap3A_15], %broadcast_in_dim3A_14 {strides = array<i32>} : memref<5120x16xf32, #tpu.memory_space<vmem>>, vector<5120x16xf32>,
    %mul3A = vector.broadcast %div3A_12 : vector<5120x1xf32> to vector<5120x128xf32>
    %mul3A_17 = arith.mulf %add3A, %mul3A : vector<5120x128xf32>
    %get3A_18 = arith.constant 0 : index
    %get3A_19 = arith.constant 0 : index
    %get3A_20 = vector.load %arg3[%get3A_18, %get3A_19] : memref<5120x128xf32, #tpu.memory_space<vmem>>, vector<5120x128xf32>
    %add3A_21 = arith.addf %mul3A_17, %get3A_20 : vector<5120x128xf32>
    %reduce_sum3A_22 = arith.constant dense<0.000000e+00> : vector<5120xf32>
    %reduce_sum3A_23 = vector.multi_reduction <add>, %add3A_21, %reduce_sum3A_22 [1] : vector<5120x128xf32> to vector<5120xf32>
    %broadcast_in_dim3A_24 = vector.shape_cast %reduce_sum3A_23 : vector<5120xf32> to vector<5120x1xf32>
    %div3A_25 = arith.constant 1.280000e+02 : f32
    %div3A_26 = vector.broadcast %div3A_25 : f32 to vector<5120x1xf32>
    %div3A_27 = arith.divf %broadcast_in_dim3A_24, %div3A_26 : vector<5120x1xf32>
    %sub3A = vector.broadcast %div3A_27 : vector<5120x1xf32> to vector<5120x128xf32>
    %sub3A_28 = arith.subf %add3A_21, %sub3A : vector<5120x128xf32>
    %mul3A_29 = arith.mulf %sub3A_28, %sub3A_28 : vector<5120x128xf32>
    %reduce_sum3A_30 = arith.constant dense<0.000000e+00> : vector<5120xf32>
    %reduce_sum3A_31 = vector.multi_reduction <add>, %mul3A_29, %reduce_sum3A_30 [1] : vector<5120x128xf32> to vector<5120xf32>
    %broadcast_in_dim3A_32 = vector.shape_cast %reduce_sum3A_31 : vector<5120xf32> to vector<5120x1xf32>
    %div3A_33 = arith.constant 1.280000e+02 : f32
    %div3A_34 = vector.broadcast %div3A_33 : f32 to vector<5120x1xf32>
    %div3A_35 = arith.divf %broadcast_in_dim3A_32, %div3A_34 : vector<5120x1xf32>
    %add3A_36 = arith.constant 9.99999974E-6 : f32
    %add3A_37 = vector.broadcast %add3A_36 : f32 to vector<5120x1xf32>
    %add3A_38 = arith.addf %div3A_35, %add3A_37 : vector<5120x1xf32>
    %rsqrt3A = math.rsqrt %add3A_38 : vector<5120x1xf32>
    %mul3A_39 = vector.broadcast %rsqrt3A : vector<5120x1xf32> to vector<5120x128xf32>
    %mul3A_40 = arith.mulf %sub3A_28, %mul3A_39 : vector<5120x128xf32>
    %get3A_41 = arith.constant 0 : index
    %get3A_42 = arith.constant 0 : index
    %get3A_43 = vector.load %arg4[%get3A_41, %get3A_42] : memref<1x128xf32, #tpu.memory_space<vmem>>, vector<1x128xf32>
    %mul3A_44 = vector.broadcast %get3A_43 : vector<1x128xf32> to vector<5120x128xf32>
    %mul3A_45 = arith.mulf %mul3A_40, %mul3A_44 : vector<5120x128xf32>
    %get3A_46 = arith.constant 0 : index
    %get3A_47 = arith.constant 0 : index
    %get3A_48 = vector.load %arg5[%get3A_46, %get3A_47] : memref<1x128xf32, #tpu.memory_space<vmem>>, vector<1x128xf32>
    %add3A_49 = vector.broadcast %get3A_48 : vector<1x128xf32> to vector<5120x128xf32>
    %add3A_50 = arith.addf %mul3A_45, %add3A_49 : vector<5120x128xf32>
    %max3A_51 = arith.constant 0.000000e+00 : f32
    %max3A_52 = vector.broadcast %max3A_51 : f32 to vector<5120x128xf32>
    %max3A_53 = arith.maximumf %add3A_50, %max3A_52 : vector<5120x128xf32>
    %get3A_54 = arith.constant 0 : index
    %get3A_55 = arith.constant 0 : index
    %get3A_56 = vector.load %arg6[%get3A_54, %get3A_55] : memref<128x256xf32, #tpu.memory_space<vmem>>, vector<128x256xf32>
    %dot_general3A = arith.constant dense<0.000000e+00> : vector<5120x256xf32>
    %dot_general3A_57 = tpu.matmul %max3A_53, %get3A_56, %dot_general3A {dimension_numbers = #tpu.dot_dimension_numbers<[1], [0], [0], [1], [0, 0, 1, 1], [], []>, transpose_lhs_hint = false} : vector<5120x128xf32>, vector<128x256xf32>, vector<5120x256xf32> -> vector<5120x256xf32>
    %slice3A_58 = vector.extract_strided_slice %dot_general3A_57 {offsets = [0, 0], sizes = [5120, 128], strides = [1, 1]} : vector<5120x256xf32> to vector<5120x128xf32>
    %swap3A_59 = arith.constant 0 : index
    %swap3A_60 = arith.constant 0 : index
    %swap3A_61 = vector.load %arg8[%swap3A_59, %swap3A_60] : memref<5120x128xf32, #tpu.memory_space<vmem>>, vector<5120x128xf32>
    tpu.vector_store %arg8[%swap3A_59, %swap3A_60], %slice3A_58 {strides = array<i32>} : memref<5120x128xf32, #tpu.memory_space<vmem>>, vector<5120x128xf32>,
    %slice3A_62 = vector.extract_strided_slice %dot_general3A_57 {offsets = [0, 128], sizes = [5120, 128], strides = [1, 1]} : vector<5120x256xf32> to vector<5120x128xf32>
    %get3A_63 = arith.constant 0 : index
    %get3A_64 = arith.constant 0 : index
    %get3A_65 = vector.load %arg7[%get3A_63, %get3A_64] : memref<1x128xf32, #tpu.memory_space<vmem>>, vector<1x128xf32>
    %add3A_66 = vector.broadcast %get3A_65 : vector<1x128xf32> to vector<5120x128xf32>
    %add3A_67 = arith.addf %slice3A_62, %add3A_66 : vector<5120x128xf32>
    %swap3A_68 = arith.constant 0 : index
    %swap3A_69 = arith.constant 0 : index
    %swap3A_70 = vector.load %arg9[%swap3A_68, %swap3A_69] : memref<5120x128xf32, #tpu.memory_space<vmem>>, vector<5120x128xf32>
    tpu.vector_store %arg9[%swap3A_68, %swap3A_69], %add3A_67 {strides = array<i32>} : memref<5120x128xf32, #tpu.memory_space<vmem>>, vector<5120x128xf32>,
    return
  }
  func.func @transform_0(%arg0: i32) -> (i32, i32, i32) {
    %c0_i32 = arith.constant 0 : i32
    %c0_i32_0 = arith.constant 0 : i32
    %c0_i32_1 = arith.constant 0 : i32
    return %c0_i32, %arg0, %c0_i32_0 : i32, i32, i32
  }
  func.func @transform_1(%arg0: i32) -> (i32, i32) {
    %c0_i32 = arith.constant 0 : i32
    %c0_i32_0 = arith.constant 0 : i32
    return %c0_i32, %arg0 : i32, i32
  }
  func.func @transform_2(%arg0: i32) -> (i32, i32) {
    %c0_i32 = arith.constant 0 : i32
    %c0_i32_0 = arith.constant 0 : i32
    return %arg0, %c0_i32 : i32, i32
  }
  func.func @transform_3(%arg0: i32) -> (i32, i32) {
    %c0_i32 = arith.constant 0 : i32
    %c0_i32_0 = arith.constant 0 : i32
    %c0_i32_1 = arith.constant 0 : i32
    return %c0_i32, %c0_i32_0 : i32, i32
  }
  func.func @transform_4(%arg0: i32) -> (i32, i32) {
    %c0_i32 = arith.constant 0 : i32
    %c0_i32_0 = arith.constant 0 : i32
    %c0_i32_1 = arith.constant 0 : i32
    return %c0_i32, %c0_i32_0 : i32, i32
  }
  func.func @transform_5(%arg0: i32) -> (i32, i32) {
    %c0_i32 = arith.constant 0 : i32
    %c0_i32_0 = arith.constant 0 : i32
    %c0_i32_1 = arith.constant 0 : i32
    return %c0_i32, %c0_i32_0 : i32, i32
  }
  func.func @transform_6(%arg0: i32) -> (i32, i32) {
    %c0_i32 = arith.constant 0 : i32
    %c0_i32_0 = arith.constant 0 : i32
    %c0_i32_1 = arith.constant 0 : i32
    return %c0_i32, %c0_i32_0 : i32, i32
  }
  func.func @transform_7(%arg0: i32) -> (i32, i32) {
    %c0_i32 = arith.constant 0 : i32
    %c0_i32_0 = arith.constant 0 : i32
    return %arg0, %c0_i32 : i32, i32
  }
  func.func @transform_8(%arg0: i32) -> (i32, i32) {
    %c0_i32 = arith.constant 0 : i32
    %c0_i32_0 = arith.constant 0 : i32
    return %arg0, %c0_i32 : i32, i32
  }
  func.func @transform_9(%arg0: i32) -> (i32, i32) {
    %c0_i32 = arith.constant 0 : i32
    %c0_i32_0 = arith.constant 0 : i32
    return %arg0, %c0_i32 : i32, i32
  }
}

module attributes {stable_mosaic.version = 14 : i64} {
  func.func @_k3_body(%arg0: i32, %arg1: memref<2x5120x128xf32, #tpu.memory_space<vmem>>, %arg2: memref<5120x16xf32, #tpu.memory_space<vmem>>, %arg3: memref<5120x128xf32, #tpu.memory_space<vmem>>, %arg4: memref<5120x128xf32, #tpu.memory_space<vmem>>) attributes {dimension_semantics = [#tpu.dimension_semantics<arbitrary>], iteration_bounds = array<i64: 2>, scalar_prefetch = 0 : i64, scratch_operands = 0 : i64, tpu.core_type = #tpu.core_type<tc>, window_params = [{transform_indices = @transform_0, window_bounds = array<i64: 2, 5120, 128>}, {transform_indices = @transform_1, window_bounds = array<i64: 5120, 16>}, {transform_indices = @transform_2, window_bounds = array<i64: 5120, 128>}, {transform_indices = @transform_3, window_bounds = array<i64: 5120, 128>}]} {
    %get3A = arith.constant 0 : index
    %get3A_0 = arith.constant 0 : index
    %get3A_1 = arith.constant 0 : index
    %get3A_2 = vector.load %arg1[%get3A, %get3A_0, %get3A_1] : memref<2x5120x128xf32, #tpu.memory_space<vmem>>, vector<2x5120x128xf32>
    %get3A_3 = arith.constant 0 : index
    %get3A_4 = arith.constant 0 : index
    %get3A_5 = vector.load %arg2[%get3A_3, %get3A_4] : memref<5120x16xf32, #tpu.memory_space<vmem>>, vector<5120x16xf32>
    %slice3A = vector.extract_strided_slice %get3A_5 {offsets = [0, 0], sizes = [5120, 1], strides = [1, 1]} : vector<5120x16xf32> to vector<5120x1xf32>
    %slice3A_6 = vector.extract_strided_slice %get3A_2 {offsets = [0, 0, 0], sizes = [1, 5120, 128], strides = [1, 1, 1]} : vector<2x5120x128xf32> to vector<1x5120x128xf32>
    %squeeze3A = vector.shape_cast %slice3A_6 : vector<1x5120x128xf32> to vector<5120x128xf32>
    %slice3A_7 = vector.extract_strided_slice %get3A_2 {offsets = [1, 0, 0], sizes = [1, 5120, 128], strides = [1, 1, 1]} : vector<2x5120x128xf32> to vector<1x5120x128xf32>
    %squeeze3A_8 = vector.shape_cast %slice3A_7 : vector<1x5120x128xf32> to vector<5120x128xf32>
    %add3A = arith.addf %squeeze3A, %squeeze3A_8 : vector<5120x128xf32>
    %mul3A = vector.broadcast %slice3A : vector<5120x1xf32> to vector<5120x128xf32>
    %mul3A_9 = arith.mulf %add3A, %mul3A : vector<5120x128xf32>
    %get3A_10 = arith.constant 0 : index
    %get3A_11 = arith.constant 0 : index
    %get3A_12 = vector.load %arg3[%get3A_10, %get3A_11] : memref<5120x128xf32, #tpu.memory_space<vmem>>, vector<5120x128xf32>
    %add3A_13 = arith.addf %mul3A_9, %get3A_12 : vector<5120x128xf32>
    %swap3A = arith.constant 0 : index
    %swap3A_14 = arith.constant 0 : index
    %swap3A_15 = vector.load %arg4[%swap3A, %swap3A_14] : memref<5120x128xf32, #tpu.memory_space<vmem>>, vector<5120x128xf32>
    tpu.vector_store %arg4[%swap3A, %swap3A_14], %add3A_13 {strides = array<i32>} : memref<5120x128xf32, #tpu.memory_space<vmem>>, vector<5120x128xf32>,
    return
  }
  func.func @transform_0(%arg0: i32) -> (i32, i32, i32) {
    %c0_i32 = arith.constant 0 : i32
    %c0_i32_0 = arith.constant 0 : i32
    %c0_i32_1 = arith.constant 0 : i32
    return %c0_i32, %arg0, %c0_i32_0 : i32, i32, i32
  }
  func.func @transform_1(%arg0: i32) -> (i32, i32) {
    %c0_i32 = arith.constant 0 : i32
    %c0_i32_0 = arith.constant 0 : i32
    return %arg0, %c0_i32 : i32, i32
  }
  func.func @transform_2(%arg0: i32) -> (i32, i32) {
    %c0_i32 = arith.constant 0 : i32
    %c0_i32_0 = arith.constant 0 : i32
    return %arg0, %c0_i32 : i32, i32
  }
  func.func @transform_3(%arg0: i32) -> (i32, i32) {
    %c0_i32 = arith.constant 0 : i32
    %c0_i32_0 = arith.constant 0 : i32
    return %arg0, %c0_i32 : i32, i32
  }
}

module attributes {stable_mosaic.version = 14 : i64} {
  func.func @_k1_body(%arg0: i32, %arg1: memref<5120x130xf32, #tpu.memory_space<vmem>>, %arg2: memref<130x256xf32, #tpu.memory_space<vmem>>, %arg3: memref<1x128xf32, #tpu.memory_space<vmem>>, %arg4: memref<5120x128xf32, #tpu.memory_space<vmem>>, %arg5: memref<5120x128xf32, #tpu.memory_space<vmem>>) attributes {dimension_semantics = [#tpu.dimension_semantics<arbitrary>], iteration_bounds = array<i64: 2>, scalar_prefetch = 0 : i64, scratch_operands = 0 : i64, tpu.core_type = #tpu.core_type<tc>, window_params = [{transform_indices = @transform_0, window_bounds = array<i64: 5120, 130>}, {pipeline_mode = #tpu.pipeline_mode<synchronous>, transform_indices = @transform_1, window_bounds = array<i64: 130, 256>}, {pipeline_mode = #tpu.pipeline_mode<synchronous>, transform_indices = @transform_2, window_bounds = array<i64: 1, 128>}, {transform_indices = @transform_3, window_bounds = array<i64: 5120, 128>}, {transform_indices = @transform_4, window_bounds = array<i64: 5120, 128>}]} {
    %get3A = arith.constant 0 : index
    %get3A_0 = arith.constant 0 : index
    %get3A_1 = vector.load %arg1[%get3A, %get3A_0] : memref<5120x130xf32, #tpu.memory_space<vmem>>, vector<5120x130xf32>
    %get3A_2 = arith.constant 0 : index
    %get3A_3 = arith.constant 0 : index
    %get3A_4 = vector.load %arg2[%get3A_2, %get3A_3] : memref<130x256xf32, #tpu.memory_space<vmem>>, vector<130x256xf32>
    %dot_general3A = arith.constant dense<0.000000e+00> : vector<5120x256xf32>
    %dot_general3A_5 = tpu.matmul %get3A_1, %get3A_4, %dot_general3A {dimension_numbers = #tpu.dot_dimension_numbers<[1], [0], [0], [1], [0, 0, 1, 1], [], []>, transpose_lhs_hint = false} : vector<5120x130xf32>, vector<130x256xf32>, vector<5120x256xf32> -> vector<5120x256xf32>
    %slice3A = vector.extract_strided_slice %dot_general3A_5 {offsets = [0, 0], sizes = [5120, 128], strides = [1, 1]} : vector<5120x256xf32> to vector<5120x128xf32>
    %swap3A = arith.constant 0 : index
    %swap3A_6 = arith.constant 0 : index
    %swap3A_7 = vector.load %arg4[%swap3A, %swap3A_6] : memref<5120x128xf32, #tpu.memory_space<vmem>>, vector<5120x128xf32>
    tpu.vector_store %arg4[%swap3A, %swap3A_6], %slice3A {strides = array<i32>} : memref<5120x128xf32, #tpu.memory_space<vmem>>, vector<5120x128xf32>,
    %slice3A_8 = vector.extract_strided_slice %dot_general3A_5 {offsets = [0, 128], sizes = [5120, 128], strides = [1, 1]} : vector<5120x256xf32> to vector<5120x128xf32>
    %get3A_9 = arith.constant 0 : index
    %get3A_10 = arith.constant 0 : index
    %get3A_11 = vector.load %arg3[%get3A_9, %get3A_10] : memref<1x128xf32, #tpu.memory_space<vmem>>, vector<1x128xf32>
    %add3A = vector.broadcast %get3A_11 : vector<1x128xf32> to vector<5120x128xf32>
    %add3A_12 = arith.addf %slice3A_8, %add3A : vector<5120x128xf32>
    %swap3A_13 = arith.constant 0 : index
    %swap3A_14 = arith.constant 0 : index
    %swap3A_15 = vector.load %arg5[%swap3A_13, %swap3A_14] : memref<5120x128xf32, #tpu.memory_space<vmem>>, vector<5120x128xf32>
    tpu.vector_store %arg5[%swap3A_13, %swap3A_14], %add3A_12 {strides = array<i32>} : memref<5120x128xf32, #tpu.memory_space<vmem>>, vector<5120x128xf32>,
    return
  }
  func.func @transform_0(%arg0: i32) -> (i32, i32) {
    %c0_i32 = arith.constant 0 : i32
    %c0_i32_0 = arith.constant 0 : i32
    return %arg0, %c0_i32 : i32, i32
  }
  func.func @transform_1(%arg0: i32) -> (i32, i32) {
    %c0_i32 = arith.constant 0 : i32
    %c0_i32_0 = arith.constant 0 : i32
    %c0_i32_1 = arith.constant 0 : i32
    return %c0_i32, %c0_i32_0 : i32, i32
  }
  func.func @transform_2(%arg0: i32) -> (i32, i32) {
    %c0_i32 = arith.constant 0 : i32
    %c0_i32_0 = arith.constant 0 : i32
    %c0_i32_1 = arith.constant 0 : i32
    return %c0_i32, %c0_i32_0 : i32, i32
  }
  func.func @transform_3(%arg0: i32) -> (i32, i32) {
    %c0_i32 = arith.constant 0 : i32
    %c0_i32_0 = arith.constant 0 : i32
    return %arg0, %c0_i32 : i32, i32
  }
  func.func @transform_4(%arg0: i32) -> (i32, i32) {
    %c0_i32 = arith.constant 0 : i32
    %c0_i32_0 = arith.constant 0 : i32
    return %arg0, %c0_i32 : i32, i32
  }
}

</mosaic_0001>

<sc_bundles>
// kernel: kernel.11.cloned.1.call-start
scs
__scs_entry_jumppad:
0x0: {  	(pc) =	sbr.rel $0x88, $3  }
0x1: {  	(tag) =	ssettag $0x0;
	lr =	simm.s32 $0x1  }
0x2: {  	[smem:$0x3F97] =	sst lr;
	_ =	strace $0xD0000000  }
0x3: {  	_ = 	snop  }
0x4: {  	_ = 	snop  }
0x5: {  	_ = 	snop  }
0x6: {  	_ = 	snop  }
0x7: {  	_ = 	snop  }
__scs_overlays_trampoline_lowered:
0x8: {  	[smem:$0x3FA6] =	sst s0  }
0x9: {  	[smem:$0x3FA7] =	sst s1  }
0xa: {  	[smem:$0x3FA8] =	sst s2  }
0xb: {  	[smem:$0x3FA9] =	sst s3  }
0xc: {  	[smem:$0x3FAA] =	sst s4  }
0xd: {  	[smem:$0x3FAB] =	sst s5  }
0xe: {  	[smem:$0x3FAC] =	sst s6  }
0xf: {  	[smem:$0x3FAD] =	sst s7  }
0x10: {  	[smem:$0x3FAE] =	sst s8  }
0x11: {  	[smem:$0x3FAF] =	sst s9;
	s0 =	simm.s32 @!p0 $0x0  }
0x12: {  	s1 =	sld [smem:$0x3F95];
	s0 =	simm.s32 @p0 $0x1  }
0x13: {  	[smem:$0x3FB0] =	sst s0;
	s0 =	simm.s32 @!p1 $0x0  }
0x14: {  	s2 =	sld [smem:$0x3F94];
	s0 =	simm.s32 @p1 $0x1  }
0x15: {  	[smem:$0x3FB1] =	sst s0;
	s0 =	simm.s32 @!p2 $0x0  }
0x16: {  	s3 =	sld [smem:$0x3FDB];
	s0 =	simm.s32 @p2 $0x1  }
0x17: {  	s4 =	simm.s32 $0x1BF5;
	[smem:$0x3FB3] =	sst s0  }
0x18: {  	s0 =	sld [smem:$0x3F96];
	_ =	swait.ge [sflag:s4], $0x0  }
0x19: {  	s7 =	sld [smem:$0x3F97]  }
0x1a: {  	s8 =	sadd.s32 $0xFFFFE003, lr  }
0x1b: {  	s9 =	sadd.s32 $0xFFFFFEF7, lr;
	s5 =	simm.s32 $0xFFFFFFFF;
	p2 =	slt.u32 s8, $0xFFFFF086  }
0x1c: {  	p1 =	slt.u32 s9, $0xF7A;
	s5 =	simm.s32 @!p2 $0x0  }
0x1d: {  	s5 =	simm.s32 @p1 $0x1;
	p0 =	seq.s32 s7, s2  }
0x1e: {  	s7 =	smul.u32 @!p0 $0xF7A, s2;
	p2 =	seq.s32 @!p0 s5, $0x0  }
0x1f: {  	s9 =	smul.u32 $0xF7A, s1;
	s8 =	simm.s32 @!p0 $0x1BF5;
	p2 =	por !p2, p0  }
0x20: {  	[sflag:s8] =	ssyncset.s32 @!p0 $0xFFFFF086;
	s6 =	sadd.s32 @!p0 s3, s7;
	s7 =	simm.s32 @!p0 $0x108  }
0x21: {  	s3 =	sadd.s32 s3, s9;
	s6 =	sadd.s32 @!p0 $0x88, s6;
	s7 =	simm.s32 @p2 $0x1082  }
0x22: {  	[simem:s7], [sflag:s8] =	dma.local @!p0 [hbm:s6], $0xF7A  }
0x23: {  	s9 =	sor.u32 $0xD0000000, s2;
	s6 =	simm.s32 $0x108;
	_ =	swait.ge @!p0 [sflag:s8], $0x0  }
0x24: {  	s3 =	sadd.s32 $0x88, s3;
	s6 =	simm.s32 @!p1 $0x1082;
	[sflag:s4] =	ssyncset.s32 $0xFFFFF086  }
0x25: {  	[simem:s6], [sflag:s4] =	dma.local [hbm:s3], $0xF7A  }
0x26: {  	[smem:$0x3F97] =	sst s1;
	(tag) =	ssettag s2;
	_ =	strace s9  }
0x27: {  	s1 =	sld [smem:$0x3FA7]  }
0x28: {  	s2 =	sld [smem:$0x3FA8]  }
0x29: {  	s4 =	sld [smem:$0x3FAA]  }
0x2a: {  	p0 =	seq.s32 s5, $0x0;
	s5 =	sld [smem:$0x3FAB]  }
0x2b: {  	s6 =	sld [smem:$0x3FAC]  }
0x2c: {  	s7 =	sld [smem:$0x3FAD]  }
0x2d: {  	s3 =	simm.s32 $0x108;
	s8 =	sld [smem:$0x3FAE]  }
0x2e: {  	s3 =	simm.s32 @!p0 $0x1082;
	s9 =	sld [smem:$0x3FAF]  }
0x2f: {  	lr =	sadd.s32 s0, s3;
	s0 =	sld [smem:$0x3FA6]  }
0x30: {  	s3 =	sld [smem:$0x3FA9]  }
0x31: {  	[smem:$0x3FB2] =	sst s10  }
0x32: {  	s10 =	sld [smem:$0x3FB0];
	_ =	sdelay $0x3  }
0x33: {  	p0 =	seq.s32 s10, $0x1;
	s10 =	sld [smem:$0x3FB2];
	_ =	sdelay $0x3  }
0x34: {  	[smem:$0x3FB2] =	sst s10  }
0x35: {  	s10 =	sld [smem:$0x3FB1];
	_ =	sdelay $0x3  }
0x36: {  	p1 =	seq.s32 s10, $0x1;
	s10 =	sld [smem:$0x3FB2];
	_ =	sdelay $0x3  }
0x37: {  	[smem:$0x3FB2] =	sst s10  }
0x38: {  	s10 =	sld [smem:$0x3FB3]  }
0x39: {  	_ = 	snop;
	(pc) =	sbr.ind lr, $3  }
0x3a: {  	_ = 	snop  }
0x3b: {  	_ = 	snop  }
0x3c: {  	p2 =	seq.s32 s10, $0x1;
	s10 =	sld [smem:$0x3FB2]  }
0x3d: {  	_ =	shalt  }
0x3e: {  	_ =	shalt  }
0x3f: {  	_ =	shalt  }
0x40: {  	_ =	shalt  }
0x41: {  	_ =	shalt  }
0x42: {  	_ =	shalt  }
0x43: {  	_ =	shalt  }
0x44: {  	_ =	shalt  }
0x45: {  	_ =	shalt  }
0x46: {  	_ =	shalt  }
0x47: {  	_ =	shalt  }
0x48: {  	_ =	shalt  }
0x49: {  	_ =	shalt  }
0x4a: {  	_ =	shalt  }
0x4b: {  	_ =	shalt  }
0x4c: {  	_ =	shalt  }
0x4d: {  	_ =	shalt  }
0x4e: {  	_ =	shalt  }
0x4f: {  	_ =	shalt  }
0x50: {  	_ =	shalt  }
0x51: {  	_ =	shalt  }
0x52: {  	_ =	shalt  }
0x53: {  	_ =	shalt  }
0x54: {  	_ =	shalt  }
0x55: {  	_ =	shalt  }
0x56: {  	_ =	shalt  }
0x57: {  	_ =	shalt  }
0x58: {  	_ =	shalt  }
0x59: {  	_ =	shalt  }
0x5a: {  	_ =	shalt  }
0x5b: {  	_ =	shalt  }
0x5c: {  	_ =	shalt  }
0x5d: {  	_ =	shalt  }
0x5e: {  	_ =	shalt  }
0x5f: {  	_ =	shalt  }
0x60: {  	_ =	shalt  }
0x61: {  	_ =	shalt  }
0x62: {  	_ =	shalt  }
0x63: {  	_ =	shalt  }
0x64: {  	_ =	shalt  }
0x65: {  	_ =	shalt  }
0x66: {  	_ =	shalt  }
0x67: {  	_ =	shalt  }
0x68: {  	_ =	shalt  }
0x69: {  	_ =	shalt  }
0x6a: {  	_ =	shalt  }
0x6b: {  	_ =	shalt  }
0x6c: {  	_ =	shalt  }
0x6d: {  	_ =	shalt  }
0x6e: {  	_ =	shalt  }
0x6f: {  	_ =	shalt  }
0x70: {  	_ =	shalt  }
0x71: {  	_ =	shalt  }
0x72: {  	_ =	shalt  }
0x73: {  	_ =	shalt  }
0x74: {  	_ =	shalt  }
0x75: {  	_ =	shalt  }
0x76: {  	_ =	shalt  }
0x77: {  	_ =	shalt  }
0x78: {  	_ =	shalt  }
0x79: {  	_ =	shalt  }
0x7a: {  	_ =	shalt  }
0x7b: {  	_ =	shalt  }
0x7c: {  	_ =	shalt  }
0x7d: {  	_ =	shalt  }
0x7e: {  	_ =	shalt  }
0x7f: {  	_ =	shalt  }
0x80: {  	_ =	shalt  }
0x81: {  	_ =	shalt  }
0x82: {  	_ =	shalt  }
0x83: {  	_ =	shalt  }
0x84: {  	_ =	shalt  }
0x85: {  	_ =	shalt  }
0x86: {  	_ =	shalt  }
0x87: {  	_ =	shalt  }
.Lfunc_end0:
.L_simem_size_0:
called_computation.1_lowered:
.L_overlay_start_0:
0x88: {  	s2 =	sld [smem:$0x3FD9]  }
0x89: {  	s3 =	sld [smem:$0x3FFE];
	_ =	sdelay $0x1  }
0x8a: {  	s1 =	srdreg.scid  }
0x8b: {  	s0 =	sand.u32 $0x1, s1  }
0x8c: {  	s17 =	sshll.u32 s0, $0xA;
	s2 =	sadd.s32 s3, s2  }
0x8d: {  	s2 =	sadd.s32 s2, s17  }
0x8e: {  	[smem:$0x3FBE] =	sst s2  }
0x8f: {  	_ = 	snop  }
0x90: {  	s18 =	sld [smem:$0x3FD0];
	(tm) =	ssettm $0x1  }
0x91: {  	s19 =	sld [smem:$0x3FFB];
	_ =	sdelay $0x3  }
0x92: {  	_ =	strace s19  }
0x93: {  	s2 =	sld [smem:$0x3FFC];
	_ =	sdelay $0x3  }
0x94: {  	_ =	strace s2  }
0x95: {  	s2 =	sld [smem:$0x3FFD];
	_ =	sdelay $0x3  }
0x96: {  	_ =	strace s2  }
0x97: {  	_ =	strace $0x8FFFFFFF  }
0x98: {  	s20 =	sld [smem:$0x3FDB];
	_ =	sdelay $0x1  }
0x99: {  	s4 =	simm.s32 $_scs_section_size  }
0x9a: {  	s5 =	simm.s32 $_size__tile_overlayer_lowered;
	s6 =	simm.s32 $_tile_overlayer_lowered  }
0x9b: {  	s7 =	simm.s32 $0x1BFF;
	s21 =	sshll.u32 s6, $0x1;
	s4 =	sadd.s32 s4, s20  }
0x9c: {  	s22 =	simm.s32 $0x0;
	s5 =	sshll.u32 s5, $0x1;
	s6 =	sadd.s32 s21, s4  }
0x9d: {  	[timem:s22], [sflag:s7] =	dma.local [hbm:s6], s5  }
0x9e: {  	_ =	swait.ge [sflag:s7], s5  }
0x9f: {  	s5 =	ssub.s32 $0x0, s5;
	[sflag:s7] =	ssyncset.done $0x0  }
0xa0: {  	[sflag:s7] =	ssyncadd.s32 s5;
	_ =	sdelay $0x1  }
0xa1: {  	s23 =	simm.s32 $0x1B8B  }
0xa2: {  	_ =	swait.ge [sflag:s23], $0x1  }
0xa3: {  	[sflag:s23] =	ssyncset.done $0x0  }
0xa4: {  	[sflag:s23] =	ssyncadd.s32 $0xFFFFFFFF  }
0xa5: {  	s5 =	sld [smem:$0x0]  }
0xa6: {  	s6 =	sand.u32 $0xFFFFFFFE, s1  }
0xa7: {  	p0 =	sne.s32 s1, s6  }
0xa8: {  	s6 =	sshll.u32 @p0 s6, $0xE  }
0xa9: {  	s6 =	sadd.s32 @p0 $0x11B8D, s6;
	s7 =	sshll.u32 @p0 s5, $0x11  }
0xaa: {  	s6 =	sor.u32 @p0 s7, s6  }
0xab: {  	[sflag:s6] =	ssyncadd.remote.s32 @p0 $0x1;
	_ =	sdelay $0x1  }
0xac: {  	s6 =	simm.s32 @p0 $0x1B8D  }
0xad: {  	_ =	swait.eq @p0 [sflag:s6], $0x1  }
0xae: {  	[sflag:s6] =	ssyncadd.s32 @p0 $0xFFFFFFFF  }
0xaf: {  	s7 =	sshll.u32 @!p0 s1, $0xE  }
0xb0: {  	s7 =	sor.u32 @!p0 $0x4000, s7;
	s6 =	simm.s32 @!p0 $0x1B8D  }
0xb1: {  	s5 =	sshll.u32 @!p0 s5, $0x11;
	s7 =	sadd.s32 @!p0 $0x11B8D, s7;
	_ =	swait.eq @!p0 [sflag:s6], $0x1  }
0xb2: {  	s5 =	sor.u32 @!p0 s5, s7;
	[sflag:s6] =	ssyncadd.s32 @!p0 $0xFFFFFFFF  }
0xb3: {  	s25 =	simm.s32 $0x1B8E;
	s24 =	sld [smem:$0x3FFE];
	[sflag:s5] =	ssyncadd.remote.s32 @!p0 $0x1  }
0xb4: {  	s26 =	simm.s32 $execute0_lowered;
	[smem:$0x3FD2] =	sst s25  }
0xb5: {  	s6 =	sshll.u32 s26, $0x1;
	_ =	strace $0x80000049;
	[dreg:$0x1] =	wrdreg $0xFFFFFFFF  }
0xb6: {  	s28 =	simm.s32 $_size_execute0_lowered;
	s4 =	sadd.s32 s4, s6;
	[dreg:$0x0] =	wrdreg $0x0  }
0xb7: {  	s6 =	sshll.u32 s28, $0x1;
	[dreg:$0x2] =	wrdreg s4  }
0xb8: {  	[dreg:$0x3] =	wrdreg s6  }
0xb9: {  	[dreg:$0x4] =	wrdreg $0xC0  }
0xba: {  	_ =	task [dreg:s22], $0x5FFFF  }
0xbb: {  	[dreg:$0x1] =	wrdreg $0xFFFFFFFF  }
0xbc: {  	[dreg:$0x0] =	wrdreg $0x60  }
0xbd: {  	[dreg:$0x2] =	wrdreg s24  }
0xbe: {  	[dreg:$0x3] =	wrdreg s18  }
0xbf: {  	[dreg:$0x4] =	wrdreg $0xBC000  }
0xc0: {  	[dreg:$0x5] =	wrdreg $0xA  }
0xc1: {  	_ =	task.clear_ibuf [dreg:s22], $0x6FFFF;
	_ =	strace $0x90000049  }
0xc2: {  	s29 =	simm.s32 $0xA;
	_ =	strace $0x8000004B  }
0xc3: {  	_ =	swait.ge [sflag:s29], $0x1  }
0xc4: {  	[sflag:s29] =	ssyncadd.s32 $0xFFFFFFFF  }
0xc5: {  	_ =	strace $0x9000004B  }
0xc6: {  	_ =	sfence  }
0xc7: {  	s30 =	sld [smem:$0x0];
	_ =	sdelay $0x2  }
0xc8: {  	s31 =	sshll.u32 s1, $0xD;
	s1 =	sshrl.u32 s1, $0x2  }
0xc9: {  	s4 =	sand.u32 $0x4000, s31;
	s1 =	sadd.s32 s1, s30  }
0xca: {  	s0 =	sor.u32 s4, s0;
	s1 =	sshll.u32 s1, $0x11  }
0xcb: {  	s0 =	sor.u32 s1, s0  }
0xcc: {  	s0 =	sadd.s32 $0x8F2B, s0  }
0xcd: {  	[sflag:s0] =	ssyncadd.remote.s32 $0x1  }
0xce: {  	_ =	sfence.sel $0xFFFF  }
0xcf: {  	[dreg:$0x0] =	wrdreg $0xFFFFFFFF;
	(pc) =	sbr.abs _section_cstart, $3  }
0xd0: {  	[dreg:$0x1] =	wrdreg $0xFFFFFFFF  }
0xd1: {  	_ =	task.clear_ibuf [dreg:s22], $0x2FFFF;
	_ =	strace $0x9FFFFFFF  }
0xd2: {  	(tm) =	ssettm $0x7FFFFFFF  }
0xd3: {  	_ =	shalt  }
tec
execute0_lowered:
.L_overlay_start_1:
0x0: {  	(tag) =	ssettag $0x1  }
0x1: {  	s0 =	rddreg [dreg:$0x0]  }
0x2: {  	s2 =	rddreg [dreg:$0x1]  }
0x3: {  	s1 =	rddreg [dreg:$0x2]  }
0x4: {  	s3 =	srdreg.scid;
	s12 =	stileid.u32;
	s14 =	simm.s32 $0x3  }
0x5: {  	s28 =	simm.s32 $0x100;
	s29 =	simm.s32 $0x1500;
	s30 =	simm.s32 $0x140  }
0x6: {  	s31 =	simm.s32 $0x1580;
	s5 =	sand.u32 $0x1, s3;
	s3 =	simm.s32 $0x0  }
0x7: {  	s7 =	smul.u32 $0x14000, s12;
	s4 =	sadd.s32 $0x19000, s0;
	s8 =	sadd.s32 $0xF000, s0  }
0x8: {  	s15 =	sadd.s32 $0x41000, s0;
	s9 =	sshll.u32 s12, $0x1;
	s18 =	smul.u32 $0x50000, s12  }
0x9: {  	s10 =	sshrl.u32 s12, $0x2;
	s21 =	sshll.u32 s12, $0x6;
	s6 =	smul.u32 $0x140000, s5  }
0xa: {  	[smem:$0x7FF] =	sst s3;
	s16 =	ssub.s32 $0x2, s5;
	s5 =	sor.u32 s5, s9  }
0xb: {  	s19 =	smul.u32 $0x14000, s10;
	s10 =	simm.s32 $0x0;
	_ =	strace $0x8000004A  }
0xc: {  	[dreg:$0x4] =	wrdreg s15;
	s17 =	sshrl.u32 s16, $0x1;
	s20 =	sshll.u32 s5, $0x7  }
0xd: {  	s9 =	sshrl.u32 s18, $0x2;
	s5 =	smul.u32 $0x5000, s5;
	s15 =	simm.s32 $0x80  }
0xe: {  	s18 =	simm.s32 $0x40;
	s6 =	sadd.s32 s7, s6;
	s11 =	ssub.s32 s16, s17  }
0xf: {  	s7 =	sand.u32 $0x380, s20;
	s9 =	sadd.s32 s9, s1;
	s17 =	simm.s32 $0x1400  }
0x10: {  	s20 =	simm.s32 $0x5C00;
	s16 =	simm.s32 $0x3B00;
	s6 =	sshrl.u32 s6, $0x3  }
0x11: {  	s7 =	sor.u32 s19, s7;
	s5 =	sshrl.u32 s5, $0x3;
	s26 =	smax.u32 s11, $0x1  }
0x12: {  	s13 =	sshrl.u32 s9, $0x3;
	s19 =	simm.s32 $0x3C00;
	s9 =	simm.s32 $0x3B80  }
0x13: {  	s0 =	sadd.s32 s6, s0;
	s6 =	sor.u32 $0x1C03, s21;
	s22 =	sadd.s32 $0xA000, s7  }
0x14: {  	s23 =	sshrl.u32 s7, $0x3;
	s5 =	sadd.s32 s2, s5;
	[dreg:$0xa] =	wrdreg s26  }
0x15: {  	s21 =	simm.s32 $0x1;
	s26 =	simm.s32 $0x2;
	s24 =	sshrl.u32 s22, $0x3  }
0x16: {  	s7 =	sadd.s32 s8, s23;
	[dreg:$0x5] =	wrdreg s5;
	s25 =	sadd.s32 $0x500, s5  }
0x17: {  	s0 =	sadd.s32 $0x43800, s0;
	s22 =	simm.s32 $0x7C00;
	[dreg:$0x6] =	wrdreg s7  }
0x18: {  	s5 =	simm.s32 $0x13C0;
	s2 =	sadd.s32 s8, s24;
	[dreg:$0x8] =	wrdreg s25  }
0x19: {  	[dreg:$0x9] =	wrdreg s0;
	s24 =	simm.s32 $0x9C00;
	s0 =	simm.s32 $0x1380  }
0x1a: {  	s8 =	simm.s32 $0x3A80;
	[dreg:$0x7] =	wrdreg s2;
	s2 =	simm.s32 $0x3A00  }
.LBB2_1:
0x1b: {  	s7 =	rddreg [dreg:$0x4]  }
0x1c: {  	[spmem:s13], [sflag:s6] =	dma.local [hbm:s7], $0x2800  }
0x1d: {  	_ =	swait.ge [sflag:s14], $0x2800  }
0x1e: {  	[sflag:s14] =	ssyncset.done $0x0  }
0x1f: {  	[sflag:s14] =	ssyncadd.s32 $0xFFFFD800  }
0x20: {  	[bflag:$0x0] =	sbarrier.arrive $0xFFFF  }
0x21: {  	s11 =	simm.s32 $0x400;
	s12 =	rddreg [dreg:$0x6]  }
0x22: {  	[tilespmem:s3], [sflag:$0x3] =	stream.strided.gather [hbm4b:s12+s15], $0x1400, s11, s15, $0x38;
	[tilespmem:$0x1FC00] =	vst v63  }
0x23: {  	_ =	swait.ge [sflag:s14], $0x1400  }
0x24: {  	[sflag:s14] =	ssyncset.done $0x0  }
0x25: {  	s23 =	rddreg [dreg:$0x5];
	[sflag:s14] =	ssyncadd.s32 $0xFFFFEC00  }
0x26: {  	[tilespmem:s17], [sflag:$0x3] =	stream.linear.gather [hbm4b:s23+s3], $0x2800, $0x38;
	[tilespmem:$0x1FC00] =	vst v63  }
0x27: {  	_ =	swait.ge [sflag:s14], $0x2800  }
0x28: {  	[sflag:s14] =	ssyncset.done $0x0  }
0x29: {  	[sflag:s14] =	ssyncadd.s32 $0xFFFFD800  }
0x2a: {  	[tilespmem:s19], [sflag:$0x1] =	stream.indirect.gather [hbm4b:s4+s18], $0x80, s3, s18, $0xb8;
	[tilespmem:$0x1FC00] =	vst v63  }
0x2b: {  	_ = 	snop  }
0x2c: {  	[tilespmem:s20], [sflag:$0x1] =	stream.indirect.gather [hbm4b:s4+s18], $0x80, s18, s18, $0xb8;
	[tilespmem:$0x1FC00] =	vst v63  }
0x2d: {  	_ =	swait.ge [sflag:s21], $0x2000  }
0x2e: {  	[sflag:s21] =	ssyncset.done $0x0  }
0x2f: {  	[sflag:s21] =	ssyncadd.s32 $0xFFFFE000  }
0x30: {  	[tilespmem:s22], [sflag:$0x1] =	stream.indirect.gather [hbm4b:s4+s18], $0x80, s15, s18, $0xb8;
	[tilespmem:$0x1FC00] =	vst v63  }
0x31: {  	_ = 	snop  }
0x32: {  	[spmem:s1] =	stream.indirect.scatter.add.f32 [tilespmem:s19], [sflag:$0x2], $0x80, s17, s18, $0xb8;
	[tilespmem:$0x1FC00] =	vst v63  }
0x33: {  	_ =	swait.ge [sflag:s21], $0x2000  }
0x34: {  	[sflag:s21] =	ssyncset.done $0x0  }
0x35: {  	s25 =	simm.s32 $0xC0;
	[sflag:s21] =	ssyncadd.s32 $0xFFFFE000  }
0x36: {  	[tilespmem:s24], [sflag:$0x1] =	stream.indirect.gather [hbm4b:s4+s18], $0x80, s25, s18, $0xb8;
	[tilespmem:$0x1FC00] =	vst v63  }
0x37: {  	s11 =	simm.s32 $0x1480  }
0x38: {  	[spmem:s1] =	stream.indirect.scatter.add.f32 [tilespmem:s20], [sflag:$0x2], $0x80, s11, s18, $0xb8;
	[tilespmem:$0x1FC00] =	vst v63  }
0x39: {  	_ =	swait.ge [sflag:s21], $0x2000  }
0x3a: {  	[sflag:s21] =	ssyncset.done $0x0  }
0x3b: {  	[sflag:s21] =	ssyncadd.s32 $0xFFFFE000  }
0x3c: {  	_ =	swait.ge [sflag:s26], $0x2000  }
0x3d: {  	[sflag:s26] =	ssyncset.done $0x0  }
0x3e: {  	[sflag:s26] =	ssyncadd.s32 $0xFFFFE000  }
0x3f: {  	[tilespmem:s19], [sflag:$0x1] =	stream.indirect.gather [hbm4b:s4+s18], $0x80, s28, s18, $0xb8;
	[tilespmem:$0x1FC00] =	vst v63  }
0x40: {  	_ = 	snop  }
0x41: {  	[spmem:s1] =	stream.indirect.scatter.add.f32 [tilespmem:s22], [sflag:$0x2], $0x80, s29, s18, $0xb8;
	[tilespmem:$0x1FC00] =	vst v63  }
0x42: {  	_ =	swait.ge [sflag:s21], $0x2000  }
0x43: {  	[sflag:s21] =	ssyncset.done $0x0  }
0x44: {  	[sflag:s21] =	ssyncadd.s32 $0xFFFFE000  }
0x45: {  	_ =	swait.ge [sflag:s26], $0x2000  }
0x46: {  	[sflag:s26] =	ssyncset.done $0x0  }
0x47: {  	[sflag:s26] =	ssyncadd.s32 $0xFFFFE000  }
0x48: {  	[tilespmem:s20], [sflag:$0x1] =	stream.indirect.gather [hbm4b:s4+s18], $0x80, s30, s18, $0xb8;
	[tilespmem:$0x1FC00] =	vst v63  }
0x49: {  	_ = 	snop  }
0x4a: {  	[spmem:s1] =	stream.indirect.scatter.add.f32 [tilespmem:s24], [sflag:$0x2], $0x80, s31, s18, $0xb8;
	[tilespmem:$0x1FC00] =	vst v63  }
0x4b: {  	_ =	swait.ge [sflag:s21], $0x2000  }
0x4c: {  	[sflag:s21] =	ssyncset.done $0x0  }
0x4d: {  	[sflag:s21] =	ssyncadd.s32 $0xFFFFE000  }
0x4e: {  	_ =	swait.ge [sflag:s26], $0x2000  }
0x4f: {  	[sflag:s26] =	ssyncset.done $0x0  }
0x50: {  	s12 =	simm.s32 $0x180;
	[sflag:s26] =	ssyncadd.s32 $0xFFFFE000  }
0x51: {  	[tilespmem:s22], [sflag:$0x1] =	stream.indirect.gather [hbm4b:s4+s18], $0x80, s12, s18, $0xb8;
	[tilespmem:$0x1FC00] =	vst v63  }
0x52: {  	s23 =	simm.s32 $0x1600  }
0x53: {  	[spmem:s1] =	stream.indirect.scatter.add.f32 [tilespmem:s19], [sflag:$0x2], $0x80, s23, s18, $0xb8;
	[tilespmem:$0x1FC00] =	vst v63  }
0x54: {  	_ =	swait.ge [sflag:s21], $0x2000  }
0x55: {  	[sflag:s21] =	ssyncset.done $0x0  }
0x56: {  	[sflag:s21] =	ssyncadd.s32 $0xFFFFE000  }
0x57: {  	_ =	swait.ge [sflag:s26], $0x2000  }
0x58: {  	[sflag:s26] =	ssyncset.done $0x0  }
0x59: {  	s25 =	simm.s32 $0x1C0;
	[sflag:s26] =	ssyncadd.s32 $0xFFFFE000  }
0x5a: {  	[tilespmem:s24], [sflag:$0x1] =	stream.indirect.gather [hbm4b:s4+s18], $0x80, s25, s18, $0xb8;
	[tilespmem:$0x1FC00] =	vst v63  }
0x5b: {  	s7 =	simm.s32 $0x1680  }
0x5c: {  	[spmem:s1] =	stream.indirect.scatter.add.f32 [tilespmem:s20], [sflag:$0x2], $0x80, s7, s18, $0xb8;
	[tilespmem:$0x1FC00] =	vst v63  }
0x5d: {  	_ =	swait.ge [sflag:s21], $0x2000  }
0x5e: {  	[sflag:s21] =	ssyncset.done $0x0  }
0x5f: {  	[sflag:s21] =	ssyncadd.s32 $0xFFFFE000  }
0x60: {  	_ =	swait.ge [sflag:s26], $0x2000  }
0x61: {  	[sflag:s26] =	ssyncset.done $0x0  }
0x62: {  	s12 =	simm.s32 $0x200;
	[sflag:s26] =	ssyncadd.s32 $0xFFFFE000  }
0x63: {  	[tilespmem:s19], [sflag:$0x1] =	stream.indirect.gather [hbm4b:s4+s18], $0x80, s12, s18, $0xb8;
	[tilespmem:$0x1FC00] =	vst v63  }
0x64: {  	s23 =	simm.s32 $0x1700  }
0x65: {  	[spmem:s1] =	stream.indirect.scatter.add.f32 [tilespmem:s22], [sflag:$0x2], $0x80, s23, s18, $0xb8;
	[tilespmem:$0x1FC00] =	vst v63  }
0x66: {  	_ =	swait.ge [sflag:s21], $0x2000  }
0x67: {  	[sflag:s21] =	ssyncset.done $0x0  }
0x68: {  	[sflag:s21] =	ssyncadd.s32 $0xFFFFE000  }
0x69: {  	_ =	swait.ge [sflag:s26], $0x2000  }
0x6a: {  	s11 =	simm.s32 $0x1780;
	s25 =	simm.s32 $0x240;
	[sflag:s26] =	ssyncset.done $0x0  }
0x6b: {  	s12 =	simm.s32 $0x400;
	s23 =	simm.s32 $0x1980;
	[sflag:s26] =	ssyncadd.s32 $0xFFFFE000  }
0x6c: {  	[tilespmem:s20], [sflag:$0x1] =	stream.indirect.gather [hbm4b:s4+s18], $0x80, s25, s18, $0xb8;
	[tilespmem:$0x1FC00] =	vst v63  }
.LBB2_2:
0x6d: {  	[spmem:s1] =	stream.indirect.scatter.add.f32 [tilespmem:s24], [sflag:$0x2], $0x80, s11, s18, $0xb8;
	[tilespmem:$0x1FC00] =	vst v63  }
0x6e: {  	s25 =	smov.u32 s12;
	s11 =	smov.u32 s23  }
0x6f: {  	p0 =	sne.s32 s12, $0x4400;
	s12 =	sadd.s32 $0x400, s12;
	_ =	swait.ge [sflag:s21], $0x2000  }
0x70: {  	[sflag:s21] =	ssyncset.done $0x0  }
0x71: {  	[sflag:s21] =	ssyncadd.s32 $0xFFFFE000  }
0x72: {  	_ =	swait.ge [sflag:s26], $0x2000  }
0x73: {  	s25 =	sshra.s32 s25, $0x2;
	[sflag:s26] =	ssyncset.done $0x0  }
0x74: {  	s7 =	sadd.s32 $0x180, s25;
	[sflag:s26] =	ssyncadd.s32 $0xFFFFE000  }
0x75: {  	[tilespmem:s22], [sflag:$0x1] =	stream.indirect.gather [hbm4b:s4+s18], $0x80, s7, s18, $0xb8;
	[tilespmem:$0x1FC00] =	vst v63  }
0x76: {  	s7 =	sadd.s32 $0xFFFFFE80, s23  }
0x77: {  	[spmem:s1] =	stream.indirect.scatter.add.f32 [tilespmem:s19], [sflag:$0x2], $0x80, s7, s18, $0xb8;
	[tilespmem:$0x1FC00] =	vst v63  }
0x78: {  	_ =	swait.ge [sflag:s21], $0x2000  }
0x79: {  	[sflag:s21] =	ssyncset.done $0x0  }
0x7a: {  	[sflag:s21] =	ssyncadd.s32 $0xFFFFE000  }
0x7b: {  	_ =	swait.ge [sflag:s26], $0x2000  }
0x7c: {  	[sflag:s26] =	ssyncset.done $0x0  }
0x7d: {  	s7 =	sadd.s32 $0x1C0, s25;
	[sflag:s26] =	ssyncadd.s32 $0xFFFFE000  }
0x7e: {  	[tilespmem:s24], [sflag:$0x1] =	stream.indirect.gather [hbm4b:s4+s18], $0x80, s7, s18, $0xb8;
	[tilespmem:$0x1FC00] =	vst v63  }
0x7f: {  	s7 =	sadd.s32 $0xFFFFFF00, s23  }
0x80: {  	[spmem:s1] =	stream.indirect.scatter.add.f32 [tilespmem:s20], [sflag:$0x2], $0x80, s7, s18, $0xb8;
	[tilespmem:$0x1FC00] =	vst v63  }
0x81: {  	_ =	swait.ge [sflag:s21], $0x2000  }
0x82: {  	[sflag:s21] =	ssyncset.done $0x0  }
0x83: {  	[sflag:s21] =	ssyncadd.s32 $0xFFFFE000  }
0x84: {  	_ =	swait.ge [sflag:s26], $0x2000  }
0x85: {  	[sflag:s26] =	ssyncset.done $0x0  }
0x86: {  	s7 =	sadd.s32 $0x200, s25;
	[sflag:s26] =	ssyncadd.s32 $0xFFFFE000  }
0x87: {  	[tilespmem:s19], [sflag:$0x1] =	stream.indirect.gather [hbm4b:s4+s18], $0x80, s7, s18, $0xb8;
	[tilespmem:$0x1FC00] =	vst v63  }
0x88: {  	s7 =	sadd.s32 $0xFFFFFF80, s23  }
0x89: {  	[spmem:s1] =	stream.indirect.scatter.add.f32 [tilespmem:s22], [sflag:$0x2], $0x80, s7, s18, $0xb8;
	[tilespmem:$0x1FC00] =	vst v63  }
0x8a: {  	_ =	swait.ge [sflag:s21], $0x2000  }
0x8b: {  	[sflag:s21] =	ssyncset.done $0x0  }
0x8c: {  	[sflag:s21] =	ssyncadd.s32 $0xFFFFE000  }
.Ltmp0:
0x8d: {  	_ =	swait.ge [sflag:s26], $0x2000;
	(pc) =	sbr.rel @p0 .LBB2_2-.Ltmp0, $4  }
0x8e: {  	[sflag:s26] =	ssyncset.done $0x0  }
0x8f: {  	s7 =	sadd.s32 $0x240, s25;
	[sflag:s26] =	ssyncadd.s32 $0xFFFFE000  }
0x90: {  	[tilespmem:s20], [sflag:$0x1] =	stream.indirect.gather [hbm4b:s4+s18], $0x80, s7, s18, $0xb8;
	[tilespmem:$0x1FC00] =	vst v63  }
0x91: {  	s23 =	sadd.s32 $0x200, s23  }
0x92: {  	[spmem:s1] =	stream.indirect.scatter.add.f32 [tilespmem:s24], [sflag:$0x2], $0x80, s11, s18, $0xb8;
	[tilespmem:$0x1FC00] =	vst v63  }
0x93: {  	_ =	swait.ge [sflag:s21], $0x2000  }
0x94: {  	[sflag:s21] =	ssyncset.done $0x0  }
0x95: {  	[sflag:s21] =	ssyncadd.s32 $0xFFFFE000  }
0x96: {  	_ =	swait.ge [sflag:s26], $0x2000  }
0x97: {  	[sflag:s26] =	ssyncset.done $0x0  }
0x98: {  	[sflag:s26] =	ssyncadd.s32 $0xFFFFE000  }
0x99: {  	[tilespmem:s22], [sflag:$0x1] =	stream.indirect.gather [hbm4b:s4+s18], $0x80, s0, s18, $0xb8;
	[tilespmem:$0x1FC00] =	vst v63  }
0x9a: {  	_ = 	snop  }
0x9b: {  	[spmem:s1] =	stream.indirect.scatter.add.f32 [tilespmem:s19], [sflag:$0x2], $0x80, s2, s18, $0xb8;
	[tilespmem:$0x1FC00] =	vst v63  }
0x9c: {  	_ =	swait.ge [sflag:s21], $0x2000  }
0x9d: {  	[sflag:s21] =	ssyncset.done $0x0  }
0x9e: {  	[sflag:s21] =	ssyncadd.s32 $0xFFFFE000  }
0x9f: {  	_ =	swait.ge [sflag:s26], $0x2000  }
0xa0: {  	[sflag:s26] =	ssyncset.done $0x0  }
0xa1: {  	[sflag:s26] =	ssyncadd.s32 $0xFFFFE000  }
0xa2: {  	[tilespmem:s24], [sflag:$0x1] =	stream.indirect.gather [hbm4b:s4+s18], $0x80, s5, s18, $0xb8;
	[tilespmem:$0x1FC00] =	vst v63  }
0xa3: {  	_ = 	snop  }
0xa4: {  	[spmem:s1] =	stream.indirect.scatter.add.f32 [tilespmem:s20], [sflag:$0x2], $0x80, s8, s18, $0xb8;
	[tilespmem:$0x1FC00] =	vst v63  }
0xa5: {  	_ =	swait.ge [sflag:s21], $0x2000  }
0xa6: {  	[sflag:s21] =	ssyncset.done $0x0  }
0xa7: {  	[sflag:s21] =	ssyncadd.s32 $0xFFFFE000  }
0xa8: {  	_ =	swait.ge [sflag:s26], $0x2000  }
0xa9: {  	[sflag:s26] =	ssyncset.done $0x0  }
0xaa: {  	[sflag:s26] =	ssyncadd.s32 $0xFFFFE000  }
0xab: {  	[spmem:s1] =	stream.indirect.scatter.add.f32 [tilespmem:s22], [sflag:$0x2], $0x80, s16, s18, $0xb8;
	[tilespmem:$0x1FC00] =	vst v63  }
0xac: {  	_ =	swait.ge [sflag:s21], $0x2000  }
0xad: {  	[sflag:s21] =	ssyncset.done $0x0  }
0xae: {  	[sflag:s21] =	ssyncadd.s32 $0xFFFFE000  }
0xaf: {  	_ =	swait.ge [sflag:s26], $0x2000  }
0xb0: {  	[sflag:s26] =	ssyncset.done $0x0  }
0xb1: {  	[sflag:s26] =	ssyncadd.s32 $0xFFFFE000  }
0xb2: {  	[spmem:s1] =	stream.indirect.scatter.add.f32 [tilespmem:s24], [sflag:$0x2], $0x80, s9, s18, $0xb8;
	[tilespmem:$0x1FC00] =	vst v63  }
0xb3: {  	_ =	swait.ge [sflag:s26], $0x2000  }
0xb4: {  	[sflag:s26] =	ssyncset.done $0x0  }
0xb5: {  	[sflag:s26] =	ssyncadd.s32 $0xFFFFE000  }
0xb6: {  	_ =	swait.ge [sflag:s26], $0x2000  }
0xb7: {  	s7 =	simm.s32 $0x0;
	[sflag:s26] =	ssyncset.done $0x0  }
0xb8: {  	s12 =	simm.s32 $0x400;
	s25 =	rddreg [dreg:$0x7];
	[sflag:s26] =	ssyncadd.s32 $0xFFFFE000  }
0xb9: {  	[tilespmem:s7], [sflag:$0x3] =	stream.strided.gather [hbm4b:s25+s15], $0x1400, s12, s15, $0x38;
	[tilespmem:$0x1FC00] =	vst v63  }
0xba: {  	_ =	swait.ge [sflag:s14], $0x1400  }
0xbb: {  	[sflag:s14] =	ssyncset.done $0x0  }
0xbc: {  	s23 =	rddreg [dreg:$0x8];
	[sflag:s14] =	ssyncadd.s32 $0xFFFFEC00  }
0xbd: {  	[tilespmem:s17], [sflag:$0x3] =	stream.linear.gather [hbm4b:s23+s7], $0x2800, $0x38;
	[tilespmem:$0x1FC00] =	vst v63  }
0xbe: {  	_ =	swait.ge [sflag:s14], $0x2800  }
0xbf: {  	[sflag:s14] =	ssyncset.done $0x0  }
0xc0: {  	[sflag:s14] =	ssyncadd.s32 $0xFFFFD800  }
0xc1: {  	[tilespmem:s19], [sflag:$0x1] =	stream.indirect.gather [hbm4b:s4+s18], $0x80, s7, s18, $0xb8;
	[tilespmem:$0x1FC00] =	vst v63  }
0xc2: {  	_ = 	snop  }
0xc3: {  	[tilespmem:s20], [sflag:$0x1] =	stream.indirect.gather [hbm4b:s4+s18], $0x80, s18, s18, $0xb8;
	[tilespmem:$0x1FC00] =	vst v63  }
0xc4: {  	_ =	swait.ge [sflag:s21], $0x2000  }
0xc5: {  	[sflag:s21] =	ssyncset.done $0x0  }
0xc6: {  	[sflag:s21] =	ssyncadd.s32 $0xFFFFE000  }
0xc7: {  	[tilespmem:s22], [sflag:$0x1] =	stream.indirect.gather [hbm4b:s4+s18], $0x80, s15, s18, $0xb8;
	[tilespmem:$0x1FC00] =	vst v63  }
0xc8: {  	_ = 	snop  }
0xc9: {  	[spmem:s1] =	stream.indirect.scatter.add.f32 [tilespmem:s19], [sflag:$0x2], $0x80, s17, s18, $0xb8;
	[tilespmem:$0x1FC00] =	vst v63  }
0xca: {  	_ =	swait.ge [sflag:s21], $0x2000  }
0xcb: {  	[sflag:s21] =	ssyncset.done $0x0  }
0xcc: {  	s25 =	simm.s32 $0xC0;
	[sflag:s21] =	ssyncadd.s32 $0xFFFFE000  }
0xcd: {  	[tilespmem:s24], [sflag:$0x1] =	stream.indirect.gather [hbm4b:s4+s18], $0x80, s25, s18, $0xb8;
	[tilespmem:$0x1FC00] =	vst v63  }
0xce: {  	s11 =	simm.s32 $0x1480  }
0xcf: {  	[spmem:s1] =	stream.indirect.scatter.add.f32 [tilespmem:s20], [sflag:$0x2], $0x80, s11, s18, $0xb8;
	[tilespmem:$0x1FC00] =	vst v63  }
0xd0: {  	_ =	swait.ge [sflag:s21], $0x2000  }
0xd1: {  	[sflag:s21] =	ssyncset.done $0x0  }
0xd2: {  	[sflag:s21] =	ssyncadd.s32 $0xFFFFE000  }
0xd3: {  	_ =	swait.ge [sflag:s26], $0x2000  }
0xd4: {  	[sflag:s26] =	ssyncset.done $0x0  }
0xd5: {  	[sflag:s26] =	ssyncadd.s32 $0xFFFFE000  }
0xd6: {  	[tilespmem:s19], [sflag:$0x1] =	stream.indirect.gather [hbm4b:s4+s18], $0x80, s28, s18, $0xb8;
	[tilespmem:$0x1FC00] =	vst v63  }
0xd7: {  	_ = 	snop  }
0xd8: {  	[spmem:s1] =	stream.indirect.scatter.add.f32 [tilespmem:s22], [sflag:$0x2], $0x80, s29, s18, $0xb8;
	[tilespmem:$0x1FC00] =	vst v63  }
0xd9: {  	_ =	swait.ge [sflag:s21], $0x2000  }
0xda: {  	[sflag:s21] =	ssyncset.done $0x0  }
0xdb: {  	[sflag:s21] =	ssyncadd.s32 $0xFFFFE000  }
0xdc: {  	_ =	swait.ge [sflag:s26], $0x2000  }
0xdd: {  	[sflag:s26] =	ssyncset.done $0x0  }
0xde: {  	[sflag:s26] =	ssyncadd.s32 $0xFFFFE000  }
0xdf: {  	[tilespmem:s20], [sflag:$0x1] =	stream.indirect.gather [hbm4b:s4+s18], $0x80, s30, s18, $0xb8;
	[tilespmem:$0x1FC00] =	vst v63  }
0xe0: {  	_ = 	snop  }
0xe1: {  	[spmem:s1] =	stream.indirect.scatter.add.f32 [tilespmem:s24], [sflag:$0x2], $0x80, s31, s18, $0xb8;
	[tilespmem:$0x1FC00] =	vst v63  }
0xe2: {  	_ =	swait.ge [sflag:s21], $0x2000  }
0xe3: {  	[sflag:s21] =	ssyncset.done $0x0  }
0xe4: {  	[sflag:s21] =	ssyncadd.s32 $0xFFFFE000  }
0xe5: {  	_ =	swait.ge [sflag:s26], $0x2000  }
0xe6: {  	[sflag:s26] =	ssyncset.done $0x0  }
0xe7: {  	s12 =	simm.s32 $0x180;
	[sflag:s26] =	ssyncadd.s32 $0xFFFFE000  }
0xe8: {  	[tilespmem:s22], [sflag:$0x1] =	stream.indirect.gather [hbm4b:s4+s18], $0x80, s12, s18, $0xb8;
	[tilespmem:$0x1FC00] =	vst v63  }
0xe9: {  	s23 =	simm.s32 $0x1600  }
0xea: {  	[spmem:s1] =	stream.indirect.scatter.add.f32 [tilespmem:s19], [sflag:$0x2], $0x80, s23, s18, $0xb8;
	[tilespmem:$0x1FC00] =	vst v63  }
0xeb: {  	_ =	swait.ge [sflag:s21], $0x2000  }
0xec: {  	[sflag:s21] =	ssyncset.done $0x0  }
0xed: {  	[sflag:s21] =	ssyncadd.s32 $0xFFFFE000  }
0xee: {  	_ =	swait.ge [sflag:s26], $0x2000  }
0xef: {  	[sflag:s26] =	ssyncset.done $0x0  }
0xf0: {  	s25 =	simm.s32 $0x1C0;
	[sflag:s26] =	ssyncadd.s32 $0xFFFFE000  }
0xf1: {  	[tilespmem:s24], [sflag:$0x1] =	stream.indirect.gather [hbm4b:s4+s18], $0x80, s25, s18, $0xb8;
	[tilespmem:$0x1FC00] =	vst v63  }
0xf2: {  	s11 =	simm.s32 $0x1680  }
0xf3: {  	[spmem:s1] =	stream.indirect.scatter.add.f32 [tilespmem:s20], [sflag:$0x2], $0x80, s11, s18, $0xb8;
	[tilespmem:$0x1FC00] =	vst v63  }
0xf4: {  	_ =	swait.ge [sflag:s21], $0x2000  }
0xf5: {  	[sflag:s21] =	ssyncset.done $0x0  }
0xf6: {  	[sflag:s21] =	ssyncadd.s32 $0xFFFFE000  }
0xf7: {  	_ =	swait.ge [sflag:s26], $0x2000  }
0xf8: {  	[sflag:s26] =	ssyncset.done $0x0  }
0xf9: {  	s12 =	simm.s32 $0x200;
	[sflag:s26] =	ssyncadd.s32 $0xFFFFE000  }
0xfa: {  	[tilespmem:s19], [sflag:$0x1] =	stream.indirect.gather [hbm4b:s4+s18], $0x80, s12, s18, $0xb8;
	[tilespmem:$0x1FC00] =	vst v63  }
0xfb: {  	s23 =	simm.s32 $0x1700  }
0xfc: {  	[spmem:s1] =	stream.indirect.scatter.add.f32 [tilespmem:s22], [sflag:$0x2], $0x80, s23, s18, $0xb8;
	[tilespmem:$0x1FC00] =	vst v63  }
0xfd: {  	_ =	swait.ge [sflag:s21], $0x2000  }
0xfe: {  	[sflag:s21] =	ssyncset.done $0x0  }
0xff: {  	[sflag:s21] =	ssyncadd.s32 $0xFFFFE000  }
0x100: {  	_ =	swait.ge [sflag:s26], $0x2000  }
0x101: {  	s25 =	simm.s32 $0x240;
	s11 =	simm.s32 $0x1780;
	[sflag:s26] =	ssyncset.done $0x0  }
0x102: {  	s12 =	simm.s32 $0x400;
	s23 =	simm.s32 $0x1980;
	[sflag:s26] =	ssyncadd.s32 $0xFFFFE000  }
0x103: {  	[tilespmem:s20], [sflag:$0x1] =	stream.indirect.gather [hbm4b:s4+s18], $0x80, s25, s18, $0xb8;
	[tilespmem:$0x1FC00] =	vst v63  }
.LBB2_4:
0x104: {  	[spmem:s1] =	stream.indirect.scatter.add.f32 [tilespmem:s24], [sflag:$0x2], $0x80, s11, s18, $0xb8;
	[tilespmem:$0x1FC00] =	vst v63  }
0x105: {  	s7 =	smov.u32 s12;
	s11 =	smov.u32 s23  }
0x106: {  	p0 =	sne.s32 s12, $0x4400;
	s12 =	sadd.s32 $0x400, s12;
	_ =	swait.ge [sflag:s21], $0x2000  }
0x107: {  	[sflag:s21] =	ssyncset.done $0x0  }
0x108: {  	[sflag:s21] =	ssyncadd.s32 $0xFFFFE000  }
0x109: {  	_ =	swait.ge [sflag:s26], $0x2000  }
0x10a: {  	s7 =	sshra.s32 s7, $0x2;
	[sflag:s26] =	ssyncset.done $0x0  }
0x10b: {  	s25 =	sadd.s32 $0x180, s7;
	[sflag:s26] =	ssyncadd.s32 $0xFFFFE000  }
0x10c: {  	[tilespmem:s22], [sflag:$0x1] =	stream.indirect.gather [hbm4b:s4+s18], $0x80, s25, s18, $0xb8;
	[tilespmem:$0x1FC00] =	vst v63  }
0x10d: {  	s25 =	sadd.s32 $0xFFFFFE80, s23  }
0x10e: {  	[spmem:s1] =	stream.indirect.scatter.add.f32 [tilespmem:s19], [sflag:$0x2], $0x80, s25, s18, $0xb8;
	[tilespmem:$0x1FC00] =	vst v63  }
0x10f: {  	_ =	swait.ge [sflag:s21], $0x2000  }
0x110: {  	[sflag:s21] =	ssyncset.done $0x0  }
0x111: {  	[sflag:s21] =	ssyncadd.s32 $0xFFFFE000  }
0x112: {  	_ =	swait.ge [sflag:s26], $0x2000  }
0x113: {  	[sflag:s26] =	ssyncset.done $0x0  }
0x114: {  	s25 =	sadd.s32 $0x1C0, s7;
	[sflag:s26] =	ssyncadd.s32 $0xFFFFE000  }
0x115: {  	[tilespmem:s24], [sflag:$0x1] =	stream.indirect.gather [hbm4b:s4+s18], $0x80, s25, s18, $0xb8;
	[tilespmem:$0x1FC00] =	vst v63  }
0x116: {  	s25 =	sadd.s32 $0xFFFFFF00, s23  }
0x117: {  	[spmem:s1] =	stream.indirect.scatter.add.f32 [tilespmem:s20], [sflag:$0x2], $0x80, s25, s18, $0xb8;
	[tilespmem:$0x1FC00] =	vst v63  }
0x118: {  	_ =	swait.ge [sflag:s21], $0x2000  }
0x119: {  	[sflag:s21] =	ssyncset.done $0x0  }
0x11a: {  	[sflag:s21] =	ssyncadd.s32 $0xFFFFE000  }
0x11b: {  	_ =	swait.ge [sflag:s26], $0x2000  }
0x11c: {  	[sflag:s26] =	ssyncset.done $0x0  }
0x11d: {  	s25 =	sadd.s32 $0x200, s7;
	[sflag:s26] =	ssyncadd.s32 $0xFFFFE000  }
0x11e: {  	[tilespmem:s19], [sflag:$0x1] =	stream.indirect.gather [hbm4b:s4+s18], $0x80, s25, s18, $0xb8;
	[tilespmem:$0x1FC00] =	vst v63  }
0x11f: {  	s25 =	sadd.s32 $0xFFFFFF80, s23  }
0x120: {  	[spmem:s1] =	stream.indirect.scatter.add.f32 [tilespmem:s22], [sflag:$0x2], $0x80, s25, s18, $0xb8;
	[tilespmem:$0x1FC00] =	vst v63  }
0x121: {  	_ =	swait.ge [sflag:s21], $0x2000  }
0x122: {  	[sflag:s21] =	ssyncset.done $0x0  }
0x123: {  	[sflag:s21] =	ssyncadd.s32 $0xFFFFE000  }
.Ltmp1:
0x124: {  	_ =	swait.ge [sflag:s26], $0x2000;
	(pc) =	sbr.rel @p0 .LBB2_4-.Ltmp1, $4  }
0x125: {  	[sflag:s26] =	ssyncset.done $0x0  }
0x126: {  	s7 =	sadd.s32 $0x240, s7;
	[sflag:s26] =	ssyncadd.s32 $0xFFFFE000  }
0x127: {  	[tilespmem:s20], [sflag:$0x1] =	stream.indirect.gather [hbm4b:s4+s18], $0x80, s7, s18, $0xb8;
	[tilespmem:$0x1FC00] =	vst v63  }
0x128: {  	s23 =	sadd.s32 $0x200, s23  }
0x129: {  	[spmem:s1] =	stream.indirect.scatter.add.f32 [tilespmem:s24], [sflag:$0x2], $0x80, s11, s18, $0xb8;
	[tilespmem:$0x1FC00] =	vst v63  }
0x12a: {  	_ =	swait.ge [sflag:s21], $0x2000  }
0x12b: {  	[sflag:s21] =	ssyncset.done $0x0  }
0x12c: {  	[sflag:s21] =	ssyncadd.s32 $0xFFFFE000  }
0x12d: {  	_ =	swait.ge [sflag:s26], $0x2000  }
0x12e: {  	[sflag:s26] =	ssyncset.done $0x0  }
0x12f: {  	[sflag:s26] =	ssyncadd.s32 $0xFFFFE000  }
0x130: {  	[tilespmem:s22], [sflag:$0x1] =	stream.indirect.gather [hbm4b:s4+s18], $0x80, s0, s18, $0xb8;
	[tilespmem:$0x1FC00] =	vst v63  }
0x131: {  	_ = 	snop  }
0x132: {  	[spmem:s1] =	stream.indirect.scatter.add.f32 [tilespmem:s19], [sflag:$0x2], $0x80, s2, s18, $0xb8;
	[tilespmem:$0x1FC00] =	vst v63  }
0x133: {  	_ =	swait.ge [sflag:s21], $0x2000  }
0x134: {  	[sflag:s21] =	ssyncset.done $0x0  }
0x135: {  	[sflag:s21] =	ssyncadd.s32 $0xFFFFE000  }
0x136: {  	_ =	swait.ge [sflag:s26], $0x2000  }
0x137: {  	[sflag:s26] =	ssyncset.done $0x0  }
0x138: {  	[sflag:s26] =	ssyncadd.s32 $0xFFFFE000  }
0x139: {  	[tilespmem:s24], [sflag:$0x1] =	stream.indirect.gather [hbm4b:s4+s18], $0x80, s5, s18, $0xb8;
	[tilespmem:$0x1FC00] =	vst v63  }
0x13a: {  	_ = 	snop  }
0x13b: {  	[spmem:s1] =	stream.indirect.scatter.add.f32 [tilespmem:s20], [sflag:$0x2], $0x80, s8, s18, $0xb8;
	[tilespmem:$0x1FC00] =	vst v63  }
0x13c: {  	_ =	swait.ge [sflag:s21], $0x2000  }
0x13d: {  	[sflag:s21] =	ssyncset.done $0x0  }
0x13e: {  	[sflag:s21] =	ssyncadd.s32 $0xFFFFE000  }
0x13f: {  	_ =	swait.ge [sflag:s26], $0x2000  }
0x140: {  	[sflag:s26] =	ssyncset.done $0x0  }
0x141: {  	[sflag:s26] =	ssyncadd.s32 $0xFFFFE000  }
0x142: {  	[spmem:s1] =	stream.indirect.scatter.add.f32 [tilespmem:s22], [sflag:$0x2], $0x80, s16, s18, $0xb8;
	[tilespmem:$0x1FC00] =	vst v63  }
0x143: {  	_ =	swait.ge [sflag:s21], $0x2000  }
0x144: {  	[sflag:s21] =	ssyncset.done $0x0  }
0x145: {  	[sflag:s21] =	ssyncadd.s32 $0xFFFFE000  }
0x146: {  	_ =	swait.ge [sflag:s26], $0x2000  }
0x147: {  	[sflag:s26] =	ssyncset.done $0x0  }
0x148: {  	[sflag:s26] =	ssyncadd.s32 $0xFFFFE000  }
0x149: {  	[spmem:s1] =	stream.indirect.scatter.add.f32 [tilespmem:s24], [sflag:$0x2], $0x80, s9, s18, $0xb8;
	[tilespmem:$0x1FC00] =	vst v63  }
0x14a: {  	_ =	swait.ge [sflag:s26], $0x2000  }
0x14b: {  	[sflag:s26] =	ssyncset.done $0x0  }
0x14c: {  	[sflag:s26] =	ssyncadd.s32 $0xFFFFE000  }
0x14d: {  	_ =	swait.ge [sflag:s26], $0x2000  }
0x14e: {  	[sflag:s26] =	ssyncset.done $0x0  }
0x14f: {  	[sflag:s26] =	ssyncadd.s32 $0xFFFFE000  }
0x150: {  	[bflag:$0x0] =	sbarrier.arrive $0xFFFF  }
0x151: {  	s7 =	rddreg [dreg:$0x9]  }
0x152: {  	[hbm:s7], [sflag:s6] =	dma.local [spmem:s13], $0x2800  }
0x153: {  	_ =	swait.ge [sflag:s14], $0x2800  }
0x154: {  	s10 =	sadd.s32 $0x1, s10;
	s25 =	rddreg [dreg:$0xa]  }
0x155: {  	p0 =	sne.s32 s10, s25  }
.Ltmp2:
0x156: {  	_ = 	snop;
	(pc) =	sbr.rel @p0 .LBB2_1-.Ltmp2, $3  }
0x157: {  	_ =	sdelay $0x1  }
0x158: {  	[sflag:s14] =	ssyncset.done $0x0  }
0x159: {  	[sflag:s14] =	ssyncadd.s32 $0xFFFFD800  }
0x15a: {  	_ =	sfence.sel $0x180000  }
0x15b: {  	[bflag:$0x0] =	sbarrier.arrive $0xFFFF  }
0x15c: {  	_ =	strace $0x9000004A  }
0x15d: {  	s0 =	stileid.u32;
	[bflag:$0x2] =	sbarrier.arrive $0xFFFF  }
0x15e: {  	p0 =	sne.s32 s0, $0x0;
	s0 =	rddreg [dreg:$0x3]  }
0x15f: {  	s0 =	sadd.s32 @!p0 $0x100000, s0  }
0x160: {  	[sflag:s0] =	ssyncadd.tile.s32 @!p0 $0x1;
	_ =	shalt  }
.Lfunc_end2:
_tile_overlayer_lowered:
.L_overlay_start_2:
0x161: {  	(tag) =	ssettag $0x2  }
0x162: {  	s0 =	rddreg [dreg:$0x0];
	s2 =	stileid.u32  }
0x163: {  	s1 =	rddreg [dreg:$0x1];
	p0 =	sne.s32 s2, $0x0  }
0x164: {  	s3 =	rddreg [dreg:$0x2];
	[bflag:$0x3] =	sbarrier.arrive $0xFFFF;
	s2 =	simm.s32 @!p0 $0x1C03  }
0x165: {  	[timem:s3], [sflag:s2] =	dma.local @!p0 [hbm:s0], s1  }
0x166: {  	s0 =	simm.s32 @!p0 $0x3  }
0x167: {  	_ =	swait.ge @!p0 [sflag:s0], s1  }
0x168: {  	s1 =	ssub.s32 @!p0 $0x0, s1;
	[sflag:s0] =	ssyncset.done @!p0 $0x0  }
0x169: {  	[sflag:s0] =	ssyncadd.s32 @!p0 s1  }
0x16a: {  	[bflag:$0x3] =	sbarrier.arrive $0xFFFF  }
0x16b: {  	_ =	shalt  }

// kernel: kernel.14.cloned.1.call-start
scs
__scs_entry_jumppad:
0x0: {  	(pc) =	sbr.rel $0x88, $3  }
0x1: {  	(tag) =	ssettag $0x0;
	lr =	simm.s32 $0x1  }
0x2: {  	[smem:$0x3F97] =	sst lr;
	_ =	strace $0xD0000000  }
0x3: {  	_ = 	snop  }
0x4: {  	_ = 	snop  }
0x5: {  	_ = 	snop  }
0x6: {  	_ = 	snop  }
0x7: {  	_ = 	snop  }
__scs_overlays_trampoline_lowered:
0x8: {  	[smem:$0x3FA6] =	sst s0  }
0x9: {  	[smem:$0x3FA7] =	sst s1  }
0xa: {  	[smem:$0x3FA8] =	sst s2  }
0xb: {  	[smem:$0x3FA9] =	sst s3  }
0xc: {  	[smem:$0x3FAA] =	sst s4  }
0xd: {  	[smem:$0x3FAB] =	sst s5  }
0xe: {  	[smem:$0x3FAC] =	sst s6  }
0xf: {  	[smem:$0x3FAD] =	sst s7  }
0x10: {  	[smem:$0x3FAE] =	sst s8  }
0x11: {  	[smem:$0x3FAF] =	sst s9;
	s0 =	simm.s32 @!p0 $0x0  }
0x12: {  	s1 =	sld [smem:$0x3F95];
	s0 =	simm.s32 @p0 $0x1  }
0x13: {  	[smem:$0x3FB0] =	sst s0;
	s0 =	simm.s32 @!p1 $0x0  }
0x14: {  	s2 =	sld [smem:$0x3F94];
	s0 =	simm.s32 @p1 $0x1  }
0x15: {  	[smem:$0x3FB1] =	sst s0;
	s0 =	simm.s32 @!p2 $0x0  }
0x16: {  	s3 =	sld [smem:$0x3FDB];
	s0 =	simm.s32 @p2 $0x1  }
0x17: {  	s4 =	simm.s32 $0x1BF5;
	[smem:$0x3FB3] =	sst s0  }
0x18: {  	s0 =	sld [smem:$0x3F96];
	_ =	swait.ge [sflag:s4], $0x0  }
0x19: {  	s7 =	sld [smem:$0x3F97]  }
0x1a: {  	s8 =	sadd.s32 $0xFFFFE003, lr  }
0x1b: {  	s9 =	sadd.s32 $0xFFFFFEF7, lr;
	s5 =	simm.s32 $0xFFFFFFFF;
	p2 =	slt.u32 s8, $0xFFFFF086  }
0x1c: {  	p1 =	slt.u32 s9, $0xF7A;
	s5 =	simm.s32 @!p2 $0x0  }
0x1d: {  	s5 =	simm.s32 @p1 $0x1;
	p0 =	seq.s32 s7, s2  }
0x1e: {  	s7 =	smul.u32 @!p0 $0xF7A, s2;
	p2 =	seq.s32 @!p0 s5, $0x0  }
0x1f: {  	s9 =	smul.u32 $0xF7A, s1;
	s8 =	simm.s32 @!p0 $0x1BF5;
	p2 =	por !p2, p0  }
0x20: {  	[sflag:s8] =	ssyncset.s32 @!p0 $0xFFFFF086;
	s6 =	sadd.s32 @!p0 s3, s7;
	s7 =	simm.s32 @!p0 $0x108  }
0x21: {  	s3 =	sadd.s32 s3, s9;
	s6 =	sadd.s32 @!p0 $0x88, s6;
	s7 =	simm.s32 @p2 $0x1082  }
0x22: {  	[simem:s7], [sflag:s8] =	dma.local @!p0 [hbm:s6], $0xF7A  }
0x23: {  	s9 =	sor.u32 $0xD0000000, s2;
	s6 =	simm.s32 $0x108;
	_ =	swait.ge @!p0 [sflag:s8], $0x0  }
0x24: {  	s3 =	sadd.s32 $0x88, s3;
	s6 =	simm.s32 @!p1 $0x1082;
	[sflag:s4] =	ssyncset.s32 $0xFFFFF086  }
0x25: {  	[simem:s6], [sflag:s4] =	dma.local [hbm:s3], $0xF7A  }
0x26: {  	[smem:$0x3F97] =	sst s1;
	(tag) =	ssettag s2;
	_ =	strace s9  }
0x27: {  	s1 =	sld [smem:$0x3FA7]  }
0x28: {  	s2 =	sld [smem:$0x3FA8]  }
0x29: {  	s4 =	sld [smem:$0x3FAA]  }
0x2a: {  	p0 =	seq.s32 s5, $0x0;
	s5 =	sld [smem:$0x3FAB]  }
0x2b: {  	s6 =	sld [smem:$0x3FAC]  }
0x2c: {  	s7 =	sld [smem:$0x3FAD]  }
0x2d: {  	s3 =	simm.s32 $0x108;
	s8 =	sld [smem:$0x3FAE]  }
0x2e: {  	s3 =	simm.s32 @!p0 $0x1082;
	s9 =	sld [smem:$0x3FAF]  }
0x2f: {  	lr =	sadd.s32 s0, s3;
	s0 =	sld [smem:$0x3FA6]  }
0x30: {  	s3 =	sld [smem:$0x3FA9]  }
0x31: {  	[smem:$0x3FB2] =	sst s10  }
0x32: {  	s10 =	sld [smem:$0x3FB0];
	_ =	sdelay $0x3  }
0x33: {  	p0 =	seq.s32 s10, $0x1;
	s10 =	sld [smem:$0x3FB2];
	_ =	sdelay $0x3  }
0x34: {  	[smem:$0x3FB2] =	sst s10  }
0x35: {  	s10 =	sld [smem:$0x3FB1];
	_ =	sdelay $0x3  }
0x36: {  	p1 =	seq.s32 s10, $0x1;
	s10 =	sld [smem:$0x3FB2];
	_ =	sdelay $0x3  }
0x37: {  	[smem:$0x3FB2] =	sst s10  }
0x38: {  	s10 =	sld [smem:$0x3FB3]  }
0x39: {  	_ = 	snop;
	(pc) =	sbr.ind lr, $3  }
0x3a: {  	_ = 	snop  }
0x3b: {  	_ = 	snop  }
0x3c: {  	p2 =	seq.s32 s10, $0x1;
	s10 =	sld [smem:$0x3FB2]  }
0x3d: {  	_ =	shalt  }
0x3e: {  	_ =	shalt  }
0x3f: {  	_ =	shalt  }
0x40: {  	_ =	shalt  }
0x41: {  	_ =	shalt  }
0x42: {  	_ =	shalt  }
0x43: {  	_ =	shalt  }
0x44: {  	_ =	shalt  }
0x45: {  	_ =	shalt  }
0x46: {  	_ =	shalt  }
0x47: {  	_ =	shalt  }
0x48: {  	_ =	shalt  }
0x49: {  	_ =	shalt  }
0x4a: {  	_ =	shalt  }
0x4b: {  	_ =	shalt  }
0x4c: {  	_ =	shalt  }
0x4d: {  	_ =	shalt  }
0x4e: {  	_ =	shalt  }
0x4f: {  	_ =	shalt  }
0x50: {  	_ =	shalt  }
0x51: {  	_ =	shalt  }
0x52: {  	_ =	shalt  }
0x53: {  	_ =	shalt  }
0x54: {  	_ =	shalt  }
0x55: {  	_ =	shalt  }
0x56: {  	_ =	shalt  }
0x57: {  	_ =	shalt  }
0x58: {  	_ =	shalt  }
0x59: {  	_ =	shalt  }
0x5a: {  	_ =	shalt  }
0x5b: {  	_ =	shalt  }
0x5c: {  	_ =	shalt  }
0x5d: {  	_ =	shalt  }
0x5e: {  	_ =	shalt  }
0x5f: {  	_ =	shalt  }
0x60: {  	_ =	shalt  }
0x61: {  	_ =	shalt  }
0x62: {  	_ =	shalt  }
0x63: {  	_ =	shalt  }
0x64: {  	_ =	shalt  }
0x65: {  	_ =	shalt  }
0x66: {  	_ =	shalt  }
0x67: {  	_ =	shalt  }
0x68: {  	_ =	shalt  }
0x69: {  	_ =	shalt  }
0x6a: {  	_ =	shalt  }
0x6b: {  	_ =	shalt  }
0x6c: {  	_ =	shalt  }
0x6d: {  	_ =	shalt  }
0x6e: {  	_ =	shalt  }
0x6f: {  	_ =	shalt  }
0x70: {  	_ =	shalt  }
0x71: {  	_ =	shalt  }
0x72: {  	_ =	shalt  }
0x73: {  	_ =	shalt  }
0x74: {  	_ =	shalt  }
0x75: {  	_ =	shalt  }
0x76: {  	_ =	shalt  }
0x77: {  	_ =	shalt  }
0x78: {  	_ =	shalt  }
0x79: {  	_ =	shalt  }
0x7a: {  	_ =	shalt  }
0x7b: {  	_ =	shalt  }
0x7c: {  	_ =	shalt  }
0x7d: {  	_ =	shalt  }
0x7e: {  	_ =	shalt  }
0x7f: {  	_ =	shalt  }
0x80: {  	_ =	shalt  }
0x81: {  	_ =	shalt  }
0x82: {  	_ =	shalt  }
0x83: {  	_ =	shalt  }
0x84: {  	_ =	shalt  }
0x85: {  	_ =	shalt  }
0x86: {  	_ =	shalt  }
0x87: {  	_ =	shalt  }
.Lfunc_end0:
.L_simem_size_0:
called_computation.2_lowered:
.L_overlay_start_0:
0x88: {  	s2 =	sld [smem:$0x3FD9]  }
0x89: {  	s3 =	sld [smem:$0x3FFE];
	_ =	sdelay $0x1  }
0x8a: {  	s1 =	srdreg.scid  }
0x8b: {  	s0 =	sand.u32 $0x1, s1  }
0x8c: {  	s17 =	sshll.u32 s0, $0xA;
	s2 =	sadd.s32 s3, s2  }
0x8d: {  	s2 =	sadd.s32 s2, s17  }
0x8e: {  	[smem:$0x3FBE] =	sst s2  }
0x8f: {  	_ = 	snop  }
0x90: {  	s2 =	sld [smem:$0x3FD0];
	(tm) =	ssettm $0x1  }
0x91: {  	s18 =	sld [smem:$0x3FFB];
	_ =	sdelay $0x3  }
0x92: {  	_ =	strace s18  }
0x93: {  	s3 =	sld [smem:$0x3FFC];
	_ =	sdelay $0x3  }
0x94: {  	_ =	strace s3  }
0x95: {  	s3 =	sld [smem:$0x3FFD];
	_ =	sdelay $0x3  }
0x96: {  	_ =	strace s3  }
0x97: {  	_ =	strace $0x8FFFFFFF  }
0x98: {  	s19 =	sld [smem:$0x3FDB];
	_ =	sdelay $0x1  }
0x99: {  	s4 =	simm.s32 $_scs_section_size  }
0x9a: {  	s5 =	simm.s32 $_size__tile_overlayer_lowered;
	s6 =	simm.s32 $_tile_overlayer_lowered  }
0x9b: {  	s22 =	simm.s32 $0x1BFF;
	s21 =	sshll.u32 s6, $0x1;
	s3 =	sadd.s32 s4, s19  }
0x9c: {  	s7 =	simm.s32 $0x0;
	s20 =	sshll.u32 s5, $0x1;
	s5 =	sadd.s32 s21, s3  }
0x9d: {  	[timem:s7], [sflag:s22] =	dma.local [hbm:s5], s20  }
0x9e: {  	_ =	swait.ge [sflag:s22], s20  }
0x9f: {  	s4 =	ssub.s32 $0x0, s20;
	[sflag:s22] =	ssyncset.done $0x0  }
0xa0: {  	[sflag:s22] =	ssyncadd.s32 s4;
	_ =	sdelay $0x1  }
0xa1: {  	s23 =	simm.s32 $0x1B8B  }
0xa2: {  	_ =	swait.ge [sflag:s23], $0x1  }
0xa3: {  	[sflag:s23] =	ssyncset.done $0x0  }
0xa4: {  	s25 =	simm.s32 $0x1B8E;
	s24 =	sld [smem:$0x3FFE];
	[sflag:s23] =	ssyncadd.s32 $0xFFFFFFFF  }
0xa5: {  	s26 =	simm.s32 $execute0_lowered;
	[smem:$0x3FD2] =	sst s25  }
0xa6: {  	s5 =	sshll.u32 s26, $0x1;
	_ =	strace $0x8000004C;
	[dreg:$0x1] =	wrdreg $0xFFFFFFFF  }
0xa7: {  	s28 =	simm.s32 $_size_execute0_lowered;
	s3 =	sadd.s32 s3, s5;
	[dreg:$0x0] =	wrdreg $0x0  }
0xa8: {  	s5 =	sshll.u32 s28, $0x1;
	[dreg:$0x2] =	wrdreg s3  }
0xa9: {  	[dreg:$0x3] =	wrdreg s5  }
0xaa: {  	[dreg:$0x4] =	wrdreg $0xC0  }
0xab: {  	_ =	task [dreg:s7], $0x5FFFF  }
0xac: {  	[dreg:$0x1] =	wrdreg $0xFFFFFFFF  }
0xad: {  	[dreg:$0x0] =	wrdreg $0x60  }
0xae: {  	[dreg:$0x2] =	wrdreg s24  }
0xaf: {  	[dreg:$0x3] =	wrdreg s2  }
0xb0: {  	[dreg:$0x4] =	wrdreg $0xBC000  }
0xb1: {  	[dreg:$0x5] =	wrdreg $0x9  }
0xb2: {  	_ =	task.clear_ibuf [dreg:s7], $0x6FFFF;
	_ =	strace $0x9000004C  }
0xb3: {  	s29 =	simm.s32 $0x9;
	_ =	strace $0x8000004E  }
0xb4: {  	_ =	swait.ge [sflag:s29], $0x1  }
0xb5: {  	[sflag:s29] =	ssyncadd.s32 $0xFFFFFFFF  }
0xb6: {  	_ =	strace $0x9000004E  }
0xb7: {  	_ =	sfence  }
0xb8: {  	s30 =	sld [smem:$0x0];
	_ =	sdelay $0x2  }
0xb9: {  	s31 =	sshll.u32 s1, $0xD;
	s1 =	sshrl.u32 s1, $0x2  }
0xba: {  	s3 =	sand.u32 $0x4000, s31;
	s1 =	sadd.s32 s1, s30  }
0xbb: {  	s0 =	sor.u32 s3, s0;
	s1 =	sshll.u32 s1, $0x11  }
0xbc: {  	s0 =	sor.u32 s1, s0  }
0xbd: {  	s0 =	sadd.s32 $0x8F2B, s0  }
0xbe: {  	[sflag:s0] =	ssyncadd.remote.s32 $0x1  }
0xbf: {  	_ =	sfence.sel $0xFFFF  }
0xc0: {  	[dreg:$0x0] =	wrdreg $0xFFFFFFFF;
	(pc) =	sbr.abs _section_cstart, $3  }
0xc1: {  	[dreg:$0x1] =	wrdreg $0xFFFFFFFF  }
0xc2: {  	_ =	task.clear_ibuf [dreg:s7], $0x2FFFF;
	_ =	strace $0x9FFFFFFF  }
0xc3: {  	(tm) =	ssettm $0x7FFFFFFF  }
tec
execute0_lowered:
.L_overlay_start_1:
0x0: {  	(tag) =	ssettag $0x1  }
0x1: {  	s0 =	rddreg [dreg:$0x0]  }
0x2: {  	s2 =	rddreg [dreg:$0x1]  }
0x3: {  	s1 =	rddreg [dreg:$0x2]  }
0x4: {  	s3 =	srdreg.scid;
	s12 =	stileid.u32;
	s14 =	simm.s32 $0x3  }
0x5: {  	s28 =	simm.s32 $0x100;
	s29 =	simm.s32 $0x1500;
	s30 =	simm.s32 $0x140  }
0x6: {  	s31 =	simm.s32 $0x1580;
	s5 =	sand.u32 $0x1, s3;
	s3 =	simm.s32 $0x0  }
0x7: {  	s7 =	smul.u32 $0x14000, s12;
	s4 =	sadd.s32 $0x19000, s0;
	s8 =	sadd.s32 $0xF000, s0  }
0x8: {  	s15 =	sadd.s32 $0x41000, s0;
	s9 =	sshll.u32 s12, $0x1;
	s18 =	smul.u32 $0x50000, s12  }
0x9: {  	s10 =	sshrl.u32 s12, $0x2;
	s21 =	sshll.u32 s12, $0x6;
	s6 =	smul.u32 $0x140000, s5  }
0xa: {  	[smem:$0x7FF] =	sst s3;
	s16 =	ssub.s32 $0x2, s5;
	s5 =	sor.u32 s5, s9  }
0xb: {  	s19 =	smul.u32 $0x14000, s10;
	s10 =	simm.s32 $0x0;
	_ =	strace $0x8000004D  }
0xc: {  	[dreg:$0x4] =	wrdreg s15;
	s17 =	sshrl.u32 s16, $0x1;
	s20 =	sshll.u32 s5, $0x7  }
0xd: {  	s9 =	sshrl.u32 s18, $0x2;
	s5 =	smul.u32 $0x5000, s5;
	s15 =	simm.s32 $0x80  }
0xe: {  	s18 =	simm.s32 $0x40;
	s6 =	sadd.s32 s7, s6;
	s11 =	ssub.s32 s16, s17  }
0xf: {  	s7 =	sand.u32 $0x380, s20;
	s9 =	sadd.s32 s9, s1;
	s17 =	simm.s32 $0x1400  }
0x10: {  	s20 =	simm.s32 $0x5C00;
	s16 =	simm.s32 $0x3B00;
	s6 =	sshrl.u32 s6, $0x3  }
0x11: {  	s7 =	sor.u32 s19, s7;
	s5 =	sshrl.u32 s5, $0x3;
	s26 =	smax.u32 s11, $0x1  }
0x12: {  	s13 =	sshrl.u32 s9, $0x3;
	s19 =	simm.s32 $0x3C00;
	s9 =	simm.s32 $0x3B80  }
0x13: {  	s0 =	sadd.s32 s6, s0;
	s6 =	sor.u32 $0x1C03, s21;
	s22 =	sadd.s32 $0xA000, s7  }
0x14: {  	s23 =	sshrl.u32 s7, $0x3;
	s5 =	sadd.s32 s2, s5;
	[dreg:$0xa] =	wrdreg s26  }
0x15: {  	s21 =	simm.s32 $0x1;
	s26 =	simm.s32 $0x2;
	s24 =	sshrl.u32 s22, $0x3  }
0x16: {  	s7 =	sadd.s32 s8, s23;
	[dreg:$0x5] =	wrdreg s5;
	s25 =	sadd.s32 $0x500, s5  }
0x17: {  	s0 =	sadd.s32 $0x43800, s0;
	s22 =	simm.s32 $0x7C00;
	[dreg:$0x6] =	wrdreg s7  }
0x18: {  	s5 =	simm.s32 $0x13C0;
	s2 =	sadd.s32 s8, s24;
	[dreg:$0x8] =	wrdreg s25  }
0x19: {  	[dreg:$0x9] =	wrdreg s0;
	s24 =	simm.s32 $0x9C00;
	s0 =	simm.s32 $0x1380  }
0x1a: {  	s8 =	simm.s32 $0x3A80;
	[dreg:$0x7] =	wrdreg s2;
	s2 =	simm.s32 $0x3A00  }
.LBB2_1:
0x1b: {  	s7 =	rddreg [dreg:$0x4]  }
0x1c: {  	[spmem:s13], [sflag:s6] =	dma.local [hbm:s7], $0x2800  }
0x1d: {  	_ =	swait.ge [sflag:s14], $0x2800  }
0x1e: {  	[sflag:s14] =	ssyncset.done $0x0  }
0x1f: {  	[sflag:s14] =	ssyncadd.s32 $0xFFFFD800  }
0x20: {  	[bflag:$0x0] =	sbarrier.arrive $0xFFFF  }
0x21: {  	s11 =	simm.s32 $0x400;
	s12 =	rddreg [dreg:$0x6]  }
0x22: {  	[tilespmem:s3], [sflag:$0x3] =	stream.strided.gather [hbm4b:s12+s15], $0x1400, s11, s15, $0x38;
	[tilespmem:$0x1FC00] =	vst v63  }
0x23: {  	_ =	swait.ge [sflag:s14], $0x1400  }
0x24: {  	[sflag:s14] =	ssyncset.done $0x0  }
0x25: {  	s23 =	rddreg [dreg:$0x5];
	[sflag:s14] =	ssyncadd.s32 $0xFFFFEC00  }
0x26: {  	[tilespmem:s17], [sflag:$0x3] =	stream.linear.gather [hbm4b:s23+s3], $0x2800, $0x38;
	[tilespmem:$0x1FC00] =	vst v63  }
0x27: {  	_ =	swait.ge [sflag:s14], $0x2800  }
0x28: {  	[sflag:s14] =	ssyncset.done $0x0  }
0x29: {  	[sflag:s14] =	ssyncadd.s32 $0xFFFFD800  }
0x2a: {  	[tilespmem:s19], [sflag:$0x1] =	stream.indirect.gather [hbm4b:s4+s18], $0x80, s3, s18, $0xb8;
	[tilespmem:$0x1FC00] =	vst v63  }
0x2b: {  	_ = 	snop  }
0x2c: {  	[tilespmem:s20], [sflag:$0x1] =	stream.indirect.gather [hbm4b:s4+s18], $0x80, s18, s18, $0xb8;
	[tilespmem:$0x1FC00] =	vst v63  }
0x2d: {  	_ =	swait.ge [sflag:s21], $0x2000  }
0x2e: {  	[sflag:s21] =	ssyncset.done $0x0  }
0x2f: {  	[sflag:s21] =	ssyncadd.s32 $0xFFFFE000  }
0x30: {  	[tilespmem:s22], [sflag:$0x1] =	stream.indirect.gather [hbm4b:s4+s18], $0x80, s15, s18, $0xb8;
	[tilespmem:$0x1FC00] =	vst v63  }
0x31: {  	_ = 	snop  }
0x32: {  	[spmem:s1] =	stream.indirect.scatter.add.f32 [tilespmem:s19], [sflag:$0x2], $0x80, s17, s18, $0xb8;
	[tilespmem:$0x1FC00] =	vst v63  }
0x33: {  	_ =	swait.ge [sflag:s21], $0x2000  }
0x34: {  	[sflag:s21] =	ssyncset.done $0x0  }
0x35: {  	s25 =	simm.s32 $0xC0;
	[sflag:s21] =	ssyncadd.s32 $0xFFFFE000  }
0x36: {  	[tilespmem:s24], [sflag:$0x1] =	stream.indirect.gather [hbm4b:s4+s18], $0x80, s25, s18, $0xb8;
	[tilespmem:$0x1FC00] =	vst v63  }
0x37: {  	s11 =	simm.s32 $0x1480  }
0x38: {  	[spmem:s1] =	stream.indirect.scatter.add.f32 [tilespmem:s20], [sflag:$0x2], $0x80, s11, s18, $0xb8;
	[tilespmem:$0x1FC00] =	vst v63  }
0x39: {  	_ =	swait.ge [sflag:s21], $0x2000  }
0x3a: {  	[sflag:s21] =	ssyncset.done $0x0  }
0x3b: {  	[sflag:s21] =	ssyncadd.s32 $0xFFFFE000  }
0x3c: {  	_ =	swait.ge [sflag:s26], $0x2000  }
0x3d: {  	[sflag:s26] =	ssyncset.done $0x0  }
0x3e: {  	[sflag:s26] =	ssyncadd.s32 $0xFFFFE000  }
0x3f: {  	[tilespmem:s19], [sflag:$0x1] =	stream.indirect.gather [hbm4b:s4+s18], $0x80, s28, s18, $0xb8;
	[tilespmem:$0x1FC00] =	vst v63  }
0x40: {  	_ = 	snop  }
0x41: {  	[spmem:s1] =	stream.indirect.scatter.add.f32 [tilespmem:s22], [sflag:$0x2], $0x80, s29, s18, $0xb8;
	[tilespmem:$0x1FC00] =	vst v63  }
0x42: {  	_ =	swait.ge [sflag:s21], $0x2000  }
0x43: {  	[sflag:s21] =	ssyncset.done $0x0  }
0x44: {  	[sflag:s21] =	ssyncadd.s32 $0xFFFFE000  }
0x45: {  	_ =	swait.ge [sflag:s26], $0x2000  }
0x46: {  	[sflag:s26] =	ssyncset.done $0x0  }
0x47: {  	[sflag:s26] =	ssyncadd.s32 $0xFFFFE000  }
0x48: {  	[tilespmem:s20], [sflag:$0x1] =	stream.indirect.gather [hbm4b:s4+s18], $0x80, s30, s18, $0xb8;
	[tilespmem:$0x1FC00] =	vst v63  }
0x49: {  	_ = 	snop  }
0x4a: {  	[spmem:s1] =	stream.indirect.scatter.add.f32 [tilespmem:s24], [sflag:$0x2], $0x80, s31, s18, $0xb8;
	[tilespmem:$0x1FC00] =	vst v63  }
0x4b: {  	_ =	swait.ge [sflag:s21], $0x2000  }
0x4c: {  	[sflag:s21] =	ssyncset.done $0x0  }
0x4d: {  	[sflag:s21] =	ssyncadd.s32 $0xFFFFE000  }
0x4e: {  	_ =	swait.ge [sflag:s26], $0x2000  }
0x4f: {  	[sflag:s26] =	ssyncset.done $0x0  }
0x50: {  	s12 =	simm.s32 $0x180;
	[sflag:s26] =	ssyncadd.s32 $0xFFFFE000  }
0x51: {  	[tilespmem:s22], [sflag:$0x1] =	stream.indirect.gather [hbm4b:s4+s18], $0x80, s12, s18, $0xb8;
	[tilespmem:$0x1FC00] =	vst v63  }
0x52: {  	s23 =	simm.s32 $0x1600  }
0x53: {  	[spmem:s1] =	stream.indirect.scatter.add.f32 [tilespmem:s19], [sflag:$0x2], $0x80, s23, s18, $0xb8;
	[tilespmem:$0x1FC00] =	vst v63  }
0x54: {  	_ =	swait.ge [sflag:s21], $0x2000  }
0x55: {  	[sflag:s21] =	ssyncset.done $0x0  }
0x56: {  	[sflag:s21] =	ssyncadd.s32 $0xFFFFE000  }
0x57: {  	_ =	swait.ge [sflag:s26], $0x2000  }
0x58: {  	[sflag:s26] =	ssyncset.done $0x0  }
0x59: {  	s25 =	simm.s32 $0x1C0;
	[sflag:s26] =	ssyncadd.s32 $0xFFFFE000  }
0x5a: {  	[tilespmem:s24], [sflag:$0x1] =	stream.indirect.gather [hbm4b:s4+s18], $0x80, s25, s18, $0xb8;
	[tilespmem:$0x1FC00] =	vst v63  }
0x5b: {  	s7 =	simm.s32 $0x1680  }
0x5c: {  	[spmem:s1] =	stream.indirect.scatter.add.f32 [tilespmem:s20], [sflag:$0x2], $0x80, s7, s18, $0xb8;
	[tilespmem:$0x1FC00] =	vst v63  }
0x5d: {  	_ =	swait.ge [sflag:s21], $0x2000  }
0x5e: {  	[sflag:s21] =	ssyncset.done $0x0  }
0x5f: {  	[sflag:s21] =	ssyncadd.s32 $0xFFFFE000  }
0x60: {  	_ =	swait.ge [sflag:s26], $0x2000  }
0x61: {  	[sflag:s26] =	ssyncset.done $0x0  }
0x62: {  	s12 =	simm.s32 $0x200;
	[sflag:s26] =	ssyncadd.s32 $0xFFFFE000  }
0x63: {  	[tilespmem:s19], [sflag:$0x1] =	stream.indirect.gather [hbm4b:s4+s18], $0x80, s12, s18, $0xb8;
	[tilespmem:$0x1FC00] =	vst v63  }
0x64: {  	s23 =	simm.s32 $0x1700  }
0x65: {  	[spmem:s1] =	stream.indirect.scatter.add.f32 [tilespmem:s22], [sflag:$0x2], $0x80, s23, s18, $0xb8;
	[tilespmem:$0x1FC00] =	vst v63  }
0x66: {  	_ =	swait.ge [sflag:s21], $0x2000  }
0x67: {  	[sflag:s21] =	ssyncset.done $0x0  }
0x68: {  	[sflag:s21] =	ssyncadd.s32 $0xFFFFE000  }
0x69: {  	_ =	swait.ge [sflag:s26], $0x2000  }
0x6a: {  	s11 =	simm.s32 $0x1780;
	s25 =	simm.s32 $0x240;
	[sflag:s26] =	ssyncset.done $0x0  }
0x6b: {  	s12 =	simm.s32 $0x400;
	s23 =	simm.s32 $0x1980;
	[sflag:s26] =	ssyncadd.s32 $0xFFFFE000  }
0x6c: {  	[tilespmem:s20], [sflag:$0x1] =	stream.indirect.gather [hbm4b:s4+s18], $0x80, s25, s18, $0xb8;
	[tilespmem:$0x1FC00] =	vst v63  }
.LBB2_2:
0x6d: {  	[spmem:s1] =	stream.indirect.scatter.add.f32 [tilespmem:s24], [sflag:$0x2], $0x80, s11, s18, $0xb8;
	[tilespmem:$0x1FC00] =	vst v63  }
0x6e: {  	s25 =	smov.u32 s12;
	s11 =	smov.u32 s23  }
0x6f: {  	p0 =	sne.s32 s12, $0x4400;
	s12 =	sadd.s32 $0x400, s12;
	_ =	swait.ge [sflag:s21], $0x2000  }
0x70: {  	[sflag:s21] =	ssyncset.done $0x0  }
0x71: {  	[sflag:s21] =	ssyncadd.s32 $0xFFFFE000  }
0x72: {  	_ =	swait.ge [sflag:s26], $0x2000  }
0x73: {  	s25 =	sshra.s32 s25, $0x2;
	[sflag:s26] =	ssyncset.done $0x0  }
0x74: {  	s7 =	sadd.s32 $0x180, s25;
	[sflag:s26] =	ssyncadd.s32 $0xFFFFE000  }
0x75: {  	[tilespmem:s22], [sflag:$0x1] =	stream.indirect.gather [hbm4b:s4+s18], $0x80, s7, s18, $0xb8;
	[tilespmem:$0x1FC00] =	vst v63  }
0x76: {  	s7 =	sadd.s32 $0xFFFFFE80, s23  }
0x77: {  	[spmem:s1] =	stream.indirect.scatter.add.f32 [tilespmem:s19], [sflag:$0x2], $0x80, s7, s18, $0xb8;
	[tilespmem:$0x1FC00] =	vst v63  }
0x78: {  	_ =	swait.ge [sflag:s21], $0x2000  }
0x79: {  	[sflag:s21] =	ssyncset.done $0x0  }
0x7a: {  	[sflag:s21] =	ssyncadd.s32 $0xFFFFE000  }
0x7b: {  	_ =	swait.ge [sflag:s26], $0x2000  }
0x7c: {  	[sflag:s26] =	ssyncset.done $0x0  }
0x7d: {  	s7 =	sadd.s32 $0x1C0, s25;
	[sflag:s26] =	ssyncadd.s32 $0xFFFFE000  }
0x7e: {  	[tilespmem:s24], [sflag:$0x1] =	stream.indirect.gather [hbm4b:s4+s18], $0x80, s7, s18, $0xb8;
	[tilespmem:$0x1FC00] =	vst v63  }
0x7f: {  	s7 =	sadd.s32 $0xFFFFFF00, s23  }
0x80: {  	[spmem:s1] =	stream.indirect.scatter.add.f32 [tilespmem:s20], [sflag:$0x2], $0x80, s7, s18, $0xb8;
	[tilespmem:$0x1FC00] =	vst v63  }
0x81: {  	_ =	swait.ge [sflag:s21], $0x2000  }
0x82: {  	[sflag:s21] =	ssyncset.done $0x0  }
0x83: {  	[sflag:s21] =	ssyncadd.s32 $0xFFFFE000  }
0x84: {  	_ =	swait.ge [sflag:s26], $0x2000  }
0x85: {  	[sflag:s26] =	ssyncset.done $0x0  }
0x86: {  	s7 =	sadd.s32 $0x200, s25;
	[sflag:s26] =	ssyncadd.s32 $0xFFFFE000  }
0x87: {  	[tilespmem:s19], [sflag:$0x1] =	stream.indirect.gather [hbm4b:s4+s18], $0x80, s7, s18, $0xb8;
	[tilespmem:$0x1FC00] =	vst v63  }
0x88: {  	s7 =	sadd.s32 $0xFFFFFF80, s23  }
0x89: {  	[spmem:s1] =	stream.indirect.scatter.add.f32 [tilespmem:s22], [sflag:$0x2], $0x80, s7, s18, $0xb8;
	[tilespmem:$0x1FC00] =	vst v63  }
0x8a: {  	_ =	swait.ge [sflag:s21], $0x2000  }
0x8b: {  	[sflag:s21] =	ssyncset.done $0x0  }
0x8c: {  	[sflag:s21] =	ssyncadd.s32 $0xFFFFE000  }
.Ltmp0:
0x8d: {  	_ =	swait.ge [sflag:s26], $0x2000;
	(pc) =	sbr.rel @p0 .LBB2_2-.Ltmp0, $4  }
0x8e: {  	[sflag:s26] =	ssyncset.done $0x0  }
0x8f: {  	s7 =	sadd.s32 $0x240, s25;
	[sflag:s26] =	ssyncadd.s32 $0xFFFFE000  }
0x90: {  	[tilespmem:s20], [sflag:$0x1] =	stream.indirect.gather [hbm4b:s4+s18], $0x80, s7, s18, $0xb8;
	[tilespmem:$0x1FC00] =	vst v63  }
0x91: {  	s23 =	sadd.s32 $0x200, s23  }
0x92: {  	[spmem:s1] =	stream.indirect.scatter.add.f32 [tilespmem:s24], [sflag:$0x2], $0x80, s11, s18, $0xb8;
	[tilespmem:$0x1FC00] =	vst v63  }
0x93: {  	_ =	swait.ge [sflag:s21], $0x2000  }
0x94: {  	[sflag:s21] =	ssyncset.done $0x0  }
0x95: {  	[sflag:s21] =	ssyncadd.s32 $0xFFFFE000  }
0x96: {  	_ =	swait.ge [sflag:s26], $0x2000  }
0x97: {  	[sflag:s26] =	ssyncset.done $0x0  }
0x98: {  	[sflag:s26] =	ssyncadd.s32 $0xFFFFE000  }
0x99: {  	[tilespmem:s22], [sflag:$0x1] =	stream.indirect.gather [hbm4b:s4+s18], $0x80, s0, s18, $0xb8;
	[tilespmem:$0x1FC00] =	vst v63  }
0x9a: {  	_ = 	snop  }
0x9b: {  	[spmem:s1] =	stream.indirect.scatter.add.f32 [tilespmem:s19], [sflag:$0x2], $0x80, s2, s18, $0xb8;
	[tilespmem:$0x1FC00] =	vst v63  }
0x9c: {  	_ =	swait.ge [sflag:s21], $0x2000  }
0x9d: {  	[sflag:s21] =	ssyncset.done $0x0  }
0x9e: {  	[sflag:s21] =	ssyncadd.s32 $0xFFFFE000  }
0x9f: {  	_ =	swait.ge [sflag:s26], $0x2000  }
0xa0: {  	[sflag:s26] =	ssyncset.done $0x0  }
0xa1: {  	[sflag:s26] =	ssyncadd.s32 $0xFFFFE000  }
0xa2: {  	[tilespmem:s24], [sflag:$0x1] =	stream.indirect.gather [hbm4b:s4+s18], $0x80, s5, s18, $0xb8;
	[tilespmem:$0x1FC00] =	vst v63  }
0xa3: {  	_ = 	snop  }
0xa4: {  	[spmem:s1] =	stream.indirect.scatter.add.f32 [tilespmem:s20], [sflag:$0x2], $0x80, s8, s18, $0xb8;
	[tilespmem:$0x1FC00] =	vst v63  }
0xa5: {  	_ =	swait.ge [sflag:s21], $0x2000  }
0xa6: {  	[sflag:s21] =	ssyncset.done $0x0  }
0xa7: {  	[sflag:s21] =	ssyncadd.s32 $0xFFFFE000  }
0xa8: {  	_ =	swait.ge [sflag:s26], $0x2000  }
0xa9: {  	[sflag:s26] =	ssyncset.done $0x0  }
0xaa: {  	[sflag:s26] =	ssyncadd.s32 $0xFFFFE000  }
0xab: {  	[spmem:s1] =	stream.indirect.scatter.add.f32 [tilespmem:s22], [sflag:$0x2], $0x80, s16, s18, $0xb8;
	[tilespmem:$0x1FC00] =	vst v63  }
0xac: {  	_ =	swait.ge [sflag:s21], $0x2000  }
0xad: {  	[sflag:s21] =	ssyncset.done $0x0  }
0xae: {  	[sflag:s21] =	ssyncadd.s32 $0xFFFFE000  }
0xaf: {  	_ =	swait.ge [sflag:s26], $0x2000  }
0xb0: {  	[sflag:s26] =	ssyncset.done $0x0  }
0xb1: {  	[sflag:s26] =	ssyncadd.s32 $0xFFFFE000  }
0xb2: {  	[spmem:s1] =	stream.indirect.scatter.add.f32 [tilespmem:s24], [sflag:$0x2], $0x80, s9, s18, $0xb8;
	[tilespmem:$0x1FC00] =	vst v63  }
0xb3: {  	_ =	swait.ge [sflag:s26], $0x2000  }
0xb4: {  	[sflag:s26] =	ssyncset.done $0x0  }
0xb5: {  	[sflag:s26] =	ssyncadd.s32 $0xFFFFE000  }
0xb6: {  	_ =	swait.ge [sflag:s26], $0x2000  }
0xb7: {  	s7 =	simm.s32 $0x0;
	[sflag:s26] =	ssyncset.done $0x0  }
0xb8: {  	s12 =	simm.s32 $0x400;
	s25 =	rddreg [dreg:$0x7];
	[sflag:s26] =	ssyncadd.s32 $0xFFFFE000  }
0xb9: {  	[tilespmem:s7], [sflag:$0x3] =	stream.strided.gather [hbm4b:s25+s15], $0x1400, s12, s15, $0x38;
	[tilespmem:$0x1FC00] =	vst v63  }
0xba: {  	_ =	swait.ge [sflag:s14], $0x1400  }
0xbb: {  	[sflag:s14] =	ssyncset.done $0x0  }
0xbc: {  	s23 =	rddreg [dreg:$0x8];
	[sflag:s14] =	ssyncadd.s32 $0xFFFFEC00  }
0xbd: {  	[tilespmem:s17], [sflag:$0x3] =	stream.linear.gather [hbm4b:s23+s7], $0x2800, $0x38;
	[tilespmem:$0x1FC00] =	vst v63  }
0xbe: {  	_ =	swait.ge [sflag:s14], $0x2800  }
0xbf: {  	[sflag:s14] =	ssyncset.done $0x0  }
0xc0: {  	[sflag:s14] =	ssyncadd.s32 $0xFFFFD800  }
0xc1: {  	[tilespmem:s19], [sflag:$0x1] =	stream.indirect.gather [hbm4b:s4+s18], $0x80, s7, s18, $0xb8;
	[tilespmem:$0x1FC00] =	vst v63  }
0xc2: {  	_ = 	snop  }
0xc3: {  	[tilespmem:s20], [sflag:$0x1] =	stream.indirect.gather [hbm4b:s4+s18], $0x80, s18, s18, $0xb8;
	[tilespmem:$0x1FC00] =	vst v63  }
0xc4: {  	_ =	swait.ge [sflag:s21], $0x2000  }
0xc5: {  	[sflag:s21] =	ssyncset.done $0x0  }
0xc6: {  	[sflag:s21] =	ssyncadd.s32 $0xFFFFE000  }
0xc7: {  	[tilespmem:s22], [sflag:$0x1] =	stream.indirect.gather [hbm4b:s4+s18], $0x80, s15, s18, $0xb8;
	[tilespmem:$0x1FC00] =	vst v63  }
0xc8: {  	_ = 	snop  }
0xc9: {  	[spmem:s1] =	stream.indirect.scatter.add.f32 [tilespmem:s19], [sflag:$0x2], $0x80, s17, s18, $0xb8;
	[tilespmem:$0x1FC00] =	vst v63  }
0xca: {  	_ =	swait.ge [sflag:s21], $0x2000  }
0xcb: {  	[sflag:s21] =	ssyncset.done $0x0  }
0xcc: {  	s25 =	simm.s32 $0xC0;
	[sflag:s21] =	ssyncadd.s32 $0xFFFFE000  }
0xcd: {  	[tilespmem:s24], [sflag:$0x1] =	stream.indirect.gather [hbm4b:s4+s18], $0x80, s25, s18, $0xb8;
	[tilespmem:$0x1FC00] =	vst v63  }
0xce: {  	s11 =	simm.s32 $0x1480  }
0xcf: {  	[spmem:s1] =	stream.indirect.scatter.add.f32 [tilespmem:s20], [sflag:$0x2], $0x80, s11, s18, $0xb8;
	[tilespmem:$0x1FC00] =	vst v63  }
0xd0: {  	_ =	swait.ge [sflag:s21], $0x2000  }
0xd1: {  	[sflag:s21] =	ssyncset.done $0x0  }
0xd2: {  	[sflag:s21] =	ssyncadd.s32 $0xFFFFE000  }
0xd3: {  	_ =	swait.ge [sflag:s26], $0x2000  }
0xd4: {  	[sflag:s26] =	ssyncset.done $0x0  }
0xd5: {  	[sflag:s26] =	ssyncadd.s32 $0xFFFFE000  }
0xd6: {  	[tilespmem:s19], [sflag:$0x1] =	stream.indirect.gather [hbm4b:s4+s18], $0x80, s28, s18, $0xb8;
	[tilespmem:$0x1FC00] =	vst v63  }
0xd7: {  	_ = 	snop  }
0xd8: {  	[spmem:s1] =	stream.indirect.scatter.add.f32 [tilespmem:s22], [sflag:$0x2], $0x80, s29, s18, $0xb8;
	[tilespmem:$0x1FC00] =	vst v63  }
0xd9: {  	_ =	swait.ge [sflag:s21], $0x2000  }
0xda: {  	[sflag:s21] =	ssyncset.done $0x0  }
0xdb: {  	[sflag:s21] =	ssyncadd.s32 $0xFFFFE000  }
0xdc: {  	_ =	swait.ge [sflag:s26], $0x2000  }
0xdd: {  	[sflag:s26] =	ssyncset.done $0x0  }
0xde: {  	[sflag:s26] =	ssyncadd.s32 $0xFFFFE000  }
0xdf: {  	[tilespmem:s20], [sflag:$0x1] =	stream.indirect.gather [hbm4b:s4+s18], $0x80, s30, s18, $0xb8;
	[tilespmem:$0x1FC00] =	vst v63  }
0xe0: {  	_ = 	snop  }
0xe1: {  	[spmem:s1] =	stream.indirect.scatter.add.f32 [tilespmem:s24], [sflag:$0x2], $0x80, s31, s18, $0xb8;
	[tilespmem:$0x1FC00] =	vst v63  }
0xe2: {  	_ =	swait.ge [sflag:s21], $0x2000  }
0xe3: {  	[sflag:s21] =	ssyncset.done $0x0  }
0xe4: {  	[sflag:s21] =	ssyncadd.s32 $0xFFFFE000  }
0xe5: {  	_ =	swait.ge [sflag:s26], $0x2000  }
0xe6: {  	[sflag:s26] =	ssyncset.done $0x0  }
0xe7: {  	s12 =	simm.s32 $0x180;
	[sflag:s26] =	ssyncadd.s32 $0xFFFFE000  }
0xe8: {  	[tilespmem:s22], [sflag:$0x1] =	stream.indirect.gather [hbm4b:s4+s18], $0x80, s12, s18, $0xb8;
	[tilespmem:$0x1FC00] =	vst v63  }
0xe9: {  	s23 =	simm.s32 $0x1600  }
0xea: {  	[spmem:s1] =	stream.indirect.scatter.add.f32 [tilespmem:s19], [sflag:$0x2], $0x80, s23, s18, $0xb8;
	[tilespmem:$0x1FC00] =	vst v63  }
0xeb: {  	_ =	swait.ge [sflag:s21], $0x2000  }
0xec: {  	[sflag:s21] =	ssyncset.done $0x0  }
0xed: {  	[sflag:s21] =	ssyncadd.s32 $0xFFFFE000  }
0xee: {  	_ =	swait.ge [sflag:s26], $0x2000  }
0xef: {  	[sflag:s26] =	ssyncset.done $0x0  }
0xf0: {  	s25 =	simm.s32 $0x1C0;
	[sflag:s26] =	ssyncadd.s32 $0xFFFFE000  }
0xf1: {  	[tilespmem:s24], [sflag:$0x1] =	stream.indirect.gather [hbm4b:s4+s18], $0x80, s25, s18, $0xb8;
	[tilespmem:$0x1FC00] =	vst v63  }
0xf2: {  	s11 =	simm.s32 $0x1680  }
0xf3: {  	[spmem:s1] =	stream.indirect.scatter.add.f32 [tilespmem:s20], [sflag:$0x2], $0x80, s11, s18, $0xb8;
	[tilespmem:$0x1FC00] =	vst v63  }
0xf4: {  	_ =	swait.ge [sflag:s21], $0x2000  }
0xf5: {  	[sflag:s21] =	ssyncset.done $0x0  }
0xf6: {  	[sflag:s21] =	ssyncadd.s32 $0xFFFFE000  }
0xf7: {  	_ =	swait.ge [sflag:s26], $0x2000  }
0xf8: {  	[sflag:s26] =	ssyncset.done $0x0  }
0xf9: {  	s12 =	simm.s32 $0x200;
	[sflag:s26] =	ssyncadd.s32 $0xFFFFE000  }
0xfa: {  	[tilespmem:s19], [sflag:$0x1] =	stream.indirect.gather [hbm4b:s4+s18], $0x80, s12, s18, $0xb8;
	[tilespmem:$0x1FC00] =	vst v63  }
0xfb: {  	s23 =	simm.s32 $0x1700  }
0xfc: {  	[spmem:s1] =	stream.indirect.scatter.add.f32 [tilespmem:s22], [sflag:$0x2], $0x80, s23, s18, $0xb8;
	[tilespmem:$0x1FC00] =	vst v63  }
0xfd: {  	_ =	swait.ge [sflag:s21], $0x2000  }
0xfe: {  	[sflag:s21] =	ssyncset.done $0x0  }
0xff: {  	[sflag:s21] =	ssyncadd.s32 $0xFFFFE000  }
0x100: {  	_ =	swait.ge [sflag:s26], $0x2000  }
0x101: {  	s25 =	simm.s32 $0x240;
	s11 =	simm.s32 $0x1780;
	[sflag:s26] =	ssyncset.done $0x0  }
0x102: {  	s12 =	simm.s32 $0x400;
	s23 =	simm.s32 $0x1980;
	[sflag:s26] =	ssyncadd.s32 $0xFFFFE000  }
0x103: {  	[tilespmem:s20], [sflag:$0x1] =	stream.indirect.gather [hbm4b:s4+s18], $0x80, s25, s18, $0xb8;
	[tilespmem:$0x1FC00] =	vst v63  }
.LBB2_4:
0x104: {  	[spmem:s1] =	stream.indirect.scatter.add.f32 [tilespmem:s24], [sflag:$0x2], $0x80, s11, s18, $0xb8;
	[tilespmem:$0x1FC00] =	vst v63  }
0x105: {  	s7 =	smov.u32 s12;
	s11 =	smov.u32 s23  }
0x106: {  	p0 =	sne.s32 s12, $0x4400;
	s12 =	sadd.s32 $0x400, s12;
	_ =	swait.ge [sflag:s21], $0x2000  }
0x107: {  	[sflag:s21] =	ssyncset.done $0x0  }
0x108: {  	[sflag:s21] =	ssyncadd.s32 $0xFFFFE000  }
0x109: {  	_ =	swait.ge [sflag:s26], $0x2000  }
0x10a: {  	s7 =	sshra.s32 s7, $0x2;
	[sflag:s26] =	ssyncset.done $0x0  }
0x10b: {  	s25 =	sadd.s32 $0x180, s7;
	[sflag:s26] =	ssyncadd.s32 $0xFFFFE000  }
0x10c: {  	[tilespmem:s22], [sflag:$0x1] =	stream.indirect.gather [hbm4b:s4+s18], $0x80, s25, s18, $0xb8;
	[tilespmem:$0x1FC00] =	vst v63  }
0x10d: {  	s25 =	sadd.s32 $0xFFFFFE80, s23  }
0x10e: {  	[spmem:s1] =	stream.indirect.scatter.add.f32 [tilespmem:s19], [sflag:$0x2], $0x80, s25, s18, $0xb8;
	[tilespmem:$0x1FC00] =	vst v63  }
0x10f: {  	_ =	swait.ge [sflag:s21], $0x2000  }
0x110: {  	[sflag:s21] =	ssyncset.done $0x0  }
0x111: {  	[sflag:s21] =	ssyncadd.s32 $0xFFFFE000  }
0x112: {  	_ =	swait.ge [sflag:s26], $0x2000  }
0x113: {  	[sflag:s26] =	ssyncset.done $0x0  }
0x114: {  	s25 =	sadd.s32 $0x1C0, s7;
	[sflag:s26] =	ssyncadd.s32 $0xFFFFE000  }
0x115: {  	[tilespmem:s24], [sflag:$0x1] =	stream.indirect.gather [hbm4b:s4+s18], $0x80, s25, s18, $0xb8;
	[tilespmem:$0x1FC00] =	vst v63  }
0x116: {  	s25 =	sadd.s32 $0xFFFFFF00, s23  }
0x117: {  	[spmem:s1] =	stream.indirect.scatter.add.f32 [tilespmem:s20], [sflag:$0x2], $0x80, s25, s18, $0xb8;
	[tilespmem:$0x1FC00] =	vst v63  }
0x118: {  	_ =	swait.ge [sflag:s21], $0x2000  }
0x119: {  	[sflag:s21] =	ssyncset.done $0x0  }
0x11a: {  	[sflag:s21] =	ssyncadd.s32 $0xFFFFE000  }
0x11b: {  	_ =	swait.ge [sflag:s26], $0x2000  }
0x11c: {  	[sflag:s26] =	ssyncset.done $0x0  }
0x11d: {  	s25 =	sadd.s32 $0x200, s7;
	[sflag:s26] =	ssyncadd.s32 $0xFFFFE000  }
0x11e: {  	[tilespmem:s19], [sflag:$0x1] =	stream.indirect.gather [hbm4b:s4+s18], $0x80, s25, s18, $0xb8;
	[tilespmem:$0x1FC00] =	vst v63  }
0x11f: {  	s25 =	sadd.s32 $0xFFFFFF80, s23  }
0x120: {  	[spmem:s1] =	stream.indirect.scatter.add.f32 [tilespmem:s22], [sflag:$0x2], $0x80, s25, s18, $0xb8;
	[tilespmem:$0x1FC00] =	vst v63  }
0x121: {  	_ =	swait.ge [sflag:s21], $0x2000  }
0x122: {  	[sflag:s21] =	ssyncset.done $0x0  }
0x123: {  	[sflag:s21] =	ssyncadd.s32 $0xFFFFE000  }
.Ltmp1:
0x124: {  	_ =	swait.ge [sflag:s26], $0x2000;
	(pc) =	sbr.rel @p0 .LBB2_4-.Ltmp1, $4  }
0x125: {  	[sflag:s26] =	ssyncset.done $0x0  }
0x126: {  	s7 =	sadd.s32 $0x240, s7;
	[sflag:s26] =	ssyncadd.s32 $0xFFFFE000  }
0x127: {  	[tilespmem:s20], [sflag:$0x1] =	stream.indirect.gather [hbm4b:s4+s18], $0x80, s7, s18, $0xb8;
	[tilespmem:$0x1FC00] =	vst v63  }
0x128: {  	s23 =	sadd.s32 $0x200, s23  }
0x129: {  	[spmem:s1] =	stream.indirect.scatter.add.f32 [tilespmem:s24], [sflag:$0x2], $0x80, s11, s18, $0xb8;
	[tilespmem:$0x1FC00] =	vst v63  }
0x12a: {  	_ =	swait.ge [sflag:s21], $0x2000  }
0x12b: {  	[sflag:s21] =	ssyncset.done $0x0  }
0x12c: {  	[sflag:s21] =	ssyncadd.s32 $0xFFFFE000  }
0x12d: {  	_ =	swait.ge [sflag:s26], $0x2000  }
0x12e: {  	[sflag:s26] =	ssyncset.done $0x0  }
0x12f: {  	[sflag:s26] =	ssyncadd.s32 $0xFFFFE000  }
0x130: {  	[tilespmem:s22], [sflag:$0x1] =	stream.indirect.gather [hbm4b:s4+s18], $0x80, s0, s18, $0xb8;
	[tilespmem:$0x1FC00] =	vst v63  }
0x131: {  	_ = 	snop  }
0x132: {  	[spmem:s1] =	stream.indirect.scatter.add.f32 [tilespmem:s19], [sflag:$0x2], $0x80, s2, s18, $0xb8;
	[tilespmem:$0x1FC00] =	vst v63  }
0x133: {  	_ =	swait.ge [sflag:s21], $0x2000  }
0x134: {  	[sflag:s21] =	ssyncset.done $0x0  }
0x135: {  	[sflag:s21] =	ssyncadd.s32 $0xFFFFE000  }
0x136: {  	_ =	swait.ge [sflag:s26], $0x2000  }
0x137: {  	[sflag:s26] =	ssyncset.done $0x0  }
0x138: {  	[sflag:s26] =	ssyncadd.s32 $0xFFFFE000  }
0x139: {  	[tilespmem:s24], [sflag:$0x1] =	stream.indirect.gather [hbm4b:s4+s18], $0x80, s5, s18, $0xb8;
	[tilespmem:$0x1FC00] =	vst v63  }
0x13a: {  	_ = 	snop  }
0x13b: {  	[spmem:s1] =	stream.indirect.scatter.add.f32 [tilespmem:s20], [sflag:$0x2], $0x80, s8, s18, $0xb8;
	[tilespmem:$0x1FC00] =	vst v63  }
0x13c: {  	_ =	swait.ge [sflag:s21], $0x2000  }
0x13d: {  	[sflag:s21] =	ssyncset.done $0x0  }
0x13e: {  	[sflag:s21] =	ssyncadd.s32 $0xFFFFE000  }
0x13f: {  	_ =	swait.ge [sflag:s26], $0x2000  }
0x140: {  	[sflag:s26] =	ssyncset.done $0x0  }
0x141: {  	[sflag:s26] =	ssyncadd.s32 $0xFFFFE000  }
0x142: {  	[spmem:s1] =	stream.indirect.scatter.add.f32 [tilespmem:s22], [sflag:$0x2], $0x80, s16, s18, $0xb8;
	[tilespmem:$0x1FC00] =	vst v63  }
0x143: {  	_ =	swait.ge [sflag:s21], $0x2000  }
0x144: {  	[sflag:s21] =	ssyncset.done $0x0  }
0x145: {  	[sflag:s21] =	ssyncadd.s32 $0xFFFFE000  }
0x146: {  	_ =	swait.ge [sflag:s26], $0x2000  }
0x147: {  	[sflag:s26] =	ssyncset.done $0x0  }
0x148: {  	[sflag:s26] =	ssyncadd.s32 $0xFFFFE000  }
0x149: {  	[spmem:s1] =	stream.indirect.scatter.add.f32 [tilespmem:s24], [sflag:$0x2], $0x80, s9, s18, $0xb8;
	[tilespmem:$0x1FC00] =	vst v63  }
0x14a: {  	_ =	swait.ge [sflag:s26], $0x2000  }
0x14b: {  	[sflag:s26] =	ssyncset.done $0x0  }
0x14c: {  	[sflag:s26] =	ssyncadd.s32 $0xFFFFE000  }
0x14d: {  	_ =	swait.ge [sflag:s26], $0x2000  }
0x14e: {  	[sflag:s26] =	ssyncset.done $0x0  }
0x14f: {  	[sflag:s26] =	ssyncadd.s32 $0xFFFFE000  }
0x150: {  	[bflag:$0x0] =	sbarrier.arrive $0xFFFF  }
0x151: {  	s7 =	rddreg [dreg:$0x9]  }
0x152: {  	[hbm:s7], [sflag:s6] =	dma.local [spmem:s13], $0x2800  }
0x153: {  	_ =	swait.ge [sflag:s14], $0x2800  }
0x154: {  	s10 =	sadd.s32 $0x1, s10;
	s25 =	rddreg [dreg:$0xa]  }
0x155: {  	p0 =	sne.s32 s10, s25  }
.Ltmp2:
0x156: {  	_ = 	snop;
	(pc) =	sbr.rel @p0 .LBB2_1-.Ltmp2, $3  }
0x157: {  	_ =	sdelay $0x1  }
0x158: {  	[sflag:s14] =	ssyncset.done $0x0  }
0x159: {  	[sflag:s14] =	ssyncadd.s32 $0xFFFFD800  }
0x15a: {  	_ =	sfence.sel $0x180000  }
0x15b: {  	[bflag:$0x0] =	sbarrier.arrive $0xFFFF  }
0x15c: {  	_ =	strace $0x9000004D  }
0x15d: {  	s0 =	stileid.u32;
	[bflag:$0x2] =	sbarrier.arrive $0xFFFF  }
0x15e: {  	p0 =	sne.s32 s0, $0x0;
	s0 =	rddreg [dreg:$0x3]  }
0x15f: {  	s0 =	sadd.s32 @!p0 $0x100000, s0  }
0x160: {  	[sflag:s0] =	ssyncadd.tile.s32 @!p0 $0x1;
	_ =	shalt  }
.Lfunc_end2:
_tile_overlayer_lowered:
.L_overlay_start_2:
0x161: {  	(tag) =	ssettag $0x2  }
0x162: {  	s0 =	rddreg [dreg:$0x0];
	s2 =	stileid.u32  }
0x163: {  	s1 =	rddreg [dreg:$0x1];
	p0 =	sne.s32 s2, $0x0  }
0x164: {  	s3 =	rddreg [dreg:$0x2];
	[bflag:$0x3] =	sbarrier.arrive $0xFFFF;
	s2 =	simm.s32 @!p0 $0x1C03  }
0x165: {  	[timem:s3], [sflag:s2] =	dma.local @!p0 [hbm:s0], s1  }
0x166: {  	s0 =	simm.s32 @!p0 $0x3  }
0x167: {  	_ =	swait.ge @!p0 [sflag:s0], s1  }
0x168: {  	s1 =	ssub.s32 @!p0 $0x0, s1;
	[sflag:s0] =	ssyncset.done @!p0 $0x0  }
0x169: {  	[sflag:s0] =	ssyncadd.s32 @!p0 s1  }
0x16a: {  	[bflag:$0x3] =	sbarrier.arrive $0xFFFF  }
0x16b: {  	_ =	shalt  }

// kernel: kernel.8.cloned.1.call-start
scs
__scs_entry_jumppad:
0x0: {  	(pc) =	sbr.rel $0x88, $3  }
0x1: {  	(tag) =	ssettag $0x0;
	lr =	simm.s32 $0x1  }
0x2: {  	[smem:$0x3F97] =	sst lr;
	_ =	strace $0xD0000000  }
0x3: {  	_ = 	snop  }
0x4: {  	_ = 	snop  }
0x5: {  	_ = 	snop  }
0x6: {  	_ = 	snop  }
0x7: {  	_ = 	snop  }
__scs_overlays_trampoline_lowered:
0x8: {  	[smem:$0x3FA6] =	sst s0  }
0x9: {  	[smem:$0x3FA7] =	sst s1  }
0xa: {  	[smem:$0x3FA8] =	sst s2  }
0xb: {  	[smem:$0x3FA9] =	sst s3  }
0xc: {  	[smem:$0x3FAA] =	sst s4  }
0xd: {  	[smem:$0x3FAB] =	sst s5  }
0xe: {  	[smem:$0x3FAC] =	sst s6  }
0xf: {  	[smem:$0x3FAD] =	sst s7  }
0x10: {  	[smem:$0x3FAE] =	sst s8  }
0x11: {  	[smem:$0x3FAF] =	sst s9;
	s0 =	simm.s32 @!p0 $0x0  }
0x12: {  	s1 =	sld [smem:$0x3F95];
	s0 =	simm.s32 @p0 $0x1  }
0x13: {  	[smem:$0x3FB0] =	sst s0;
	s0 =	simm.s32 @!p1 $0x0  }
0x14: {  	s2 =	sld [smem:$0x3F94];
	s0 =	simm.s32 @p1 $0x1  }
0x15: {  	[smem:$0x3FB1] =	sst s0;
	s0 =	simm.s32 @!p2 $0x0  }
0x16: {  	s3 =	sld [smem:$0x3FDB];
	s0 =	simm.s32 @p2 $0x1  }
0x17: {  	s4 =	simm.s32 $0x1BF5;
	[smem:$0x3FB3] =	sst s0  }
0x18: {  	s0 =	sld [smem:$0x3F96];
	_ =	swait.ge [sflag:s4], $0x0  }
0x19: {  	s7 =	sld [smem:$0x3F97]  }
0x1a: {  	s8 =	sadd.s32 $0xFFFFE003, lr  }
0x1b: {  	s9 =	sadd.s32 $0xFFFFFEF7, lr;
	s5 =	simm.s32 $0xFFFFFFFF;
	p2 =	slt.u32 s8, $0xFFFFF086  }
0x1c: {  	p1 =	slt.u32 s9, $0xF7A;
	s5 =	simm.s32 @!p2 $0x0  }
0x1d: {  	s5 =	simm.s32 @p1 $0x1;
	p0 =	seq.s32 s7, s2  }
0x1e: {  	s7 =	smul.u32 @!p0 $0xF7A, s2;
	p2 =	seq.s32 @!p0 s5, $0x0  }
0x1f: {  	s9 =	smul.u32 $0xF7A, s1;
	s8 =	simm.s32 @!p0 $0x1BF5;
	p2 =	por !p2, p0  }
0x20: {  	[sflag:s8] =	ssyncset.s32 @!p0 $0xFFFFF086;
	s6 =	sadd.s32 @!p0 s3, s7;
	s7 =	simm.s32 @!p0 $0x108  }
0x21: {  	s3 =	sadd.s32 s3, s9;
	s6 =	sadd.s32 @!p0 $0x88, s6;
	s7 =	simm.s32 @p2 $0x1082  }
0x22: {  	[simem:s7], [sflag:s8] =	dma.local @!p0 [hbm:s6], $0xF7A  }
0x23: {  	s9 =	sor.u32 $0xD0000000, s2;
	s6 =	simm.s32 $0x108;
	_ =	swait.ge @!p0 [sflag:s8], $0x0  }
0x24: {  	s3 =	sadd.s32 $0x88, s3;
	s6 =	simm.s32 @!p1 $0x1082;
	[sflag:s4] =	ssyncset.s32 $0xFFFFF086  }
0x25: {  	[simem:s6], [sflag:s4] =	dma.local [hbm:s3], $0xF7A  }
0x26: {  	[smem:$0x3F97] =	sst s1;
	(tag) =	ssettag s2;
	_ =	strace s9  }
0x27: {  	s1 =	sld [smem:$0x3FA7]  }
0x28: {  	s2 =	sld [smem:$0x3FA8]  }
0x29: {  	s4 =	sld [smem:$0x3FAA]  }
0x2a: {  	p0 =	seq.s32 s5, $0x0;
	s5 =	sld [smem:$0x3FAB]  }
0x2b: {  	s6 =	sld [smem:$0x3FAC]  }
0x2c: {  	s7 =	sld [smem:$0x3FAD]  }
0x2d: {  	s3 =	simm.s32 $0x108;
	s8 =	sld [smem:$0x3FAE]  }
0x2e: {  	s3 =	simm.s32 @!p0 $0x1082;
	s9 =	sld [smem:$0x3FAF]  }
0x2f: {  	lr =	sadd.s32 s0, s3;
	s0 =	sld [smem:$0x3FA6]  }
0x30: {  	s3 =	sld [smem:$0x3FA9]  }
0x31: {  	[smem:$0x3FB2] =	sst s10  }
0x32: {  	s10 =	sld [smem:$0x3FB0];
	_ =	sdelay $0x3  }
0x33: {  	p0 =	seq.s32 s10, $0x1;
	s10 =	sld [smem:$0x3FB2];
	_ =	sdelay $0x3  }
0x34: {  	[smem:$0x3FB2] =	sst s10  }
0x35: {  	s10 =	sld [smem:$0x3FB1];
	_ =	sdelay $0x3  }
0x36: {  	p1 =	seq.s32 s10, $0x1;
	s10 =	sld [smem:$0x3FB2];
	_ =	sdelay $0x3  }
0x37: {  	[smem:$0x3FB2] =	sst s10  }
0x38: {  	s10 =	sld [smem:$0x3FB3]  }
0x39: {  	_ = 	snop;
	(pc) =	sbr.ind lr, $3  }
0x3a: {  	_ = 	snop  }
0x3b: {  	_ = 	snop  }
0x3c: {  	p2 =	seq.s32 s10, $0x1;
	s10 =	sld [smem:$0x3FB2]  }
0x3d: {  	_ =	shalt  }
0x3e: {  	_ =	shalt  }
0x3f: {  	_ =	shalt  }
0x40: {  	_ =	shalt  }
0x41: {  	_ =	shalt  }
0x42: {  	_ =	shalt  }
0x43: {  	_ =	shalt  }
0x44: {  	_ =	shalt  }
0x45: {  	_ =	shalt  }
0x46: {  	_ =	shalt  }
0x47: {  	_ =	shalt  }
0x48: {  	_ =	shalt  }
0x49: {  	_ =	shalt  }
0x4a: {  	_ =	shalt  }
0x4b: {  	_ =	shalt  }
0x4c: {  	_ =	shalt  }
0x4d: {  	_ =	shalt  }
0x4e: {  	_ =	shalt  }
0x4f: {  	_ =	shalt  }
0x50: {  	_ =	shalt  }
0x51: {  	_ =	shalt  }
0x52: {  	_ =	shalt  }
0x53: {  	_ =	shalt  }
0x54: {  	_ =	shalt  }
0x55: {  	_ =	shalt  }
0x56: {  	_ =	shalt  }
0x57: {  	_ =	shalt  }
0x58: {  	_ =	shalt  }
0x59: {  	_ =	shalt  }
0x5a: {  	_ =	shalt  }
0x5b: {  	_ =	shalt  }
0x5c: {  	_ =	shalt  }
0x5d: {  	_ =	shalt  }
0x5e: {  	_ =	shalt  }
0x5f: {  	_ =	shalt  }
0x60: {  	_ =	shalt  }
0x61: {  	_ =	shalt  }
0x62: {  	_ =	shalt  }
0x63: {  	_ =	shalt  }
0x64: {  	_ =	shalt  }
0x65: {  	_ =	shalt  }
0x66: {  	_ =	shalt  }
0x67: {  	_ =	shalt  }
0x68: {  	_ =	shalt  }
0x69: {  	_ =	shalt  }
0x6a: {  	_ =	shalt  }
0x6b: {  	_ =	shalt  }
0x6c: {  	_ =	shalt  }
0x6d: {  	_ =	shalt  }
0x6e: {  	_ =	shalt  }
0x6f: {  	_ =	shalt  }
0x70: {  	_ =	shalt  }
0x71: {  	_ =	shalt  }
0x72: {  	_ =	shalt  }
0x73: {  	_ =	shalt  }
0x74: {  	_ =	shalt  }
0x75: {  	_ =	shalt  }
0x76: {  	_ =	shalt  }
0x77: {  	_ =	shalt  }
0x78: {  	_ =	shalt  }
0x79: {  	_ =	shalt  }
0x7a: {  	_ =	shalt  }
0x7b: {  	_ =	shalt  }
0x7c: {  	_ =	shalt  }
0x7d: {  	_ =	shalt  }
0x7e: {  	_ =	shalt  }
0x7f: {  	_ =	shalt  }
0x80: {  	_ =	shalt  }
0x81: {  	_ =	shalt  }
0x82: {  	_ =	shalt  }
0x83: {  	_ =	shalt  }
0x84: {  	_ =	shalt  }
0x85: {  	_ =	shalt  }
0x86: {  	_ =	shalt  }
0x87: {  	_ =	shalt  }
.Lfunc_end0:
.L_simem_size_0:
called_computation_lowered:
.L_overlay_start_0:
0x88: {  	s2 =	sld [smem:$0x3FD9]  }
0x89: {  	s3 =	sld [smem:$0x3FFE];
	_ =	sdelay $0x1  }
0x8a: {  	s1 =	srdreg.scid  }
0x8b: {  	s0 =	sand.u32 $0x1, s1  }
0x8c: {  	s17 =	sshll.u32 s0, $0xA;
	s2 =	sadd.s32 s3, s2  }
0x8d: {  	s2 =	sadd.s32 s2, s17  }
0x8e: {  	[smem:$0x3FBE] =	sst s2  }
0x8f: {  	_ = 	snop  }
0x90: {  	s2 =	sld [smem:$0x3FD0];
	(tm) =	ssettm $0x1  }
0x91: {  	s18 =	sld [smem:$0x3FFB];
	_ =	sdelay $0x3  }
0x92: {  	_ =	strace s18  }
0x93: {  	s3 =	sld [smem:$0x3FFC];
	_ =	sdelay $0x3  }
0x94: {  	_ =	strace s3  }
0x95: {  	s3 =	sld [smem:$0x3FFD];
	_ =	sdelay $0x3  }
0x96: {  	_ =	strace s3  }
0x97: {  	_ =	strace $0x8FFFFFFF  }
0x98: {  	s19 =	sld [smem:$0x3FDB];
	_ =	sdelay $0x1  }
0x99: {  	s4 =	simm.s32 $_scs_section_size  }
0x9a: {  	s5 =	simm.s32 $_size__tile_overlayer_lowered;
	s6 =	simm.s32 $_tile_overlayer_lowered  }
0x9b: {  	s22 =	simm.s32 $0x1BFF;
	s21 =	sshll.u32 s6, $0x1;
	s3 =	sadd.s32 s4, s19  }
0x9c: {  	s7 =	simm.s32 $0x0;
	s20 =	sshll.u32 s5, $0x1;
	s5 =	sadd.s32 s21, s3  }
0x9d: {  	[timem:s7], [sflag:s22] =	dma.local [hbm:s5], s20  }
0x9e: {  	_ =	swait.ge [sflag:s22], s20  }
0x9f: {  	s4 =	ssub.s32 $0x0, s20;
	[sflag:s22] =	ssyncset.done $0x0  }
0xa0: {  	[sflag:s22] =	ssyncadd.s32 s4;
	_ =	sdelay $0x1  }
0xa1: {  	s23 =	simm.s32 $0x1B8B  }
0xa2: {  	_ =	swait.ge [sflag:s23], $0x1  }
0xa3: {  	[sflag:s23] =	ssyncset.done $0x0  }
0xa4: {  	s25 =	simm.s32 $0x1B8E;
	s24 =	sld [smem:$0x3FFE];
	[sflag:s23] =	ssyncadd.s32 $0xFFFFFFFF  }
0xa5: {  	s26 =	simm.s32 $execute0_lowered;
	[smem:$0x3FD2] =	sst s25  }
0xa6: {  	s5 =	sshll.u32 s26, $0x1;
	_ =	strace $0x80000046;
	[dreg:$0x1] =	wrdreg $0xFFFFFFFF  }
0xa7: {  	s28 =	simm.s32 $_size_execute0_lowered;
	s3 =	sadd.s32 s3, s5;
	[dreg:$0x0] =	wrdreg $0x0  }
0xa8: {  	s5 =	sshll.u32 s28, $0x1;
	[dreg:$0x2] =	wrdreg s3  }
0xa9: {  	[dreg:$0x3] =	wrdreg s5  }
0xaa: {  	[dreg:$0x4] =	wrdreg $0xC0  }
0xab: {  	_ =	task [dreg:s7], $0x5FFFF  }
0xac: {  	[dreg:$0x1] =	wrdreg $0xFFFFFFFF  }
0xad: {  	[dreg:$0x0] =	wrdreg $0x60  }
0xae: {  	[dreg:$0x2] =	wrdreg s2  }
0xaf: {  	[dreg:$0x3] =	wrdreg s24  }
0xb0: {  	[dreg:$0x4] =	wrdreg $0x9  }
0xb1: {  	_ =	task.clear_ibuf [dreg:s7], $0x5FFFF;
	_ =	strace $0x90000046  }
0xb2: {  	s29 =	simm.s32 $0x9;
	_ =	strace $0x80000048  }
0xb3: {  	_ =	swait.ge [sflag:s29], $0x1  }
0xb4: {  	[sflag:s29] =	ssyncadd.s32 $0xFFFFFFFF  }
0xb5: {  	_ =	strace $0x90000048  }
0xb6: {  	_ =	sfence  }
0xb7: {  	s30 =	sld [smem:$0x0];
	_ =	sdelay $0x2  }
0xb8: {  	s31 =	sshll.u32 s1, $0xD;
	s1 =	sshrl.u32 s1, $0x2  }
0xb9: {  	s3 =	sand.u32 $0x4000, s31;
	s1 =	sadd.s32 s1, s30  }
0xba: {  	s0 =	sor.u32 s3, s0;
	s1 =	sshll.u32 s1, $0x11  }
0xbb: {  	s0 =	sor.u32 s1, s0  }
0xbc: {  	s0 =	sadd.s32 $0x8F2B, s0  }
0xbd: {  	[sflag:s0] =	ssyncadd.remote.s32 $0x1  }
0xbe: {  	_ =	sfence.sel $0xFFFF  }
0xbf: {  	[dreg:$0x0] =	wrdreg $0xFFFFFFFF;
	(pc) =	sbr.abs _section_cstart, $3  }
0xc0: {  	[dreg:$0x1] =	wrdreg $0xFFFFFFFF  }
0xc1: {  	_ =	task.clear_ibuf [dreg:s7], $0x2FFFF;
	_ =	strace $0x9FFFFFFF  }
0xc2: {  	(tm) =	ssettm $0x7FFFFFFF  }
0xc3: {  	_ =	shalt  }
tec
execute0_lowered:
.L_overlay_start_1:
0x0: {  	(tag) =	ssettag $0x1  }
0x1: {  	s4 =	rddreg [dreg:$0x0];
	s1 =	srdreg.scid  }
0x2: {  	s0 =	stileid.u32;
	s5 =	rddreg [dreg:$0x1];
	s10 =	simm.s32 $0x400  }
0x3: {  	s11 =	simm.s32 $0x19080;
	s12 =	simm.s32 $0x0;
	s3 =	sand.u32 $0x1, s1  }
0x4: {  	s2 =	sshll.u32 s0, $0x1;
	s1 =	rddreg [dreg:$0x2];
	s7 =	sshrl.u32 s0, $0x2  }
0x5: {  	s6 =	sor.u32 s3, s2;
	s2 =	simm.s32 $0x0;
	s7 =	smul.u32 $0x14000, s7  }
0x6: {  	s30 =	ssub.s32 $0x2, s3;
	s3 =	sadd.s32 $0x2800, s5;
	s8 =	sshll.u32 s6, $0x7  }
0x7: {  	[smem:$0x7FF] =	sst s2;
	s9 =	sshrl.u32 s30, $0x1;
	s8 =	sand.u32 $0x380, s8  }
0x8: {  	v1 =	vlaneseq.u32;
	s6 =	smul.u32 $0xA00, s6;
	_ =	strace $0x80000047;
	s7 =	sor.u32 s7, s8  }
0x9: {  	v0 =	vmul.u32 $0x1400, v1;
	s31 =	ssub.s32 s30, s9;
	s9 =	simm.s32 $0x80;
	s7 =	sshrl.u32 s7, $0x3  }
0xa: {  	s4 =	sadd.s32 s4, s6;
	s6 =	smax.u32 s31, $0x1;
	s5 =	sadd.s32 s7, s5  }
0xb: {  	v1 =	vor.u32 $0x14000, v1;
	v2 =	vadd.s32 $0xFFFFEC00, v0;
	s8 =	simm.s32 $0x5000;
	s7 =	simm.s32 $0x1;
	s5 =	sadd.s32 $0x5000, s5  }
.LBB2_1:
0xc: {  	[tilespmem:s2], [sflag:$0x1] =	stream.linear.gather [hbm4b:s4+s2], $0x5000, $0x38;
	[tilespmem:$0x1B880] =	vst v63  }
0xd: {  	_ =	swait.ge [sflag:s7], $0x5000  }
0xe: {  	[sflag:s7] =	ssyncset.done $0x0  }
0xf: {  	[sflag:s7] =	ssyncadd.s32 $0xFFFFB000  }
0x10: {  	[tilespmem:s8], [sflag:$0x1] =	stream.linear.gather [hbm4b:s3+s2], $0x14000, $0x38;
	[tilespmem:$0x1B880] =	vst v63  }
0x11: {  	_ =	swait.ge [sflag:s7], $0x14000  }
0x12: {  	[sflag:s7] =	ssyncset.done $0x0  }
0x13: {  	s13 =	simm.s32 $0x0;
	[sflag:s7] =	ssyncadd.s32 $0xFFFEC000  }
.LBB2_2:
0x14: {  	s15 =	sshra.s32 s13, $0x2  }
0x15: {  	v3 =	vld [tilespmem:s15+$0x0];
	_ =	sdelay $0x4  }
0x16: {  	vm0 =	vlt.u32 v3, $0x1400;
	v3 =	vadd.s32 v0, v3  }
0x17: {  	v3 =	vsel vm0, v3, v1;
	_ =	sdelay $0x3  }
0x18: {  	s14 =	simm.s32 $0x5000  }
0x19: {  	v4 =	vld.idx.msk [tilespmem:v3+s14+$0x0], $0xffff;
	_ =	sdelay $0x4  }
0x1a: {  	v4 =	vadd.f32 $1.000000000e+00, v4;
	_ =	sdelay $0x1  }
0x1b: {  	[tilespmem:v3+s14+$0x0] =	vst.idx.msk $0xffff, v4  }
0x1c: {  	v3 =	vld [tilespmem:s15+$0x10];
	_ =	sdelay $0x4  }
0x1d: {  	vm13 =	vlt.u32 v3, $0x1400;
	v3 =	vadd.s32 v0, v3  }
0x1e: {  	v3 =	vsel vm13, v3, v1;
	_ =	sdelay $0x4  }
0x1f: {  	v4 =	vld.idx.msk [tilespmem:v3+s14+$0x0], $0xffff;
	_ =	sdelay $0x4  }
0x20: {  	v4 =	vadd.f32 $1.000000000e+00, v4;
	_ =	sdelay $0x1  }
0x21: {  	[tilespmem:v3+s14+$0x0] =	vst.idx.msk $0xffff, v4  }
0x22: {  	v3 =	vld [tilespmem:s15+$0x20];
	_ =	sdelay $0x4  }
0x23: {  	vm14 =	vlt.u32 v3, $0x1400;
	v3 =	vadd.s32 v0, v3  }
0x24: {  	v3 =	vsel vm14, v3, v1;
	_ =	sdelay $0x4  }
0x25: {  	v4 =	vld.idx.msk [tilespmem:v3+s14+$0x0], $0xffff;
	_ =	sdelay $0x4  }
0x26: {  	v4 =	vadd.f32 $1.000000000e+00, v4;
	_ =	sdelay $0x1  }
0x27: {  	[tilespmem:v3+s14+$0x0] =	vst.idx.msk $0xffff, v4  }
0x28: {  	v3 =	vld [tilespmem:s15+$0x30];
	_ =	sdelay $0x4  }
0x29: {  	vm15 =	vlt.u32 v3, $0x1400;
	v3 =	vadd.s32 v0, v3  }
0x2a: {  	v3 =	vsel vm15, v3, v1;
	_ =	sdelay $0x4  }
0x2b: {  	v4 =	vld.idx.msk [tilespmem:v3+s14+$0x0], $0xffff;
	_ =	sdelay $0x1  }
0x2c: {  	p0 =	sne.s32 s13, $0x13E00  }
.Ltmp0:
0x2d: {  	_ = 	snop;
	(pc) =	sbr.rel @p0 .LBB2_2-.Ltmp0, $3  }
0x2e: {  	_ = 	snop  }
0x2f: {  	v4 =	vadd.f32 $1.000000000e+00, v4;
	_ =	sdelay $0x1  }
0x30: {  	s13 =	sadd.s32 $0x200, s13;
	[tilespmem:v3+s14+$0x0] =	vst.idx.msk $0xffff, v4  }
0x31: {  	s13 =	simm.s32 $0x0  }
0x32: {  	v4 =	vld [tilespmem:s14+$0x0];
	s13 =	sand.u32 $0x1FF0, s13  }
0x33: {  	v3 =	vld [tilespmem:s13+$0x6400];
	_ =	sdelay $0x1  }
0x34: {  	v5 =	vld [tilespmem:s13+$0x7800];
	_ =	sdelay $0x1  }
0x35: {  	v6 =	vld [tilespmem:s13+$0x8C00]  }
0x36: {  	v3 =	vadd.f32 v3, v4  }
0x37: {  	v4 =	vld [tilespmem:s13+$0xA000]  }
0x38: {  	v3 =	vadd.f32 v5, v3  }
0x39: {  	v5 =	vld [tilespmem:s13+$0xB400]  }
0x3a: {  	v3 =	vadd.f32 v6, v3  }
0x3b: {  	v60 =	vld [tilespmem:s13+$0xC800]  }
0x3c: {  	v3 =	vadd.f32 v4, v3  }
0x3d: {  	v4 =	vld [tilespmem:s13+$0xDC00]  }
0x3e: {  	v3 =	vadd.f32 v5, v3  }
0x3f: {  	v5 =	vld [tilespmem:s13+$0xF000]  }
0x40: {  	v3 =	vadd.f32 v60, v3  }
0x41: {  	v61 =	vld [tilespmem:s13+$0x10400]  }
0x42: {  	v3 =	vadd.f32 v4, v3  }
0x43: {  	v4 =	vld [tilespmem:s13+$0x11800]  }
0x44: {  	v3 =	vadd.f32 v5, v3  }
0x45: {  	v5 =	vld [tilespmem:s13+$0x12C00]  }
0x46: {  	v3 =	vadd.f32 v61, v3  }
0x47: {  	v62 =	vld [tilespmem:s13+$0x14000]  }
0x48: {  	v3 =	vadd.f32 v4, v3  }
0x49: {  	v4 =	vld [tilespmem:s13+$0x15400]  }
0x4a: {  	v3 =	vadd.f32 v5, v3  }
0x4b: {  	v5 =	vld [tilespmem:s13+$0x16800]  }
0x4c: {  	v3 =	vadd.f32 v62, v3  }
0x4d: {  	v63 =	vld [tilespmem:s13+$0x17C00]  }
0x4e: {  	v3 =	vadd.f32 v4, v3;
	_ =	sdelay $0x1  }
0x4f: {  	v3 =	vadd.f32 v5, v3;
	_ =	sdelay $0x1  }
0x50: {  	v3 =	vadd.f32 v63, v3  }
0x51: {  	s31 =	simm.s32 $0x10;
	s13 =	simm.s32 $0x19080  }
0x52: {  	s14 =	sand.u32 $0x1FF0, s31;
	[tilespmem:s13+$0x0] =	vst v3  }
0x53: {  	s16 =	simm.s32 $0x20;
	s15 =	simm.s32 $0x5010;
	v3 =	vld [tilespmem:s14+$0x6400]  }
.LBB2_4:
0x54: {  	p0 =	sne.s32 s16, $0x13F0;
	v4 =	vld [tilespmem:s15+$0x0];
	_ =	sdelay $0x1  }
0x55: {  	v5 =	vld [tilespmem:s14+$0x7800];
	_ =	sdelay $0x1  }
0x56: {  	v6 =	vld [tilespmem:s14+$0x8C00]  }
0x57: {  	v3 =	vadd.f32 v3, v4  }
0x58: {  	v4 =	vld [tilespmem:s14+$0xA000]  }
0x59: {  	v3 =	vadd.f32 v5, v3  }
0x5a: {  	v5 =	vld [tilespmem:s14+$0xB400]  }
0x5b: {  	v3 =	vadd.f32 v6, v3  }
0x5c: {  	v6 =	vld [tilespmem:s14+$0xC800]  }
0x5d: {  	v3 =	vadd.f32 v4, v3  }
0x5e: {  	v4 =	vld [tilespmem:s14+$0xDC00]  }
0x5f: {  	v3 =	vadd.f32 v5, v3  }
0x60: {  	v5 =	vld [tilespmem:s14+$0xF000]  }
0x61: {  	v3 =	vadd.f32 v6, v3  }
0x62: {  	v6 =	vld [tilespmem:s14+$0x10400]  }
0x63: {  	v3 =	vadd.f32 v4, v3  }
0x64: {  	v4 =	vld [tilespmem:s14+$0x11800]  }
0x65: {  	v3 =	vadd.f32 v5, v3  }
0x66: {  	v5 =	vld [tilespmem:s14+$0x12C00]  }
0x67: {  	v3 =	vadd.f32 v6, v3  }
0x68: {  	v6 =	vld [tilespmem:s14+$0x14000]  }
0x69: {  	v3 =	vadd.f32 v4, v3  }
0x6a: {  	v4 =	vld [tilespmem:s14+$0x15400]  }
0x6b: {  	v3 =	vadd.f32 v5, v3  }
0x6c: {  	v5 =	vld [tilespmem:s14+$0x16800]  }
0x6d: {  	v3 =	vadd.f32 v6, v3  }
0x6e: {  	v6 =	vld [tilespmem:s14+$0x17C00]  }
0x6f: {  	v3 =	vadd.f32 v4, v3;
	_ =	sdelay $0x1  }
0x70: {  	v3 =	vadd.f32 v5, v3  }
.Ltmp1:
0x71: {  	(pc) =	sbr.rel @p0 .LBB2_4-.Ltmp1, $4  }
0x72: {  	v3 =	vadd.f32 v6, v3  }
0x73: {  	s13 =	sadd.s32 $0x10, s13  }
0x74: {  	s14 =	sand.u32 $0x1FF0, s16;
	[tilespmem:s13+$0x0] =	vst v3  }
0x75: {  	s15 =	sadd.s32 $0x10, s15;
	s16 =	sadd.s32 $0x10, s16;
	v3 =	vld [tilespmem:s14+$0x6400]  }
0x76: {  	v4 =	vld [tilespmem:s15+$0x0];
	_ =	sdelay $0x1  }
0x77: {  	v5 =	vld [tilespmem:s14+$0x7800];
	_ =	sdelay $0x1  }
0x78: {  	v6 =	vld [tilespmem:s14+$0x8C00]  }
0x79: {  	v3 =	vadd.f32 v3, v4  }
0x7a: {  	v52 =	vld [tilespmem:s14+$0xA000]  }
0x7b: {  	v3 =	vadd.f32 v5, v3  }
0x7c: {  	v53 =	vld [tilespmem:s14+$0xB400]  }
0x7d: {  	v3 =	vadd.f32 v6, v3  }
0x7e: {  	v54 =	vld [tilespmem:s14+$0xC800]  }
0x7f: {  	v3 =	vadd.f32 v52, v3  }
0x80: {  	v55 =	vld [tilespmem:s14+$0xDC00]  }
0x81: {  	v3 =	vadd.f32 v53, v3  }
0x82: {  	v56 =	vld [tilespmem:s14+$0xF000]  }
0x83: {  	v3 =	vadd.f32 v54, v3  }
0x84: {  	v57 =	vld [tilespmem:s14+$0x10400]  }
0x85: {  	v3 =	vadd.f32 v55, v3  }
0x86: {  	v58 =	vld [tilespmem:s14+$0x11800]  }
0x87: {  	v3 =	vadd.f32 v56, v3  }
0x88: {  	v59 =	vld [tilespmem:s14+$0x12C00]  }
0x89: {  	v3 =	vadd.f32 v57, v3  }
0x8a: {  	v60 =	vld [tilespmem:s14+$0x14000]  }
0x8b: {  	v3 =	vadd.f32 v58, v3  }
0x8c: {  	v61 =	vld [tilespmem:s14+$0x15400]  }
0x8d: {  	v3 =	vadd.f32 v59, v3  }
0x8e: {  	v62 =	vld [tilespmem:s14+$0x16800]  }
0x8f: {  	v3 =	vadd.f32 v60, v3  }
0x90: {  	v63 =	vld [tilespmem:s14+$0x17C00]  }
0x91: {  	v3 =	vadd.f32 v61, v3;
	_ =	sdelay $0x1  }
0x92: {  	v3 =	vadd.f32 v62, v3;
	_ =	sdelay $0x1  }
0x93: {  	v3 =	vadd.f32 v63, v3  }
0x94: {  	s13 =	sadd.s32 $0x10, s13  }
0x95: {  	s14 =	simm.s32 $0x0;
	[tilespmem:s13+$0x0] =	vst v3  }
0x96: {  	[tilespmem:s8], [sflag:$0x1] =	stream.linear.gather [hbm4b:s3+s14], $0x14000, $0x38;
	[tilespmem:$0x1B880] =	vst v63  }
0x97: {  	_ =	swait.ge [sflag:s7], $0x14000  }
0x98: {  	[sflag:s7] =	ssyncset.done $0x0  }
0x99: {  	s15 =	simm.s32 $0x0;
	[sflag:s7] =	ssyncadd.s32 $0xFFFEC000  }
.LBB2_6:
0x9a: {  	s16 =	sshra.s32 s15, $0x2  }
0x9b: {  	v3 =	vld [tilespmem:s16+$0x0];
	_ =	sdelay $0x4  }
0x9c: {  	v4 =	vadd.s32 $0xFFFFEC00, v3  }
0x9d: {  	v3 =	vadd.s32 v2, v3;
	vm0 =	vlt.u32 v4, $0x1400  }
0x9e: {  	v3 =	vsel vm0, v3, v1;
	_ =	sdelay $0x3  }
0x9f: {  	s13 =	simm.s32 $0x5000  }
0xa0: {  	v57 =	vld.idx.msk [tilespmem:v3+s13+$0x0], $0xffff;
	_ =	sdelay $0x4  }
0xa1: {  	v4 =	vadd.f32 $1.000000000e+00, v57;
	_ =	sdelay $0x1  }
0xa2: {  	[tilespmem:v3+s13+$0x0] =	vst.idx.msk $0xffff, v4  }
0xa3: {  	v3 =	vld [tilespmem:s16+$0x10];
	_ =	sdelay $0x4  }
0xa4: {  	v58 =	vadd.s32 $0xFFFFEC00, v3  }
0xa5: {  	v3 =	vadd.s32 v2, v3;
	vm13 =	vlt.u32 v58, $0x1400  }
0xa6: {  	v3 =	vsel vm13, v3, v1;
	_ =	sdelay $0x4  }
0xa7: {  	v59 =	vld.idx.msk [tilespmem:v3+s13+$0x0], $0xffff;
	_ =	sdelay $0x4  }
0xa8: {  	v4 =	vadd.f32 $1.000000000e+00, v59;
	_ =	sdelay $0x1  }
0xa9: {  	[tilespmem:v3+s13+$0x0] =	vst.idx.msk $0xffff, v4  }
0xaa: {  	v3 =	vld [tilespmem:s16+$0x20];
	_ =	sdelay $0x4  }
0xab: {  	v60 =	vadd.s32 $0xFFFFEC00, v3  }
0xac: {  	v3 =	vadd.s32 v2, v3;
	vm14 =	vlt.u32 v60, $0x1400  }
0xad: {  	v3 =	vsel vm14, v3, v1;
	_ =	sdelay $0x4  }
0xae: {  	v61 =	vld.idx.msk [tilespmem:v3+s13+$0x0], $0xffff;
	_ =	sdelay $0x4  }
0xaf: {  	v4 =	vadd.f32 $1.000000000e+00, v61;
	_ =	sdelay $0x1  }
0xb0: {  	[tilespmem:v3+s13+$0x0] =	vst.idx.msk $0xffff, v4  }
0xb1: {  	v3 =	vld [tilespmem:s16+$0x30];
	_ =	sdelay $0x4  }
0xb2: {  	v62 =	vadd.s32 $0xFFFFEC00, v3  }
0xb3: {  	v3 =	vadd.s32 v2, v3;
	vm15 =	vlt.u32 v62, $0x1400  }
0xb4: {  	v3 =	vsel vm15, v3, v1;
	_ =	sdelay $0x4  }
0xb5: {  	v63 =	vld.idx.msk [tilespmem:v3+s13+$0x0], $0xffff;
	_ =	sdelay $0x1  }
0xb6: {  	p0 =	sne.s32 s15, $0x13E00  }
.Ltmp2:
0xb7: {  	_ = 	snop;
	(pc) =	sbr.rel @p0 .LBB2_6-.Ltmp2, $3  }
0xb8: {  	_ = 	snop  }
0xb9: {  	v4 =	vadd.f32 $1.000000000e+00, v63;
	_ =	sdelay $0x1  }
0xba: {  	s15 =	sadd.s32 $0x200, s15;
	[tilespmem:v3+s13+$0x0] =	vst.idx.msk $0xffff, v4  }
0xbb: {  	s14 =	sand.u32 $0x1FF0, s14  }
0xbc: {  	s15 =	simm.s32 $0x10;
	v3 =	vld [tilespmem:s14+$0x6400]  }
.LBB2_8:
0xbd: {  	p0 =	sne.s32 s15, $0x13F0;
	v4 =	vld [tilespmem:s13+$0x0];
	_ =	sdelay $0x1  }
0xbe: {  	v5 =	vld [tilespmem:s14+$0x7800];
	_ =	sdelay $0x1  }
0xbf: {  	v6 =	vld [tilespmem:s14+$0x8C00]  }
0xc0: {  	v3 =	vadd.f32 v3, v4  }
0xc1: {  	v4 =	vld [tilespmem:s14+$0xA000]  }
0xc2: {  	v3 =	vadd.f32 v5, v3  }
0xc3: {  	v5 =	vld [tilespmem:s14+$0xB400]  }
0xc4: {  	v3 =	vadd.f32 v6, v3  }
0xc5: {  	v6 =	vld [tilespmem:s14+$0xC800]  }
0xc6: {  	v3 =	vadd.f32 v4, v3  }
0xc7: {  	v4 =	vld [tilespmem:s14+$0xDC00]  }
0xc8: {  	v3 =	vadd.f32 v5, v3  }
0xc9: {  	v5 =	vld [tilespmem:s14+$0xF000]  }
0xca: {  	v3 =	vadd.f32 v6, v3  }
0xcb: {  	v6 =	vld [tilespmem:s14+$0x10400]  }
0xcc: {  	v3 =	vadd.f32 v4, v3  }
0xcd: {  	v4 =	vld [tilespmem:s14+$0x11800]  }
0xce: {  	v3 =	vadd.f32 v5, v3  }
0xcf: {  	v5 =	vld [tilespmem:s14+$0x12C00]  }
0xd0: {  	v3 =	vadd.f32 v6, v3  }
0xd1: {  	v6 =	vld [tilespmem:s14+$0x14000]  }
0xd2: {  	v3 =	vadd.f32 v4, v3  }
0xd3: {  	v4 =	vld [tilespmem:s14+$0x15400]  }
0xd4: {  	v3 =	vadd.f32 v5, v3  }
0xd5: {  	v5 =	vld [tilespmem:s14+$0x16800]  }
0xd6: {  	v3 =	vadd.f32 v6, v3  }
0xd7: {  	v6 =	vld [tilespmem:s14+$0x17C00]  }
0xd8: {  	v3 =	vadd.f32 v4, v3;
	_ =	sdelay $0x1  }
.Ltmp3:
0xd9: {  	v3 =	vadd.f32 v5, v3;
	(pc) =	sbr.rel @p0 .LBB2_8-.Ltmp3, $4  }
0xda: {  	_ = 	snop  }
0xdb: {  	v4 =	vadd.f32 v6, v3  }
0xdc: {  	s16 =	sand.u32 $0x1FF0, s15  }
0xdd: {  	s15 =	sadd.s32 $0x10, s15;
	s13 =	sadd.s32 $0x10, s13;
	v3 =	vld [tilespmem:s16+$0x6400];
	[tilespmem:s14+$0x1A480] =	vst v4;
	s14 =	smov.u32 s16  }
0xde: {  	v4 =	vld [tilespmem:s13+$0x0];
	_ =	sdelay $0x1  }
0xdf: {  	v5 =	vld [tilespmem:s14+$0x7800];
	_ =	sdelay $0x1  }
0xe0: {  	v6 =	vld [tilespmem:s14+$0x8C00]  }
0xe1: {  	v3 =	vadd.f32 v3, v4  }
0xe2: {  	v52 =	vld [tilespmem:s14+$0xA000]  }
0xe3: {  	v3 =	vadd.f32 v5, v3  }
0xe4: {  	v53 =	vld [tilespmem:s14+$0xB400]  }
0xe5: {  	v3 =	vadd.f32 v6, v3  }
0xe6: {  	v54 =	vld [tilespmem:s14+$0xC800]  }
0xe7: {  	v3 =	vadd.f32 v52, v3  }
0xe8: {  	v55 =	vld [tilespmem:s14+$0xDC00]  }
0xe9: {  	v3 =	vadd.f32 v53, v3  }
0xea: {  	v56 =	vld [tilespmem:s14+$0xF000]  }
0xeb: {  	v3 =	vadd.f32 v54, v3  }
0xec: {  	v57 =	vld [tilespmem:s14+$0x10400]  }
0xed: {  	v3 =	vadd.f32 v55, v3  }
0xee: {  	v58 =	vld [tilespmem:s14+$0x11800]  }
0xef: {  	v3 =	vadd.f32 v56, v3  }
0xf0: {  	v59 =	vld [tilespmem:s14+$0x12C00]  }
0xf1: {  	v3 =	vadd.f32 v57, v3  }
0xf2: {  	v60 =	vld [tilespmem:s14+$0x14000]  }
0xf3: {  	v3 =	vadd.f32 v58, v3  }
0xf4: {  	v61 =	vld [tilespmem:s14+$0x15400]  }
0xf5: {  	v3 =	vadd.f32 v59, v3  }
0xf6: {  	v62 =	vld [tilespmem:s14+$0x16800]  }
0xf7: {  	v3 =	vadd.f32 v60, v3  }
0xf8: {  	v63 =	vld [tilespmem:s14+$0x17C00]  }
0xf9: {  	v3 =	vadd.f32 v61, v3;
	_ =	sdelay $0x1  }
0xfa: {  	v3 =	vadd.f32 v62, v3;
	_ =	sdelay $0x1  }
0xfb: {  	s12 =	sadd.s32 $0x1, s12;
	v3 =	vadd.f32 v63, v3  }
0xfc: {  	p0 =	sne.s32 s12, s6  }
.Ltmp4:
0xfd: {  	[tilespmem:s14+$0x1A480] =	vst v3;
	(pc) =	sbr.rel @p0 .LBB2_1-.Ltmp4, $4  }
0xfe: {  	[hbm4b:s5+s9] =	stream.strided.scatter [tilespmem:s11], [sflag:$0x1], $0x2800, s10, s9, $0x38;
	[tilespmem:$0x1B880] =	vst v63  }
0xff: {  	_ =	swait.ge [sflag:s7], $0x2800  }
0x100: {  	[sflag:s7] =	ssyncset.done $0x0  }
0x101: {  	[sflag:s7] =	ssyncadd.s32 $0xFFFFD800  }
0x102: {  	_ =	sfence.sel $0x180000  }
0x103: {  	[bflag:$0x0] =	sbarrier.arrive $0xFFFF  }
0x104: {  	p0 =	sne.s32 s0, $0x0;
	_ =	strace $0x90000047  }
0x105: {  	s0 =	sadd.s32 @!p0 $0x100000, s1;
	[bflag:$0x2] =	sbarrier.arrive $0xFFFF  }
0x106: {  	[sflag:s0] =	ssyncadd.tile.s32 @!p0 $0x1;
	_ =	shalt  }
.Lfunc_end2:
_tile_overlayer_lowered:
.L_overlay_start_2:
0x107: {  	(tag) =	ssettag $0x2  }
0x108: {  	s0 =	rddreg [dreg:$0x0];
	s2 =	stileid.u32  }
0x109: {  	s1 =	rddreg [dreg:$0x1];
	p0 =	sne.s32 s2, $0x0  }
0x10a: {  	s3 =	rddreg [dreg:$0x2];
	[bflag:$0x3] =	sbarrier.arrive $0xFFFF;
	s2 =	simm.s32 @!p0 $0x1C01  }
0x10b: {  	[timem:s3], [sflag:s2] =	dma.local @!p0 [hbm:s0], s1  }
0x10c: {  	s0 =	simm.s32 @!p0 $0x1  }
0x10d: {  	_ =	swait.ge @!p0 [sflag:s0], s1  }
0x10e: {  	s1 =	ssub.s32 @!p0 $0x0, s1;
	[sflag:s0] =	ssyncset.done @!p0 $0x0  }
0x10f: {  	[sflag:s0] =	ssyncadd.s32 @!p0 s1  }
0x110: {  	[bflag:$0x3] =	sbarrier.arrive $0xFFFF  }
0x111: {  	_ =	shalt  }

</sc_bundles>
